<compile_context>
chip_gen: v7x
topology: tpu7x:2x2x1
jax: 0.10.2.dev20260603
libtpu: 0.0.44.dev20260713+nightly
codegen_flags: <defaults>
</compile_context>

<pallas_src>
import functools

import jax
import jax.numpy as jnp
from jax import lax
from jax.experimental import pallas as pl
from jax.experimental.pallas import tpu as pltpu
from jax.experimental.pallas import tpu_sc as plsc

_N = 10000
_E = 160000
_D = 256
_H = 256
_H2 = _H // 2

_NC = 2
_NS = 16
_NW = _NC * _NS
_K = 80
_EPT = _E // _NS
_NCHUNK = _EPT // _K
_RPT = _N // _NS
_EPW = _E // _NW

_B = 1024
_G = (_N + _B - 1) // _B



def _deg_body(col_hbm, parts_hbm, colbuf, acc):
    cid = lax.axis_index("c")
    sid = lax.axis_index("s")
    wid = cid * _NS + sid

    zeros16 = jnp.zeros((16,), jnp.float32)

    def zstep(j, carry):
        acc[pl.ds(j * 16, 16)] = zeros16
        return carry

    lax.fori_loop(0, _N // 16, zstep, 0)

    colbuf[pl.ds(_EPW - 8, 16)] = jnp.zeros((16,), jnp.int32)
    pltpu.sync_copy(col_hbm.at[pl.ds(wid * _EPW, _EPW)], colbuf.at[pl.ds(0, _EPW)])

    ones16 = jnp.ones((16,), jnp.float32)
    nfull = _EPW // 16

    def estep(i, carry):
        idx = colbuf[pl.ds(i * 16, 16)]
        plsc.addupdate_scatter(acc, [idx], ones16)
        return carry

    lax.fori_loop(0, nfull, estep, 0)

    rem = _EPW - nfull * 16
    idx = colbuf[pl.ds(nfull * 16, 16)]
    mask = lax.iota(jnp.int32, 16) < rem
    plsc.addupdate_scatter(acc, [idx], ones16, mask=mask)

    pltpu.sync_copy(acc, parts_hbm.at[wid])


_NB = 3
_LOOK = 1


def _agg_body(ztA, ztB, rowr, colr, aggA, aggB, idxrow, idxcol, gbuf, acc,
              sems):
    cid = lax.axis_index("c")
    sid = lax.axis_index("s")

    def run(zt, agg):
        def g_issue(b, j):
            pltpu.async_copy(zt.at[idxrow.at[j]], gbuf.at[b], sems.at[b])

        def g_wait(b, j):
            pltpu.make_async_copy(zt.at[idxrow.at[j]], gbuf.at[b],
                                  sems.at[b]).wait()

        def s_issue(b, j):
            pltpu.async_copy(gbuf.at[b], acc.at[idxcol.at[j]], sems.at[b],
                             add=True)

        def s_wait(b, j):
            pltpu.make_async_copy(gbuf.at[b], acc.at[idxcol.at[j]],
                                  sems.at[b]).wait()

        pltpu.sync_copy(rowr.at[pl.ds(sid * _NCHUNK, _NCHUNK)], idxrow)
        pltpu.sync_copy(colr.at[pl.ds(sid * _NCHUNK, _NCHUNK)], idxcol)
        pltpu.sync_copy(zt.at[pl.ds(sid * _RPT, _RPT)],
                        acc.at[pl.ds(sid * _RPT, _RPT)])
        for b in range(_LOOK):
            g_issue(b, b)
        plsc.subcore_barrier()

        def chunk_static(j):
            u = j % _NB
            jn = j + _LOOK
            bn = jn % _NB
            if jn < _NCHUNK:
                if jn >= _NB:
                    s_wait(bn, jn - _NB)
                g_issue(bn, jn)
            g_wait(u, j)
            s_issue(u, j)

        ngrp = _NCHUNK // _NB

        for j in range(_NB):
            chunk_static(j)

        def grp(p, carry):
            j0 = p * _NB
            for u in range(_NB):
                j = j0 + u
                bn = (u + _LOOK) % _NB
                s_wait(bn, j + _LOOK - _NB)
                g_issue(bn, j + _LOOK)
                g_wait(u, j)
                s_issue(u, j)
            return carry

        lax.fori_loop(1, ngrp - 1, grp, 0)

        for j in range((ngrp - 1) * _NB, _NCHUNK):
            chunk_static(j)
        for b in range(_NB):
            last = max(j for j in range(_NCHUNK) if j % _NB == b)
            s_wait(b, last)

        plsc.subcore_barrier()
        pltpu.sync_copy(acc.at[pl.ds(sid * _RPT, _RPT)],
                        agg.at[pl.ds(sid * _RPT, _RPT)])

    @pl.when(cid == 0)
    def _():
        run(ztA, aggA)

    @pl.when(cid == 1)
    def _():
        run(ztB, aggB)


@functools.cache
def _sc_kernels():
    mesh = plsc.VectorSubcoreMesh(core_axis_name="c", subcore_axis_name="s")
    params = pltpu.CompilerParams(needs_layout_passes=False,
                                  use_tc_tiling_on_sc=False)
    deg = pl.kernel(
        _deg_body,
        out_type=jax.ShapeDtypeStruct((_NW, _N), jnp.float32),
        mesh=mesh,
        compiler_params=params,
        scratch_types=[
            pltpu.VMEM((_EPW + 8,), jnp.int32),
            pltpu.VMEM((_N,), jnp.float32),
        ],
    )
    agg = pl.kernel(
        _agg_body,
        out_type=[
            jax.ShapeDtypeStruct((_N, _H2), jnp.float32),
            jax.ShapeDtypeStruct((_N, _H2), jnp.float32),
        ],
        mesh=mesh,
        compiler_params=params,
        scratch_types=[
            pltpu.VMEM((_NCHUNK, _K), jnp.int32),
            pltpu.VMEM((_NCHUNK, _K), jnp.int32),
            pltpu.VMEM((_NB, _K, _H2), jnp.float32),
            pltpu.VMEM_SHARED((_N, _H2), jnp.float32),
            pltpu.SemaphoreType.DMA((_NB,)),
        ],
    )
    return deg, agg



def _t1_body(x_ref, w0_ref, parts_ref, ztA_ref, ztB_ref, dinv_ref):
    deg = jnp.sum(parts_ref[...], axis=0) + 1.0
    dinv = lax.rsqrt(deg)
    z = jnp.dot(x_ref[...], w0_ref[...], preferred_element_type=jnp.float32)
    zt = z * dinv[:, None]
    ztA_ref[...] = zt[:, :_H2]
    ztB_ref[...] = zt[:, _H2:]
    dinv_ref[...] = dinv[:, None]


def _t1(x, W0, parts):
    return pl.pallas_call(
        _t1_body,
        grid=(_G,),
        in_specs=[
            pl.BlockSpec((_B, _D), lambda i: (i, 0)),
            pl.BlockSpec((_D, _H), lambda i: (0, 0)),
            pl.BlockSpec((_NW, _B), lambda i: (0, i)),
        ],
        out_specs=[
            pl.BlockSpec((_B, _H2), lambda i: (i, 0)),
            pl.BlockSpec((_B, _H2), lambda i: (i, 0)),
            pl.BlockSpec((_B, 1), lambda i: (i, 0)),
        ],
        out_shape=[
            jax.ShapeDtypeStruct((_N, _H2), jnp.float32),
            jax.ShapeDtypeStruct((_N, _H2), jnp.float32),
            jax.ShapeDtypeStruct((_N, 1), jnp.float32),
        ],
    )(x, W0, parts)


def _t2_body(aggA_ref, aggB_ref, dinv_ref, b_ref, a_ref, w1_ref,
             ztA_ref, ztB_ref):
    agg = jnp.concatenate([aggA_ref[...], aggB_ref[...]], axis=1)
    dinv = dinv_ref[...]
    v = agg * dinv + b_ref[...]
    h = jnp.where(v >= 0, v, a_ref[...] * v)
    z = jnp.dot(h, w1_ref[...], preferred_element_type=jnp.float32)
    zt = z * dinv
    ztA_ref[...] = zt[:, :_H2]
    ztB_ref[...] = zt[:, _H2:]


def _t2(aggA, aggB, dinv, b0, a, W1):
    return pl.pallas_call(
        _t2_body,
        grid=(_G,),
        in_specs=[
            pl.BlockSpec((_B, _H2), lambda i: (i, 0)),
            pl.BlockSpec((_B, _H2), lambda i: (i, 0)),
            pl.BlockSpec((_B, 1), lambda i: (i, 0)),
            pl.BlockSpec((1, _H), lambda i: (0, 0)),
            pl.BlockSpec((1, _H), lambda i: (0, 0)),
            pl.BlockSpec((_H, _H), lambda i: (0, 0)),
        ],
        out_specs=[
            pl.BlockSpec((_B, _H2), lambda i: (i, 0)),
            pl.BlockSpec((_B, _H2), lambda i: (i, 0)),
        ],
        out_shape=[
            jax.ShapeDtypeStruct((_N, _H2), jnp.float32),
            jax.ShapeDtypeStruct((_N, _H2), jnp.float32),
        ],
    )(aggA, aggB, dinv, b0, a, W1)


def _t3_body(aggA_ref, aggB_ref, dinv_ref, b_ref, a_ref, out_ref):
    agg = jnp.concatenate([aggA_ref[...], aggB_ref[...]], axis=1)
    v = agg * dinv_ref[...] + b_ref[...]
    out_ref[...] = jnp.where(v >= 0, v, a_ref[...] * v)


def _t3(aggA, aggB, dinv, b1, a):
    return pl.pallas_call(
        _t3_body,
        grid=(_G,),
        in_specs=[
            pl.BlockSpec((_B, _H2), lambda i: (i, 0)),
            pl.BlockSpec((_B, _H2), lambda i: (i, 0)),
            pl.BlockSpec((_B, 1), lambda i: (i, 0)),
            pl.BlockSpec((1, _H), lambda i: (0, 0)),
            pl.BlockSpec((1, _H), lambda i: (0, 0)),
        ],
        out_specs=pl.BlockSpec((_B, _H), lambda i: (i, 0)),
        out_shape=jax.ShapeDtypeStruct((_N, _H), jnp.float32),
    )(aggA, aggB, dinv, b1, a)



def kernel(x, edge_index, W0, b0, W1, b1, prelu_a):
    deg_call, agg_call = _sc_kernels()
    row = edge_index[0]
    col = edge_index[1]
    rowr = row.reshape(_NS * _NCHUNK, _K)
    colr = col.reshape(_NS * _NCHUNK, _K)

    parts = deg_call(col)
    ztA0, ztB0, dinv = _t1(x, W0, parts)
    aggA0, aggB0 = agg_call(ztA0, ztB0, rowr, colr)
    ztA1, ztB1 = _t2(aggA0, aggB0, dinv, b0[None], prelu_a[None], W1)
    aggA1, aggB1 = agg_call(ztA1, ztB1, rowr, colr)
    return _t3(aggA1, aggB1, dinv, b1[None], prelu_a[None])

# --- scband reference (transcript-rebuilt; emitter-appended) ---
"""Pipeline reference for scband-gconv-283467842538 (READ-ONLY COPY).

The authoritative reference and input builder live on the scoring server;
editing this copy changes nothing except your own understanding.
"""

import jax, jax.numpy as jnp
import numpy as np

N = 10000
E = 160000
D = 256
H = 256


def setup_inputs(seed: int = 0) -> dict:
    key = jax.random.key(seed)
    ks = jax.random.split(key, 8)
    x = jax.random.normal(ks[0], (N, D), dtype=jnp.float32)
    edge_index = jax.random.randint(ks[1], (2, E), 0, N, dtype=jnp.int32)
    # GCNConv layer 0: Linear(D -> H), bias
    W0 = jax.random.normal(ks[2], (D, H), dtype=jnp.float32) / np.sqrt(D)
    b0 = jnp.zeros((H,), dtype=jnp.float32)
    # GCNConv layer 1: Linear(H -> H), bias
    W1 = jax.random.normal(ks[3], (H, H), dtype=jnp.float32) / np.sqrt(H)
    b1 = jnp.zeros((H,), dtype=jnp.float32)
    # shared PReLU with per-channel slope (nn.PReLU(hidden_dim), init 0.25)
    prelu_a = jnp.full((H,), 0.25, dtype=jnp.float32)
    return {"x": x, "edge_index": edge_index, "W0": W0, "b0": b0, "W1": W1, "b1": b1, "prelu_a": prelu_a}


def _gcn_conv(z, row, col, norm, W, b, num_nodes):
    # PyG GCNConv: linear transform, then normalized sum aggregation, then bias
    z = z @ W
    msg = z[row] * norm[:, None]
    out = jax.ops.segment_sum(msg, col, num_segments=num_nodes)
    return out + b


def reference(x, edge_index, W0, b0, W1, b1, prelu_a):
    num_nodes = x.shape[0]
    # add self loops (GCNConv default add_self_loops=True)
    loop = jnp.arange(num_nodes, dtype=edge_index.dtype)
    row = jnp.concatenate([edge_index[0], loop])
    col = jnp.concatenate([edge_index[1], loop])
    ew = jnp.ones((row.shape[0],), dtype=x.dtype)
    # symmetric normalization: deg over dst (col)
    deg = jax.ops.segment_sum(ew, col, num_segments=num_nodes)
    dinv = jnp.where(deg > 0, deg ** -0.5, 0.0)
    norm = dinv[row] * ew * dinv[col]

    def prelu(z):
        return jnp.where(z >= 0, z, prelu_a * z)

    z = _gcn_conv(x, row, col, norm, W0, b0, num_nodes)
    z = prelu(z)
    z = _gcn_conv(z, row, col, norm, W1, b1, num_nodes)
    z = prelu(z)
    return z

if __name__ == "__main__":
    import jax
    _d = setup_inputs()
    print(jax.jit(kernel)(*tuple(_d.values())))

</pallas_src>

<mosaic_0001>
#map = affine_map<(d0, d1) -> (0, 0)>
module attributes {stable_mosaic.version = 14 : i64} {
  func.func @_agg_body(%arg0: i32, %arg1: i32, %arg2: memref<10000x128xf32, #tpu.memory_space<hbm>>, %arg3: memref<10000x128xf32, #tpu.memory_space<hbm>>, %arg4: memref<2000x80xi32, #tpu.memory_space<hbm>>, %arg5: memref<2000x80xi32, #tpu.memory_space<hbm>>, %arg6: memref<10000x128xf32, #tpu.memory_space<hbm>>, %arg7: memref<10000x128xf32, #tpu.memory_space<hbm>>, %arg8: memref<125x80xi32, #tpu.memory_space<vmem>>, %arg9: memref<125x80xi32, #tpu.memory_space<vmem>>, %arg10: memref<3x80x128xf32, #tpu.memory_space<vmem>>, %arg11: memref<10000x128xf32, #tpu.memory_space<vmem_shared>>, %arg12: memref<3x!tpu.dma_semaphore, #tpu.memory_space<semaphore_mem>>) attributes {dimension_semantics = [#tpu.dimension_semantics<core_parallel>, #tpu.dimension_semantics<subcore_parallel>], iteration_bounds = array<i64: 2, 16>, scalar_prefetch = 0 : i64, scratch_operands = 5 : i64, tpu.core_type = #tpu.core_type<sc_vector_subcore>, window_params = [{transform_indices = #map}, {transform_indices = #map}, {transform_indices = #map}, {transform_indices = #map}, {transform_indices = #map}, {transform_indices = #map}]} {
    %eq3A = arith.constant 0 : i32
    %eq3A_0 = arith.cmpi eq, %arg0, %eq3A : i32
    %convert_element_type3A = arith.extui %eq3A_0 : i1 to i32
    %cond3A = arith.constant 0 : i32
    %cond3A_1 = arith.cmpi ne, %convert_element_type3A, %cond3A : i32
    scf.if %cond3A_1 {
      %mul3A = arith.constant 125 : i32
      %mul3A_7 = arith.muli %arg1, %mul3A : i32
      "tpu.region"() ({
        %run_scoped3A = tpu.sem_alloc : memref<!tpu.dma_semaphore, #tpu.memory_space<semaphore_mem>>
        %dma_start3A_502 = arith.constant 0 : i32
        %dma_start3A_503 = tpu.memref_slice %arg4[%mul3A_7, %dma_start3A_502] : memref<2000x80xi32, #tpu.memory_space<hbm>> -> memref<125x80xi32, #tpu.memory_space<hbm>>
        %dma_start3A_504 = arith.constant 0 : i32
        %dma_start3A_505 = tpu.memref_slice %arg4[%mul3A_7, %dma_start3A_504] : memref<2000x80xi32, #tpu.memory_space<hbm>> -> memref<125x80xi32, #tpu.memory_space<hbm>>
        tpu.enqueue_dma source(%dma_start3A_505 : memref<125x80xi32, #tpu.memory_space<hbm>>) target(%arg8 : memref<125x80xi32, #tpu.memory_space<vmem>>) target_semaphore(%run_scoped3A : memref<!tpu.dma_semaphore, #tpu.memory_space<semaphore_mem>>)
        %dma_wait3A_506 = arith.constant 0 : i32
        %dma_wait3A_507 = tpu.memref_slice %arg4[%mul3A_7, %dma_wait3A_506] : memref<2000x80xi32, #tpu.memory_space<hbm>> -> memref<125x80xi32, #tpu.memory_space<hbm>>
        %dma_wait3A_508 = arith.constant 0 : i32
        %dma_wait3A_509 = tpu.memref_slice %arg4[%mul3A_7, %dma_wait3A_508] : memref<2000x80xi32, #tpu.memory_space<hbm>> -> memref<125x80xi32, #tpu.memory_space<hbm>>
        tpu.wait_dma2 semaphore(%run_scoped3A : memref<!tpu.dma_semaphore, #tpu.memory_space<semaphore_mem>>) src(%dma_wait3A_509 : memref<125x80xi32, #tpu.memory_space<hbm>>) dst(%arg8 : memref<125x80xi32, #tpu.memory_space<vmem>>)
        tpu.yield
      }) : () -> ()
      %mul3A_8 = arith.constant 125 : i32
      %mul3A_9 = arith.muli %arg1, %mul3A_8 : i32
      "tpu.region"() ({
        %run_scoped3A = tpu.sem_alloc : memref<!tpu.dma_semaphore, #tpu.memory_space<semaphore_mem>>
        %dma_start3A_502 = arith.constant 0 : i32
        %dma_start3A_503 = tpu.memref_slice %arg5[%mul3A_9, %dma_start3A_502] : memref<2000x80xi32, #tpu.memory_space<hbm>> -> memref<125x80xi32, #tpu.memory_space<hbm>>
        %dma_start3A_504 = arith.constant 0 : i32
        %dma_start3A_505 = tpu.memref_slice %arg5[%mul3A_9, %dma_start3A_504] : memref<2000x80xi32, #tpu.memory_space<hbm>> -> memref<125x80xi32, #tpu.memory_space<hbm>>
        tpu.enqueue_dma source(%dma_start3A_505 : memref<125x80xi32, #tpu.memory_space<hbm>>) target(%arg9 : memref<125x80xi32, #tpu.memory_space<vmem>>) target_semaphore(%run_scoped3A : memref<!tpu.dma_semaphore, #tpu.memory_space<semaphore_mem>>)
        %dma_wait3A_506 = arith.constant 0 : i32
        %dma_wait3A_507 = tpu.memref_slice %arg5[%mul3A_9, %dma_wait3A_506] : memref<2000x80xi32, #tpu.memory_space<hbm>> -> memref<125x80xi32, #tpu.memory_space<hbm>>
        %dma_wait3A_508 = arith.constant 0 : i32
        %dma_wait3A_509 = tpu.memref_slice %arg5[%mul3A_9, %dma_wait3A_508] : memref<2000x80xi32, #tpu.memory_space<hbm>> -> memref<125x80xi32, #tpu.memory_space<hbm>>
        tpu.wait_dma2 semaphore(%run_scoped3A : memref<!tpu.dma_semaphore, #tpu.memory_space<semaphore_mem>>) src(%dma_wait3A_509 : memref<125x80xi32, #tpu.memory_space<hbm>>) dst(%arg9 : memref<125x80xi32, #tpu.memory_space<vmem>>)
        tpu.yield
      }) : () -> ()
      %mul3A_10 = arith.constant 625 : i32
      %mul3A_11 = arith.muli %arg1, %mul3A_10 : i32
      %mul3A_12 = arith.constant 625 : i32
      %mul3A_13 = arith.muli %arg1, %mul3A_12 : i32
      "tpu.region"() ({
        %run_scoped3A = tpu.sem_alloc : memref<!tpu.dma_semaphore, #tpu.memory_space<semaphore_mem>>
        %dma_start3A_502 = arith.constant 0 : i32
        %dma_start3A_503 = tpu.memref_slice %arg11[%mul3A_13, %dma_start3A_502] : memref<10000x128xf32, #tpu.memory_space<vmem_shared>> -> memref<625x128xf32, #tpu.memory_space<vmem_shared>>
        %dma_start3A_504 = arith.constant 0 : i32
        %dma_start3A_505 = tpu.memref_slice %arg2[%mul3A_11, %dma_start3A_504] : memref<10000x128xf32, #tpu.memory_space<hbm>> -> memref<625x128xf32, #tpu.memory_space<hbm>>
        tpu.enqueue_dma source(%dma_start3A_505 : memref<625x128xf32, #tpu.memory_space<hbm>>) target(%dma_start3A_503 : memref<625x128xf32, #tpu.memory_space<vmem_shared>>) target_semaphore(%run_scoped3A : memref<!tpu.dma_semaphore, #tpu.memory_space<semaphore_mem>>)
        %dma_wait3A_506 = arith.constant 0 : i32
        %dma_wait3A_507 = tpu.memref_slice %arg11[%mul3A_13, %dma_wait3A_506] : memref<10000x128xf32, #tpu.memory_space<vmem_shared>> -> memref<625x128xf32, #tpu.memory_space<vmem_shared>>
        %dma_wait3A_508 = arith.constant 0 : i32
        %dma_wait3A_509 = tpu.memref_slice %arg2[%mul3A_11, %dma_wait3A_508] : memref<10000x128xf32, #tpu.memory_space<hbm>> -> memref<625x128xf32, #tpu.memory_space<hbm>>
        tpu.wait_dma2 semaphore(%run_scoped3A : memref<!tpu.dma_semaphore, #tpu.memory_space<semaphore_mem>>) src(%dma_wait3A_509 : memref<625x128xf32, #tpu.memory_space<hbm>>) dst(%dma_wait3A_507 : memref<625x128xf32, #tpu.memory_space<vmem_shared>>)
        tpu.yield
      }) : () -> ()
      %dma_start3A = arith.constant 0 : i32
      %dma_start3A_14 = arith.constant 0 : i32
      %dma_start3A_15 = arith.constant 0 : i32
      %dma_start3A_16 = arith.constant 0 : i32
      %dma_start3A_17 = arith.constant 0 : i32
      %dma_start3A_18 = tpu.memref_slice %arg10[%dma_start3A_14, %dma_start3A_16, %dma_start3A_17] : memref<3x80x128xf32, #tpu.memory_space<vmem>> -> memref<1x80x128xf32, #tpu.memory_space<vmem>>
      %dma_start3A_19 = tpu.memref_squeeze %dma_start3A_18 : memref<1x80x128xf32, #tpu.memory_space<vmem>> -> memref<80x128xf32, #tpu.memory_space<vmem>>
      %dma_start3A_20 = arith.constant 0 : i32
      %dma_start3A_21 = tpu.memref_slice %arg8[%dma_start3A, %dma_start3A_20] : memref<125x80xi32, #tpu.memory_space<vmem>> -> memref<1x80xi32, #tpu.memory_space<vmem>>
      %dma_start3A_22 = tpu.memref_squeeze %dma_start3A_21 : memref<1x80xi32, #tpu.memory_space<vmem>> -> memref<80xi32, #tpu.memory_space<vmem>>
      %dma_start3A_23 = arith.constant 0 : i32
      %dma_start3A_24 = arith.constant 0 : i32
      %dma_start3A_25 = tpu.memref_slice %arg2[%dma_start3A_23, %dma_start3A_24] : memref<10000x128xf32, #tpu.memory_space<hbm>> -> memref<10000x128xf32, #tpu.memory_space<hbm>>
      %dma_start3A_26 = tpu.memref_slice %arg12[%dma_start3A_15] : memref<3x!tpu.dma_semaphore, #tpu.memory_space<semaphore_mem>> -> memref<1x!tpu.dma_semaphore, #tpu.memory_space<semaphore_mem>>
      %dma_start3A_27 = tpu.memref_squeeze %dma_start3A_26 : memref<1x!tpu.dma_semaphore, #tpu.memory_space<semaphore_mem>> -> memref<!tpu.dma_semaphore, #tpu.memory_space<semaphore_mem>>
      tpu.enqueue_indirect_dma source(%dma_start3A_25 : memref<10000x128xf32, #tpu.memory_space<hbm>>) target(%dma_start3A_19 : memref<80x128xf32, #tpu.memory_space<vmem>>) offsets(%dma_start3A_22 : memref<80xi32, #tpu.memory_space<vmem>>) semaphore(%dma_start3A_27 : memref<!tpu.dma_semaphore, #tpu.memory_space<semaphore_mem>>)
      %barrier3A = arith.constant 0 : index
      tpu.barrier barrier_id(%barrier3A)
      %dma_start3A_28 = arith.constant 1 : i32
      %dma_start3A_29 = arith.constant 1 : i32
      %dma_start3A_30 = arith.constant 1 : i32
      %dma_start3A_31 = arith.constant 0 : i32
      %dma_start3A_32 = arith.constant 0 : i32
      %dma_start3A_33 = tpu.memref_slice %arg10[%dma_start3A_29, %dma_start3A_31, %dma_start3A_32] : memref<3x80x128xf32, #tpu.memory_space<vmem>> -> memref<1x80x128xf32, #tpu.memory_space<vmem>>
      %dma_start3A_34 = tpu.memref_squeeze %dma_start3A_33 : memref<1x80x128xf32, #tpu.memory_space<vmem>> -> memref<80x128xf32, #tpu.memory_space<vmem>>
      %dma_start3A_35 = arith.constant 0 : i32
      %dma_start3A_36 = tpu.memref_slice %arg8[%dma_start3A_28, %dma_start3A_35] : memref<125x80xi32, #tpu.memory_space<vmem>> -> memref<1x80xi32, #tpu.memory_space<vmem>>
      %dma_start3A_37 = tpu.memref_squeeze %dma_start3A_36 : memref<1x80xi32, #tpu.memory_space<vmem>> -> memref<80xi32, #tpu.memory_space<vmem>>
      %dma_start3A_38 = arith.constant 0 : i32
      %dma_start3A_39 = arith.constant 0 : i32
      %dma_start3A_40 = tpu.memref_slice %arg2[%dma_start3A_38, %dma_start3A_39] : memref<10000x128xf32, #tpu.memory_space<hbm>> -> memref<10000x128xf32, #tpu.memory_space<hbm>>
      %dma_start3A_41 = tpu.memref_slice %arg12[%dma_start3A_30] : memref<3x!tpu.dma_semaphore, #tpu.memory_space<semaphore_mem>> -> memref<1x!tpu.dma_semaphore, #tpu.memory_space<semaphore_mem>>
      %dma_start3A_42 = tpu.memref_squeeze %dma_start3A_41 : memref<1x!tpu.dma_semaphore, #tpu.memory_space<semaphore_mem>> -> memref<!tpu.dma_semaphore, #tpu.memory_space<semaphore_mem>>
      tpu.enqueue_indirect_dma source(%dma_start3A_40 : memref<10000x128xf32, #tpu.memory_space<hbm>>) target(%dma_start3A_34 : memref<80x128xf32, #tpu.memory_space<vmem>>) offsets(%dma_start3A_37 : memref<80xi32, #tpu.memory_space<vmem>>) semaphore(%dma_start3A_42 : memref<!tpu.dma_semaphore, #tpu.memory_space<semaphore_mem>>)
      %dma_wait3A = arith.constant 0 : i32
      %dma_wait3A_43 = arith.constant 0 : i32
      %dma_wait3A_44 = arith.constant 0 : i32
      %dma_wait3A_45 = arith.constant 0 : i32
      %dma_wait3A_46 = arith.constant 0 : i32
      %dma_wait3A_47 = tpu.memref_slice %arg10[%dma_wait3A_43, %dma_wait3A_45, %dma_wait3A_46] : memref<3x80x128xf32, #tpu.memory_space<vmem>> -> memref<1x80x128xf32, #tpu.memory_space<vmem>>
      %dma_wait3A_48 = tpu.memref_squeeze %dma_wait3A_47 : memref<1x80x128xf32, #tpu.memory_space<vmem>> -> memref<80x128xf32, #tpu.memory_space<vmem>>
      %dma_wait3A_49 = arith.constant 0 : i32
      %dma_wait3A_50 = tpu.memref_slice %arg8[%dma_wait3A, %dma_wait3A_49] : memref<125x80xi32, #tpu.memory_space<vmem>> -> memref<1x80xi32, #tpu.memory_space<vmem>>
      %dma_wait3A_51 = tpu.memref_squeeze %dma_wait3A_50 : memref<1x80xi32, #tpu.memory_space<vmem>> -> memref<80xi32, #tpu.memory_space<vmem>>
      %dma_wait3A_52 = arith.constant 0 : i32
      %dma_wait3A_53 = arith.constant 0 : i32
      %dma_wait3A_54 = tpu.memref_slice %arg2[%dma_wait3A_52, %dma_wait3A_53] : memref<10000x128xf32, #tpu.memory_space<hbm>> -> memref<10000x128xf32, #tpu.memory_space<hbm>>
      %dma_wait3A_55 = tpu.memref_slice %arg12[%dma_wait3A_44] : memref<3x!tpu.dma_semaphore, #tpu.memory_space<semaphore_mem>> -> memref<1x!tpu.dma_semaphore, #tpu.memory_space<semaphore_mem>>
      %dma_wait3A_56 = tpu.memref_squeeze %dma_wait3A_55 : memref<1x!tpu.dma_semaphore, #tpu.memory_space<semaphore_mem>> -> memref<!tpu.dma_semaphore, #tpu.memory_space<semaphore_mem>>
      tpu.wait_indirect_dma semaphore(%dma_wait3A_56 : memref<!tpu.dma_semaphore, #tpu.memory_space<semaphore_mem>>) src(%dma_wait3A_54 : memref<10000x128xf32, #tpu.memory_space<hbm>>) dst(%dma_wait3A_48 : memref<80x128xf32, #tpu.memory_space<vmem>>)
      %dma_start3A_57 = arith.constant 0 : i32
      %dma_start3A_58 = arith.constant 0 : i32
      %dma_start3A_59 = arith.constant 0 : i32
      %dma_start3A_60 = arith.constant 0 : i32
      %dma_start3A_61 = arith.constant 0 : i32
      %dma_start3A_62 = tpu.memref_slice %arg10[%dma_start3A_57, %dma_start3A_60, %dma_start3A_61] : memref<3x80x128xf32, #tpu.memory_space<vmem>> -> memref<1x80x128xf32, #tpu.memory_space<vmem>>
      %dma_start3A_63 = tpu.memref_squeeze %dma_start3A_62 : memref<1x80x128xf32, #tpu.memory_space<vmem>> -> memref<80x128xf32, #tpu.memory_space<vmem>>
      %dma_start3A_64 = arith.constant 0 : i32
      %dma_start3A_65 = tpu.memref_slice %arg9[%dma_start3A_58, %dma_start3A_64] : memref<125x80xi32, #tpu.memory_space<vmem>> -> memref<1x80xi32, #tpu.memory_space<vmem>>
      %dma_start3A_66 = tpu.memref_squeeze %dma_start3A_65 : memref<1x80xi32, #tpu.memory_space<vmem>> -> memref<80xi32, #tpu.memory_space<vmem>>
      %dma_start3A_67 = arith.constant 0 : i32
      %dma_start3A_68 = arith.constant 0 : i32
      %dma_start3A_69 = tpu.memref_slice %arg11[%dma_start3A_67, %dma_start3A_68] : memref<10000x128xf32, #tpu.memory_space<vmem_shared>> -> memref<10000x128xf32, #tpu.memory_space<vmem_shared>>
      %dma_start3A_70 = tpu.memref_slice %arg12[%dma_start3A_59] : memref<3x!tpu.dma_semaphore, #tpu.memory_space<semaphore_mem>> -> memref<1x!tpu.dma_semaphore, #tpu.memory_space<semaphore_mem>>
      %dma_start3A_71 = tpu.memref_squeeze %dma_start3A_70 : memref<1x!tpu.dma_semaphore, #tpu.memory_space<semaphore_mem>> -> memref<!tpu.dma_semaphore, #tpu.memory_space<semaphore_mem>>
      tpu.enqueue_indirect_dma source(%dma_start3A_63 : memref<80x128xf32, #tpu.memory_space<vmem>>) target(%dma_start3A_69 : memref<10000x128xf32, #tpu.memory_space<vmem_shared>>) offsets(%dma_start3A_66 : memref<80xi32, #tpu.memory_space<vmem>>) semaphore(%dma_start3A_71 : memref<!tpu.dma_semaphore, #tpu.memory_space<semaphore_mem>>) {add = true}
      %dma_start3A_72 = arith.constant 2 : i32
      %dma_start3A_73 = arith.constant 2 : i32
      %dma_start3A_74 = arith.constant 2 : i32
      %dma_start3A_75 = arith.constant 0 : i32
      %dma_start3A_76 = arith.constant 0 : i32
      %dma_start3A_77 = tpu.memref_slice %arg10[%dma_start3A_73, %dma_start3A_75, %dma_start3A_76] : memref<3x80x128xf32, #tpu.memory_space<vmem>> -> memref<1x80x128xf32, #tpu.memory_space<vmem>>
      %dma_start3A_78 = tpu.memref_squeeze %dma_start3A_77 : memref<1x80x128xf32, #tpu.memory_space<vmem>> -> memref<80x128xf32, #tpu.memory_space<vmem>>
      %dma_start3A_79 = arith.constant 0 : i32
      %dma_start3A_80 = tpu.memref_slice %arg8[%dma_start3A_72, %dma_start3A_79] : memref<125x80xi32, #tpu.memory_space<vmem>> -> memref<1x80xi32, #tpu.memory_space<vmem>>
      %dma_start3A_81 = tpu.memref_squeeze %dma_start3A_80 : memref<1x80xi32, #tpu.memory_space<vmem>> -> memref<80xi32, #tpu.memory_space<vmem>>
      %dma_start3A_82 = arith.constant 0 : i32
      %dma_start3A_83 = arith.constant 0 : i32
      %dma_start3A_84 = tpu.memref_slice %arg2[%dma_start3A_82, %dma_start3A_83] : memref<10000x128xf32, #tpu.memory_space<hbm>> -> memref<10000x128xf32, #tpu.memory_space<hbm>>
      %dma_start3A_85 = tpu.memref_slice %arg12[%dma_start3A_74] : memref<3x!tpu.dma_semaphore, #tpu.memory_space<semaphore_mem>> -> memref<1x!tpu.dma_semaphore, #tpu.memory_space<semaphore_mem>>
      %dma_start3A_86 = tpu.memref_squeeze %dma_start3A_85 : memref<1x!tpu.dma_semaphore, #tpu.memory_space<semaphore_mem>> -> memref<!tpu.dma_semaphore, #tpu.memory_space<semaphore_mem>>
      tpu.enqueue_indirect_dma source(%dma_start3A_84 : memref<10000x128xf32, #tpu.memory_space<hbm>>) target(%dma_start3A_78 : memref<80x128xf32, #tpu.memory_space<vmem>>) offsets(%dma_start3A_81 : memref<80xi32, #tpu.memory_space<vmem>>) semaphore(%dma_start3A_86 : memref<!tpu.dma_semaphore, #tpu.memory_space<semaphore_mem>>)
      %dma_wait3A_87 = arith.constant 1 : i32
      %dma_wait3A_88 = arith.constant 1 : i32
      %dma_wait3A_89 = arith.constant 1 : i32
      %dma_wait3A_90 = arith.constant 0 : i32
      %dma_wait3A_91 = arith.constant 0 : i32
      %dma_wait3A_92 = tpu.memref_slice %arg10[%dma_wait3A_88, %dma_wait3A_90, %dma_wait3A_91] : memref<3x80x128xf32, #tpu.memory_space<vmem>> -> memref<1x80x128xf32, #tpu.memory_space<vmem>>
      %dma_wait3A_93 = tpu.memref_squeeze %dma_wait3A_92 : memref<1x80x128xf32, #tpu.memory_space<vmem>> -> memref<80x128xf32, #tpu.memory_space<vmem>>
      %dma_wait3A_94 = arith.constant 0 : i32
      %dma_wait3A_95 = tpu.memref_slice %arg8[%dma_wait3A_87, %dma_wait3A_94] : memref<125x80xi32, #tpu.memory_space<vmem>> -> memref<1x80xi32, #tpu.memory_space<vmem>>
      %dma_wait3A_96 = tpu.memref_squeeze %dma_wait3A_95 : memref<1x80xi32, #tpu.memory_space<vmem>> -> memref<80xi32, #tpu.memory_space<vmem>>
      %dma_wait3A_97 = arith.constant 0 : i32
      %dma_wait3A_98 = arith.constant 0 : i32
      %dma_wait3A_99 = tpu.memref_slice %arg2[%dma_wait3A_97, %dma_wait3A_98] : memref<10000x128xf32, #tpu.memory_space<hbm>> -> memref<10000x128xf32, #tpu.memory_space<hbm>>
      %dma_wait3A_100 = tpu.memref_slice %arg12[%dma_wait3A_89] : memref<3x!tpu.dma_semaphore, #tpu.memory_space<semaphore_mem>> -> memref<1x!tpu.dma_semaphore, #tpu.memory_space<semaphore_mem>>
      %dma_wait3A_101 = tpu.memref_squeeze %dma_wait3A_100 : memref<1x!tpu.dma_semaphore, #tpu.memory_space<semaphore_mem>> -> memref<!tpu.dma_semaphore, #tpu.memory_space<semaphore_mem>>
      tpu.wait_indirect_dma semaphore(%dma_wait3A_101 : memref<!tpu.dma_semaphore, #tpu.memory_space<semaphore_mem>>) src(%dma_wait3A_99 : memref<10000x128xf32, #tpu.memory_space<hbm>>) dst(%dma_wait3A_93 : memref<80x128xf32, #tpu.memory_space<vmem>>)
      %dma_start3A_102 = arith.constant 1 : i32
      %dma_start3A_103 = arith.constant 1 : i32
      %dma_start3A_104 = arith.constant 1 : i32
      %dma_start3A_105 = arith.constant 0 : i32
      %dma_start3A_106 = arith.constant 0 : i32
      %dma_start3A_107 = tpu.memref_slice %arg10[%dma_start3A_102, %dma_start3A_105, %dma_start3A_106] : memref<3x80x128xf32, #tpu.memory_space<vmem>> -> memref<1x80x128xf32, #tpu.memory_space<vmem>>
      %dma_start3A_108 = tpu.memref_squeeze %dma_start3A_107 : memref<1x80x128xf32, #tpu.memory_space<vmem>> -> memref<80x128xf32, #tpu.memory_space<vmem>>
      %dma_start3A_109 = arith.constant 0 : i32
      %dma_start3A_110 = tpu.memref_slice %arg9[%dma_start3A_103, %dma_start3A_109] : memref<125x80xi32, #tpu.memory_space<vmem>> -> memref<1x80xi32, #tpu.memory_space<vmem>>
      %dma_start3A_111 = tpu.memref_squeeze %dma_start3A_110 : memref<1x80xi32, #tpu.memory_space<vmem>> -> memref<80xi32, #tpu.memory_space<vmem>>
      %dma_start3A_112 = arith.constant 0 : i32
      %dma_start3A_113 = arith.constant 0 : i32
      %dma_start3A_114 = tpu.memref_slice %arg11[%dma_start3A_112, %dma_start3A_113] : memref<10000x128xf32, #tpu.memory_space<vmem_shared>> -> memref<10000x128xf32, #tpu.memory_space<vmem_shared>>
      %dma_start3A_115 = tpu.memref_slice %arg12[%dma_start3A_104] : memref<3x!tpu.dma_semaphore, #tpu.memory_space<semaphore_mem>> -> memref<1x!tpu.dma_semaphore, #tpu.memory_space<semaphore_mem>>
      %dma_start3A_116 = tpu.memref_squeeze %dma_start3A_115 : memref<1x!tpu.dma_semaphore, #tpu.memory_space<semaphore_mem>> -> memref<!tpu.dma_semaphore, #tpu.memory_space<semaphore_mem>>
      tpu.enqueue_indirect_dma source(%dma_start3A_108 : memref<80x128xf32, #tpu.memory_space<vmem>>) target(%dma_start3A_114 : memref<10000x128xf32, #tpu.memory_space<vmem_shared>>) offsets(%dma_start3A_111 : memref<80xi32, #tpu.memory_space<vmem>>) semaphore(%dma_start3A_116 : memref<!tpu.dma_semaphore, #tpu.memory_space<semaphore_mem>>) {add = true}
      %dma_wait3A_117 = arith.constant 0 : i32
      %dma_wait3A_118 = arith.constant 0 : i32
      %dma_wait3A_119 = arith.constant 0 : i32
      %dma_wait3A_120 = arith.constant 0 : i32
      %dma_wait3A_121 = arith.constant 0 : i32
      %dma_wait3A_122 = tpu.memref_slice %arg10[%dma_wait3A_117, %dma_wait3A_120, %dma_wait3A_121] : memref<3x80x128xf32, #tpu.memory_space<vmem>> -> memref<1x80x128xf32, #tpu.memory_space<vmem>>
      %dma_wait3A_123 = tpu.memref_squeeze %dma_wait3A_122 : memref<1x80x128xf32, #tpu.memory_space<vmem>> -> memref<80x128xf32, #tpu.memory_space<vmem>>
      %dma_wait3A_124 = arith.constant 0 : i32
      %dma_wait3A_125 = tpu.memref_slice %arg9[%dma_wait3A_118, %dma_wait3A_124] : memref<125x80xi32, #tpu.memory_space<vmem>> -> memref<1x80xi32, #tpu.memory_space<vmem>>
      %dma_wait3A_126 = tpu.memref_squeeze %dma_wait3A_125 : memref<1x80xi32, #tpu.memory_space<vmem>> -> memref<80xi32, #tpu.memory_space<vmem>>
      %dma_wait3A_127 = arith.constant 0 : i32
      %dma_wait3A_128 = arith.constant 0 : i32
      %dma_wait3A_129 = tpu.memref_slice %arg11[%dma_wait3A_127, %dma_wait3A_128] : memref<10000x128xf32, #tpu.memory_space<vmem_shared>> -> memref<10000x128xf32, #tpu.memory_space<vmem_shared>>
      %dma_wait3A_130 = tpu.memref_slice %arg12[%dma_wait3A_119] : memref<3x!tpu.dma_semaphore, #tpu.memory_space<semaphore_mem>> -> memref<1x!tpu.dma_semaphore, #tpu.memory_space<semaphore_mem>>
      %dma_wait3A_131 = tpu.memref_squeeze %dma_wait3A_130 : memref<1x!tpu.dma_semaphore, #tpu.memory_space<semaphore_mem>> -> memref<!tpu.dma_semaphore, #tpu.memory_space<semaphore_mem>>
      tpu.wait_indirect_dma semaphore(%dma_wait3A_131 : memref<!tpu.dma_semaphore, #tpu.memory_space<semaphore_mem>>) src(%dma_wait3A_123 : memref<80x128xf32, #tpu.memory_space<vmem>>) dst(%dma_wait3A_129 : memref<10000x128xf32, #tpu.memory_space<vmem_shared>>)
      %dma_start3A_132 = arith.constant 3 : i32
      %dma_start3A_133 = arith.constant 0 : i32
      %dma_start3A_134 = arith.constant 0 : i32
      %dma_start3A_135 = arith.constant 0 : i32
      %dma_start3A_136 = arith.constant 0 : i32
      %dma_start3A_137 = tpu.memref_slice %arg10[%dma_start3A_133, %dma_start3A_135, %dma_start3A_136] : memref<3x80x128xf32, #tpu.memory_space<vmem>> -> memref<1x80x128xf32, #tpu.memory_space<vmem>>
      %dma_start3A_138 = tpu.memref_squeeze %dma_start3A_137 : memref<1x80x128xf32, #tpu.memory_space<vmem>> -> memref<80x128xf32, #tpu.memory_space<vmem>>
      %dma_start3A_139 = arith.constant 0 : i32
      %dma_start3A_140 = tpu.memref_slice %arg8[%dma_start3A_132, %dma_start3A_139] : memref<125x80xi32, #tpu.memory_space<vmem>> -> memref<1x80xi32, #tpu.memory_space<vmem>>
      %dma_start3A_141 = tpu.memref_squeeze %dma_start3A_140 : memref<1x80xi32, #tpu.memory_space<vmem>> -> memref<80xi32, #tpu.memory_space<vmem>>
      %dma_start3A_142 = arith.constant 0 : i32
      %dma_start3A_143 = arith.constant 0 : i32
      %dma_start3A_144 = tpu.memref_slice %arg2[%dma_start3A_142, %dma_start3A_143] : memref<10000x128xf32, #tpu.memory_space<hbm>> -> memref<10000x128xf32, #tpu.memory_space<hbm>>
      %dma_start3A_145 = tpu.memref_slice %arg12[%dma_start3A_134] : memref<3x!tpu.dma_semaphore, #tpu.memory_space<semaphore_mem>> -> memref<1x!tpu.dma_semaphore, #tpu.memory_space<semaphore_mem>>
      %dma_start3A_146 = tpu.memref_squeeze %dma_start3A_145 : memref<1x!tpu.dma_semaphore, #tpu.memory_space<semaphore_mem>> -> memref<!tpu.dma_semaphore, #tpu.memory_space<semaphore_mem>>
      tpu.enqueue_indirect_dma source(%dma_start3A_144 : memref<10000x128xf32, #tpu.memory_space<hbm>>) target(%dma_start3A_138 : memref<80x128xf32, #tpu.memory_space<vmem>>) offsets(%dma_start3A_141 : memref<80xi32, #tpu.memory_space<vmem>>) semaphore(%dma_start3A_146 : memref<!tpu.dma_semaphore, #tpu.memory_space<semaphore_mem>>)
      %dma_wait3A_147 = arith.constant 2 : i32
      %dma_wait3A_148 = arith.constant 2 : i32
      %dma_wait3A_149 = arith.constant 2 : i32
      %dma_wait3A_150 = arith.constant 0 : i32
      %dma_wait3A_151 = arith.constant 0 : i32
      %dma_wait3A_152 = tpu.memref_slice %arg10[%dma_wait3A_148, %dma_wait3A_150, %dma_wait3A_151] : memref<3x80x128xf32, #tpu.memory_space<vmem>> -> memref<1x80x128xf32, #tpu.memory_space<vmem>>
      %dma_wait3A_153 = tpu.memref_squeeze %dma_wait3A_152 : memref<1x80x128xf32, #tpu.memory_space<vmem>> -> memref<80x128xf32, #tpu.memory_space<vmem>>
      %dma_wait3A_154 = arith.constant 0 : i32
      %dma_wait3A_155 = tpu.memref_slice %arg8[%dma_wait3A_147, %dma_wait3A_154] : memref<125x80xi32, #tpu.memory_space<vmem>> -> memref<1x80xi32, #tpu.memory_space<vmem>>
      %dma_wait3A_156 = tpu.memref_squeeze %dma_wait3A_155 : memref<1x80xi32, #tpu.memory_space<vmem>> -> memref<80xi32, #tpu.memory_space<vmem>>
      %dma_wait3A_157 = arith.constant 0 : i32
      %dma_wait3A_158 = arith.constant 0 : i32
      %dma_wait3A_159 = tpu.memref_slice %arg2[%dma_wait3A_157, %dma_wait3A_158] : memref<10000x128xf32, #tpu.memory_space<hbm>> -> memref<10000x128xf32, #tpu.memory_space<hbm>>
      %dma_wait3A_160 = tpu.memref_slice %arg12[%dma_wait3A_149] : memref<3x!tpu.dma_semaphore, #tpu.memory_space<semaphore_mem>> -> memref<1x!tpu.dma_semaphore, #tpu.memory_space<semaphore_mem>>
      %dma_wait3A_161 = tpu.memref_squeeze %dma_wait3A_160 : memref<1x!tpu.dma_semaphore, #tpu.memory_space<semaphore_mem>> -> memref<!tpu.dma_semaphore, #tpu.memory_space<semaphore_mem>>
      tpu.wait_indirect_dma semaphore(%dma_wait3A_161 : memref<!tpu.dma_semaphore, #tpu.memory_space<semaphore_mem>>) src(%dma_wait3A_159 : memref<10000x128xf32, #tpu.memory_space<hbm>>) dst(%dma_wait3A_153 : memref<80x128xf32, #tpu.memory_space<vmem>>)
      %dma_start3A_162 = arith.constant 2 : i32
      %dma_start3A_163 = arith.constant 2 : i32
      %dma_start3A_164 = arith.constant 2 : i32
      %dma_start3A_165 = arith.constant 0 : i32
      %dma_start3A_166 = arith.constant 0 : i32
      %dma_start3A_167 = tpu.memref_slice %arg10[%dma_start3A_162, %dma_start3A_165, %dma_start3A_166] : memref<3x80x128xf32, #tpu.memory_space<vmem>> -> memref<1x80x128xf32, #tpu.memory_space<vmem>>
      %dma_start3A_168 = tpu.memref_squeeze %dma_start3A_167 : memref<1x80x128xf32, #tpu.memory_space<vmem>> -> memref<80x128xf32, #tpu.memory_space<vmem>>
      %dma_start3A_169 = arith.constant 0 : i32
      %dma_start3A_170 = tpu.memref_slice %arg9[%dma_start3A_163, %dma_start3A_169] : memref<125x80xi32, #tpu.memory_space<vmem>> -> memref<1x80xi32, #tpu.memory_space<vmem>>
      %dma_start3A_171 = tpu.memref_squeeze %dma_start3A_170 : memref<1x80xi32, #tpu.memory_space<vmem>> -> memref<80xi32, #tpu.memory_space<vmem>>
      %dma_start3A_172 = arith.constant 0 : i32
      %dma_start3A_173 = arith.constant 0 : i32
      %dma_start3A_174 = tpu.memref_slice %arg11[%dma_start3A_172, %dma_start3A_173] : memref<10000x128xf32, #tpu.memory_space<vmem_shared>> -> memref<10000x128xf32, #tpu.memory_space<vmem_shared>>
      %dma_start3A_175 = tpu.memref_slice %arg12[%dma_start3A_164] : memref<3x!tpu.dma_semaphore, #tpu.memory_space<semaphore_mem>> -> memref<1x!tpu.dma_semaphore, #tpu.memory_space<semaphore_mem>>
      %dma_start3A_176 = tpu.memref_squeeze %dma_start3A_175 : memref<1x!tpu.dma_semaphore, #tpu.memory_space<semaphore_mem>> -> memref<!tpu.dma_semaphore, #tpu.memory_space<semaphore_mem>>
      tpu.enqueue_indirect_dma source(%dma_start3A_168 : memref<80x128xf32, #tpu.memory_space<vmem>>) target(%dma_start3A_174 : memref<10000x128xf32, #tpu.memory_space<vmem_shared>>) offsets(%dma_start3A_171 : memref<80xi32, #tpu.memory_space<vmem>>) semaphore(%dma_start3A_176 : memref<!tpu.dma_semaphore, #tpu.memory_space<semaphore_mem>>) {add = true}
      %scan3A = arith.constant 0 : i32
      %scan3A_177 = arith.constant 1 : i32
      %scan3A_178 = arith.constant 39 : i32
      %scan3A_179 = arith.addi %scan3A_177, %scan3A_178 : i32
      %scan3A_180 = arith.constant 1 : i32
      scf.for %scan3A_502 = %scan3A_177 to %scan3A_179 step %scan3A_180  : i32 {
        %mul3A_503 = arith.constant 3 : i32
        %mul3A_504 = arith.muli %scan3A_502, %mul3A_503 : i32
        %add3A = arith.constant 0 : i32
        %add3A_505 = arith.addi %mul3A_504, %add3A : i32
        %add3A_506 = arith.constant 1 : i32
        %add3A_507 = arith.addi %add3A_505, %add3A_506 : i32
        %sub3A = arith.constant 3 : i32
        %sub3A_508 = arith.subi %add3A_507, %sub3A : i32
        %dma_wait3A_509 = arith.constant 1 : i32
        %dma_wait3A_510 = arith.constant 1 : i32
        %dma_wait3A_511 = arith.constant 0 : i32
        %dma_wait3A_512 = arith.constant 0 : i32
        %dma_wait3A_513 = tpu.memref_slice %arg10[%dma_wait3A_509, %dma_wait3A_511, %dma_wait3A_512] : memref<3x80x128xf32, #tpu.memory_space<vmem>> -> memref<1x80x128xf32, #tpu.memory_space<vmem>>
        %dma_wait3A_514 = tpu.memref_squeeze %dma_wait3A_513 : memref<1x80x128xf32, #tpu.memory_space<vmem>> -> memref<80x128xf32, #tpu.memory_space<vmem>>
        %dma_wait3A_515 = arith.constant 0 : i32
        %dma_wait3A_516 = tpu.memref_slice %arg9[%sub3A_508, %dma_wait3A_515] : memref<125x80xi32, #tpu.memory_space<vmem>> -> memref<1x80xi32, #tpu.memory_space<vmem>>
        %dma_wait3A_517 = tpu.memref_squeeze %dma_wait3A_516 : memref<1x80xi32, #tpu.memory_space<vmem>> -> memref<80xi32, #tpu.memory_space<vmem>>
        %dma_wait3A_518 = arith.constant 0 : i32
        %dma_wait3A_519 = arith.constant 0 : i32
        %dma_wait3A_520 = tpu.memref_slice %arg11[%dma_wait3A_518, %dma_wait3A_519] : memref<10000x128xf32, #tpu.memory_space<vmem_shared>> -> memref<10000x128xf32, #tpu.memory_space<vmem_shared>>
        %dma_wait3A_521 = tpu.memref_slice %arg12[%dma_wait3A_510] : memref<3x!tpu.dma_semaphore, #tpu.memory_space<semaphore_mem>> -> memref<1x!tpu.dma_semaphore, #tpu.memory_space<semaphore_mem>>
        %dma_wait3A_522 = tpu.memref_squeeze %dma_wait3A_521 : memref<1x!tpu.dma_semaphore, #tpu.memory_space<semaphore_mem>> -> memref<!tpu.dma_semaphore, #tpu.memory_space<semaphore_mem>>
        tpu.wait_indirect_dma semaphore(%dma_wait3A_522 : memref<!tpu.dma_semaphore, #tpu.memory_space<semaphore_mem>>) src(%dma_wait3A_514 : memref<80x128xf32, #tpu.memory_space<vmem>>) dst(%dma_wait3A_520 : memref<10000x128xf32, #tpu.memory_space<vmem_shared>>)
        %add3A_523 = arith.constant 1 : i32
        %add3A_524 = arith.addi %add3A_505, %add3A_523 : i32
        %dma_start3A_525 = arith.constant 1 : i32
        %dma_start3A_526 = arith.constant 1 : i32
        %dma_start3A_527 = arith.constant 0 : i32
        %dma_start3A_528 = arith.constant 0 : i32
        %dma_start3A_529 = tpu.memref_slice %arg10[%dma_start3A_525, %dma_start3A_527, %dma_start3A_528] : memref<3x80x128xf32, #tpu.memory_space<vmem>> -> memref<1x80x128xf32, #tpu.memory_space<vmem>>
        %dma_start3A_530 = tpu.memref_squeeze %dma_start3A_529 : memref<1x80x128xf32, #tpu.memory_space<vmem>> -> memref<80x128xf32, #tpu.memory_space<vmem>>
        %dma_start3A_531 = arith.constant 0 : i32
        %dma_start3A_532 = tpu.memref_slice %arg8[%add3A_524, %dma_start3A_531] : memref<125x80xi32, #tpu.memory_space<vmem>> -> memref<1x80xi32, #tpu.memory_space<vmem>>
        %dma_start3A_533 = tpu.memref_squeeze %dma_start3A_532 : memref<1x80xi32, #tpu.memory_space<vmem>> -> memref<80xi32, #tpu.memory_space<vmem>>
        %dma_start3A_534 = arith.constant 0 : i32
        %dma_start3A_535 = arith.constant 0 : i32
        %dma_start3A_536 = tpu.memref_slice %arg2[%dma_start3A_534, %dma_start3A_535] : memref<10000x128xf32, #tpu.memory_space<hbm>> -> memref<10000x128xf32, #tpu.memory_space<hbm>>
        %dma_start3A_537 = tpu.memref_slice %arg12[%dma_start3A_526] : memref<3x!tpu.dma_semaphore, #tpu.memory_space<semaphore_mem>> -> memref<1x!tpu.dma_semaphore, #tpu.memory_space<semaphore_mem>>
        %dma_start3A_538 = tpu.memref_squeeze %dma_start3A_537 : memref<1x!tpu.dma_semaphore, #tpu.memory_space<semaphore_mem>> -> memref<!tpu.dma_semaphore, #tpu.memory_space<semaphore_mem>>
        tpu.enqueue_indirect_dma source(%dma_start3A_536 : memref<10000x128xf32, #tpu.memory_space<hbm>>) target(%dma_start3A_530 : memref<80x128xf32, #tpu.memory_space<vmem>>) offsets(%dma_start3A_533 : memref<80xi32, #tpu.memory_space<vmem>>) semaphore(%dma_start3A_538 : memref<!tpu.dma_semaphore, #tpu.memory_space<semaphore_mem>>)
        %dma_wait3A_539 = arith.constant 0 : i32
        %dma_wait3A_540 = arith.constant 0 : i32
        %dma_wait3A_541 = arith.constant 0 : i32
        %dma_wait3A_542 = arith.constant 0 : i32
        %dma_wait3A_543 = tpu.memref_slice %arg10[%dma_wait3A_539, %dma_wait3A_541, %dma_wait3A_542] : memref<3x80x128xf32, #tpu.memory_space<vmem>> -> memref<1x80x128xf32, #tpu.memory_space<vmem>>
        %dma_wait3A_544 = tpu.memref_squeeze %dma_wait3A_543 : memref<1x80x128xf32, #tpu.memory_space<vmem>> -> memref<80x128xf32, #tpu.memory_space<vmem>>
        %dma_wait3A_545 = arith.constant 0 : i32
        %dma_wait3A_546 = tpu.memref_slice %arg8[%add3A_505, %dma_wait3A_545] : memref<125x80xi32, #tpu.memory_space<vmem>> -> memref<1x80xi32, #tpu.memory_space<vmem>>
        %dma_wait3A_547 = tpu.memref_squeeze %dma_wait3A_546 : memref<1x80xi32, #tpu.memory_space<vmem>> -> memref<80xi32, #tpu.memory_space<vmem>>
        %dma_wait3A_548 = arith.constant 0 : i32
        %dma_wait3A_549 = arith.constant 0 : i32
        %dma_wait3A_550 = tpu.memref_slice %arg2[%dma_wait3A_548, %dma_wait3A_549] : memref<10000x128xf32, #tpu.memory_space<hbm>> -> memref<10000x128xf32, #tpu.memory_space<hbm>>
        %dma_wait3A_551 = tpu.memref_slice %arg12[%dma_wait3A_540] : memref<3x!tpu.dma_semaphore, #tpu.memory_space<semaphore_mem>> -> memref<1x!tpu.dma_semaphore, #tpu.memory_space<semaphore_mem>>
        %dma_wait3A_552 = tpu.memref_squeeze %dma_wait3A_551 : memref<1x!tpu.dma_semaphore, #tpu.memory_space<semaphore_mem>> -> memref<!tpu.dma_semaphore, #tpu.memory_space<semaphore_mem>>
        tpu.wait_indirect_dma semaphore(%dma_wait3A_552 : memref<!tpu.dma_semaphore, #tpu.memory_space<semaphore_mem>>) src(%dma_wait3A_550 : memref<10000x128xf32, #tpu.memory_space<hbm>>) dst(%dma_wait3A_544 : memref<80x128xf32, #tpu.memory_space<vmem>>)
        %dma_start3A_553 = arith.constant 0 : i32
        %dma_start3A_554 = arith.constant 0 : i32
        %dma_start3A_555 = arith.constant 0 : i32
        %dma_start3A_556 = arith.constant 0 : i32
        %dma_start3A_557 = tpu.memref_slice %arg10[%dma_start3A_553, %dma_start3A_555, %dma_start3A_556] : memref<3x80x128xf32, #tpu.memory_space<vmem>> -> memref<1x80x128xf32, #tpu.memory_space<vmem>>
        %dma_start3A_558 = tpu.memref_squeeze %dma_start3A_557 : memref<1x80x128xf32, #tpu.memory_space<vmem>> -> memref<80x128xf32, #tpu.memory_space<vmem>>
        %dma_start3A_559 = arith.constant 0 : i32
        %dma_start3A_560 = tpu.memref_slice %arg9[%add3A_505, %dma_start3A_559] : memref<125x80xi32, #tpu.memory_space<vmem>> -> memref<1x80xi32, #tpu.memory_space<vmem>>
        %dma_start3A_561 = tpu.memref_squeeze %dma_start3A_560 : memref<1x80xi32, #tpu.memory_space<vmem>> -> memref<80xi32, #tpu.memory_space<vmem>>
        %dma_start3A_562 = arith.constant 0 : i32
        %dma_start3A_563 = arith.constant 0 : i32
        %dma_start3A_564 = tpu.memref_slice %arg11[%dma_start3A_562, %dma_start3A_563] : memref<10000x128xf32, #tpu.memory_space<vmem_shared>> -> memref<10000x128xf32, #tpu.memory_space<vmem_shared>>
        %dma_start3A_565 = tpu.memref_slice %arg12[%dma_start3A_554] : memref<3x!tpu.dma_semaphore, #tpu.memory_space<semaphore_mem>> -> memref<1x!tpu.dma_semaphore, #tpu.memory_space<semaphore_mem>>
        %dma_start3A_566 = tpu.memref_squeeze %dma_start3A_565 : memref<1x!tpu.dma_semaphore, #tpu.memory_space<semaphore_mem>> -> memref<!tpu.dma_semaphore, #tpu.memory_space<semaphore_mem>>
        tpu.enqueue_indirect_dma source(%dma_start3A_558 : memref<80x128xf32, #tpu.memory_space<vmem>>) target(%dma_start3A_564 : memref<10000x128xf32, #tpu.memory_space<vmem_shared>>) offsets(%dma_start3A_561 : memref<80xi32, #tpu.memory_space<vmem>>) semaphore(%dma_start3A_566 : memref<!tpu.dma_semaphore, #tpu.memory_space<semaphore_mem>>) {add = true}
        %add3A_567 = arith.constant 1 : i32
        %add3A_568 = arith.addi %mul3A_504, %add3A_567 : i32
        %add3A_569 = arith.constant 1 : i32
        %add3A_570 = arith.addi %add3A_568, %add3A_569 : i32
        %sub3A_571 = arith.constant 3 : i32
        %sub3A_572 = arith.subi %add3A_570, %sub3A_571 : i32
        %dma_wait3A_573 = arith.constant 2 : i32
        %dma_wait3A_574 = arith.constant 2 : i32
        %dma_wait3A_575 = arith.constant 0 : i32
        %dma_wait3A_576 = arith.constant 0 : i32
        %dma_wait3A_577 = tpu.memref_slice %arg10[%dma_wait3A_573, %dma_wait3A_575, %dma_wait3A_576] : memref<3x80x128xf32, #tpu.memory_space<vmem>> -> memref<1x80x128xf32, #tpu.memory_space<vmem>>
        %dma_wait3A_578 = tpu.memref_squeeze %dma_wait3A_577 : memref<1x80x128xf32, #tpu.memory_space<vmem>> -> memref<80x128xf32, #tpu.memory_space<vmem>>
        %dma_wait3A_579 = arith.constant 0 : i32
        %dma_wait3A_580 = tpu.memref_slice %arg9[%sub3A_572, %dma_wait3A_579] : memref<125x80xi32, #tpu.memory_space<vmem>> -> memref<1x80xi32, #tpu.memory_space<vmem>>
        %dma_wait3A_581 = tpu.memref_squeeze %dma_wait3A_580 : memref<1x80xi32, #tpu.memory_space<vmem>> -> memref<80xi32, #tpu.memory_space<vmem>>
        %dma_wait3A_582 = arith.constant 0 : i32
        %dma_wait3A_583 = arith.constant 0 : i32
        %dma_wait3A_584 = tpu.memref_slice %arg11[%dma_wait3A_582, %dma_wait3A_583] : memref<10000x128xf32, #tpu.memory_space<vmem_shared>> -> memref<10000x128xf32, #tpu.memory_space<vmem_shared>>
        %dma_wait3A_585 = tpu.memref_slice %arg12[%dma_wait3A_574] : memref<3x!tpu.dma_semaphore, #tpu.memory_space<semaphore_mem>> -> memref<1x!tpu.dma_semaphore, #tpu.memory_space<semaphore_mem>>
        %dma_wait3A_586 = tpu.memref_squeeze %dma_wait3A_585 : memref<1x!tpu.dma_semaphore, #tpu.memory_space<semaphore_mem>> -> memref<!tpu.dma_semaphore, #tpu.memory_space<semaphore_mem>>
        tpu.wait_indirect_dma semaphore(%dma_wait3A_586 : memref<!tpu.dma_semaphore, #tpu.memory_space<semaphore_mem>>) src(%dma_wait3A_578 : memref<80x128xf32, #tpu.memory_space<vmem>>) dst(%dma_wait3A_584 : memref<10000x128xf32, #tpu.memory_space<vmem_shared>>)
        %add3A_587 = arith.constant 1 : i32
        %add3A_588 = arith.addi %add3A_568, %add3A_587 : i32
        %dma_start3A_589 = arith.constant 2 : i32
        %dma_start3A_590 = arith.constant 2 : i32
        %dma_start3A_591 = arith.constant 0 : i32
        %dma_start3A_592 = arith.constant 0 : i32
        %dma_start3A_593 = tpu.memref_slice %arg10[%dma_start3A_589, %dma_start3A_591, %dma_start3A_592] : memref<3x80x128xf32, #tpu.memory_space<vmem>> -> memref<1x80x128xf32, #tpu.memory_space<vmem>>
        %dma_start3A_594 = tpu.memref_squeeze %dma_start3A_593 : memref<1x80x128xf32, #tpu.memory_space<vmem>> -> memref<80x128xf32, #tpu.memory_space<vmem>>
        %dma_start3A_595 = arith.constant 0 : i32
        %dma_start3A_596 = tpu.memref_slice %arg8[%add3A_588, %dma_start3A_595] : memref<125x80xi32, #tpu.memory_space<vmem>> -> memref<1x80xi32, #tpu.memory_space<vmem>>
        %dma_start3A_597 = tpu.memref_squeeze %dma_start3A_596 : memref<1x80xi32, #tpu.memory_space<vmem>> -> memref<80xi32, #tpu.memory_space<vmem>>
        %dma_start3A_598 = arith.constant 0 : i32
        %dma_start3A_599 = arith.constant 0 : i32
        %dma_start3A_600 = tpu.memref_slice %arg2[%dma_start3A_598, %dma_start3A_599] : memref<10000x128xf32, #tpu.memory_space<hbm>> -> memref<10000x128xf32, #tpu.memory_space<hbm>>
        %dma_start3A_601 = tpu.memref_slice %arg12[%dma_start3A_590] : memref<3x!tpu.dma_semaphore, #tpu.memory_space<semaphore_mem>> -> memref<1x!tpu.dma_semaphore, #tpu.memory_space<semaphore_mem>>
        %dma_start3A_602 = tpu.memref_squeeze %dma_start3A_601 : memref<1x!tpu.dma_semaphore, #tpu.memory_space<semaphore_mem>> -> memref<!tpu.dma_semaphore, #tpu.memory_space<semaphore_mem>>
        tpu.enqueue_indirect_dma source(%dma_start3A_600 : memref<10000x128xf32, #tpu.memory_space<hbm>>) target(%dma_start3A_594 : memref<80x128xf32, #tpu.memory_space<vmem>>) offsets(%dma_start3A_597 : memref<80xi32, #tpu.memory_space<vmem>>) semaphore(%dma_start3A_602 : memref<!tpu.dma_semaphore, #tpu.memory_space<semaphore_mem>>)
        %dma_wait3A_603 = arith.constant 1 : i32
        %dma_wait3A_604 = arith.constant 1 : i32
        %dma_wait3A_605 = arith.constant 0 : i32
        %dma_wait3A_606 = arith.constant 0 : i32
        %dma_wait3A_607 = tpu.memref_slice %arg10[%dma_wait3A_603, %dma_wait3A_605, %dma_wait3A_606] : memref<3x80x128xf32, #tpu.memory_space<vmem>> -> memref<1x80x128xf32, #tpu.memory_space<vmem>>
        %dma_wait3A_608 = tpu.memref_squeeze %dma_wait3A_607 : memref<1x80x128xf32, #tpu.memory_space<vmem>> -> memref<80x128xf32, #tpu.memory_space<vmem>>
        %dma_wait3A_609 = arith.constant 0 : i32
        %dma_wait3A_610 = tpu.memref_slice %arg8[%add3A_568, %dma_wait3A_609] : memref<125x80xi32, #tpu.memory_space<vmem>> -> memref<1x80xi32, #tpu.memory_space<vmem>>
        %dma_wait3A_611 = tpu.memref_squeeze %dma_wait3A_610 : memref<1x80xi32, #tpu.memory_space<vmem>> -> memref<80xi32, #tpu.memory_space<vmem>>
        %dma_wait3A_612 = arith.constant 0 : i32
        %dma_wait3A_613 = arith.constant 0 : i32
        %dma_wait3A_614 = tpu.memref_slice %arg2[%dma_wait3A_612, %dma_wait3A_613] : memref<10000x128xf32, #tpu.memory_space<hbm>> -> memref<10000x128xf32, #tpu.memory_space<hbm>>
        %dma_wait3A_615 = tpu.memref_slice %arg12[%dma_wait3A_604] : memref<3x!tpu.dma_semaphore, #tpu.memory_space<semaphore_mem>> -> memref<1x!tpu.dma_semaphore, #tpu.memory_space<semaphore_mem>>
        %dma_wait3A_616 = tpu.memref_squeeze %dma_wait3A_615 : memref<1x!tpu.dma_semaphore, #tpu.memory_space<semaphore_mem>> -> memref<!tpu.dma_semaphore, #tpu.memory_space<semaphore_mem>>
        tpu.wait_indirect_dma semaphore(%dma_wait3A_616 : memref<!tpu.dma_semaphore, #tpu.memory_space<semaphore_mem>>) src(%dma_wait3A_614 : memref<10000x128xf32, #tpu.memory_space<hbm>>) dst(%dma_wait3A_608 : memref<80x128xf32, #tpu.memory_space<vmem>>)
        %dma_start3A_617 = arith.constant 1 : i32
        %dma_start3A_618 = arith.constant 1 : i32
        %dma_start3A_619 = arith.constant 0 : i32
        %dma_start3A_620 = arith.constant 0 : i32
        %dma_start3A_621 = tpu.memref_slice %arg10[%dma_start3A_617, %dma_start3A_619, %dma_start3A_620] : memref<3x80x128xf32, #tpu.memory_space<vmem>> -> memref<1x80x128xf32, #tpu.memory_space<vmem>>
        %dma_start3A_622 = tpu.memref_squeeze %dma_start3A_621 : memref<1x80x128xf32, #tpu.memory_space<vmem>> -> memref<80x128xf32, #tpu.memory_space<vmem>>
        %dma_start3A_623 = arith.constant 0 : i32
        %dma_start3A_624 = tpu.memref_slice %arg9[%add3A_568, %dma_start3A_623] : memref<125x80xi32, #tpu.memory_space<vmem>> -> memref<1x80xi32, #tpu.memory_space<vmem>>
        %dma_start3A_625 = tpu.memref_squeeze %dma_start3A_624 : memref<1x80xi32, #tpu.memory_space<vmem>> -> memref<80xi32, #tpu.memory_space<vmem>>
        %dma_start3A_626 = arith.constant 0 : i32
        %dma_start3A_627 = arith.constant 0 : i32
        %dma_start3A_628 = tpu.memref_slice %arg11[%dma_start3A_626, %dma_start3A_627] : memref<10000x128xf32, #tpu.memory_space<vmem_shared>> -> memref<10000x128xf32, #tpu.memory_space<vmem_shared>>
        %dma_start3A_629 = tpu.memref_slice %arg12[%dma_start3A_618] : memref<3x!tpu.dma_semaphore, #tpu.memory_space<semaphore_mem>> -> memref<1x!tpu.dma_semaphore, #tpu.memory_space<semaphore_mem>>
        %dma_start3A_630 = tpu.memref_squeeze %dma_start3A_629 : memref<1x!tpu.dma_semaphore, #tpu.memory_space<semaphore_mem>> -> memref<!tpu.dma_semaphore, #tpu.memory_space<semaphore_mem>>
        tpu.enqueue_indirect_dma source(%dma_start3A_622 : memref<80x128xf32, #tpu.memory_space<vmem>>) target(%dma_start3A_628 : memref<10000x128xf32, #tpu.memory_space<vmem_shared>>) offsets(%dma_start3A_625 : memref<80xi32, #tpu.memory_space<vmem>>) semaphore(%dma_start3A_630 : memref<!tpu.dma_semaphore, #tpu.memory_space<semaphore_mem>>) {add = true}
        %add3A_631 = arith.constant 2 : i32
        %add3A_632 = arith.addi %mul3A_504, %add3A_631 : i32
        %add3A_633 = arith.constant 1 : i32
        %add3A_634 = arith.addi %add3A_632, %add3A_633 : i32
        %sub3A_635 = arith.constant 3 : i32
        %sub3A_636 = arith.subi %add3A_634, %sub3A_635 : i32
        %dma_wait3A_637 = arith.constant 0 : i32
        %dma_wait3A_638 = arith.constant 0 : i32
        %dma_wait3A_639 = arith.constant 0 : i32
        %dma_wait3A_640 = arith.constant 0 : i32
        %dma_wait3A_641 = tpu.memref_slice %arg10[%dma_wait3A_637, %dma_wait3A_639, %dma_wait3A_640] : memref<3x80x128xf32, #tpu.memory_space<vmem>> -> memref<1x80x128xf32, #tpu.memory_space<vmem>>
        %dma_wait3A_642 = tpu.memref_squeeze %dma_wait3A_641 : memref<1x80x128xf32, #tpu.memory_space<vmem>> -> memref<80x128xf32, #tpu.memory_space<vmem>>
        %dma_wait3A_643 = arith.constant 0 : i32
        %dma_wait3A_644 = tpu.memref_slice %arg9[%sub3A_636, %dma_wait3A_643] : memref<125x80xi32, #tpu.memory_space<vmem>> -> memref<1x80xi32, #tpu.memory_space<vmem>>
        %dma_wait3A_645 = tpu.memref_squeeze %dma_wait3A_644 : memref<1x80xi32, #tpu.memory_space<vmem>> -> memref<80xi32, #tpu.memory_space<vmem>>
        %dma_wait3A_646 = arith.constant 0 : i32
        %dma_wait3A_647 = arith.constant 0 : i32
        %dma_wait3A_648 = tpu.memref_slice %arg11[%dma_wait3A_646, %dma_wait3A_647] : memref<10000x128xf32, #tpu.memory_space<vmem_shared>> -> memref<10000x128xf32, #tpu.memory_space<vmem_shared>>
        %dma_wait3A_649 = tpu.memref_slice %arg12[%dma_wait3A_638] : memref<3x!tpu.dma_semaphore, #tpu.memory_space<semaphore_mem>> -> memref<1x!tpu.dma_semaphore, #tpu.memory_space<semaphore_mem>>
        %dma_wait3A_650 = tpu.memref_squeeze %dma_wait3A_649 : memref<1x!tpu.dma_semaphore, #tpu.memory_space<semaphore_mem>> -> memref<!tpu.dma_semaphore, #tpu.memory_space<semaphore_mem>>
        tpu.wait_indirect_dma semaphore(%dma_wait3A_650 : memref<!tpu.dma_semaphore, #tpu.memory_space<semaphore_mem>>) src(%dma_wait3A_642 : memref<80x128xf32, #tpu.memory_space<vmem>>) dst(%dma_wait3A_648 : memref<10000x128xf32, #tpu.memory_space<vmem_shared>>)
        %add3A_651 = arith.constant 1 : i32
        %add3A_652 = arith.addi %add3A_632, %add3A_651 : i32
        %dma_start3A_653 = arith.constant 0 : i32
        %dma_start3A_654 = arith.constant 0 : i32
        %dma_start3A_655 = arith.constant 0 : i32
        %dma_start3A_656 = arith.constant 0 : i32
        %dma_start3A_657 = tpu.memref_slice %arg10[%dma_start3A_653, %dma_start3A_655, %dma_start3A_656] : memref<3x80x128xf32, #tpu.memory_space<vmem>> -> memref<1x80x128xf32, #tpu.memory_space<vmem>>
        %dma_start3A_658 = tpu.memref_squeeze %dma_start3A_657 : memref<1x80x128xf32, #tpu.memory_space<vmem>> -> memref<80x128xf32, #tpu.memory_space<vmem>>
        %dma_start3A_659 = arith.constant 0 : i32
        %dma_start3A_660 = tpu.memref_slice %arg8[%add3A_652, %dma_start3A_659] : memref<125x80xi32, #tpu.memory_space<vmem>> -> memref<1x80xi32, #tpu.memory_space<vmem>>
        %dma_start3A_661 = tpu.memref_squeeze %dma_start3A_660 : memref<1x80xi32, #tpu.memory_space<vmem>> -> memref<80xi32, #tpu.memory_space<vmem>>
        %dma_start3A_662 = arith.constant 0 : i32
        %dma_start3A_663 = arith.constant 0 : i32
        %dma_start3A_664 = tpu.memref_slice %arg2[%dma_start3A_662, %dma_start3A_663] : memref<10000x128xf32, #tpu.memory_space<hbm>> -> memref<10000x128xf32, #tpu.memory_space<hbm>>
        %dma_start3A_665 = tpu.memref_slice %arg12[%dma_start3A_654] : memref<3x!tpu.dma_semaphore, #tpu.memory_space<semaphore_mem>> -> memref<1x!tpu.dma_semaphore, #tpu.memory_space<semaphore_mem>>
        %dma_start3A_666 = tpu.memref_squeeze %dma_start3A_665 : memref<1x!tpu.dma_semaphore, #tpu.memory_space<semaphore_mem>> -> memref<!tpu.dma_semaphore, #tpu.memory_space<semaphore_mem>>
        tpu.enqueue_indirect_dma source(%dma_start3A_664 : memref<10000x128xf32, #tpu.memory_space<hbm>>) target(%dma_start3A_658 : memref<80x128xf32, #tpu.memory_space<vmem>>) offsets(%dma_start3A_661 : memref<80xi32, #tpu.memory_space<vmem>>) semaphore(%dma_start3A_666 : memref<!tpu.dma_semaphore, #tpu.memory_space<semaphore_mem>>)
        %dma_wait3A_667 = arith.constant 2 : i32
        %dma_wait3A_668 = arith.constant 2 : i32
        %dma_wait3A_669 = arith.constant 0 : i32
        %dma_wait3A_670 = arith.constant 0 : i32
        %dma_wait3A_671 = tpu.memref_slice %arg10[%dma_wait3A_667, %dma_wait3A_669, %dma_wait3A_670] : memref<3x80x128xf32, #tpu.memory_space<vmem>> -> memref<1x80x128xf32, #tpu.memory_space<vmem>>
        %dma_wait3A_672 = tpu.memref_squeeze %dma_wait3A_671 : memref<1x80x128xf32, #tpu.memory_space<vmem>> -> memref<80x128xf32, #tpu.memory_space<vmem>>
        %dma_wait3A_673 = arith.constant 0 : i32
        %dma_wait3A_674 = tpu.memref_slice %arg8[%add3A_632, %dma_wait3A_673] : memref<125x80xi32, #tpu.memory_space<vmem>> -> memref<1x80xi32, #tpu.memory_space<vmem>>
        %dma_wait3A_675 = tpu.memref_squeeze %dma_wait3A_674 : memref<1x80xi32, #tpu.memory_space<vmem>> -> memref<80xi32, #tpu.memory_space<vmem>>
        %dma_wait3A_676 = arith.constant 0 : i32
        %dma_wait3A_677 = arith.constant 0 : i32
        %dma_wait3A_678 = tpu.memref_slice %arg2[%dma_wait3A_676, %dma_wait3A_677] : memref<10000x128xf32, #tpu.memory_space<hbm>> -> memref<10000x128xf32, #tpu.memory_space<hbm>>
        %dma_wait3A_679 = tpu.memref_slice %arg12[%dma_wait3A_668] : memref<3x!tpu.dma_semaphore, #tpu.memory_space<semaphore_mem>> -> memref<1x!tpu.dma_semaphore, #tpu.memory_space<semaphore_mem>>
        %dma_wait3A_680 = tpu.memref_squeeze %dma_wait3A_679 : memref<1x!tpu.dma_semaphore, #tpu.memory_space<semaphore_mem>> -> memref<!tpu.dma_semaphore, #tpu.memory_space<semaphore_mem>>
        tpu.wait_indirect_dma semaphore(%dma_wait3A_680 : memref<!tpu.dma_semaphore, #tpu.memory_space<semaphore_mem>>) src(%dma_wait3A_678 : memref<10000x128xf32, #tpu.memory_space<hbm>>) dst(%dma_wait3A_672 : memref<80x128xf32, #tpu.memory_space<vmem>>)
        %dma_start3A_681 = arith.constant 2 : i32
        %dma_start3A_682 = arith.constant 2 : i32
        %dma_start3A_683 = arith.constant 0 : i32
        %dma_start3A_684 = arith.constant 0 : i32
        %dma_start3A_685 = tpu.memref_slice %arg10[%dma_start3A_681, %dma_start3A_683, %dma_start3A_684] : memref<3x80x128xf32, #tpu.memory_space<vmem>> -> memref<1x80x128xf32, #tpu.memory_space<vmem>>
        %dma_start3A_686 = tpu.memref_squeeze %dma_start3A_685 : memref<1x80x128xf32, #tpu.memory_space<vmem>> -> memref<80x128xf32, #tpu.memory_space<vmem>>
        %dma_start3A_687 = arith.constant 0 : i32
        %dma_start3A_688 = tpu.memref_slice %arg9[%add3A_632, %dma_start3A_687] : memref<125x80xi32, #tpu.memory_space<vmem>> -> memref<1x80xi32, #tpu.memory_space<vmem>>
        %dma_start3A_689 = tpu.memref_squeeze %dma_start3A_688 : memref<1x80xi32, #tpu.memory_space<vmem>> -> memref<80xi32, #tpu.memory_space<vmem>>
        %dma_start3A_690 = arith.constant 0 : i32
        %dma_start3A_691 = arith.constant 0 : i32
        %dma_start3A_692 = tpu.memref_slice %arg11[%dma_start3A_690, %dma_start3A_691] : memref<10000x128xf32, #tpu.memory_space<vmem_shared>> -> memref<10000x128xf32, #tpu.memory_space<vmem_shared>>
        %dma_start3A_693 = tpu.memref_slice %arg12[%dma_start3A_682] : memref<3x!tpu.dma_semaphore, #tpu.memory_space<semaphore_mem>> -> memref<1x!tpu.dma_semaphore, #tpu.memory_space<semaphore_mem>>
        %dma_start3A_694 = tpu.memref_squeeze %dma_start3A_693 : memref<1x!tpu.dma_semaphore, #tpu.memory_space<semaphore_mem>> -> memref<!tpu.dma_semaphore, #tpu.memory_space<semaphore_mem>>
        tpu.enqueue_indirect_dma source(%dma_start3A_686 : memref<80x128xf32, #tpu.memory_space<vmem>>) target(%dma_start3A_692 : memref<10000x128xf32, #tpu.memory_space<vmem_shared>>) offsets(%dma_start3A_689 : memref<80xi32, #tpu.memory_space<vmem>>) semaphore(%dma_start3A_694 : memref<!tpu.dma_semaphore, #tpu.memory_space<semaphore_mem>>) {add = true}
      }
      %scan3A_181 = arith.constant 39 : i32
      %dma_wait3A_182 = arith.constant 1 : i32
      %dma_wait3A_183 = arith.constant 118 : i32
      %dma_wait3A_184 = arith.constant 1 : i32
      %dma_wait3A_185 = arith.constant 0 : i32
      %dma_wait3A_186 = arith.constant 0 : i32
      %dma_wait3A_187 = tpu.memref_slice %arg10[%dma_wait3A_182, %dma_wait3A_185, %dma_wait3A_186] : memref<3x80x128xf32, #tpu.memory_space<vmem>> -> memref<1x80x128xf32, #tpu.memory_space<vmem>>
      %dma_wait3A_188 = tpu.memref_squeeze %dma_wait3A_187 : memref<1x80x128xf32, #tpu.memory_space<vmem>> -> memref<80x128xf32, #tpu.memory_space<vmem>>
      %dma_wait3A_189 = arith.constant 0 : i32
      %dma_wait3A_190 = tpu.memref_slice %arg9[%dma_wait3A_183, %dma_wait3A_189] : memref<125x80xi32, #tpu.memory_space<vmem>> -> memref<1x80xi32, #tpu.memory_space<vmem>>
      %dma_wait3A_191 = tpu.memref_squeeze %dma_wait3A_190 : memref<1x80xi32, #tpu.memory_space<vmem>> -> memref<80xi32, #tpu.memory_space<vmem>>
      %dma_wait3A_192 = arith.constant 0 : i32
      %dma_wait3A_193 = arith.constant 0 : i32
      %dma_wait3A_194 = tpu.memref_slice %arg11[%dma_wait3A_192, %dma_wait3A_193] : memref<10000x128xf32, #tpu.memory_space<vmem_shared>> -> memref<10000x128xf32, #tpu.memory_space<vmem_shared>>
      %dma_wait3A_195 = tpu.memref_slice %arg12[%dma_wait3A_184] : memref<3x!tpu.dma_semaphore, #tpu.memory_space<semaphore_mem>> -> memref<1x!tpu.dma_semaphore, #tpu.memory_space<semaphore_mem>>
      %dma_wait3A_196 = tpu.memref_squeeze %dma_wait3A_195 : memref<1x!tpu.dma_semaphore, #tpu.memory_space<semaphore_mem>> -> memref<!tpu.dma_semaphore, #tpu.memory_space<semaphore_mem>>
      tpu.wait_indirect_dma semaphore(%dma_wait3A_196 : memref<!tpu.dma_semaphore, #tpu.memory_space<semaphore_mem>>) src(%dma_wait3A_188 : memref<80x128xf32, #tpu.memory_space<vmem>>) dst(%dma_wait3A_194 : memref<10000x128xf32, #tpu.memory_space<vmem_shared>>)
      %dma_start3A_197 = arith.constant 121 : i32
      %dma_start3A_198 = arith.constant 1 : i32
      %dma_start3A_199 = arith.constant 1 : i32
      %dma_start3A_200 = arith.constant 0 : i32
      %dma_start3A_201 = arith.constant 0 : i32
      %dma_start3A_202 = tpu.memref_slice %arg10[%dma_start3A_198, %dma_start3A_200, %dma_start3A_201] : memref<3x80x128xf32, #tpu.memory_space<vmem>> -> memref<1x80x128xf32, #tpu.memory_space<vmem>>
      %dma_start3A_203 = tpu.memref_squeeze %dma_start3A_202 : memref<1x80x128xf32, #tpu.memory_space<vmem>> -> memref<80x128xf32, #tpu.memory_space<vmem>>
      %dma_start3A_204 = arith.constant 0 : i32
      %dma_start3A_205 = tpu.memref_slice %arg8[%dma_start3A_197, %dma_start3A_204] : memref<125x80xi32, #tpu.memory_space<vmem>> -> memref<1x80xi32, #tpu.memory_space<vmem>>
      %dma_start3A_206 = tpu.memref_squeeze %dma_start3A_205 : memref<1x80xi32, #tpu.memory_space<vmem>> -> memref<80xi32, #tpu.memory_space<vmem>>
      %dma_start3A_207 = arith.constant 0 : i32
      %dma_start3A_208 = arith.constant 0 : i32
      %dma_start3A_209 = tpu.memref_slice %arg2[%dma_start3A_207, %dma_start3A_208] : memref<10000x128xf32, #tpu.memory_space<hbm>> -> memref<10000x128xf32, #tpu.memory_space<hbm>>
      %dma_start3A_210 = tpu.memref_slice %arg12[%dma_start3A_199] : memref<3x!tpu.dma_semaphore, #tpu.memory_space<semaphore_mem>> -> memref<1x!tpu.dma_semaphore, #tpu.memory_space<semaphore_mem>>
      %dma_start3A_211 = tpu.memref_squeeze %dma_start3A_210 : memref<1x!tpu.dma_semaphore, #tpu.memory_space<semaphore_mem>> -> memref<!tpu.dma_semaphore, #tpu.memory_space<semaphore_mem>>
      tpu.enqueue_indirect_dma source(%dma_start3A_209 : memref<10000x128xf32, #tpu.memory_space<hbm>>) target(%dma_start3A_203 : memref<80x128xf32, #tpu.memory_space<vmem>>) offsets(%dma_start3A_206 : memref<80xi32, #tpu.memory_space<vmem>>) semaphore(%dma_start3A_211 : memref<!tpu.dma_semaphore, #tpu.memory_space<semaphore_mem>>)
      %dma_wait3A_212 = arith.constant 120 : i32
      %dma_wait3A_213 = arith.constant 0 : i32
      %dma_wait3A_214 = arith.constant 0 : i32
      %dma_wait3A_215 = arith.constant 0 : i32
      %dma_wait3A_216 = arith.constant 0 : i32
      %dma_wait3A_217 = tpu.memref_slice %arg10[%dma_wait3A_213, %dma_wait3A_215, %dma_wait3A_216] : memref<3x80x128xf32, #tpu.memory_space<vmem>> -> memref<1x80x128xf32, #tpu.memory_space<vmem>>
      %dma_wait3A_218 = tpu.memref_squeeze %dma_wait3A_217 : memref<1x80x128xf32, #tpu.memory_space<vmem>> -> memref<80x128xf32, #tpu.memory_space<vmem>>
      %dma_wait3A_219 = arith.constant 0 : i32
      %dma_wait3A_220 = tpu.memref_slice %arg8[%dma_wait3A_212, %dma_wait3A_219] : memref<125x80xi32, #tpu.memory_space<vmem>> -> memref<1x80xi32, #tpu.memory_space<vmem>>
      %dma_wait3A_221 = tpu.memref_squeeze %dma_wait3A_220 : memref<1x80xi32, #tpu.memory_space<vmem>> -> memref<80xi32, #tpu.memory_space<vmem>>
      %dma_wait3A_222 = arith.constant 0 : i32
      %dma_wait3A_223 = arith.constant 0 : i32
      %dma_wait3A_224 = tpu.memref_slice %arg2[%dma_wait3A_222, %dma_wait3A_223] : memref<10000x128xf32, #tpu.memory_space<hbm>> -> memref<10000x128xf32, #tpu.memory_space<hbm>>
      %dma_wait3A_225 = tpu.memref_slice %arg12[%dma_wait3A_214] : memref<3x!tpu.dma_semaphore, #tpu.memory_space<semaphore_mem>> -> memref<1x!tpu.dma_semaphore, #tpu.memory_space<semaphore_mem>>
      %dma_wait3A_226 = tpu.memref_squeeze %dma_wait3A_225 : memref<1x!tpu.dma_semaphore, #tpu.memory_space<semaphore_mem>> -> memref<!tpu.dma_semaphore, #tpu.memory_space<semaphore_mem>>
      tpu.wait_indirect_dma semaphore(%dma_wait3A_226 : memref<!tpu.dma_semaphore, #tpu.memory_space<semaphore_mem>>) src(%dma_wait3A_224 : memref<10000x128xf32, #tpu.memory_space<hbm>>) dst(%dma_wait3A_218 : memref<80x128xf32, #tpu.memory_space<vmem>>)
      %dma_start3A_227 = arith.constant 0 : i32
      %dma_start3A_228 = arith.constant 120 : i32
      %dma_start3A_229 = arith.constant 0 : i32
      %dma_start3A_230 = arith.constant 0 : i32
      %dma_start3A_231 = arith.constant 0 : i32
      %dma_start3A_232 = tpu.memref_slice %arg10[%dma_start3A_227, %dma_start3A_230, %dma_start3A_231] : memref<3x80x128xf32, #tpu.memory_space<vmem>> -> memref<1x80x128xf32, #tpu.memory_space<vmem>>
      %dma_start3A_233 = tpu.memref_squeeze %dma_start3A_232 : memref<1x80x128xf32, #tpu.memory_space<vmem>> -> memref<80x128xf32, #tpu.memory_space<vmem>>
      %dma_start3A_234 = arith.constant 0 : i32
      %dma_start3A_235 = tpu.memref_slice %arg9[%dma_start3A_228, %dma_start3A_234] : memref<125x80xi32, #tpu.memory_space<vmem>> -> memref<1x80xi32, #tpu.memory_space<vmem>>
      %dma_start3A_236 = tpu.memref_squeeze %dma_start3A_235 : memref<1x80xi32, #tpu.memory_space<vmem>> -> memref<80xi32, #tpu.memory_space<vmem>>
      %dma_start3A_237 = arith.constant 0 : i32
      %dma_start3A_238 = arith.constant 0 : i32
      %dma_start3A_239 = tpu.memref_slice %arg11[%dma_start3A_237, %dma_start3A_238] : memref<10000x128xf32, #tpu.memory_space<vmem_shared>> -> memref<10000x128xf32, #tpu.memory_space<vmem_shared>>
      %dma_start3A_240 = tpu.memref_slice %arg12[%dma_start3A_229] : memref<3x!tpu.dma_semaphore, #tpu.memory_space<semaphore_mem>> -> memref<1x!tpu.dma_semaphore, #tpu.memory_space<semaphore_mem>>
      %dma_start3A_241 = tpu.memref_squeeze %dma_start3A_240 : memref<1x!tpu.dma_semaphore, #tpu.memory_space<semaphore_mem>> -> memref<!tpu.dma_semaphore, #tpu.memory_space<semaphore_mem>>
      tpu.enqueue_indirect_dma source(%dma_start3A_233 : memref<80x128xf32, #tpu.memory_space<vmem>>) target(%dma_start3A_239 : memref<10000x128xf32, #tpu.memory_space<vmem_shared>>) offsets(%dma_start3A_236 : memref<80xi32, #tpu.memory_space<vmem>>) semaphore(%dma_start3A_241 : memref<!tpu.dma_semaphore, #tpu.memory_space<semaphore_mem>>) {add = true}
      %dma_wait3A_242 = arith.constant 2 : i32
      %dma_wait3A_243 = arith.constant 119 : i32
      %dma_wait3A_244 = arith.constant 2 : i32
      %dma_wait3A_245 = arith.constant 0 : i32
      %dma_wait3A_246 = arith.constant 0 : i32
      %dma_wait3A_247 = tpu.memref_slice %arg10[%dma_wait3A_242, %dma_wait3A_245, %dma_wait3A_246] : memref<3x80x128xf32, #tpu.memory_space<vmem>> -> memref<1x80x128xf32, #tpu.memory_space<vmem>>
      %dma_wait3A_248 = tpu.memref_squeeze %dma_wait3A_247 : memref<1x80x128xf32, #tpu.memory_space<vmem>> -> memref<80x128xf32, #tpu.memory_space<vmem>>
      %dma_wait3A_249 = arith.constant 0 : i32
      %dma_wait3A_250 = tpu.memref_slice %arg9[%dma_wait3A_243, %dma_wait3A_249] : memref<125x80xi32, #tpu.memory_space<vmem>> -> memref<1x80xi32, #tpu.memory_space<vmem>>
      %dma_wait3A_251 = tpu.memref_squeeze %dma_wait3A_250 : memref<1x80xi32, #tpu.memory_space<vmem>> -> memref<80xi32, #tpu.memory_space<vmem>>
      %dma_wait3A_252 = arith.constant 0 : i32
      %dma_wait3A_253 = arith.constant 0 : i32
      %dma_wait3A_254 = tpu.memref_slice %arg11[%dma_wait3A_252, %dma_wait3A_253] : memref<10000x128xf32, #tpu.memory_space<vmem_shared>> -> memref<10000x128xf32, #tpu.memory_space<vmem_shared>>
      %dma_wait3A_255 = tpu.memref_slice %arg12[%dma_wait3A_244] : memref<3x!tpu.dma_semaphore, #tpu.memory_space<semaphore_mem>> -> memref<1x!tpu.dma_semaphore, #tpu.memory_space<semaphore_mem>>
      %dma_wait3A_256 = tpu.memref_squeeze %dma_wait3A_255 : memref<1x!tpu.dma_semaphore, #tpu.memory_space<semaphore_mem>> -> memref<!tpu.dma_semaphore, #tpu.memory_space<semaphore_mem>>
      tpu.wait_indirect_dma semaphore(%dma_wait3A_256 : memref<!tpu.dma_semaphore, #tpu.memory_space<semaphore_mem>>) src(%dma_wait3A_248 : memref<80x128xf32, #tpu.memory_space<vmem>>) dst(%dma_wait3A_254 : memref<10000x128xf32, #tpu.memory_space<vmem_shared>>)
      %dma_start3A_257 = arith.constant 122 : i32
      %dma_start3A_258 = arith.constant 2 : i32
      %dma_start3A_259 = arith.constant 2 : i32
      %dma_start3A_260 = arith.constant 0 : i32
      %dma_start3A_261 = arith.constant 0 : i32
      %dma_start3A_262 = tpu.memref_slice %arg10[%dma_start3A_258, %dma_start3A_260, %dma_start3A_261] : memref<3x80x128xf32, #tpu.memory_space<vmem>> -> memref<1x80x128xf32, #tpu.memory_space<vmem>>
      %dma_start3A_263 = tpu.memref_squeeze %dma_start3A_262 : memref<1x80x128xf32, #tpu.memory_space<vmem>> -> memref<80x128xf32, #tpu.memory_space<vmem>>
      %dma_start3A_264 = arith.constant 0 : i32
      %dma_start3A_265 = tpu.memref_slice %arg8[%dma_start3A_257, %dma_start3A_264] : memref<125x80xi32, #tpu.memory_space<vmem>> -> memref<1x80xi32, #tpu.memory_space<vmem>>
      %dma_start3A_266 = tpu.memref_squeeze %dma_start3A_265 : memref<1x80xi32, #tpu.memory_space<vmem>> -> memref<80xi32, #tpu.memory_space<vmem>>
      %dma_start3A_267 = arith.constant 0 : i32
      %dma_start3A_268 = arith.constant 0 : i32
      %dma_start3A_269 = tpu.memref_slice %arg2[%dma_start3A_267, %dma_start3A_268] : memref<10000x128xf32, #tpu.memory_space<hbm>> -> memref<10000x128xf32, #tpu.memory_space<hbm>>
      %dma_start3A_270 = tpu.memref_slice %arg12[%dma_start3A_259] : memref<3x!tpu.dma_semaphore, #tpu.memory_space<semaphore_mem>> -> memref<1x!tpu.dma_semaphore, #tpu.memory_space<semaphore_mem>>
      %dma_start3A_271 = tpu.memref_squeeze %dma_start3A_270 : memref<1x!tpu.dma_semaphore, #tpu.memory_space<semaphore_mem>> -> memref<!tpu.dma_semaphore, #tpu.memory_space<semaphore_mem>>
      tpu.enqueue_indirect_dma source(%dma_start3A_269 : memref<10000x128xf32, #tpu.memory_space<hbm>>) target(%dma_start3A_263 : memref<80x128xf32, #tpu.memory_space<vmem>>) offsets(%dma_start3A_266 : memref<80xi32, #tpu.memory_space<vmem>>) semaphore(%dma_start3A_271 : memref<!tpu.dma_semaphore, #tpu.memory_space<semaphore_mem>>)
      %dma_wait3A_272 = arith.constant 121 : i32
      %dma_wait3A_273 = arith.constant 1 : i32
      %dma_wait3A_274 = arith.constant 1 : i32
      %dma_wait3A_275 = arith.constant 0 : i32
      %dma_wait3A_276 = arith.constant 0 : i32
      %dma_wait3A_277 = tpu.memref_slice %arg10[%dma_wait3A_273, %dma_wait3A_275, %dma_wait3A_276] : memref<3x80x128xf32, #tpu.memory_space<vmem>> -> memref<1x80x128xf32, #tpu.memory_space<vmem>>
      %dma_wait3A_278 = tpu.memref_squeeze %dma_wait3A_277 : memref<1x80x128xf32, #tpu.memory_space<vmem>> -> memref<80x128xf32, #tpu.memory_space<vmem>>
      %dma_wait3A_279 = arith.constant 0 : i32
      %dma_wait3A_280 = tpu.memref_slice %arg8[%dma_wait3A_272, %dma_wait3A_279] : memref<125x80xi32, #tpu.memory_space<vmem>> -> memref<1x80xi32, #tpu.memory_space<vmem>>
      %dma_wait3A_281 = tpu.memref_squeeze %dma_wait3A_280 : memref<1x80xi32, #tpu.memory_space<vmem>> -> memref<80xi32, #tpu.memory_space<vmem>>
      %dma_wait3A_282 = arith.constant 0 : i32
      %dma_wait3A_283 = arith.constant 0 : i32
      %dma_wait3A_284 = tpu.memref_slice %arg2[%dma_wait3A_282, %dma_wait3A_283] : memref<10000x128xf32, #tpu.memory_space<hbm>> -> memref<10000x128xf32, #tpu.memory_space<hbm>>
      %dma_wait3A_285 = tpu.memref_slice %arg12[%dma_wait3A_274] : memref<3x!tpu.dma_semaphore, #tpu.memory_space<semaphore_mem>> -> memref<1x!tpu.dma_semaphore, #tpu.memory_space<semaphore_mem>>
      %dma_wait3A_286 = tpu.memref_squeeze %dma_wait3A_285 : memref<1x!tpu.dma_semaphore, #tpu.memory_space<semaphore_mem>> -> memref<!tpu.dma_semaphore, #tpu.memory_space<semaphore_mem>>
      tpu.wait_indirect_dma semaphore(%dma_wait3A_286 : memref<!tpu.dma_semaphore, #tpu.memory_space<semaphore_mem>>) src(%dma_wait3A_284 : memref<10000x128xf32, #tpu.memory_space<hbm>>) dst(%dma_wait3A_278 : memref<80x128xf32, #tpu.memory_space<vmem>>)
      %dma_start3A_287 = arith.constant 1 : i32
      %dma_start3A_288 = arith.constant 121 : i32
      %dma_start3A_289 = arith.constant 1 : i32
      %dma_start3A_290 = arith.constant 0 : i32
      %dma_start3A_291 = arith.constant 0 : i32
      %dma_start3A_292 = tpu.memref_slice %arg10[%dma_start3A_287, %dma_start3A_290, %dma_start3A_291] : memref<3x80x128xf32, #tpu.memory_space<vmem>> -> memref<1x80x128xf32, #tpu.memory_space<vmem>>
      %dma_start3A_293 = tpu.memref_squeeze %dma_start3A_292 : memref<1x80x128xf32, #tpu.memory_space<vmem>> -> memref<80x128xf32, #tpu.memory_space<vmem>>
      %dma_start3A_294 = arith.constant 0 : i32
      %dma_start3A_295 = tpu.memref_slice %arg9[%dma_start3A_288, %dma_start3A_294] : memref<125x80xi32, #tpu.memory_space<vmem>> -> memref<1x80xi32, #tpu.memory_space<vmem>>
      %dma_start3A_296 = tpu.memref_squeeze %dma_start3A_295 : memref<1x80xi32, #tpu.memory_space<vmem>> -> memref<80xi32, #tpu.memory_space<vmem>>
      %dma_start3A_297 = arith.constant 0 : i32
      %dma_start3A_298 = arith.constant 0 : i32
      %dma_start3A_299 = tpu.memref_slice %arg11[%dma_start3A_297, %dma_start3A_298] : memref<10000x128xf32, #tpu.memory_space<vmem_shared>> -> memref<10000x128xf32, #tpu.memory_space<vmem_shared>>
      %dma_start3A_300 = tpu.memref_slice %arg12[%dma_start3A_289] : memref<3x!tpu.dma_semaphore, #tpu.memory_space<semaphore_mem>> -> memref<1x!tpu.dma_semaphore, #tpu.memory_space<semaphore_mem>>
      %dma_start3A_301 = tpu.memref_squeeze %dma_start3A_300 : memref<1x!tpu.dma_semaphore, #tpu.memory_space<semaphore_mem>> -> memref<!tpu.dma_semaphore, #tpu.memory_space<semaphore_mem>>
      tpu.enqueue_indirect_dma source(%dma_start3A_293 : memref<80x128xf32, #tpu.memory_space<vmem>>) target(%dma_start3A_299 : memref<10000x128xf32, #tpu.memory_space<vmem_shared>>) offsets(%dma_start3A_296 : memref<80xi32, #tpu.memory_space<vmem>>) semaphore(%dma_start3A_301 : memref<!tpu.dma_semaphore, #tpu.memory_space<semaphore_mem>>) {add = true}
      %dma_wait3A_302 = arith.constant 0 : i32
      %dma_wait3A_303 = arith.constant 120 : i32
      %dma_wait3A_304 = arith.constant 0 : i32
      %dma_wait3A_305 = arith.constant 0 : i32
      %dma_wait3A_306 = arith.constant 0 : i32
      %dma_wait3A_307 = tpu.memref_slice %arg10[%dma_wait3A_302, %dma_wait3A_305, %dma_wait3A_306] : memref<3x80x128xf32, #tpu.memory_space<vmem>> -> memref<1x80x128xf32, #tpu.memory_space<vmem>>
      %dma_wait3A_308 = tpu.memref_squeeze %dma_wait3A_307 : memref<1x80x128xf32, #tpu.memory_space<vmem>> -> memref<80x128xf32, #tpu.memory_space<vmem>>
      %dma_wait3A_309 = arith.constant 0 : i32
      %dma_wait3A_310 = tpu.memref_slice %arg9[%dma_wait3A_303, %dma_wait3A_309] : memref<125x80xi32, #tpu.memory_space<vmem>> -> memref<1x80xi32, #tpu.memory_space<vmem>>
      %dma_wait3A_311 = tpu.memref_squeeze %dma_wait3A_310 : memref<1x80xi32, #tpu.memory_space<vmem>> -> memref<80xi32, #tpu.memory_space<vmem>>
      %dma_wait3A_312 = arith.constant 0 : i32
      %dma_wait3A_313 = arith.constant 0 : i32
      %dma_wait3A_314 = tpu.memref_slice %arg11[%dma_wait3A_312, %dma_wait3A_313] : memref<10000x128xf32, #tpu.memory_space<vmem_shared>> -> memref<10000x128xf32, #tpu.memory_space<vmem_shared>>
      %dma_wait3A_315 = tpu.memref_slice %arg12[%dma_wait3A_304] : memref<3x!tpu.dma_semaphore, #tpu.memory_space<semaphore_mem>> -> memref<1x!tpu.dma_semaphore, #tpu.memory_space<semaphore_mem>>
      %dma_wait3A_316 = tpu.memref_squeeze %dma_wait3A_315 : memref<1x!tpu.dma_semaphore, #tpu.memory_space<semaphore_mem>> -> memref<!tpu.dma_semaphore, #tpu.memory_space<semaphore_mem>>
      tpu.wait_indirect_dma semaphore(%dma_wait3A_316 : memref<!tpu.dma_semaphore, #tpu.memory_space<semaphore_mem>>) src(%dma_wait3A_308 : memref<80x128xf32, #tpu.memory_space<vmem>>) dst(%dma_wait3A_314 : memref<10000x128xf32, #tpu.memory_space<vmem_shared>>)
      %dma_start3A_317 = arith.constant 123 : i32
      %dma_start3A_318 = arith.constant 0 : i32
      %dma_start3A_319 = arith.constant 0 : i32
      %dma_start3A_320 = arith.constant 0 : i32
      %dma_start3A_321 = arith.constant 0 : i32
      %dma_start3A_322 = tpu.memref_slice %arg10[%dma_start3A_318, %dma_start3A_320, %dma_start3A_321] : memref<3x80x128xf32, #tpu.memory_space<vmem>> -> memref<1x80x128xf32, #tpu.memory_space<vmem>>
      %dma_start3A_323 = tpu.memref_squeeze %dma_start3A_322 : memref<1x80x128xf32, #tpu.memory_space<vmem>> -> memref<80x128xf32, #tpu.memory_space<vmem>>
      %dma_start3A_324 = arith.constant 0 : i32
      %dma_start3A_325 = tpu.memref_slice %arg8[%dma_start3A_317, %dma_start3A_324] : memref<125x80xi32, #tpu.memory_space<vmem>> -> memref<1x80xi32, #tpu.memory_space<vmem>>
      %dma_start3A_326 = tpu.memref_squeeze %dma_start3A_325 : memref<1x80xi32, #tpu.memory_space<vmem>> -> memref<80xi32, #tpu.memory_space<vmem>>
      %dma_start3A_327 = arith.constant 0 : i32
      %dma_start3A_328 = arith.constant 0 : i32
      %dma_start3A_329 = tpu.memref_slice %arg2[%dma_start3A_327, %dma_start3A_328] : memref<10000x128xf32, #tpu.memory_space<hbm>> -> memref<10000x128xf32, #tpu.memory_space<hbm>>
      %dma_start3A_330 = tpu.memref_slice %arg12[%dma_start3A_319] : memref<3x!tpu.dma_semaphore, #tpu.memory_space<semaphore_mem>> -> memref<1x!tpu.dma_semaphore, #tpu.memory_space<semaphore_mem>>
      %dma_start3A_331 = tpu.memref_squeeze %dma_start3A_330 : memref<1x!tpu.dma_semaphore, #tpu.memory_space<semaphore_mem>> -> memref<!tpu.dma_semaphore, #tpu.memory_space<semaphore_mem>>
      tpu.enqueue_indirect_dma source(%dma_start3A_329 : memref<10000x128xf32, #tpu.memory_space<hbm>>) target(%dma_start3A_323 : memref<80x128xf32, #tpu.memory_space<vmem>>) offsets(%dma_start3A_326 : memref<80xi32, #tpu.memory_space<vmem>>) semaphore(%dma_start3A_331 : memref<!tpu.dma_semaphore, #tpu.memory_space<semaphore_mem>>)
      %dma_wait3A_332 = arith.constant 122 : i32
      %dma_wait3A_333 = arith.constant 2 : i32
      %dma_wait3A_334 = arith.constant 2 : i32
      %dma_wait3A_335 = arith.constant 0 : i32
      %dma_wait3A_336 = arith.constant 0 : i32
      %dma_wait3A_337 = tpu.memref_slice %arg10[%dma_wait3A_333, %dma_wait3A_335, %dma_wait3A_336] : memref<3x80x128xf32, #tpu.memory_space<vmem>> -> memref<1x80x128xf32, #tpu.memory_space<vmem>>
      %dma_wait3A_338 = tpu.memref_squeeze %dma_wait3A_337 : memref<1x80x128xf32, #tpu.memory_space<vmem>> -> memref<80x128xf32, #tpu.memory_space<vmem>>
      %dma_wait3A_339 = arith.constant 0 : i32
      %dma_wait3A_340 = tpu.memref_slice %arg8[%dma_wait3A_332, %dma_wait3A_339] : memref<125x80xi32, #tpu.memory_space<vmem>> -> memref<1x80xi32, #tpu.memory_space<vmem>>
      %dma_wait3A_341 = tpu.memref_squeeze %dma_wait3A_340 : memref<1x80xi32, #tpu.memory_space<vmem>> -> memref<80xi32, #tpu.memory_space<vmem>>
      %dma_wait3A_342 = arith.constant 0 : i32
      %dma_wait3A_343 = arith.constant 0 : i32
      %dma_wait3A_344 = tpu.memref_slice %arg2[%dma_wait3A_342, %dma_wait3A_343] : memref<10000x128xf32, #tpu.memory_space<hbm>> -> memref<10000x128xf32, #tpu.memory_space<hbm>>
      %dma_wait3A_345 = tpu.memref_slice %arg12[%dma_wait3A_334] : memref<3x!tpu.dma_semaphore, #tpu.memory_space<semaphore_mem>> -> memref<1x!tpu.dma_semaphore, #tpu.memory_space<semaphore_mem>>
      %dma_wait3A_346 = tpu.memref_squeeze %dma_wait3A_345 : memref<1x!tpu.dma_semaphore, #tpu.memory_space<semaphore_mem>> -> memref<!tpu.dma_semaphore, #tpu.memory_space<semaphore_mem>>
      tpu.wait_indirect_dma semaphore(%dma_wait3A_346 : memref<!tpu.dma_semaphore, #tpu.memory_space<semaphore_mem>>) src(%dma_wait3A_344 : memref<10000x128xf32, #tpu.memory_space<hbm>>) dst(%dma_wait3A_338 : memref<80x128xf32, #tpu.memory_space<vmem>>)
      %dma_start3A_347 = arith.constant 2 : i32
      %dma_start3A_348 = arith.constant 122 : i32
      %dma_start3A_349 = arith.constant 2 : i32
      %dma_start3A_350 = arith.constant 0 : i32
      %dma_start3A_351 = arith.constant 0 : i32
      %dma_start3A_352 = tpu.memref_slice %arg10[%dma_start3A_347, %dma_start3A_350, %dma_start3A_351] : memref<3x80x128xf32, #tpu.memory_space<vmem>> -> memref<1x80x128xf32, #tpu.memory_space<vmem>>
      %dma_start3A_353 = tpu.memref_squeeze %dma_start3A_352 : memref<1x80x128xf32, #tpu.memory_space<vmem>> -> memref<80x128xf32, #tpu.memory_space<vmem>>
      %dma_start3A_354 = arith.constant 0 : i32
      %dma_start3A_355 = tpu.memref_slice %arg9[%dma_start3A_348, %dma_start3A_354] : memref<125x80xi32, #tpu.memory_space<vmem>> -> memref<1x80xi32, #tpu.memory_space<vmem>>
      %dma_start3A_356 = tpu.memref_squeeze %dma_start3A_355 : memref<1x80xi32, #tpu.memory_space<vmem>> -> memref<80xi32, #tpu.memory_space<vmem>>
      %dma_start3A_357 = arith.constant 0 : i32
      %dma_start3A_358 = arith.constant 0 : i32
      %dma_start3A_359 = tpu.memref_slice %arg11[%dma_start3A_357, %dma_start3A_358] : memref<10000x128xf32, #tpu.memory_space<vmem_shared>> -> memref<10000x128xf32, #tpu.memory_space<vmem_shared>>
      %dma_start3A_360 = tpu.memref_slice %arg12[%dma_start3A_349] : memref<3x!tpu.dma_semaphore, #tpu.memory_space<semaphore_mem>> -> memref<1x!tpu.dma_semaphore, #tpu.memory_space<semaphore_mem>>
      %dma_start3A_361 = tpu.memref_squeeze %dma_start3A_360 : memref<1x!tpu.dma_semaphore, #tpu.memory_space<semaphore_mem>> -> memref<!tpu.dma_semaphore, #tpu.memory_space<semaphore_mem>>
      tpu.enqueue_indirect_dma source(%dma_start3A_353 : memref<80x128xf32, #tpu.memory_space<vmem>>) target(%dma_start3A_359 : memref<10000x128xf32, #tpu.memory_space<vmem_shared>>) offsets(%dma_start3A_356 : memref<80xi32, #tpu.memory_space<vmem>>) semaphore(%dma_start3A_361 : memref<!tpu.dma_semaphore, #tpu.memory_space<semaphore_mem>>) {add = true}
      %dma_wait3A_362 = arith.constant 1 : i32
      %dma_wait3A_363 = arith.constant 121 : i32
      %dma_wait3A_364 = arith.constant 1 : i32
      %dma_wait3A_365 = arith.constant 0 : i32
      %dma_wait3A_366 = arith.constant 0 : i32
      %dma_wait3A_367 = tpu.memref_slice %arg10[%dma_wait3A_362, %dma_wait3A_365, %dma_wait3A_366] : memref<3x80x128xf32, #tpu.memory_space<vmem>> -> memref<1x80x128xf32, #tpu.memory_space<vmem>>
      %dma_wait3A_368 = tpu.memref_squeeze %dma_wait3A_367 : memref<1x80x128xf32, #tpu.memory_space<vmem>> -> memref<80x128xf32, #tpu.memory_space<vmem>>
      %dma_wait3A_369 = arith.constant 0 : i32
      %dma_wait3A_370 = tpu.memref_slice %arg9[%dma_wait3A_363, %dma_wait3A_369] : memref<125x80xi32, #tpu.memory_space<vmem>> -> memref<1x80xi32, #tpu.memory_space<vmem>>
      %dma_wait3A_371 = tpu.memref_squeeze %dma_wait3A_370 : memref<1x80xi32, #tpu.memory_space<vmem>> -> memref<80xi32, #tpu.memory_space<vmem>>
      %dma_wait3A_372 = arith.constant 0 : i32
      %dma_wait3A_373 = arith.constant 0 : i32
      %dma_wait3A_374 = tpu.memref_slice %arg11[%dma_wait3A_372, %dma_wait3A_373] : memref<10000x128xf32, #tpu.memory_space<vmem_shared>> -> memref<10000x128xf32, #tpu.memory_space<vmem_shared>>
      %dma_wait3A_375 = tpu.memref_slice %arg12[%dma_wait3A_364] : memref<3x!tpu.dma_semaphore, #tpu.memory_space<semaphore_mem>> -> memref<1x!tpu.dma_semaphore, #tpu.memory_space<semaphore_mem>>
      %dma_wait3A_376 = tpu.memref_squeeze %dma_wait3A_375 : memref<1x!tpu.dma_semaphore, #tpu.memory_space<semaphore_mem>> -> memref<!tpu.dma_semaphore, #tpu.memory_space<semaphore_mem>>
      tpu.wait_indirect_dma semaphore(%dma_wait3A_376 : memref<!tpu.dma_semaphore, #tpu.memory_space<semaphore_mem>>) src(%dma_wait3A_368 : memref<80x128xf32, #tpu.memory_space<vmem>>) dst(%dma_wait3A_374 : memref<10000x128xf32, #tpu.memory_space<vmem_shared>>)
      %dma_start3A_377 = arith.constant 124 : i32
      %dma_start3A_378 = arith.constant 1 : i32
      %dma_start3A_379 = arith.constant 1 : i32
      %dma_start3A_380 = arith.constant 0 : i32
      %dma_start3A_381 = arith.constant 0 : i32
      %dma_start3A_382 = tpu.memref_slice %arg10[%dma_start3A_378, %dma_start3A_380, %dma_start3A_381] : memref<3x80x128xf32, #tpu.memory_space<vmem>> -> memref<1x80x128xf32, #tpu.memory_space<vmem>>
      %dma_start3A_383 = tpu.memref_squeeze %dma_start3A_382 : memref<1x80x128xf32, #tpu.memory_space<vmem>> -> memref<80x128xf32, #tpu.memory_space<vmem>>
      %dma_start3A_384 = arith.constant 0 : i32
      %dma_start3A_385 = tpu.memref_slice %arg8[%dma_start3A_377, %dma_start3A_384] : memref<125x80xi32, #tpu.memory_space<vmem>> -> memref<1x80xi32, #tpu.memory_space<vmem>>
      %dma_start3A_386 = tpu.memref_squeeze %dma_start3A_385 : memref<1x80xi32, #tpu.memory_space<vmem>> -> memref<80xi32, #tpu.memory_space<vmem>>
      %dma_start3A_387 = arith.constant 0 : i32
      %dma_start3A_388 = arith.constant 0 : i32
      %dma_start3A_389 = tpu.memref_slice %arg2[%dma_start3A_387, %dma_start3A_388] : memref<10000x128xf32, #tpu.memory_space<hbm>> -> memref<10000x128xf32, #tpu.memory_space<hbm>>
      %dma_start3A_390 = tpu.memref_slice %arg12[%dma_start3A_379] : memref<3x!tpu.dma_semaphore, #tpu.memory_space<semaphore_mem>> -> memref<1x!tpu.dma_semaphore, #tpu.memory_space<semaphore_mem>>
      %dma_start3A_391 = tpu.memref_squeeze %dma_start3A_390 : memref<1x!tpu.dma_semaphore, #tpu.memory_space<semaphore_mem>> -> memref<!tpu.dma_semaphore, #tpu.memory_space<semaphore_mem>>
      tpu.enqueue_indirect_dma source(%dma_start3A_389 : memref<10000x128xf32, #tpu.memory_space<hbm>>) target(%dma_start3A_383 : memref<80x128xf32, #tpu.memory_space<vmem>>) offsets(%dma_start3A_386 : memref<80xi32, #tpu.memory_space<vmem>>) semaphore(%dma_start3A_391 : memref<!tpu.dma_semaphore, #tpu.memory_space<semaphore_mem>>)
      %dma_wait3A_392 = arith.constant 123 : i32
      %dma_wait3A_393 = arith.constant 0 : i32
      %dma_wait3A_394 = arith.constant 0 : i32
      %dma_wait3A_395 = arith.constant 0 : i32
      %dma_wait3A_396 = arith.constant 0 : i32
      %dma_wait3A_397 = tpu.memref_slice %arg10[%dma_wait3A_393, %dma_wait3A_395, %dma_wait3A_396] : memref<3x80x128xf32, #tpu.memory_space<vmem>> -> memref<1x80x128xf32, #tpu.memory_space<vmem>>
      %dma_wait3A_398 = tpu.memref_squeeze %dma_wait3A_397 : memref<1x80x128xf32, #tpu.memory_space<vmem>> -> memref<80x128xf32, #tpu.memory_space<vmem>>
      %dma_wait3A_399 = arith.constant 0 : i32
      %dma_wait3A_400 = tpu.memref_slice %arg8[%dma_wait3A_392, %dma_wait3A_399] : memref<125x80xi32, #tpu.memory_space<vmem>> -> memref<1x80xi32, #tpu.memory_space<vmem>>
      %dma_wait3A_401 = tpu.memref_squeeze %dma_wait3A_400 : memref<1x80xi32, #tpu.memory_space<vmem>> -> memref<80xi32, #tpu.memory_space<vmem>>
      %dma_wait3A_402 = arith.constant 0 : i32
      %dma_wait3A_403 = arith.constant 0 : i32
      %dma_wait3A_404 = tpu.memref_slice %arg2[%dma_wait3A_402, %dma_wait3A_403] : memref<10000x128xf32, #tpu.memory_space<hbm>> -> memref<10000x128xf32, #tpu.memory_space<hbm>>
      %dma_wait3A_405 = tpu.memref_slice %arg12[%dma_wait3A_394] : memref<3x!tpu.dma_semaphore, #tpu.memory_space<semaphore_mem>> -> memref<1x!tpu.dma_semaphore, #tpu.memory_space<semaphore_mem>>
      %dma_wait3A_406 = tpu.memref_squeeze %dma_wait3A_405 : memref<1x!tpu.dma_semaphore, #tpu.memory_space<semaphore_mem>> -> memref<!tpu.dma_semaphore, #tpu.memory_space<semaphore_mem>>
      tpu.wait_indirect_dma semaphore(%dma_wait3A_406 : memref<!tpu.dma_semaphore, #tpu.memory_space<semaphore_mem>>) src(%dma_wait3A_404 : memref<10000x128xf32, #tpu.memory_space<hbm>>) dst(%dma_wait3A_398 : memref<80x128xf32, #tpu.memory_space<vmem>>)
      %dma_start3A_407 = arith.constant 0 : i32
      %dma_start3A_408 = arith.constant 123 : i32
      %dma_start3A_409 = arith.constant 0 : i32
      %dma_start3A_410 = arith.constant 0 : i32
      %dma_start3A_411 = arith.constant 0 : i32
      %dma_start3A_412 = tpu.memref_slice %arg10[%dma_start3A_407, %dma_start3A_410, %dma_start3A_411] : memref<3x80x128xf32, #tpu.memory_space<vmem>> -> memref<1x80x128xf32, #tpu.memory_space<vmem>>
      %dma_start3A_413 = tpu.memref_squeeze %dma_start3A_412 : memref<1x80x128xf32, #tpu.memory_space<vmem>> -> memref<80x128xf32, #tpu.memory_space<vmem>>
      %dma_start3A_414 = arith.constant 0 : i32
      %dma_start3A_415 = tpu.memref_slice %arg9[%dma_start3A_408, %dma_start3A_414] : memref<125x80xi32, #tpu.memory_space<vmem>> -> memref<1x80xi32, #tpu.memory_space<vmem>>
      %dma_start3A_416 = tpu.memref_squeeze %dma_start3A_415 : memref<1x80xi32, #tpu.memory_space<vmem>> -> memref<80xi32, #tpu.memory_space<vmem>>
      %dma_start3A_417 = arith.constant 0 : i32
      %dma_start3A_418 = arith.constant 0 : i32
      %dma_start3A_419 = tpu.memref_slice %arg11[%dma_start3A_417, %dma_start3A_418] : memref<10000x128xf32, #tpu.memory_space<vmem_shared>> -> memref<10000x128xf32, #tpu.memory_space<vmem_shared>>
      %dma_start3A_420 = tpu.memref_slice %arg12[%dma_start3A_409] : memref<3x!tpu.dma_semaphore, #tpu.memory_space<semaphore_mem>> -> memref<1x!tpu.dma_semaphore, #tpu.memory_space<semaphore_mem>>
      %dma_start3A_421 = tpu.memref_squeeze %dma_start3A_420 : memref<1x!tpu.dma_semaphore, #tpu.memory_space<semaphore_mem>> -> memref<!tpu.dma_semaphore, #tpu.memory_space<semaphore_mem>>
      tpu.enqueue_indirect_dma source(%dma_start3A_413 : memref<80x128xf32, #tpu.memory_space<vmem>>) target(%dma_start3A_419 : memref<10000x128xf32, #tpu.memory_space<vmem_shared>>) offsets(%dma_start3A_416 : memref<80xi32, #tpu.memory_space<vmem>>) semaphore(%dma_start3A_421 : memref<!tpu.dma_semaphore, #tpu.memory_space<semaphore_mem>>) {add = true}
      %dma_wait3A_422 = arith.constant 124 : i32
      %dma_wait3A_423 = arith.constant 1 : i32
      %dma_wait3A_424 = arith.constant 1 : i32
      %dma_wait3A_425 = arith.constant 0 : i32
      %dma_wait3A_426 = arith.constant 0 : i32
      %dma_wait3A_427 = tpu.memref_slice %arg10[%dma_wait3A_423, %dma_wait3A_425, %dma_wait3A_426] : memref<3x80x128xf32, #tpu.memory_space<vmem>> -> memref<1x80x128xf32, #tpu.memory_space<vmem>>
      %dma_wait3A_428 = tpu.memref_squeeze %dma_wait3A_427 : memref<1x80x128xf32, #tpu.memory_space<vmem>> -> memref<80x128xf32, #tpu.memory_space<vmem>>
      %dma_wait3A_429 = arith.constant 0 : i32
      %dma_wait3A_430 = tpu.memref_slice %arg8[%dma_wait3A_422, %dma_wait3A_429] : memref<125x80xi32, #tpu.memory_space<vmem>> -> memref<1x80xi32, #tpu.memory_space<vmem>>
      %dma_wait3A_431 = tpu.memref_squeeze %dma_wait3A_430 : memref<1x80xi32, #tpu.memory_space<vmem>> -> memref<80xi32, #tpu.memory_space<vmem>>
      %dma_wait3A_432 = arith.constant 0 : i32
      %dma_wait3A_433 = arith.constant 0 : i32
      %dma_wait3A_434 = tpu.memref_slice %arg2[%dma_wait3A_432, %dma_wait3A_433] : memref<10000x128xf32, #tpu.memory_space<hbm>> -> memref<10000x128xf32, #tpu.memory_space<hbm>>
      %dma_wait3A_435 = tpu.memref_slice %arg12[%dma_wait3A_424] : memref<3x!tpu.dma_semaphore, #tpu.memory_space<semaphore_mem>> -> memref<1x!tpu.dma_semaphore, #tpu.memory_space<semaphore_mem>>
      %dma_wait3A_436 = tpu.memref_squeeze %dma_wait3A_435 : memref<1x!tpu.dma_semaphore, #tpu.memory_space<semaphore_mem>> -> memref<!tpu.dma_semaphore, #tpu.memory_space<semaphore_mem>>
      tpu.wait_indirect_dma semaphore(%dma_wait3A_436 : memref<!tpu.dma_semaphore, #tpu.memory_space<semaphore_mem>>) src(%dma_wait3A_434 : memref<10000x128xf32, #tpu.memory_space<hbm>>) dst(%dma_wait3A_428 : memref<80x128xf32, #tpu.memory_space<vmem>>)
      %dma_start3A_437 = arith.constant 1 : i32
      %dma_start3A_438 = arith.constant 124 : i32
      %dma_start3A_439 = arith.constant 1 : i32
      %dma_start3A_440 = arith.constant 0 : i32
      %dma_start3A_441 = arith.constant 0 : i32
      %dma_start3A_442 = tpu.memref_slice %arg10[%dma_start3A_437, %dma_start3A_440, %dma_start3A_441] : memref<3x80x128xf32, #tpu.memory_space<vmem>> -> memref<1x80x128xf32, #tpu.memory_space<vmem>>
      %dma_start3A_443 = tpu.memref_squeeze %dma_start3A_442 : memref<1x80x128xf32, #tpu.memory_space<vmem>> -> memref<80x128xf32, #tpu.memory_space<vmem>>
      %dma_start3A_444 = arith.constant 0 : i32
      %dma_start3A_445 = tpu.memref_slice %arg9[%dma_start3A_438, %dma_start3A_444] : memref<125x80xi32, #tpu.memory_space<vmem>> -> memref<1x80xi32, #tpu.memory_space<vmem>>
      %dma_start3A_446 = tpu.memref_squeeze %dma_start3A_445 : memref<1x80xi32, #tpu.memory_space<vmem>> -> memref<80xi32, #tpu.memory_space<vmem>>
      %dma_start3A_447 = arith.constant 0 : i32
      %dma_start3A_448 = arith.constant 0 : i32
      %dma_start3A_449 = tpu.memref_slice %arg11[%dma_start3A_447, %dma_start3A_448] : memref<10000x128xf32, #tpu.memory_space<vmem_shared>> -> memref<10000x128xf32, #tpu.memory_space<vmem_shared>>
      %dma_start3A_450 = tpu.memref_slice %arg12[%dma_start3A_439] : memref<3x!tpu.dma_semaphore, #tpu.memory_space<semaphore_mem>> -> memref<1x!tpu.dma_semaphore, #tpu.memory_space<semaphore_mem>>
      %dma_start3A_451 = tpu.memref_squeeze %dma_start3A_450 : memref<1x!tpu.dma_semaphore, #tpu.memory_space<semaphore_mem>> -> memref<!tpu.dma_semaphore, #tpu.memory_space<semaphore_mem>>
      tpu.enqueue_indirect_dma source(%dma_start3A_443 : memref<80x128xf32, #tpu.memory_space<vmem>>) target(%dma_start3A_449 : memref<10000x128xf32, #tpu.memory_space<vmem_shared>>) offsets(%dma_start3A_446 : memref<80xi32, #tpu.memory_space<vmem>>) semaphore(%dma_start3A_451 : memref<!tpu.dma_semaphore, #tpu.memory_space<semaphore_mem>>) {add = true}
      %dma_wait3A_452 = arith.constant 0 : i32
      %dma_wait3A_453 = arith.constant 123 : i32
      %dma_wait3A_454 = arith.constant 0 : i32
      %dma_wait3A_455 = arith.constant 0 : i32
      %dma_wait3A_456 = arith.constant 0 : i32
      %dma_wait3A_457 = tpu.memref_slice %arg10[%dma_wait3A_452, %dma_wait3A_455, %dma_wait3A_456] : memref<3x80x128xf32, #tpu.memory_space<vmem>> -> memref<1x80x128xf32, #tpu.memory_space<vmem>>
      %dma_wait3A_458 = tpu.memref_squeeze %dma_wait3A_457 : memref<1x80x128xf32, #tpu.memory_space<vmem>> -> memref<80x128xf32, #tpu.memory_space<vmem>>
      %dma_wait3A_459 = arith.constant 0 : i32
      %dma_wait3A_460 = tpu.memref_slice %arg9[%dma_wait3A_453, %dma_wait3A_459] : memref<125x80xi32, #tpu.memory_space<vmem>> -> memref<1x80xi32, #tpu.memory_space<vmem>>
      %dma_wait3A_461 = tpu.memref_squeeze %dma_wait3A_460 : memref<1x80xi32, #tpu.memory_space<vmem>> -> memref<80xi32, #tpu.memory_space<vmem>>
      %dma_wait3A_462 = arith.constant 0 : i32
      %dma_wait3A_463 = arith.constant 0 : i32
      %dma_wait3A_464 = tpu.memref_slice %arg11[%dma_wait3A_462, %dma_wait3A_463] : memref<10000x128xf32, #tpu.memory_space<vmem_shared>> -> memref<10000x128xf32, #tpu.memory_space<vmem_shared>>
      %dma_wait3A_465 = tpu.memref_slice %arg12[%dma_wait3A_454] : memref<3x!tpu.dma_semaphore, #tpu.memory_space<semaphore_mem>> -> memref<1x!tpu.dma_semaphore, #tpu.memory_space<semaphore_mem>>
      %dma_wait3A_466 = tpu.memref_squeeze %dma_wait3A_465 : memref<1x!tpu.dma_semaphore, #tpu.memory_space<semaphore_mem>> -> memref<!tpu.dma_semaphore, #tpu.memory_space<semaphore_mem>>
      tpu.wait_indirect_dma semaphore(%dma_wait3A_466 : memref<!tpu.dma_semaphore, #tpu.memory_space<semaphore_mem>>) src(%dma_wait3A_458 : memref<80x128xf32, #tpu.memory_space<vmem>>) dst(%dma_wait3A_464 : memref<10000x128xf32, #tpu.memory_space<vmem_shared>>)
      %dma_wait3A_467 = arith.constant 1 : i32
      %dma_wait3A_468 = arith.constant 124 : i32
      %dma_wait3A_469 = arith.constant 1 : i32
      %dma_wait3A_470 = arith.constant 0 : i32
      %dma_wait3A_471 = arith.constant 0 : i32
      %dma_wait3A_472 = tpu.memref_slice %arg10[%dma_wait3A_467, %dma_wait3A_470, %dma_wait3A_471] : memref<3x80x128xf32, #tpu.memory_space<vmem>> -> memref<1x80x128xf32, #tpu.memory_space<vmem>>
      %dma_wait3A_473 = tpu.memref_squeeze %dma_wait3A_472 : memref<1x80x128xf32, #tpu.memory_space<vmem>> -> memref<80x128xf32, #tpu.memory_space<vmem>>
      %dma_wait3A_474 = arith.constant 0 : i32
      %dma_wait3A_475 = tpu.memref_slice %arg9[%dma_wait3A_468, %dma_wait3A_474] : memref<125x80xi32, #tpu.memory_space<vmem>> -> memref<1x80xi32, #tpu.memory_space<vmem>>
      %dma_wait3A_476 = tpu.memref_squeeze %dma_wait3A_475 : memref<1x80xi32, #tpu.memory_space<vmem>> -> memref<80xi32, #tpu.memory_space<vmem>>
      %dma_wait3A_477 = arith.constant 0 : i32
      %dma_wait3A_478 = arith.constant 0 : i32
      %dma_wait3A_479 = tpu.memref_slice %arg11[%dma_wait3A_477, %dma_wait3A_478] : memref<10000x128xf32, #tpu.memory_space<vmem_shared>> -> memref<10000x128xf32, #tpu.memory_space<vmem_shared>>
      %dma_wait3A_480 = tpu.memref_slice %arg12[%dma_wait3A_469] : memref<3x!tpu.dma_semaphore, #tpu.memory_space<semaphore_mem>> -> memref<1x!tpu.dma_semaphore, #tpu.memory_space<semaphore_mem>>
      %dma_wait3A_481 = tpu.memref_squeeze %dma_wait3A_480 : memref<1x!tpu.dma_semaphore, #tpu.memory_space<semaphore_mem>> -> memref<!tpu.dma_semaphore, #tpu.memory_space<semaphore_mem>>
      tpu.wait_indirect_dma semaphore(%dma_wait3A_481 : memref<!tpu.dma_semaphore, #tpu.memory_space<semaphore_mem>>) src(%dma_wait3A_473 : memref<80x128xf32, #tpu.memory_space<vmem>>) dst(%dma_wait3A_479 : memref<10000x128xf32, #tpu.memory_space<vmem_shared>>)
      %dma_wait3A_482 = arith.constant 2 : i32
      %dma_wait3A_483 = arith.constant 122 : i32
      %dma_wait3A_484 = arith.constant 2 : i32
      %dma_wait3A_485 = arith.constant 0 : i32
      %dma_wait3A_486 = arith.constant 0 : i32
      %dma_wait3A_487 = tpu.memref_slice %arg10[%dma_wait3A_482, %dma_wait3A_485, %dma_wait3A_486] : memref<3x80x128xf32, #tpu.memory_space<vmem>> -> memref<1x80x128xf32, #tpu.memory_space<vmem>>
      %dma_wait3A_488 = tpu.memref_squeeze %dma_wait3A_487 : memref<1x80x128xf32, #tpu.memory_space<vmem>> -> memref<80x128xf32, #tpu.memory_space<vmem>>
      %dma_wait3A_489 = arith.constant 0 : i32
      %dma_wait3A_490 = tpu.memref_slice %arg9[%dma_wait3A_483, %dma_wait3A_489] : memref<125x80xi32, #tpu.memory_space<vmem>> -> memref<1x80xi32, #tpu.memory_space<vmem>>
      %dma_wait3A_491 = tpu.memref_squeeze %dma_wait3A_490 : memref<1x80xi32, #tpu.memory_space<vmem>> -> memref<80xi32, #tpu.memory_space<vmem>>
      %dma_wait3A_492 = arith.constant 0 : i32
      %dma_wait3A_493 = arith.constant 0 : i32
      %dma_wait3A_494 = tpu.memref_slice %arg11[%dma_wait3A_492, %dma_wait3A_493] : memref<10000x128xf32, #tpu.memory_space<vmem_shared>> -> memref<10000x128xf32, #tpu.memory_space<vmem_shared>>
      %dma_wait3A_495 = tpu.memref_slice %arg12[%dma_wait3A_484] : memref<3x!tpu.dma_semaphore, #tpu.memory_space<semaphore_mem>> -> memref<1x!tpu.dma_semaphore, #tpu.memory_space<semaphore_mem>>
      %dma_wait3A_496 = tpu.memref_squeeze %dma_wait3A_495 : memref<1x!tpu.dma_semaphore, #tpu.memory_space<semaphore_mem>> -> memref<!tpu.dma_semaphore, #tpu.memory_space<semaphore_mem>>
      tpu.wait_indirect_dma semaphore(%dma_wait3A_496 : memref<!tpu.dma_semaphore, #tpu.memory_space<semaphore_mem>>) src(%dma_wait3A_488 : memref<80x128xf32, #tpu.memory_space<vmem>>) dst(%dma_wait3A_494 : memref<10000x128xf32, #tpu.memory_space<vmem_shared>>)
      %barrier3A_497 = arith.constant 0 : index
      tpu.barrier barrier_id(%barrier3A_497)
      %mul3A_498 = arith.constant 625 : i32
      %mul3A_499 = arith.muli %arg1, %mul3A_498 : i32
      %mul3A_500 = arith.constant 625 : i32
      %mul3A_501 = arith.muli %arg1, %mul3A_500 : i32
      "tpu.region"() ({
        %run_scoped3A = tpu.sem_alloc : memref<!tpu.dma_semaphore, #tpu.memory_space<semaphore_mem>>
        %dma_start3A_502 = arith.constant 0 : i32
        %dma_start3A_503 = tpu.memref_slice %arg6[%mul3A_501, %dma_start3A_502] : memref<10000x128xf32, #tpu.memory_space<hbm>> -> memref<625x128xf32, #tpu.memory_space<hbm>>
        %dma_start3A_504 = arith.constant 0 : i32
        %dma_start3A_505 = tpu.memref_slice %arg11[%mul3A_499, %dma_start3A_504] : memref<10000x128xf32, #tpu.memory_space<vmem_shared>> -> memref<625x128xf32, #tpu.memory_space<vmem_shared>>
        tpu.enqueue_dma source(%dma_start3A_505 : memref<625x128xf32, #tpu.memory_space<vmem_shared>>) target(%dma_start3A_503 : memref<625x128xf32, #tpu.memory_space<hbm>>) target_semaphore(%run_scoped3A : memref<!tpu.dma_semaphore, #tpu.memory_space<semaphore_mem>>)
        %dma_wait3A_506 = arith.constant 0 : i32
        %dma_wait3A_507 = tpu.memref_slice %arg6[%mul3A_501, %dma_wait3A_506] : memref<10000x128xf32, #tpu.memory_space<hbm>> -> memref<625x128xf32, #tpu.memory_space<hbm>>
        %dma_wait3A_508 = arith.constant 0 : i32
        %dma_wait3A_509 = tpu.memref_slice %arg11[%mul3A_499, %dma_wait3A_508] : memref<10000x128xf32, #tpu.memory_space<vmem_shared>> -> memref<625x128xf32, #tpu.memory_space<vmem_shared>>
        tpu.wait_dma2 semaphore(%run_scoped3A : memref<!tpu.dma_semaphore, #tpu.memory_space<semaphore_mem>>) src(%dma_wait3A_509 : memref<625x128xf32, #tpu.memory_space<vmem_shared>>) dst(%dma_wait3A_507 : memref<625x128xf32, #tpu.memory_space<hbm>>)
        tpu.yield
      }) : () -> ()
    } else {
    }
    %eq3A_2 = arith.constant 1 : i32
    %eq3A_3 = arith.cmpi eq, %arg0, %eq3A_2 : i32
    %convert_element_type3A_4 = arith.extui %eq3A_3 : i1 to i32
    %cond3A_5 = arith.constant 0 : i32
    %cond3A_6 = arith.cmpi ne, %convert_element_type3A_4, %cond3A_5 : i32
    scf.if %cond3A_6 {
      %mul3A = arith.constant 125 : i32
      %mul3A_7 = arith.muli %arg1, %mul3A : i32
      "tpu.region"() ({
        %run_scoped3A = tpu.sem_alloc : memref<!tpu.dma_semaphore, #tpu.memory_space<semaphore_mem>>
        %dma_start3A_502 = arith.constant 0 : i32
        %dma_start3A_503 = tpu.memref_slice %arg4[%mul3A_7, %dma_start3A_502] : memref<2000x80xi32, #tpu.memory_space<hbm>> -> memref<125x80xi32, #tpu.memory_space<hbm>>
        %dma_start3A_504 = arith.constant 0 : i32
        %dma_start3A_505 = tpu.memref_slice %arg4[%mul3A_7, %dma_start3A_504] : memref<2000x80xi32, #tpu.memory_space<hbm>> -> memref<125x80xi32, #tpu.memory_space<hbm>>
        tpu.enqueue_dma source(%dma_start3A_505 : memref<125x80xi32, #tpu.memory_space<hbm>>) target(%arg8 : memref<125x80xi32, #tpu.memory_space<vmem>>) target_semaphore(%run_scoped3A : memref<!tpu.dma_semaphore, #tpu.memory_space<semaphore_mem>>)
        %dma_wait3A_506 = arith.constant 0 : i32
        %dma_wait3A_507 = tpu.memref_slice %arg4[%mul3A_7, %dma_wait3A_506] : memref<2000x80xi32, #tpu.memory_space<hbm>> -> memref<125x80xi32, #tpu.memory_space<hbm>>
        %dma_wait3A_508 = arith.constant 0 : i32
        %dma_wait3A_509 = tpu.memref_slice %arg4[%mul3A_7, %dma_wait3A_508] : memref<2000x80xi32, #tpu.memory_space<hbm>> -> memref<125x80xi32, #tpu.memory_space<hbm>>
        tpu.wait_dma2 semaphore(%run_scoped3A : memref<!tpu.dma_semaphore, #tpu.memory_space<semaphore_mem>>) src(%dma_wait3A_509 : memref<125x80xi32, #tpu.memory_space<hbm>>) dst(%arg8 : memref<125x80xi32, #tpu.memory_space<vmem>>)
        tpu.yield
      }) : () -> ()
      %mul3A_8 = arith.constant 125 : i32
      %mul3A_9 = arith.muli %arg1, %mul3A_8 : i32
      "tpu.region"() ({
        %run_scoped3A = tpu.sem_alloc : memref<!tpu.dma_semaphore, #tpu.memory_space<semaphore_mem>>
        %dma_start3A_502 = arith.constant 0 : i32
        %dma_start3A_503 = tpu.memref_slice %arg5[%mul3A_9, %dma_start3A_502] : memref<2000x80xi32, #tpu.memory_space<hbm>> -> memref<125x80xi32, #tpu.memory_space<hbm>>
        %dma_start3A_504 = arith.constant 0 : i32
        %dma_start3A_505 = tpu.memref_slice %arg5[%mul3A_9, %dma_start3A_504] : memref<2000x80xi32, #tpu.memory_space<hbm>> -> memref<125x80xi32, #tpu.memory_space<hbm>>
        tpu.enqueue_dma source(%dma_start3A_505 : memref<125x80xi32, #tpu.memory_space<hbm>>) target(%arg9 : memref<125x80xi32, #tpu.memory_space<vmem>>) target_semaphore(%run_scoped3A : memref<!tpu.dma_semaphore, #tpu.memory_space<semaphore_mem>>)
        %dma_wait3A_506 = arith.constant 0 : i32
        %dma_wait3A_507 = tpu.memref_slice %arg5[%mul3A_9, %dma_wait3A_506] : memref<2000x80xi32, #tpu.memory_space<hbm>> -> memref<125x80xi32, #tpu.memory_space<hbm>>
        %dma_wait3A_508 = arith.constant 0 : i32
        %dma_wait3A_509 = tpu.memref_slice %arg5[%mul3A_9, %dma_wait3A_508] : memref<2000x80xi32, #tpu.memory_space<hbm>> -> memref<125x80xi32, #tpu.memory_space<hbm>>
        tpu.wait_dma2 semaphore(%run_scoped3A : memref<!tpu.dma_semaphore, #tpu.memory_space<semaphore_mem>>) src(%dma_wait3A_509 : memref<125x80xi32, #tpu.memory_space<hbm>>) dst(%arg9 : memref<125x80xi32, #tpu.memory_space<vmem>>)
        tpu.yield
      }) : () -> ()
      %mul3A_10 = arith.constant 625 : i32
      %mul3A_11 = arith.muli %arg1, %mul3A_10 : i32
      %mul3A_12 = arith.constant 625 : i32
      %mul3A_13 = arith.muli %arg1, %mul3A_12 : i32
      "tpu.region"() ({
        %run_scoped3A = tpu.sem_alloc : memref<!tpu.dma_semaphore, #tpu.memory_space<semaphore_mem>>
        %dma_start3A_502 = arith.constant 0 : i32
        %dma_start3A_503 = tpu.memref_slice %arg11[%mul3A_13, %dma_start3A_502] : memref<10000x128xf32, #tpu.memory_space<vmem_shared>> -> memref<625x128xf32, #tpu.memory_space<vmem_shared>>
        %dma_start3A_504 = arith.constant 0 : i32
        %dma_start3A_505 = tpu.memref_slice %arg3[%mul3A_11, %dma_start3A_504] : memref<10000x128xf32, #tpu.memory_space<hbm>> -> memref<625x128xf32, #tpu.memory_space<hbm>>
        tpu.enqueue_dma source(%dma_start3A_505 : memref<625x128xf32, #tpu.memory_space<hbm>>) target(%dma_start3A_503 : memref<625x128xf32, #tpu.memory_space<vmem_shared>>) target_semaphore(%run_scoped3A : memref<!tpu.dma_semaphore, #tpu.memory_space<semaphore_mem>>)
        %dma_wait3A_506 = arith.constant 0 : i32
        %dma_wait3A_507 = tpu.memref_slice %arg11[%mul3A_13, %dma_wait3A_506] : memref<10000x128xf32, #tpu.memory_space<vmem_shared>> -> memref<625x128xf32, #tpu.memory_space<vmem_shared>>
        %dma_wait3A_508 = arith.constant 0 : i32
        %dma_wait3A_509 = tpu.memref_slice %arg3[%mul3A_11, %dma_wait3A_508] : memref<10000x128xf32, #tpu.memory_space<hbm>> -> memref<625x128xf32, #tpu.memory_space<hbm>>
        tpu.wait_dma2 semaphore(%run_scoped3A : memref<!tpu.dma_semaphore, #tpu.memory_space<semaphore_mem>>) src(%dma_wait3A_509 : memref<625x128xf32, #tpu.memory_space<hbm>>) dst(%dma_wait3A_507 : memref<625x128xf32, #tpu.memory_space<vmem_shared>>)
        tpu.yield
      }) : () -> ()
      %dma_start3A = arith.constant 0 : i32
      %dma_start3A_14 = arith.constant 0 : i32
      %dma_start3A_15 = arith.constant 0 : i32
      %dma_start3A_16 = arith.constant 0 : i32
      %dma_start3A_17 = arith.constant 0 : i32
      %dma_start3A_18 = tpu.memref_slice %arg10[%dma_start3A_14, %dma_start3A_16, %dma_start3A_17] : memref<3x80x128xf32, #tpu.memory_space<vmem>> -> memref<1x80x128xf32, #tpu.memory_space<vmem>>
      %dma_start3A_19 = tpu.memref_squeeze %dma_start3A_18 : memref<1x80x128xf32, #tpu.memory_space<vmem>> -> memref<80x128xf32, #tpu.memory_space<vmem>>
      %dma_start3A_20 = arith.constant 0 : i32
      %dma_start3A_21 = tpu.memref_slice %arg8[%dma_start3A, %dma_start3A_20] : memref<125x80xi32, #tpu.memory_space<vmem>> -> memref<1x80xi32, #tpu.memory_space<vmem>>
      %dma_start3A_22 = tpu.memref_squeeze %dma_start3A_21 : memref<1x80xi32, #tpu.memory_space<vmem>> -> memref<80xi32, #tpu.memory_space<vmem>>
      %dma_start3A_23 = arith.constant 0 : i32
      %dma_start3A_24 = arith.constant 0 : i32
      %dma_start3A_25 = tpu.memref_slice %arg3[%dma_start3A_23, %dma_start3A_24] : memref<10000x128xf32, #tpu.memory_space<hbm>> -> memref<10000x128xf32, #tpu.memory_space<hbm>>
      %dma_start3A_26 = tpu.memref_slice %arg12[%dma_start3A_15] : memref<3x!tpu.dma_semaphore, #tpu.memory_space<semaphore_mem>> -> memref<1x!tpu.dma_semaphore, #tpu.memory_space<semaphore_mem>>
      %dma_start3A_27 = tpu.memref_squeeze %dma_start3A_26 : memref<1x!tpu.dma_semaphore, #tpu.memory_space<semaphore_mem>> -> memref<!tpu.dma_semaphore, #tpu.memory_space<semaphore_mem>>
      tpu.enqueue_indirect_dma source(%dma_start3A_25 : memref<10000x128xf32, #tpu.memory_space<hbm>>) target(%dma_start3A_19 : memref<80x128xf32, #tpu.memory_space<vmem>>) offsets(%dma_start3A_22 : memref<80xi32, #tpu.memory_space<vmem>>) semaphore(%dma_start3A_27 : memref<!tpu.dma_semaphore, #tpu.memory_space<semaphore_mem>>)
      %barrier3A = arith.constant 0 : index
      tpu.barrier barrier_id(%barrier3A)
      %dma_start3A_28 = arith.constant 1 : i32
      %dma_start3A_29 = arith.constant 1 : i32
      %dma_start3A_30 = arith.constant 1 : i32
      %dma_start3A_31 = arith.constant 0 : i32
      %dma_start3A_32 = arith.constant 0 : i32
      %dma_start3A_33 = tpu.memref_slice %arg10[%dma_start3A_29, %dma_start3A_31, %dma_start3A_32] : memref<3x80x128xf32, #tpu.memory_space<vmem>> -> memref<1x80x128xf32, #tpu.memory_space<vmem>>
      %dma_start3A_34 = tpu.memref_squeeze %dma_start3A_33 : memref<1x80x128xf32, #tpu.memory_space<vmem>> -> memref<80x128xf32, #tpu.memory_space<vmem>>
      %dma_start3A_35 = arith.constant 0 : i32
      %dma_start3A_36 = tpu.memref_slice %arg8[%dma_start3A_28, %dma_start3A_35] : memref<125x80xi32, #tpu.memory_space<vmem>> -> memref<1x80xi32, #tpu.memory_space<vmem>>
      %dma_start3A_37 = tpu.memref_squeeze %dma_start3A_36 : memref<1x80xi32, #tpu.memory_space<vmem>> -> memref<80xi32, #tpu.memory_space<vmem>>
      %dma_start3A_38 = arith.constant 0 : i32
      %dma_start3A_39 = arith.constant 0 : i32
      %dma_start3A_40 = tpu.memref_slice %arg3[%dma_start3A_38, %dma_start3A_39] : memref<10000x128xf32, #tpu.memory_space<hbm>> -> memref<10000x128xf32, #tpu.memory_space<hbm>>
      %dma_start3A_41 = tpu.memref_slice %arg12[%dma_start3A_30] : memref<3x!tpu.dma_semaphore, #tpu.memory_space<semaphore_mem>> -> memref<1x!tpu.dma_semaphore, #tpu.memory_space<semaphore_mem>>
      %dma_start3A_42 = tpu.memref_squeeze %dma_start3A_41 : memref<1x!tpu.dma_semaphore, #tpu.memory_space<semaphore_mem>> -> memref<!tpu.dma_semaphore, #tpu.memory_space<semaphore_mem>>
      tpu.enqueue_indirect_dma source(%dma_start3A_40 : memref<10000x128xf32, #tpu.memory_space<hbm>>) target(%dma_start3A_34 : memref<80x128xf32, #tpu.memory_space<vmem>>) offsets(%dma_start3A_37 : memref<80xi32, #tpu.memory_space<vmem>>) semaphore(%dma_start3A_42 : memref<!tpu.dma_semaphore, #tpu.memory_space<semaphore_mem>>)
      %dma_wait3A = arith.constant 0 : i32
      %dma_wait3A_43 = arith.constant 0 : i32
      %dma_wait3A_44 = arith.constant 0 : i32
      %dma_wait3A_45 = arith.constant 0 : i32
      %dma_wait3A_46 = arith.constant 0 : i32
      %dma_wait3A_47 = tpu.memref_slice %arg10[%dma_wait3A_43, %dma_wait3A_45, %dma_wait3A_46] : memref<3x80x128xf32, #tpu.memory_space<vmem>> -> memref<1x80x128xf32, #tpu.memory_space<vmem>>
      %dma_wait3A_48 = tpu.memref_squeeze %dma_wait3A_47 : memref<1x80x128xf32, #tpu.memory_space<vmem>> -> memref<80x128xf32, #tpu.memory_space<vmem>>
      %dma_wait3A_49 = arith.constant 0 : i32
      %dma_wait3A_50 = tpu.memref_slice %arg8[%dma_wait3A, %dma_wait3A_49] : memref<125x80xi32, #tpu.memory_space<vmem>> -> memref<1x80xi32, #tpu.memory_space<vmem>>
      %dma_wait3A_51 = tpu.memref_squeeze %dma_wait3A_50 : memref<1x80xi32, #tpu.memory_space<vmem>> -> memref<80xi32, #tpu.memory_space<vmem>>
      %dma_wait3A_52 = arith.constant 0 : i32
      %dma_wait3A_53 = arith.constant 0 : i32
      %dma_wait3A_54 = tpu.memref_slice %arg3[%dma_wait3A_52, %dma_wait3A_53] : memref<10000x128xf32, #tpu.memory_space<hbm>> -> memref<10000x128xf32, #tpu.memory_space<hbm>>
      %dma_wait3A_55 = tpu.memref_slice %arg12[%dma_wait3A_44] : memref<3x!tpu.dma_semaphore, #tpu.memory_space<semaphore_mem>> -> memref<1x!tpu.dma_semaphore, #tpu.memory_space<semaphore_mem>>
      %dma_wait3A_56 = tpu.memref_squeeze %dma_wait3A_55 : memref<1x!tpu.dma_semaphore, #tpu.memory_space<semaphore_mem>> -> memref<!tpu.dma_semaphore, #tpu.memory_space<semaphore_mem>>
      tpu.wait_indirect_dma semaphore(%dma_wait3A_56 : memref<!tpu.dma_semaphore, #tpu.memory_space<semaphore_mem>>) src(%dma_wait3A_54 : memref<10000x128xf32, #tpu.memory_space<hbm>>) dst(%dma_wait3A_48 : memref<80x128xf32, #tpu.memory_space<vmem>>)
      %dma_start3A_57 = arith.constant 0 : i32
      %dma_start3A_58 = arith.constant 0 : i32
      %dma_start3A_59 = arith.constant 0 : i32
      %dma_start3A_60 = arith.constant 0 : i32
      %dma_start3A_61 = arith.constant 0 : i32
      %dma_start3A_62 = tpu.memref_slice %arg10[%dma_start3A_57, %dma_start3A_60, %dma_start3A_61] : memref<3x80x128xf32, #tpu.memory_space<vmem>> -> memref<1x80x128xf32, #tpu.memory_space<vmem>>
      %dma_start3A_63 = tpu.memref_squeeze %dma_start3A_62 : memref<1x80x128xf32, #tpu.memory_space<vmem>> -> memref<80x128xf32, #tpu.memory_space<vmem>>
      %dma_start3A_64 = arith.constant 0 : i32
      %dma_start3A_65 = tpu.memref_slice %arg9[%dma_start3A_58, %dma_start3A_64] : memref<125x80xi32, #tpu.memory_space<vmem>> -> memref<1x80xi32, #tpu.memory_space<vmem>>
      %dma_start3A_66 = tpu.memref_squeeze %dma_start3A_65 : memref<1x80xi32, #tpu.memory_space<vmem>> -> memref<80xi32, #tpu.memory_space<vmem>>
      %dma_start3A_67 = arith.constant 0 : i32
      %dma_start3A_68 = arith.constant 0 : i32
      %dma_start3A_69 = tpu.memref_slice %arg11[%dma_start3A_67, %dma_start3A_68] : memref<10000x128xf32, #tpu.memory_space<vmem_shared>> -> memref<10000x128xf32, #tpu.memory_space<vmem_shared>>
      %dma_start3A_70 = tpu.memref_slice %arg12[%dma_start3A_59] : memref<3x!tpu.dma_semaphore, #tpu.memory_space<semaphore_mem>> -> memref<1x!tpu.dma_semaphore, #tpu.memory_space<semaphore_mem>>
      %dma_start3A_71 = tpu.memref_squeeze %dma_start3A_70 : memref<1x!tpu.dma_semaphore, #tpu.memory_space<semaphore_mem>> -> memref<!tpu.dma_semaphore, #tpu.memory_space<semaphore_mem>>
      tpu.enqueue_indirect_dma source(%dma_start3A_63 : memref<80x128xf32, #tpu.memory_space<vmem>>) target(%dma_start3A_69 : memref<10000x128xf32, #tpu.memory_space<vmem_shared>>) offsets(%dma_start3A_66 : memref<80xi32, #tpu.memory_space<vmem>>) semaphore(%dma_start3A_71 : memref<!tpu.dma_semaphore, #tpu.memory_space<semaphore_mem>>) {add = true}
      %dma_start3A_72 = arith.constant 2 : i32
      %dma_start3A_73 = arith.constant 2 : i32
      %dma_start3A_74 = arith.constant 2 : i32
      %dma_start3A_75 = arith.constant 0 : i32
      %dma_start3A_76 = arith.constant 0 : i32
      %dma_start3A_77 = tpu.memref_slice %arg10[%dma_start3A_73, %dma_start3A_75, %dma_start3A_76] : memref<3x80x128xf32, #tpu.memory_space<vmem>> -> memref<1x80x128xf32, #tpu.memory_space<vmem>>
      %dma_start3A_78 = tpu.memref_squeeze %dma_start3A_77 : memref<1x80x128xf32, #tpu.memory_space<vmem>> -> memref<80x128xf32, #tpu.memory_space<vmem>>
      %dma_start3A_79 = arith.constant 0 : i32
      %dma_start3A_80 = tpu.memref_slice %arg8[%dma_start3A_72, %dma_start3A_79] : memref<125x80xi32, #tpu.memory_space<vmem>> -> memref<1x80xi32, #tpu.memory_space<vmem>>
      %dma_start3A_81 = tpu.memref_squeeze %dma_start3A_80 : memref<1x80xi32, #tpu.memory_space<vmem>> -> memref<80xi32, #tpu.memory_space<vmem>>
      %dma_start3A_82 = arith.constant 0 : i32
      %dma_start3A_83 = arith.constant 0 : i32
      %dma_start3A_84 = tpu.memref_slice %arg3[%dma_start3A_82, %dma_start3A_83] : memref<10000x128xf32, #tpu.memory_space<hbm>> -> memref<10000x128xf32, #tpu.memory_space<hbm>>
      %dma_start3A_85 = tpu.memref_slice %arg12[%dma_start3A_74] : memref<3x!tpu.dma_semaphore, #tpu.memory_space<semaphore_mem>> -> memref<1x!tpu.dma_semaphore, #tpu.memory_space<semaphore_mem>>
      %dma_start3A_86 = tpu.memref_squeeze %dma_start3A_85 : memref<1x!tpu.dma_semaphore, #tpu.memory_space<semaphore_mem>> -> memref<!tpu.dma_semaphore, #tpu.memory_space<semaphore_mem>>
      tpu.enqueue_indirect_dma source(%dma_start3A_84 : memref<10000x128xf32, #tpu.memory_space<hbm>>) target(%dma_start3A_78 : memref<80x128xf32, #tpu.memory_space<vmem>>) offsets(%dma_start3A_81 : memref<80xi32, #tpu.memory_space<vmem>>) semaphore(%dma_start3A_86 : memref<!tpu.dma_semaphore, #tpu.memory_space<semaphore_mem>>)
      %dma_wait3A_87 = arith.constant 1 : i32
      %dma_wait3A_88 = arith.constant 1 : i32
      %dma_wait3A_89 = arith.constant 1 : i32
      %dma_wait3A_90 = arith.constant 0 : i32
      %dma_wait3A_91 = arith.constant 0 : i32
      %dma_wait3A_92 = tpu.memref_slice %arg10[%dma_wait3A_88, %dma_wait3A_90, %dma_wait3A_91] : memref<3x80x128xf32, #tpu.memory_space<vmem>> -> memref<1x80x128xf32, #tpu.memory_space<vmem>>
      %dma_wait3A_93 = tpu.memref_squeeze %dma_wait3A_92 : memref<1x80x128xf32, #tpu.memory_space<vmem>> -> memref<80x128xf32, #tpu.memory_space<vmem>>
      %dma_wait3A_94 = arith.constant 0 : i32
      %dma_wait3A_95 = tpu.memref_slice %arg8[%dma_wait3A_87, %dma_wait3A_94] : memref<125x80xi32, #tpu.memory_space<vmem>> -> memref<1x80xi32, #tpu.memory_space<vmem>>
      %dma_wait3A_96 = tpu.memref_squeeze %dma_wait3A_95 : memref<1x80xi32, #tpu.memory_space<vmem>> -> memref<80xi32, #tpu.memory_space<vmem>>
      %dma_wait3A_97 = arith.constant 0 : i32
      %dma_wait3A_98 = arith.constant 0 : i32
      %dma_wait3A_99 = tpu.memref_slice %arg3[%dma_wait3A_97, %dma_wait3A_98] : memref<10000x128xf32, #tpu.memory_space<hbm>> -> memref<10000x128xf32, #tpu.memory_space<hbm>>
      %dma_wait3A_100 = tpu.memref_slice %arg12[%dma_wait3A_89] : memref<3x!tpu.dma_semaphore, #tpu.memory_space<semaphore_mem>> -> memref<1x!tpu.dma_semaphore, #tpu.memory_space<semaphore_mem>>
      %dma_wait3A_101 = tpu.memref_squeeze %dma_wait3A_100 : memref<1x!tpu.dma_semaphore, #tpu.memory_space<semaphore_mem>> -> memref<!tpu.dma_semaphore, #tpu.memory_space<semaphore_mem>>
      tpu.wait_indirect_dma semaphore(%dma_wait3A_101 : memref<!tpu.dma_semaphore, #tpu.memory_space<semaphore_mem>>) src(%dma_wait3A_99 : memref<10000x128xf32, #tpu.memory_space<hbm>>) dst(%dma_wait3A_93 : memref<80x128xf32, #tpu.memory_space<vmem>>)
      %dma_start3A_102 = arith.constant 1 : i32
      %dma_start3A_103 = arith.constant 1 : i32
      %dma_start3A_104 = arith.constant 1 : i32
      %dma_start3A_105 = arith.constant 0 : i32
      %dma_start3A_106 = arith.constant 0 : i32
      %dma_start3A_107 = tpu.memref_slice %arg10[%dma_start3A_102, %dma_start3A_105, %dma_start3A_106] : memref<3x80x128xf32, #tpu.memory_space<vmem>> -> memref<1x80x128xf32, #tpu.memory_space<vmem>>
      %dma_start3A_108 = tpu.memref_squeeze %dma_start3A_107 : memref<1x80x128xf32, #tpu.memory_space<vmem>> -> memref<80x128xf32, #tpu.memory_space<vmem>>
      %dma_start3A_109 = arith.constant 0 : i32
      %dma_start3A_110 = tpu.memref_slice %arg9[%dma_start3A_103, %dma_start3A_109] : memref<125x80xi32, #tpu.memory_space<vmem>> -> memref<1x80xi32, #tpu.memory_space<vmem>>
      %dma_start3A_111 = tpu.memref_squeeze %dma_start3A_110 : memref<1x80xi32, #tpu.memory_space<vmem>> -> memref<80xi32, #tpu.memory_space<vmem>>
      %dma_start3A_112 = arith.constant 0 : i32
      %dma_start3A_113 = arith.constant 0 : i32
      %dma_start3A_114 = tpu.memref_slice %arg11[%dma_start3A_112, %dma_start3A_113] : memref<10000x128xf32, #tpu.memory_space<vmem_shared>> -> memref<10000x128xf32, #tpu.memory_space<vmem_shared>>
      %dma_start3A_115 = tpu.memref_slice %arg12[%dma_start3A_104] : memref<3x!tpu.dma_semaphore, #tpu.memory_space<semaphore_mem>> -> memref<1x!tpu.dma_semaphore, #tpu.memory_space<semaphore_mem>>
      %dma_start3A_116 = tpu.memref_squeeze %dma_start3A_115 : memref<1x!tpu.dma_semaphore, #tpu.memory_space<semaphore_mem>> -> memref<!tpu.dma_semaphore, #tpu.memory_space<semaphore_mem>>
      tpu.enqueue_indirect_dma source(%dma_start3A_108 : memref<80x128xf32, #tpu.memory_space<vmem>>) target(%dma_start3A_114 : memref<10000x128xf32, #tpu.memory_space<vmem_shared>>) offsets(%dma_start3A_111 : memref<80xi32, #tpu.memory_space<vmem>>) semaphore(%dma_start3A_116 : memref<!tpu.dma_semaphore, #tpu.memory_space<semaphore_mem>>) {add = true}
      %dma_wait3A_117 = arith.constant 0 : i32
      %dma_wait3A_118 = arith.constant 0 : i32
      %dma_wait3A_119 = arith.constant 0 : i32
      %dma_wait3A_120 = arith.constant 0 : i32
      %dma_wait3A_121 = arith.constant 0 : i32
      %dma_wait3A_122 = tpu.memref_slice %arg10[%dma_wait3A_117, %dma_wait3A_120, %dma_wait3A_121] : memref<3x80x128xf32, #tpu.memory_space<vmem>> -> memref<1x80x128xf32, #tpu.memory_space<vmem>>
      %dma_wait3A_123 = tpu.memref_squeeze %dma_wait3A_122 : memref<1x80x128xf32, #tpu.memory_space<vmem>> -> memref<80x128xf32, #tpu.memory_space<vmem>>
      %dma_wait3A_124 = arith.constant 0 : i32
      %dma_wait3A_125 = tpu.memref_slice %arg9[%dma_wait3A_118, %dma_wait3A_124] : memref<125x80xi32, #tpu.memory_space<vmem>> -> memref<1x80xi32, #tpu.memory_space<vmem>>
      %dma_wait3A_126 = tpu.memref_squeeze %dma_wait3A_125 : memref<1x80xi32, #tpu.memory_space<vmem>> -> memref<80xi32, #tpu.memory_space<vmem>>
      %dma_wait3A_127 = arith.constant 0 : i32
      %dma_wait3A_128 = arith.constant 0 : i32
      %dma_wait3A_129 = tpu.memref_slice %arg11[%dma_wait3A_127, %dma_wait3A_128] : memref<10000x128xf32, #tpu.memory_space<vmem_shared>> -> memref<10000x128xf32, #tpu.memory_space<vmem_shared>>
      %dma_wait3A_130 = tpu.memref_slice %arg12[%dma_wait3A_119] : memref<3x!tpu.dma_semaphore, #tpu.memory_space<semaphore_mem>> -> memref<1x!tpu.dma_semaphore, #tpu.memory_space<semaphore_mem>>
      %dma_wait3A_131 = tpu.memref_squeeze %dma_wait3A_130 : memref<1x!tpu.dma_semaphore, #tpu.memory_space<semaphore_mem>> -> memref<!tpu.dma_semaphore, #tpu.memory_space<semaphore_mem>>
      tpu.wait_indirect_dma semaphore(%dma_wait3A_131 : memref<!tpu.dma_semaphore, #tpu.memory_space<semaphore_mem>>) src(%dma_wait3A_123 : memref<80x128xf32, #tpu.memory_space<vmem>>) dst(%dma_wait3A_129 : memref<10000x128xf32, #tpu.memory_space<vmem_shared>>)
      %dma_start3A_132 = arith.constant 3 : i32
      %dma_start3A_133 = arith.constant 0 : i32
      %dma_start3A_134 = arith.constant 0 : i32
      %dma_start3A_135 = arith.constant 0 : i32
      %dma_start3A_136 = arith.constant 0 : i32
      %dma_start3A_137 = tpu.memref_slice %arg10[%dma_start3A_133, %dma_start3A_135, %dma_start3A_136] : memref<3x80x128xf32, #tpu.memory_space<vmem>> -> memref<1x80x128xf32, #tpu.memory_space<vmem>>
      %dma_start3A_138 = tpu.memref_squeeze %dma_start3A_137 : memref<1x80x128xf32, #tpu.memory_space<vmem>> -> memref<80x128xf32, #tpu.memory_space<vmem>>
      %dma_start3A_139 = arith.constant 0 : i32
      %dma_start3A_140 = tpu.memref_slice %arg8[%dma_start3A_132, %dma_start3A_139] : memref<125x80xi32, #tpu.memory_space<vmem>> -> memref<1x80xi32, #tpu.memory_space<vmem>>
      %dma_start3A_141 = tpu.memref_squeeze %dma_start3A_140 : memref<1x80xi32, #tpu.memory_space<vmem>> -> memref<80xi32, #tpu.memory_space<vmem>>
      %dma_start3A_142 = arith.constant 0 : i32
      %dma_start3A_143 = arith.constant 0 : i32
      %dma_start3A_144 = tpu.memref_slice %arg3[%dma_start3A_142, %dma_start3A_143] : memref<10000x128xf32, #tpu.memory_space<hbm>> -> memref<10000x128xf32, #tpu.memory_space<hbm>>
      %dma_start3A_145 = tpu.memref_slice %arg12[%dma_start3A_134] : memref<3x!tpu.dma_semaphore, #tpu.memory_space<semaphore_mem>> -> memref<1x!tpu.dma_semaphore, #tpu.memory_space<semaphore_mem>>
      %dma_start3A_146 = tpu.memref_squeeze %dma_start3A_145 : memref<1x!tpu.dma_semaphore, #tpu.memory_space<semaphore_mem>> -> memref<!tpu.dma_semaphore, #tpu.memory_space<semaphore_mem>>
      tpu.enqueue_indirect_dma source(%dma_start3A_144 : memref<10000x128xf32, #tpu.memory_space<hbm>>) target(%dma_start3A_138 : memref<80x128xf32, #tpu.memory_space<vmem>>) offsets(%dma_start3A_141 : memref<80xi32, #tpu.memory_space<vmem>>) semaphore(%dma_start3A_146 : memref<!tpu.dma_semaphore, #tpu.memory_space<semaphore_mem>>)
      %dma_wait3A_147 = arith.constant 2 : i32
      %dma_wait3A_148 = arith.constant 2 : i32
      %dma_wait3A_149 = arith.constant 2 : i32
      %dma_wait3A_150 = arith.constant 0 : i32
      %dma_wait3A_151 = arith.constant 0 : i32
      %dma_wait3A_152 = tpu.memref_slice %arg10[%dma_wait3A_148, %dma_wait3A_150, %dma_wait3A_151] : memref<3x80x128xf32, #tpu.memory_space<vmem>> -> memref<1x80x128xf32, #tpu.memory_space<vmem>>
      %dma_wait3A_153 = tpu.memref_squeeze %dma_wait3A_152 : memref<1x80x128xf32, #tpu.memory_space<vmem>> -> memref<80x128xf32, #tpu.memory_space<vmem>>
      %dma_wait3A_154 = arith.constant 0 : i32
      %dma_wait3A_155 = tpu.memref_slice %arg8[%dma_wait3A_147, %dma_wait3A_154] : memref<125x80xi32, #tpu.memory_space<vmem>> -> memref<1x80xi32, #tpu.memory_space<vmem>>
      %dma_wait3A_156 = tpu.memref_squeeze %dma_wait3A_155 : memref<1x80xi32, #tpu.memory_space<vmem>> -> memref<80xi32, #tpu.memory_space<vmem>>
      %dma_wait3A_157 = arith.constant 0 : i32
      %dma_wait3A_158 = arith.constant 0 : i32
      %dma_wait3A_159 = tpu.memref_slice %arg3[%dma_wait3A_157, %dma_wait3A_158] : memref<10000x128xf32, #tpu.memory_space<hbm>> -> memref<10000x128xf32, #tpu.memory_space<hbm>>
      %dma_wait3A_160 = tpu.memref_slice %arg12[%dma_wait3A_149] : memref<3x!tpu.dma_semaphore, #tpu.memory_space<semaphore_mem>> -> memref<1x!tpu.dma_semaphore, #tpu.memory_space<semaphore_mem>>
      %dma_wait3A_161 = tpu.memref_squeeze %dma_wait3A_160 : memref<1x!tpu.dma_semaphore, #tpu.memory_space<semaphore_mem>> -> memref<!tpu.dma_semaphore, #tpu.memory_space<semaphore_mem>>
      tpu.wait_indirect_dma semaphore(%dma_wait3A_161 : memref<!tpu.dma_semaphore, #tpu.memory_space<semaphore_mem>>) src(%dma_wait3A_159 : memref<10000x128xf32, #tpu.memory_space<hbm>>) dst(%dma_wait3A_153 : memref<80x128xf32, #tpu.memory_space<vmem>>)
      %dma_start3A_162 = arith.constant 2 : i32
      %dma_start3A_163 = arith.constant 2 : i32
      %dma_start3A_164 = arith.constant 2 : i32
      %dma_start3A_165 = arith.constant 0 : i32
      %dma_start3A_166 = arith.constant 0 : i32
      %dma_start3A_167 = tpu.memref_slice %arg10[%dma_start3A_162, %dma_start3A_165, %dma_start3A_166] : memref<3x80x128xf32, #tpu.memory_space<vmem>> -> memref<1x80x128xf32, #tpu.memory_space<vmem>>
      %dma_start3A_168 = tpu.memref_squeeze %dma_start3A_167 : memref<1x80x128xf32, #tpu.memory_space<vmem>> -> memref<80x128xf32, #tpu.memory_space<vmem>>
      %dma_start3A_169 = arith.constant 0 : i32
      %dma_start3A_170 = tpu.memref_slice %arg9[%dma_start3A_163, %dma_start3A_169] : memref<125x80xi32, #tpu.memory_space<vmem>> -> memref<1x80xi32, #tpu.memory_space<vmem>>
      %dma_start3A_171 = tpu.memref_squeeze %dma_start3A_170 : memref<1x80xi32, #tpu.memory_space<vmem>> -> memref<80xi32, #tpu.memory_space<vmem>>
      %dma_start3A_172 = arith.constant 0 : i32
      %dma_start3A_173 = arith.constant 0 : i32
      %dma_start3A_174 = tpu.memref_slice %arg11[%dma_start3A_172, %dma_start3A_173] : memref<10000x128xf32, #tpu.memory_space<vmem_shared>> -> memref<10000x128xf32, #tpu.memory_space<vmem_shared>>
      %dma_start3A_175 = tpu.memref_slice %arg12[%dma_start3A_164] : memref<3x!tpu.dma_semaphore, #tpu.memory_space<semaphore_mem>> -> memref<1x!tpu.dma_semaphore, #tpu.memory_space<semaphore_mem>>
      %dma_start3A_176 = tpu.memref_squeeze %dma_start3A_175 : memref<1x!tpu.dma_semaphore, #tpu.memory_space<semaphore_mem>> -> memref<!tpu.dma_semaphore, #tpu.memory_space<semaphore_mem>>
      tpu.enqueue_indirect_dma source(%dma_start3A_168 : memref<80x128xf32, #tpu.memory_space<vmem>>) target(%dma_start3A_174 : memref<10000x128xf32, #tpu.memory_space<vmem_shared>>) offsets(%dma_start3A_171 : memref<80xi32, #tpu.memory_space<vmem>>) semaphore(%dma_start3A_176 : memref<!tpu.dma_semaphore, #tpu.memory_space<semaphore_mem>>) {add = true}
      %scan3A = arith.constant 0 : i32
      %scan3A_177 = arith.constant 1 : i32
      %scan3A_178 = arith.constant 39 : i32
      %scan3A_179 = arith.addi %scan3A_177, %scan3A_178 : i32
      %scan3A_180 = arith.constant 1 : i32
      scf.for %scan3A_502 = %scan3A_177 to %scan3A_179 step %scan3A_180  : i32 {
        %mul3A_503 = arith.constant 3 : i32
        %mul3A_504 = arith.muli %scan3A_502, %mul3A_503 : i32
        %add3A = arith.constant 0 : i32
        %add3A_505 = arith.addi %mul3A_504, %add3A : i32
        %add3A_506 = arith.constant 1 : i32
        %add3A_507 = arith.addi %add3A_505, %add3A_506 : i32
        %sub3A = arith.constant 3 : i32
        %sub3A_508 = arith.subi %add3A_507, %sub3A : i32
        %dma_wait3A_509 = arith.constant 1 : i32
        %dma_wait3A_510 = arith.constant 1 : i32
        %dma_wait3A_511 = arith.constant 0 : i32
        %dma_wait3A_512 = arith.constant 0 : i32
        %dma_wait3A_513 = tpu.memref_slice %arg10[%dma_wait3A_509, %dma_wait3A_511, %dma_wait3A_512] : memref<3x80x128xf32, #tpu.memory_space<vmem>> -> memref<1x80x128xf32, #tpu.memory_space<vmem>>
        %dma_wait3A_514 = tpu.memref_squeeze %dma_wait3A_513 : memref<1x80x128xf32, #tpu.memory_space<vmem>> -> memref<80x128xf32, #tpu.memory_space<vmem>>
        %dma_wait3A_515 = arith.constant 0 : i32
        %dma_wait3A_516 = tpu.memref_slice %arg9[%sub3A_508, %dma_wait3A_515] : memref<125x80xi32, #tpu.memory_space<vmem>> -> memref<1x80xi32, #tpu.memory_space<vmem>>
        %dma_wait3A_517 = tpu.memref_squeeze %dma_wait3A_516 : memref<1x80xi32, #tpu.memory_space<vmem>> -> memref<80xi32, #tpu.memory_space<vmem>>
        %dma_wait3A_518 = arith.constant 0 : i32
        %dma_wait3A_519 = arith.constant 0 : i32
        %dma_wait3A_520 = tpu.memref_slice %arg11[%dma_wait3A_518, %dma_wait3A_519] : memref<10000x128xf32, #tpu.memory_space<vmem_shared>> -> memref<10000x128xf32, #tpu.memory_space<vmem_shared>>
        %dma_wait3A_521 = tpu.memref_slice %arg12[%dma_wait3A_510] : memref<3x!tpu.dma_semaphore, #tpu.memory_space<semaphore_mem>> -> memref<1x!tpu.dma_semaphore, #tpu.memory_space<semaphore_mem>>
        %dma_wait3A_522 = tpu.memref_squeeze %dma_wait3A_521 : memref<1x!tpu.dma_semaphore, #tpu.memory_space<semaphore_mem>> -> memref<!tpu.dma_semaphore, #tpu.memory_space<semaphore_mem>>
        tpu.wait_indirect_dma semaphore(%dma_wait3A_522 : memref<!tpu.dma_semaphore, #tpu.memory_space<semaphore_mem>>) src(%dma_wait3A_514 : memref<80x128xf32, #tpu.memory_space<vmem>>) dst(%dma_wait3A_520 : memref<10000x128xf32, #tpu.memory_space<vmem_shared>>)
        %add3A_523 = arith.constant 1 : i32
        %add3A_524 = arith.addi %add3A_505, %add3A_523 : i32
        %dma_start3A_525 = arith.constant 1 : i32
        %dma_start3A_526 = arith.constant 1 : i32
        %dma_start3A_527 = arith.constant 0 : i32
        %dma_start3A_528 = arith.constant 0 : i32
        %dma_start3A_529 = tpu.memref_slice %arg10[%dma_start3A_525, %dma_start3A_527, %dma_start3A_528] : memref<3x80x128xf32, #tpu.memory_space<vmem>> -> memref<1x80x128xf32, #tpu.memory_space<vmem>>
        %dma_start3A_530 = tpu.memref_squeeze %dma_start3A_529 : memref<1x80x128xf32, #tpu.memory_space<vmem>> -> memref<80x128xf32, #tpu.memory_space<vmem>>
        %dma_start3A_531 = arith.constant 0 : i32
        %dma_start3A_532 = tpu.memref_slice %arg8[%add3A_524, %dma_start3A_531] : memref<125x80xi32, #tpu.memory_space<vmem>> -> memref<1x80xi32, #tpu.memory_space<vmem>>
        %dma_start3A_533 = tpu.memref_squeeze %dma_start3A_532 : memref<1x80xi32, #tpu.memory_space<vmem>> -> memref<80xi32, #tpu.memory_space<vmem>>
        %dma_start3A_534 = arith.constant 0 : i32
        %dma_start3A_535 = arith.constant 0 : i32
        %dma_start3A_536 = tpu.memref_slice %arg3[%dma_start3A_534, %dma_start3A_535] : memref<10000x128xf32, #tpu.memory_space<hbm>> -> memref<10000x128xf32, #tpu.memory_space<hbm>>
        %dma_start3A_537 = tpu.memref_slice %arg12[%dma_start3A_526] : memref<3x!tpu.dma_semaphore, #tpu.memory_space<semaphore_mem>> -> memref<1x!tpu.dma_semaphore, #tpu.memory_space<semaphore_mem>>
        %dma_start3A_538 = tpu.memref_squeeze %dma_start3A_537 : memref<1x!tpu.dma_semaphore, #tpu.memory_space<semaphore_mem>> -> memref<!tpu.dma_semaphore, #tpu.memory_space<semaphore_mem>>
        tpu.enqueue_indirect_dma source(%dma_start3A_536 : memref<10000x128xf32, #tpu.memory_space<hbm>>) target(%dma_start3A_530 : memref<80x128xf32, #tpu.memory_space<vmem>>) offsets(%dma_start3A_533 : memref<80xi32, #tpu.memory_space<vmem>>) semaphore(%dma_start3A_538 : memref<!tpu.dma_semaphore, #tpu.memory_space<semaphore_mem>>)
        %dma_wait3A_539 = arith.constant 0 : i32
        %dma_wait3A_540 = arith.constant 0 : i32
        %dma_wait3A_541 = arith.constant 0 : i32
        %dma_wait3A_542 = arith.constant 0 : i32
        %dma_wait3A_543 = tpu.memref_slice %arg10[%dma_wait3A_539, %dma_wait3A_541, %dma_wait3A_542] : memref<3x80x128xf32, #tpu.memory_space<vmem>> -> memref<1x80x128xf32, #tpu.memory_space<vmem>>
        %dma_wait3A_544 = tpu.memref_squeeze %dma_wait3A_543 : memref<1x80x128xf32, #tpu.memory_space<vmem>> -> memref<80x128xf32, #tpu.memory_space<vmem>>
        %dma_wait3A_545 = arith.constant 0 : i32
        %dma_wait3A_546 = tpu.memref_slice %arg8[%add3A_505, %dma_wait3A_545] : memref<125x80xi32, #tpu.memory_space<vmem>> -> memref<1x80xi32, #tpu.memory_space<vmem>>
        %dma_wait3A_547 = tpu.memref_squeeze %dma_wait3A_546 : memref<1x80xi32, #tpu.memory_space<vmem>> -> memref<80xi32, #tpu.memory_space<vmem>>
        %dma_wait3A_548 = arith.constant 0 : i32
        %dma_wait3A_549 = arith.constant 0 : i32
        %dma_wait3A_550 = tpu.memref_slice %arg3[%dma_wait3A_548, %dma_wait3A_549] : memref<10000x128xf32, #tpu.memory_space<hbm>> -> memref<10000x128xf32, #tpu.memory_space<hbm>>
        %dma_wait3A_551 = tpu.memref_slice %arg12[%dma_wait3A_540] : memref<3x!tpu.dma_semaphore, #tpu.memory_space<semaphore_mem>> -> memref<1x!tpu.dma_semaphore, #tpu.memory_space<semaphore_mem>>
        %dma_wait3A_552 = tpu.memref_squeeze %dma_wait3A_551 : memref<1x!tpu.dma_semaphore, #tpu.memory_space<semaphore_mem>> -> memref<!tpu.dma_semaphore, #tpu.memory_space<semaphore_mem>>
        tpu.wait_indirect_dma semaphore(%dma_wait3A_552 : memref<!tpu.dma_semaphore, #tpu.memory_space<semaphore_mem>>) src(%dma_wait3A_550 : memref<10000x128xf32, #tpu.memory_space<hbm>>) dst(%dma_wait3A_544 : memref<80x128xf32, #tpu.memory_space<vmem>>)
        %dma_start3A_553 = arith.constant 0 : i32
        %dma_start3A_554 = arith.constant 0 : i32
        %dma_start3A_555 = arith.constant 0 : i32
        %dma_start3A_556 = arith.constant 0 : i32
        %dma_start3A_557 = tpu.memref_slice %arg10[%dma_start3A_553, %dma_start3A_555, %dma_start3A_556] : memref<3x80x128xf32, #tpu.memory_space<vmem>> -> memref<1x80x128xf32, #tpu.memory_space<vmem>>
        %dma_start3A_558 = tpu.memref_squeeze %dma_start3A_557 : memref<1x80x128xf32, #tpu.memory_space<vmem>> -> memref<80x128xf32, #tpu.memory_space<vmem>>
        %dma_start3A_559 = arith.constant 0 : i32
        %dma_start3A_560 = tpu.memref_slice %arg9[%add3A_505, %dma_start3A_559] : memref<125x80xi32, #tpu.memory_space<vmem>> -> memref<1x80xi32, #tpu.memory_space<vmem>>
        %dma_start3A_561 = tpu.memref_squeeze %dma_start3A_560 : memref<1x80xi32, #tpu.memory_space<vmem>> -> memref<80xi32, #tpu.memory_space<vmem>>
        %dma_start3A_562 = arith.constant 0 : i32
        %dma_start3A_563 = arith.constant 0 : i32
        %dma_start3A_564 = tpu.memref_slice %arg11[%dma_start3A_562, %dma_start3A_563] : memref<10000x128xf32, #tpu.memory_space<vmem_shared>> -> memref<10000x128xf32, #tpu.memory_space<vmem_shared>>
        %dma_start3A_565 = tpu.memref_slice %arg12[%dma_start3A_554] : memref<3x!tpu.dma_semaphore, #tpu.memory_space<semaphore_mem>> -> memref<1x!tpu.dma_semaphore, #tpu.memory_space<semaphore_mem>>
        %dma_start3A_566 = tpu.memref_squeeze %dma_start3A_565 : memref<1x!tpu.dma_semaphore, #tpu.memory_space<semaphore_mem>> -> memref<!tpu.dma_semaphore, #tpu.memory_space<semaphore_mem>>
        tpu.enqueue_indirect_dma source(%dma_start3A_558 : memref<80x128xf32, #tpu.memory_space<vmem>>) target(%dma_start3A_564 : memref<10000x128xf32, #tpu.memory_space<vmem_shared>>) offsets(%dma_start3A_561 : memref<80xi32, #tpu.memory_space<vmem>>) semaphore(%dma_start3A_566 : memref<!tpu.dma_semaphore, #tpu.memory_space<semaphore_mem>>) {add = true}
        %add3A_567 = arith.constant 1 : i32
        %add3A_568 = arith.addi %mul3A_504, %add3A_567 : i32
        %add3A_569 = arith.constant 1 : i32
        %add3A_570 = arith.addi %add3A_568, %add3A_569 : i32
        %sub3A_571 = arith.constant 3 : i32
        %sub3A_572 = arith.subi %add3A_570, %sub3A_571 : i32
        %dma_wait3A_573 = arith.constant 2 : i32
        %dma_wait3A_574 = arith.constant 2 : i32
        %dma_wait3A_575 = arith.constant 0 : i32
        %dma_wait3A_576 = arith.constant 0 : i32
        %dma_wait3A_577 = tpu.memref_slice %arg10[%dma_wait3A_573, %dma_wait3A_575, %dma_wait3A_576] : memref<3x80x128xf32, #tpu.memory_space<vmem>> -> memref<1x80x128xf32, #tpu.memory_space<vmem>>
        %dma_wait3A_578 = tpu.memref_squeeze %dma_wait3A_577 : memref<1x80x128xf32, #tpu.memory_space<vmem>> -> memref<80x128xf32, #tpu.memory_space<vmem>>
        %dma_wait3A_579 = arith.constant 0 : i32
        %dma_wait3A_580 = tpu.memref_slice %arg9[%sub3A_572, %dma_wait3A_579] : memref<125x80xi32, #tpu.memory_space<vmem>> -> memref<1x80xi32, #tpu.memory_space<vmem>>
        %dma_wait3A_581 = tpu.memref_squeeze %dma_wait3A_580 : memref<1x80xi32, #tpu.memory_space<vmem>> -> memref<80xi32, #tpu.memory_space<vmem>>
        %dma_wait3A_582 = arith.constant 0 : i32
        %dma_wait3A_583 = arith.constant 0 : i32
        %dma_wait3A_584 = tpu.memref_slice %arg11[%dma_wait3A_582, %dma_wait3A_583] : memref<10000x128xf32, #tpu.memory_space<vmem_shared>> -> memref<10000x128xf32, #tpu.memory_space<vmem_shared>>
        %dma_wait3A_585 = tpu.memref_slice %arg12[%dma_wait3A_574] : memref<3x!tpu.dma_semaphore, #tpu.memory_space<semaphore_mem>> -> memref<1x!tpu.dma_semaphore, #tpu.memory_space<semaphore_mem>>
        %dma_wait3A_586 = tpu.memref_squeeze %dma_wait3A_585 : memref<1x!tpu.dma_semaphore, #tpu.memory_space<semaphore_mem>> -> memref<!tpu.dma_semaphore, #tpu.memory_space<semaphore_mem>>
        tpu.wait_indirect_dma semaphore(%dma_wait3A_586 : memref<!tpu.dma_semaphore, #tpu.memory_space<semaphore_mem>>) src(%dma_wait3A_578 : memref<80x128xf32, #tpu.memory_space<vmem>>) dst(%dma_wait3A_584 : memref<10000x128xf32, #tpu.memory_space<vmem_shared>>)
        %add3A_587 = arith.constant 1 : i32
        %add3A_588 = arith.addi %add3A_568, %add3A_587 : i32
        %dma_start3A_589 = arith.constant 2 : i32
        %dma_start3A_590 = arith.constant 2 : i32
        %dma_start3A_591 = arith.constant 0 : i32
        %dma_start3A_592 = arith.constant 0 : i32
        %dma_start3A_593 = tpu.memref_slice %arg10[%dma_start3A_589, %dma_start3A_591, %dma_start3A_592] : memref<3x80x128xf32, #tpu.memory_space<vmem>> -> memref<1x80x128xf32, #tpu.memory_space<vmem>>
        %dma_start3A_594 = tpu.memref_squeeze %dma_start3A_593 : memref<1x80x128xf32, #tpu.memory_space<vmem>> -> memref<80x128xf32, #tpu.memory_space<vmem>>
        %dma_start3A_595 = arith.constant 0 : i32
        %dma_start3A_596 = tpu.memref_slice %arg8[%add3A_588, %dma_start3A_595] : memref<125x80xi32, #tpu.memory_space<vmem>> -> memref<1x80xi32, #tpu.memory_space<vmem>>
        %dma_start3A_597 = tpu.memref_squeeze %dma_start3A_596 : memref<1x80xi32, #tpu.memory_space<vmem>> -> memref<80xi32, #tpu.memory_space<vmem>>
        %dma_start3A_598 = arith.constant 0 : i32
        %dma_start3A_599 = arith.constant 0 : i32
        %dma_start3A_600 = tpu.memref_slice %arg3[%dma_start3A_598, %dma_start3A_599] : memref<10000x128xf32, #tpu.memory_space<hbm>> -> memref<10000x128xf32, #tpu.memory_space<hbm>>
        %dma_start3A_601 = tpu.memref_slice %arg12[%dma_start3A_590] : memref<3x!tpu.dma_semaphore, #tpu.memory_space<semaphore_mem>> -> memref<1x!tpu.dma_semaphore, #tpu.memory_space<semaphore_mem>>
        %dma_start3A_602 = tpu.memref_squeeze %dma_start3A_601 : memref<1x!tpu.dma_semaphore, #tpu.memory_space<semaphore_mem>> -> memref<!tpu.dma_semaphore, #tpu.memory_space<semaphore_mem>>
        tpu.enqueue_indirect_dma source(%dma_start3A_600 : memref<10000x128xf32, #tpu.memory_space<hbm>>) target(%dma_start3A_594 : memref<80x128xf32, #tpu.memory_space<vmem>>) offsets(%dma_start3A_597 : memref<80xi32, #tpu.memory_space<vmem>>) semaphore(%dma_start3A_602 : memref<!tpu.dma_semaphore, #tpu.memory_space<semaphore_mem>>)
        %dma_wait3A_603 = arith.constant 1 : i32
        %dma_wait3A_604 = arith.constant 1 : i32
        %dma_wait3A_605 = arith.constant 0 : i32
        %dma_wait3A_606 = arith.constant 0 : i32
        %dma_wait3A_607 = tpu.memref_slice %arg10[%dma_wait3A_603, %dma_wait3A_605, %dma_wait3A_606] : memref<3x80x128xf32, #tpu.memory_space<vmem>> -> memref<1x80x128xf32, #tpu.memory_space<vmem>>
        %dma_wait3A_608 = tpu.memref_squeeze %dma_wait3A_607 : memref<1x80x128xf32, #tpu.memory_space<vmem>> -> memref<80x128xf32, #tpu.memory_space<vmem>>
        %dma_wait3A_609 = arith.constant 0 : i32
        %dma_wait3A_610 = tpu.memref_slice %arg8[%add3A_568, %dma_wait3A_609] : memref<125x80xi32, #tpu.memory_space<vmem>> -> memref<1x80xi32, #tpu.memory_space<vmem>>
        %dma_wait3A_611 = tpu.memref_squeeze %dma_wait3A_610 : memref<1x80xi32, #tpu.memory_space<vmem>> -> memref<80xi32, #tpu.memory_space<vmem>>
        %dma_wait3A_612 = arith.constant 0 : i32
        %dma_wait3A_613 = arith.constant 0 : i32
        %dma_wait3A_614 = tpu.memref_slice %arg3[%dma_wait3A_612, %dma_wait3A_613] : memref<10000x128xf32, #tpu.memory_space<hbm>> -> memref<10000x128xf32, #tpu.memory_space<hbm>>
        %dma_wait3A_615 = tpu.memref_slice %arg12[%dma_wait3A_604] : memref<3x!tpu.dma_semaphore, #tpu.memory_space<semaphore_mem>> -> memref<1x!tpu.dma_semaphore, #tpu.memory_space<semaphore_mem>>
        %dma_wait3A_616 = tpu.memref_squeeze %dma_wait3A_615 : memref<1x!tpu.dma_semaphore, #tpu.memory_space<semaphore_mem>> -> memref<!tpu.dma_semaphore, #tpu.memory_space<semaphore_mem>>
        tpu.wait_indirect_dma semaphore(%dma_wait3A_616 : memref<!tpu.dma_semaphore, #tpu.memory_space<semaphore_mem>>) src(%dma_wait3A_614 : memref<10000x128xf32, #tpu.memory_space<hbm>>) dst(%dma_wait3A_608 : memref<80x128xf32, #tpu.memory_space<vmem>>)
        %dma_start3A_617 = arith.constant 1 : i32
        %dma_start3A_618 = arith.constant 1 : i32
        %dma_start3A_619 = arith.constant 0 : i32
        %dma_start3A_620 = arith.constant 0 : i32
        %dma_start3A_621 = tpu.memref_slice %arg10[%dma_start3A_617, %dma_start3A_619, %dma_start3A_620] : memref<3x80x128xf32, #tpu.memory_space<vmem>> -> memref<1x80x128xf32, #tpu.memory_space<vmem>>
        %dma_start3A_622 = tpu.memref_squeeze %dma_start3A_621 : memref<1x80x128xf32, #tpu.memory_space<vmem>> -> memref<80x128xf32, #tpu.memory_space<vmem>>
        %dma_start3A_623 = arith.constant 0 : i32
        %dma_start3A_624 = tpu.memref_slice %arg9[%add3A_568, %dma_start3A_623] : memref<125x80xi32, #tpu.memory_space<vmem>> -> memref<1x80xi32, #tpu.memory_space<vmem>>
        %dma_start3A_625 = tpu.memref_squeeze %dma_start3A_624 : memref<1x80xi32, #tpu.memory_space<vmem>> -> memref<80xi32, #tpu.memory_space<vmem>>
        %dma_start3A_626 = arith.constant 0 : i32
        %dma_start3A_627 = arith.constant 0 : i32
        %dma_start3A_628 = tpu.memref_slice %arg11[%dma_start3A_626, %dma_start3A_627] : memref<10000x128xf32, #tpu.memory_space<vmem_shared>> -> memref<10000x128xf32, #tpu.memory_space<vmem_shared>>
        %dma_start3A_629 = tpu.memref_slice %arg12[%dma_start3A_618] : memref<3x!tpu.dma_semaphore, #tpu.memory_space<semaphore_mem>> -> memref<1x!tpu.dma_semaphore, #tpu.memory_space<semaphore_mem>>
        %dma_start3A_630 = tpu.memref_squeeze %dma_start3A_629 : memref<1x!tpu.dma_semaphore, #tpu.memory_space<semaphore_mem>> -> memref<!tpu.dma_semaphore, #tpu.memory_space<semaphore_mem>>
        tpu.enqueue_indirect_dma source(%dma_start3A_622 : memref<80x128xf32, #tpu.memory_space<vmem>>) target(%dma_start3A_628 : memref<10000x128xf32, #tpu.memory_space<vmem_shared>>) offsets(%dma_start3A_625 : memref<80xi32, #tpu.memory_space<vmem>>) semaphore(%dma_start3A_630 : memref<!tpu.dma_semaphore, #tpu.memory_space<semaphore_mem>>) {add = true}
        %add3A_631 = arith.constant 2 : i32
        %add3A_632 = arith.addi %mul3A_504, %add3A_631 : i32
        %add3A_633 = arith.constant 1 : i32
        %add3A_634 = arith.addi %add3A_632, %add3A_633 : i32
        %sub3A_635 = arith.constant 3 : i32
        %sub3A_636 = arith.subi %add3A_634, %sub3A_635 : i32
        %dma_wait3A_637 = arith.constant 0 : i32
        %dma_wait3A_638 = arith.constant 0 : i32
        %dma_wait3A_639 = arith.constant 0 : i32
        %dma_wait3A_640 = arith.constant 0 : i32
        %dma_wait3A_641 = tpu.memref_slice %arg10[%dma_wait3A_637, %dma_wait3A_639, %dma_wait3A_640] : memref<3x80x128xf32, #tpu.memory_space<vmem>> -> memref<1x80x128xf32, #tpu.memory_space<vmem>>
        %dma_wait3A_642 = tpu.memref_squeeze %dma_wait3A_641 : memref<1x80x128xf32, #tpu.memory_space<vmem>> -> memref<80x128xf32, #tpu.memory_space<vmem>>
        %dma_wait3A_643 = arith.constant 0 : i32
        %dma_wait3A_644 = tpu.memref_slice %arg9[%sub3A_636, %dma_wait3A_643] : memref<125x80xi32, #tpu.memory_space<vmem>> -> memref<1x80xi32, #tpu.memory_space<vmem>>
        %dma_wait3A_645 = tpu.memref_squeeze %dma_wait3A_644 : memref<1x80xi32, #tpu.memory_space<vmem>> -> memref<80xi32, #tpu.memory_space<vmem>>
        %dma_wait3A_646 = arith.constant 0 : i32
        %dma_wait3A_647 = arith.constant 0 : i32
        %dma_wait3A_648 = tpu.memref_slice %arg11[%dma_wait3A_646, %dma_wait3A_647] : memref<10000x128xf32, #tpu.memory_space<vmem_shared>> -> memref<10000x128xf32, #tpu.memory_space<vmem_shared>>
        %dma_wait3A_649 = tpu.memref_slice %arg12[%dma_wait3A_638] : memref<3x!tpu.dma_semaphore, #tpu.memory_space<semaphore_mem>> -> memref<1x!tpu.dma_semaphore, #tpu.memory_space<semaphore_mem>>
        %dma_wait3A_650 = tpu.memref_squeeze %dma_wait3A_649 : memref<1x!tpu.dma_semaphore, #tpu.memory_space<semaphore_mem>> -> memref<!tpu.dma_semaphore, #tpu.memory_space<semaphore_mem>>
        tpu.wait_indirect_dma semaphore(%dma_wait3A_650 : memref<!tpu.dma_semaphore, #tpu.memory_space<semaphore_mem>>) src(%dma_wait3A_642 : memref<80x128xf32, #tpu.memory_space<vmem>>) dst(%dma_wait3A_648 : memref<10000x128xf32, #tpu.memory_space<vmem_shared>>)
        %add3A_651 = arith.constant 1 : i32
        %add3A_652 = arith.addi %add3A_632, %add3A_651 : i32
        %dma_start3A_653 = arith.constant 0 : i32
        %dma_start3A_654 = arith.constant 0 : i32
        %dma_start3A_655 = arith.constant 0 : i32
        %dma_start3A_656 = arith.constant 0 : i32
        %dma_start3A_657 = tpu.memref_slice %arg10[%dma_start3A_653, %dma_start3A_655, %dma_start3A_656] : memref<3x80x128xf32, #tpu.memory_space<vmem>> -> memref<1x80x128xf32, #tpu.memory_space<vmem>>
        %dma_start3A_658 = tpu.memref_squeeze %dma_start3A_657 : memref<1x80x128xf32, #tpu.memory_space<vmem>> -> memref<80x128xf32, #tpu.memory_space<vmem>>
        %dma_start3A_659 = arith.constant 0 : i32
        %dma_start3A_660 = tpu.memref_slice %arg8[%add3A_652, %dma_start3A_659] : memref<125x80xi32, #tpu.memory_space<vmem>> -> memref<1x80xi32, #tpu.memory_space<vmem>>
        %dma_start3A_661 = tpu.memref_squeeze %dma_start3A_660 : memref<1x80xi32, #tpu.memory_space<vmem>> -> memref<80xi32, #tpu.memory_space<vmem>>
        %dma_start3A_662 = arith.constant 0 : i32
        %dma_start3A_663 = arith.constant 0 : i32
        %dma_start3A_664 = tpu.memref_slice %arg3[%dma_start3A_662, %dma_start3A_663] : memref<10000x128xf32, #tpu.memory_space<hbm>> -> memref<10000x128xf32, #tpu.memory_space<hbm>>
        %dma_start3A_665 = tpu.memref_slice %arg12[%dma_start3A_654] : memref<3x!tpu.dma_semaphore, #tpu.memory_space<semaphore_mem>> -> memref<1x!tpu.dma_semaphore, #tpu.memory_space<semaphore_mem>>
        %dma_start3A_666 = tpu.memref_squeeze %dma_start3A_665 : memref<1x!tpu.dma_semaphore, #tpu.memory_space<semaphore_mem>> -> memref<!tpu.dma_semaphore, #tpu.memory_space<semaphore_mem>>
        tpu.enqueue_indirect_dma source(%dma_start3A_664 : memref<10000x128xf32, #tpu.memory_space<hbm>>) target(%dma_start3A_658 : memref<80x128xf32, #tpu.memory_space<vmem>>) offsets(%dma_start3A_661 : memref<80xi32, #tpu.memory_space<vmem>>) semaphore(%dma_start3A_666 : memref<!tpu.dma_semaphore, #tpu.memory_space<semaphore_mem>>)
        %dma_wait3A_667 = arith.constant 2 : i32
        %dma_wait3A_668 = arith.constant 2 : i32
        %dma_wait3A_669 = arith.constant 0 : i32
        %dma_wait3A_670 = arith.constant 0 : i32
        %dma_wait3A_671 = tpu.memref_slice %arg10[%dma_wait3A_667, %dma_wait3A_669, %dma_wait3A_670] : memref<3x80x128xf32, #tpu.memory_space<vmem>> -> memref<1x80x128xf32, #tpu.memory_space<vmem>>
        %dma_wait3A_672 = tpu.memref_squeeze %dma_wait3A_671 : memref<1x80x128xf32, #tpu.memory_space<vmem>> -> memref<80x128xf32, #tpu.memory_space<vmem>>
        %dma_wait3A_673 = arith.constant 0 : i32
        %dma_wait3A_674 = tpu.memref_slice %arg8[%add3A_632, %dma_wait3A_673] : memref<125x80xi32, #tpu.memory_space<vmem>> -> memref<1x80xi32, #tpu.memory_space<vmem>>
        %dma_wait3A_675 = tpu.memref_squeeze %dma_wait3A_674 : memref<1x80xi32, #tpu.memory_space<vmem>> -> memref<80xi32, #tpu.memory_space<vmem>>
        %dma_wait3A_676 = arith.constant 0 : i32
        %dma_wait3A_677 = arith.constant 0 : i32
        %dma_wait3A_678 = tpu.memref_slice %arg3[%dma_wait3A_676, %dma_wait3A_677] : memref<10000x128xf32, #tpu.memory_space<hbm>> -> memref<10000x128xf32, #tpu.memory_space<hbm>>
        %dma_wait3A_679 = tpu.memref_slice %arg12[%dma_wait3A_668] : memref<3x!tpu.dma_semaphore, #tpu.memory_space<semaphore_mem>> -> memref<1x!tpu.dma_semaphore, #tpu.memory_space<semaphore_mem>>
        %dma_wait3A_680 = tpu.memref_squeeze %dma_wait3A_679 : memref<1x!tpu.dma_semaphore, #tpu.memory_space<semaphore_mem>> -> memref<!tpu.dma_semaphore, #tpu.memory_space<semaphore_mem>>
        tpu.wait_indirect_dma semaphore(%dma_wait3A_680 : memref<!tpu.dma_semaphore, #tpu.memory_space<semaphore_mem>>) src(%dma_wait3A_678 : memref<10000x128xf32, #tpu.memory_space<hbm>>) dst(%dma_wait3A_672 : memref<80x128xf32, #tpu.memory_space<vmem>>)
        %dma_start3A_681 = arith.constant 2 : i32
        %dma_start3A_682 = arith.constant 2 : i32
        %dma_start3A_683 = arith.constant 0 : i32
        %dma_start3A_684 = arith.constant 0 : i32
        %dma_start3A_685 = tpu.memref_slice %arg10[%dma_start3A_681, %dma_start3A_683, %dma_start3A_684] : memref<3x80x128xf32, #tpu.memory_space<vmem>> -> memref<1x80x128xf32, #tpu.memory_space<vmem>>
        %dma_start3A_686 = tpu.memref_squeeze %dma_start3A_685 : memref<1x80x128xf32, #tpu.memory_space<vmem>> -> memref<80x128xf32, #tpu.memory_space<vmem>>
        %dma_start3A_687 = arith.constant 0 : i32
        %dma_start3A_688 = tpu.memref_slice %arg9[%add3A_632, %dma_start3A_687] : memref<125x80xi32, #tpu.memory_space<vmem>> -> memref<1x80xi32, #tpu.memory_space<vmem>>
        %dma_start3A_689 = tpu.memref_squeeze %dma_start3A_688 : memref<1x80xi32, #tpu.memory_space<vmem>> -> memref<80xi32, #tpu.memory_space<vmem>>
        %dma_start3A_690 = arith.constant 0 : i32
        %dma_start3A_691 = arith.constant 0 : i32
        %dma_start3A_692 = tpu.memref_slice %arg11[%dma_start3A_690, %dma_start3A_691] : memref<10000x128xf32, #tpu.memory_space<vmem_shared>> -> memref<10000x128xf32, #tpu.memory_space<vmem_shared>>
        %dma_start3A_693 = tpu.memref_slice %arg12[%dma_start3A_682] : memref<3x!tpu.dma_semaphore, #tpu.memory_space<semaphore_mem>> -> memref<1x!tpu.dma_semaphore, #tpu.memory_space<semaphore_mem>>
        %dma_start3A_694 = tpu.memref_squeeze %dma_start3A_693 : memref<1x!tpu.dma_semaphore, #tpu.memory_space<semaphore_mem>> -> memref<!tpu.dma_semaphore, #tpu.memory_space<semaphore_mem>>
        tpu.enqueue_indirect_dma source(%dma_start3A_686 : memref<80x128xf32, #tpu.memory_space<vmem>>) target(%dma_start3A_692 : memref<10000x128xf32, #tpu.memory_space<vmem_shared>>) offsets(%dma_start3A_689 : memref<80xi32, #tpu.memory_space<vmem>>) semaphore(%dma_start3A_694 : memref<!tpu.dma_semaphore, #tpu.memory_space<semaphore_mem>>) {add = true}
      }
      %scan3A_181 = arith.constant 39 : i32
      %dma_wait3A_182 = arith.constant 1 : i32
      %dma_wait3A_183 = arith.constant 118 : i32
      %dma_wait3A_184 = arith.constant 1 : i32
      %dma_wait3A_185 = arith.constant 0 : i32
      %dma_wait3A_186 = arith.constant 0 : i32
      %dma_wait3A_187 = tpu.memref_slice %arg10[%dma_wait3A_182, %dma_wait3A_185, %dma_wait3A_186] : memref<3x80x128xf32, #tpu.memory_space<vmem>> -> memref<1x80x128xf32, #tpu.memory_space<vmem>>
      %dma_wait3A_188 = tpu.memref_squeeze %dma_wait3A_187 : memref<1x80x128xf32, #tpu.memory_space<vmem>> -> memref<80x128xf32, #tpu.memory_space<vmem>>
      %dma_wait3A_189 = arith.constant 0 : i32
      %dma_wait3A_190 = tpu.memref_slice %arg9[%dma_wait3A_183, %dma_wait3A_189] : memref<125x80xi32, #tpu.memory_space<vmem>> -> memref<1x80xi32, #tpu.memory_space<vmem>>
      %dma_wait3A_191 = tpu.memref_squeeze %dma_wait3A_190 : memref<1x80xi32, #tpu.memory_space<vmem>> -> memref<80xi32, #tpu.memory_space<vmem>>
      %dma_wait3A_192 = arith.constant 0 : i32
      %dma_wait3A_193 = arith.constant 0 : i32
      %dma_wait3A_194 = tpu.memref_slice %arg11[%dma_wait3A_192, %dma_wait3A_193] : memref<10000x128xf32, #tpu.memory_space<vmem_shared>> -> memref<10000x128xf32, #tpu.memory_space<vmem_shared>>
      %dma_wait3A_195 = tpu.memref_slice %arg12[%dma_wait3A_184] : memref<3x!tpu.dma_semaphore, #tpu.memory_space<semaphore_mem>> -> memref<1x!tpu.dma_semaphore, #tpu.memory_space<semaphore_mem>>
      %dma_wait3A_196 = tpu.memref_squeeze %dma_wait3A_195 : memref<1x!tpu.dma_semaphore, #tpu.memory_space<semaphore_mem>> -> memref<!tpu.dma_semaphore, #tpu.memory_space<semaphore_mem>>
      tpu.wait_indirect_dma semaphore(%dma_wait3A_196 : memref<!tpu.dma_semaphore, #tpu.memory_space<semaphore_mem>>) src(%dma_wait3A_188 : memref<80x128xf32, #tpu.memory_space<vmem>>) dst(%dma_wait3A_194 : memref<10000x128xf32, #tpu.memory_space<vmem_shared>>)
      %dma_start3A_197 = arith.constant 121 : i32
      %dma_start3A_198 = arith.constant 1 : i32
      %dma_start3A_199 = arith.constant 1 : i32
      %dma_start3A_200 = arith.constant 0 : i32
      %dma_start3A_201 = arith.constant 0 : i32
      %dma_start3A_202 = tpu.memref_slice %arg10[%dma_start3A_198, %dma_start3A_200, %dma_start3A_201] : memref<3x80x128xf32, #tpu.memory_space<vmem>> -> memref<1x80x128xf32, #tpu.memory_space<vmem>>
      %dma_start3A_203 = tpu.memref_squeeze %dma_start3A_202 : memref<1x80x128xf32, #tpu.memory_space<vmem>> -> memref<80x128xf32, #tpu.memory_space<vmem>>
      %dma_start3A_204 = arith.constant 0 : i32
      %dma_start3A_205 = tpu.memref_slice %arg8[%dma_start3A_197, %dma_start3A_204] : memref<125x80xi32, #tpu.memory_space<vmem>> -> memref<1x80xi32, #tpu.memory_space<vmem>>
      %dma_start3A_206 = tpu.memref_squeeze %dma_start3A_205 : memref<1x80xi32, #tpu.memory_space<vmem>> -> memref<80xi32, #tpu.memory_space<vmem>>
      %dma_start3A_207 = arith.constant 0 : i32
      %dma_start3A_208 = arith.constant 0 : i32
      %dma_start3A_209 = tpu.memref_slice %arg3[%dma_start3A_207, %dma_start3A_208] : memref<10000x128xf32, #tpu.memory_space<hbm>> -> memref<10000x128xf32, #tpu.memory_space<hbm>>
      %dma_start3A_210 = tpu.memref_slice %arg12[%dma_start3A_199] : memref<3x!tpu.dma_semaphore, #tpu.memory_space<semaphore_mem>> -> memref<1x!tpu.dma_semaphore, #tpu.memory_space<semaphore_mem>>
      %dma_start3A_211 = tpu.memref_squeeze %dma_start3A_210 : memref<1x!tpu.dma_semaphore, #tpu.memory_space<semaphore_mem>> -> memref<!tpu.dma_semaphore, #tpu.memory_space<semaphore_mem>>
      tpu.enqueue_indirect_dma source(%dma_start3A_209 : memref<10000x128xf32, #tpu.memory_space<hbm>>) target(%dma_start3A_203 : memref<80x128xf32, #tpu.memory_space<vmem>>) offsets(%dma_start3A_206 : memref<80xi32, #tpu.memory_space<vmem>>) semaphore(%dma_start3A_211 : memref<!tpu.dma_semaphore, #tpu.memory_space<semaphore_mem>>)
      %dma_wait3A_212 = arith.constant 120 : i32
      %dma_wait3A_213 = arith.constant 0 : i32
      %dma_wait3A_214 = arith.constant 0 : i32
      %dma_wait3A_215 = arith.constant 0 : i32
      %dma_wait3A_216 = arith.constant 0 : i32
      %dma_wait3A_217 = tpu.memref_slice %arg10[%dma_wait3A_213, %dma_wait3A_215, %dma_wait3A_216] : memref<3x80x128xf32, #tpu.memory_space<vmem>> -> memref<1x80x128xf32, #tpu.memory_space<vmem>>
      %dma_wait3A_218 = tpu.memref_squeeze %dma_wait3A_217 : memref<1x80x128xf32, #tpu.memory_space<vmem>> -> memref<80x128xf32, #tpu.memory_space<vmem>>
      %dma_wait3A_219 = arith.constant 0 : i32
      %dma_wait3A_220 = tpu.memref_slice %arg8[%dma_wait3A_212, %dma_wait3A_219] : memref<125x80xi32, #tpu.memory_space<vmem>> -> memref<1x80xi32, #tpu.memory_space<vmem>>
      %dma_wait3A_221 = tpu.memref_squeeze %dma_wait3A_220 : memref<1x80xi32, #tpu.memory_space<vmem>> -> memref<80xi32, #tpu.memory_space<vmem>>
      %dma_wait3A_222 = arith.constant 0 : i32
      %dma_wait3A_223 = arith.constant 0 : i32
      %dma_wait3A_224 = tpu.memref_slice %arg3[%dma_wait3A_222, %dma_wait3A_223] : memref<10000x128xf32, #tpu.memory_space<hbm>> -> memref<10000x128xf32, #tpu.memory_space<hbm>>
      %dma_wait3A_225 = tpu.memref_slice %arg12[%dma_wait3A_214] : memref<3x!tpu.dma_semaphore, #tpu.memory_space<semaphore_mem>> -> memref<1x!tpu.dma_semaphore, #tpu.memory_space<semaphore_mem>>
      %dma_wait3A_226 = tpu.memref_squeeze %dma_wait3A_225 : memref<1x!tpu.dma_semaphore, #tpu.memory_space<semaphore_mem>> -> memref<!tpu.dma_semaphore, #tpu.memory_space<semaphore_mem>>
      tpu.wait_indirect_dma semaphore(%dma_wait3A_226 : memref<!tpu.dma_semaphore, #tpu.memory_space<semaphore_mem>>) src(%dma_wait3A_224 : memref<10000x128xf32, #tpu.memory_space<hbm>>) dst(%dma_wait3A_218 : memref<80x128xf32, #tpu.memory_space<vmem>>)
      %dma_start3A_227 = arith.constant 0 : i32
      %dma_start3A_228 = arith.constant 120 : i32
      %dma_start3A_229 = arith.constant 0 : i32
      %dma_start3A_230 = arith.constant 0 : i32
      %dma_start3A_231 = arith.constant 0 : i32
      %dma_start3A_232 = tpu.memref_slice %arg10[%dma_start3A_227, %dma_start3A_230, %dma_start3A_231] : memref<3x80x128xf32, #tpu.memory_space<vmem>> -> memref<1x80x128xf32, #tpu.memory_space<vmem>>
      %dma_start3A_233 = tpu.memref_squeeze %dma_start3A_232 : memref<1x80x128xf32, #tpu.memory_space<vmem>> -> memref<80x128xf32, #tpu.memory_space<vmem>>
      %dma_start3A_234 = arith.constant 0 : i32
      %dma_start3A_235 = tpu.memref_slice %arg9[%dma_start3A_228, %dma_start3A_234] : memref<125x80xi32, #tpu.memory_space<vmem>> -> memref<1x80xi32, #tpu.memory_space<vmem>>
      %dma_start3A_236 = tpu.memref_squeeze %dma_start3A_235 : memref<1x80xi32, #tpu.memory_space<vmem>> -> memref<80xi32, #tpu.memory_space<vmem>>
      %dma_start3A_237 = arith.constant 0 : i32
      %dma_start3A_238 = arith.constant 0 : i32
      %dma_start3A_239 = tpu.memref_slice %arg11[%dma_start3A_237, %dma_start3A_238] : memref<10000x128xf32, #tpu.memory_space<vmem_shared>> -> memref<10000x128xf32, #tpu.memory_space<vmem_shared>>
      %dma_start3A_240 = tpu.memref_slice %arg12[%dma_start3A_229] : memref<3x!tpu.dma_semaphore, #tpu.memory_space<semaphore_mem>> -> memref<1x!tpu.dma_semaphore, #tpu.memory_space<semaphore_mem>>
      %dma_start3A_241 = tpu.memref_squeeze %dma_start3A_240 : memref<1x!tpu.dma_semaphore, #tpu.memory_space<semaphore_mem>> -> memref<!tpu.dma_semaphore, #tpu.memory_space<semaphore_mem>>
      tpu.enqueue_indirect_dma source(%dma_start3A_233 : memref<80x128xf32, #tpu.memory_space<vmem>>) target(%dma_start3A_239 : memref<10000x128xf32, #tpu.memory_space<vmem_shared>>) offsets(%dma_start3A_236 : memref<80xi32, #tpu.memory_space<vmem>>) semaphore(%dma_start3A_241 : memref<!tpu.dma_semaphore, #tpu.memory_space<semaphore_mem>>) {add = true}
      %dma_wait3A_242 = arith.constant 2 : i32
      %dma_wait3A_243 = arith.constant 119 : i32
      %dma_wait3A_244 = arith.constant 2 : i32
      %dma_wait3A_245 = arith.constant 0 : i32
      %dma_wait3A_246 = arith.constant 0 : i32
      %dma_wait3A_247 = tpu.memref_slice %arg10[%dma_wait3A_242, %dma_wait3A_245, %dma_wait3A_246] : memref<3x80x128xf32, #tpu.memory_space<vmem>> -> memref<1x80x128xf32, #tpu.memory_space<vmem>>
      %dma_wait3A_248 = tpu.memref_squeeze %dma_wait3A_247 : memref<1x80x128xf32, #tpu.memory_space<vmem>> -> memref<80x128xf32, #tpu.memory_space<vmem>>
      %dma_wait3A_249 = arith.constant 0 : i32
      %dma_wait3A_250 = tpu.memref_slice %arg9[%dma_wait3A_243, %dma_wait3A_249] : memref<125x80xi32, #tpu.memory_space<vmem>> -> memref<1x80xi32, #tpu.memory_space<vmem>>
      %dma_wait3A_251 = tpu.memref_squeeze %dma_wait3A_250 : memref<1x80xi32, #tpu.memory_space<vmem>> -> memref<80xi32, #tpu.memory_space<vmem>>
      %dma_wait3A_252 = arith.constant 0 : i32
      %dma_wait3A_253 = arith.constant 0 : i32
      %dma_wait3A_254 = tpu.memref_slice %arg11[%dma_wait3A_252, %dma_wait3A_253] : memref<10000x128xf32, #tpu.memory_space<vmem_shared>> -> memref<10000x128xf32, #tpu.memory_space<vmem_shared>>
      %dma_wait3A_255 = tpu.memref_slice %arg12[%dma_wait3A_244] : memref<3x!tpu.dma_semaphore, #tpu.memory_space<semaphore_mem>> -> memref<1x!tpu.dma_semaphore, #tpu.memory_space<semaphore_mem>>
      %dma_wait3A_256 = tpu.memref_squeeze %dma_wait3A_255 : memref<1x!tpu.dma_semaphore, #tpu.memory_space<semaphore_mem>> -> memref<!tpu.dma_semaphore, #tpu.memory_space<semaphore_mem>>
      tpu.wait_indirect_dma semaphore(%dma_wait3A_256 : memref<!tpu.dma_semaphore, #tpu.memory_space<semaphore_mem>>) src(%dma_wait3A_248 : memref<80x128xf32, #tpu.memory_space<vmem>>) dst(%dma_wait3A_254 : memref<10000x128xf32, #tpu.memory_space<vmem_shared>>)
      %dma_start3A_257 = arith.constant 122 : i32
      %dma_start3A_258 = arith.constant 2 : i32
      %dma_start3A_259 = arith.constant 2 : i32
      %dma_start3A_260 = arith.constant 0 : i32
      %dma_start3A_261 = arith.constant 0 : i32
      %dma_start3A_262 = tpu.memref_slice %arg10[%dma_start3A_258, %dma_start3A_260, %dma_start3A_261] : memref<3x80x128xf32, #tpu.memory_space<vmem>> -> memref<1x80x128xf32, #tpu.memory_space<vmem>>
      %dma_start3A_263 = tpu.memref_squeeze %dma_start3A_262 : memref<1x80x128xf32, #tpu.memory_space<vmem>> -> memref<80x128xf32, #tpu.memory_space<vmem>>
      %dma_start3A_264 = arith.constant 0 : i32
      %dma_start3A_265 = tpu.memref_slice %arg8[%dma_start3A_257, %dma_start3A_264] : memref<125x80xi32, #tpu.memory_space<vmem>> -> memref<1x80xi32, #tpu.memory_space<vmem>>
      %dma_start3A_266 = tpu.memref_squeeze %dma_start3A_265 : memref<1x80xi32, #tpu.memory_space<vmem>> -> memref<80xi32, #tpu.memory_space<vmem>>
      %dma_start3A_267 = arith.constant 0 : i32
      %dma_start3A_268 = arith.constant 0 : i32
      %dma_start3A_269 = tpu.memref_slice %arg3[%dma_start3A_267, %dma_start3A_268] : memref<10000x128xf32, #tpu.memory_space<hbm>> -> memref<10000x128xf32, #tpu.memory_space<hbm>>
      %dma_start3A_270 = tpu.memref_slice %arg12[%dma_start3A_259] : memref<3x!tpu.dma_semaphore, #tpu.memory_space<semaphore_mem>> -> memref<1x!tpu.dma_semaphore, #tpu.memory_space<semaphore_mem>>
      %dma_start3A_271 = tpu.memref_squeeze %dma_start3A_270 : memref<1x!tpu.dma_semaphore, #tpu.memory_space<semaphore_mem>> -> memref<!tpu.dma_semaphore, #tpu.memory_space<semaphore_mem>>
      tpu.enqueue_indirect_dma source(%dma_start3A_269 : memref<10000x128xf32, #tpu.memory_space<hbm>>) target(%dma_start3A_263 : memref<80x128xf32, #tpu.memory_space<vmem>>) offsets(%dma_start3A_266 : memref<80xi32, #tpu.memory_space<vmem>>) semaphore(%dma_start3A_271 : memref<!tpu.dma_semaphore, #tpu.memory_space<semaphore_mem>>)
      %dma_wait3A_272 = arith.constant 121 : i32
      %dma_wait3A_273 = arith.constant 1 : i32
      %dma_wait3A_274 = arith.constant 1 : i32
      %dma_wait3A_275 = arith.constant 0 : i32
      %dma_wait3A_276 = arith.constant 0 : i32
      %dma_wait3A_277 = tpu.memref_slice %arg10[%dma_wait3A_273, %dma_wait3A_275, %dma_wait3A_276] : memref<3x80x128xf32, #tpu.memory_space<vmem>> -> memref<1x80x128xf32, #tpu.memory_space<vmem>>
      %dma_wait3A_278 = tpu.memref_squeeze %dma_wait3A_277 : memref<1x80x128xf32, #tpu.memory_space<vmem>> -> memref<80x128xf32, #tpu.memory_space<vmem>>
      %dma_wait3A_279 = arith.constant 0 : i32
      %dma_wait3A_280 = tpu.memref_slice %arg8[%dma_wait3A_272, %dma_wait3A_279] : memref<125x80xi32, #tpu.memory_space<vmem>> -> memref<1x80xi32, #tpu.memory_space<vmem>>
      %dma_wait3A_281 = tpu.memref_squeeze %dma_wait3A_280 : memref<1x80xi32, #tpu.memory_space<vmem>> -> memref<80xi32, #tpu.memory_space<vmem>>
      %dma_wait3A_282 = arith.constant 0 : i32
      %dma_wait3A_283 = arith.constant 0 : i32
      %dma_wait3A_284 = tpu.memref_slice %arg3[%dma_wait3A_282, %dma_wait3A_283] : memref<10000x128xf32, #tpu.memory_space<hbm>> -> memref<10000x128xf32, #tpu.memory_space<hbm>>
      %dma_wait3A_285 = tpu.memref_slice %arg12[%dma_wait3A_274] : memref<3x!tpu.dma_semaphore, #tpu.memory_space<semaphore_mem>> -> memref<1x!tpu.dma_semaphore, #tpu.memory_space<semaphore_mem>>
      %dma_wait3A_286 = tpu.memref_squeeze %dma_wait3A_285 : memref<1x!tpu.dma_semaphore, #tpu.memory_space<semaphore_mem>> -> memref<!tpu.dma_semaphore, #tpu.memory_space<semaphore_mem>>
      tpu.wait_indirect_dma semaphore(%dma_wait3A_286 : memref<!tpu.dma_semaphore, #tpu.memory_space<semaphore_mem>>) src(%dma_wait3A_284 : memref<10000x128xf32, #tpu.memory_space<hbm>>) dst(%dma_wait3A_278 : memref<80x128xf32, #tpu.memory_space<vmem>>)
      %dma_start3A_287 = arith.constant 1 : i32
      %dma_start3A_288 = arith.constant 121 : i32
      %dma_start3A_289 = arith.constant 1 : i32
      %dma_start3A_290 = arith.constant 0 : i32
      %dma_start3A_291 = arith.constant 0 : i32
      %dma_start3A_292 = tpu.memref_slice %arg10[%dma_start3A_287, %dma_start3A_290, %dma_start3A_291] : memref<3x80x128xf32, #tpu.memory_space<vmem>> -> memref<1x80x128xf32, #tpu.memory_space<vmem>>
      %dma_start3A_293 = tpu.memref_squeeze %dma_start3A_292 : memref<1x80x128xf32, #tpu.memory_space<vmem>> -> memref<80x128xf32, #tpu.memory_space<vmem>>
      %dma_start3A_294 = arith.constant 0 : i32
      %dma_start3A_295 = tpu.memref_slice %arg9[%dma_start3A_288, %dma_start3A_294] : memref<125x80xi32, #tpu.memory_space<vmem>> -> memref<1x80xi32, #tpu.memory_space<vmem>>
      %dma_start3A_296 = tpu.memref_squeeze %dma_start3A_295 : memref<1x80xi32, #tpu.memory_space<vmem>> -> memref<80xi32, #tpu.memory_space<vmem>>
      %dma_start3A_297 = arith.constant 0 : i32
      %dma_start3A_298 = arith.constant 0 : i32
      %dma_start3A_299 = tpu.memref_slice %arg11[%dma_start3A_297, %dma_start3A_298] : memref<10000x128xf32, #tpu.memory_space<vmem_shared>> -> memref<10000x128xf32, #tpu.memory_space<vmem_shared>>
      %dma_start3A_300 = tpu.memref_slice %arg12[%dma_start3A_289] : memref<3x!tpu.dma_semaphore, #tpu.memory_space<semaphore_mem>> -> memref<1x!tpu.dma_semaphore, #tpu.memory_space<semaphore_mem>>
      %dma_start3A_301 = tpu.memref_squeeze %dma_start3A_300 : memref<1x!tpu.dma_semaphore, #tpu.memory_space<semaphore_mem>> -> memref<!tpu.dma_semaphore, #tpu.memory_space<semaphore_mem>>
      tpu.enqueue_indirect_dma source(%dma_start3A_293 : memref<80x128xf32, #tpu.memory_space<vmem>>) target(%dma_start3A_299 : memref<10000x128xf32, #tpu.memory_space<vmem_shared>>) offsets(%dma_start3A_296 : memref<80xi32, #tpu.memory_space<vmem>>) semaphore(%dma_start3A_301 : memref<!tpu.dma_semaphore, #tpu.memory_space<semaphore_mem>>) {add = true}
      %dma_wait3A_302 = arith.constant 0 : i32
      %dma_wait3A_303 = arith.constant 120 : i32
      %dma_wait3A_304 = arith.constant 0 : i32
      %dma_wait3A_305 = arith.constant 0 : i32
      %dma_wait3A_306 = arith.constant 0 : i32
      %dma_wait3A_307 = tpu.memref_slice %arg10[%dma_wait3A_302, %dma_wait3A_305, %dma_wait3A_306] : memref<3x80x128xf32, #tpu.memory_space<vmem>> -> memref<1x80x128xf32, #tpu.memory_space<vmem>>
      %dma_wait3A_308 = tpu.memref_squeeze %dma_wait3A_307 : memref<1x80x128xf32, #tpu.memory_space<vmem>> -> memref<80x128xf32, #tpu.memory_space<vmem>>
      %dma_wait3A_309 = arith.constant 0 : i32
      %dma_wait3A_310 = tpu.memref_slice %arg9[%dma_wait3A_303, %dma_wait3A_309] : memref<125x80xi32, #tpu.memory_space<vmem>> -> memref<1x80xi32, #tpu.memory_space<vmem>>
      %dma_wait3A_311 = tpu.memref_squeeze %dma_wait3A_310 : memref<1x80xi32, #tpu.memory_space<vmem>> -> memref<80xi32, #tpu.memory_space<vmem>>
      %dma_wait3A_312 = arith.constant 0 : i32
      %dma_wait3A_313 = arith.constant 0 : i32
      %dma_wait3A_314 = tpu.memref_slice %arg11[%dma_wait3A_312, %dma_wait3A_313] : memref<10000x128xf32, #tpu.memory_space<vmem_shared>> -> memref<10000x128xf32, #tpu.memory_space<vmem_shared>>
      %dma_wait3A_315 = tpu.memref_slice %arg12[%dma_wait3A_304] : memref<3x!tpu.dma_semaphore, #tpu.memory_space<semaphore_mem>> -> memref<1x!tpu.dma_semaphore, #tpu.memory_space<semaphore_mem>>
      %dma_wait3A_316 = tpu.memref_squeeze %dma_wait3A_315 : memref<1x!tpu.dma_semaphore, #tpu.memory_space<semaphore_mem>> -> memref<!tpu.dma_semaphore, #tpu.memory_space<semaphore_mem>>
      tpu.wait_indirect_dma semaphore(%dma_wait3A_316 : memref<!tpu.dma_semaphore, #tpu.memory_space<semaphore_mem>>) src(%dma_wait3A_308 : memref<80x128xf32, #tpu.memory_space<vmem>>) dst(%dma_wait3A_314 : memref<10000x128xf32, #tpu.memory_space<vmem_shared>>)
      %dma_start3A_317 = arith.constant 123 : i32
      %dma_start3A_318 = arith.constant 0 : i32
      %dma_start3A_319 = arith.constant 0 : i32
      %dma_start3A_320 = arith.constant 0 : i32
      %dma_start3A_321 = arith.constant 0 : i32
      %dma_start3A_322 = tpu.memref_slice %arg10[%dma_start3A_318, %dma_start3A_320, %dma_start3A_321] : memref<3x80x128xf32, #tpu.memory_space<vmem>> -> memref<1x80x128xf32, #tpu.memory_space<vmem>>
      %dma_start3A_323 = tpu.memref_squeeze %dma_start3A_322 : memref<1x80x128xf32, #tpu.memory_space<vmem>> -> memref<80x128xf32, #tpu.memory_space<vmem>>
      %dma_start3A_324 = arith.constant 0 : i32
      %dma_start3A_325 = tpu.memref_slice %arg8[%dma_start3A_317, %dma_start3A_324] : memref<125x80xi32, #tpu.memory_space<vmem>> -> memref<1x80xi32, #tpu.memory_space<vmem>>
      %dma_start3A_326 = tpu.memref_squeeze %dma_start3A_325 : memref<1x80xi32, #tpu.memory_space<vmem>> -> memref<80xi32, #tpu.memory_space<vmem>>
      %dma_start3A_327 = arith.constant 0 : i32
      %dma_start3A_328 = arith.constant 0 : i32
      %dma_start3A_329 = tpu.memref_slice %arg3[%dma_start3A_327, %dma_start3A_328] : memref<10000x128xf32, #tpu.memory_space<hbm>> -> memref<10000x128xf32, #tpu.memory_space<hbm>>
      %dma_start3A_330 = tpu.memref_slice %arg12[%dma_start3A_319] : memref<3x!tpu.dma_semaphore, #tpu.memory_space<semaphore_mem>> -> memref<1x!tpu.dma_semaphore, #tpu.memory_space<semaphore_mem>>
      %dma_start3A_331 = tpu.memref_squeeze %dma_start3A_330 : memref<1x!tpu.dma_semaphore, #tpu.memory_space<semaphore_mem>> -> memref<!tpu.dma_semaphore, #tpu.memory_space<semaphore_mem>>
      tpu.enqueue_indirect_dma source(%dma_start3A_329 : memref<10000x128xf32, #tpu.memory_space<hbm>>) target(%dma_start3A_323 : memref<80x128xf32, #tpu.memory_space<vmem>>) offsets(%dma_start3A_326 : memref<80xi32, #tpu.memory_space<vmem>>) semaphore(%dma_start3A_331 : memref<!tpu.dma_semaphore, #tpu.memory_space<semaphore_mem>>)
      %dma_wait3A_332 = arith.constant 122 : i32
      %dma_wait3A_333 = arith.constant 2 : i32
      %dma_wait3A_334 = arith.constant 2 : i32
      %dma_wait3A_335 = arith.constant 0 : i32
      %dma_wait3A_336 = arith.constant 0 : i32
      %dma_wait3A_337 = tpu.memref_slice %arg10[%dma_wait3A_333, %dma_wait3A_335, %dma_wait3A_336] : memref<3x80x128xf32, #tpu.memory_space<vmem>> -> memref<1x80x128xf32, #tpu.memory_space<vmem>>
      %dma_wait3A_338 = tpu.memref_squeeze %dma_wait3A_337 : memref<1x80x128xf32, #tpu.memory_space<vmem>> -> memref<80x128xf32, #tpu.memory_space<vmem>>
      %dma_wait3A_339 = arith.constant 0 : i32
      %dma_wait3A_340 = tpu.memref_slice %arg8[%dma_wait3A_332, %dma_wait3A_339] : memref<125x80xi32, #tpu.memory_space<vmem>> -> memref<1x80xi32, #tpu.memory_space<vmem>>
      %dma_wait3A_341 = tpu.memref_squeeze %dma_wait3A_340 : memref<1x80xi32, #tpu.memory_space<vmem>> -> memref<80xi32, #tpu.memory_space<vmem>>
      %dma_wait3A_342 = arith.constant 0 : i32
      %dma_wait3A_343 = arith.constant 0 : i32
      %dma_wait3A_344 = tpu.memref_slice %arg3[%dma_wait3A_342, %dma_wait3A_343] : memref<10000x128xf32, #tpu.memory_space<hbm>> -> memref<10000x128xf32, #tpu.memory_space<hbm>>
      %dma_wait3A_345 = tpu.memref_slice %arg12[%dma_wait3A_334] : memref<3x!tpu.dma_semaphore, #tpu.memory_space<semaphore_mem>> -> memref<1x!tpu.dma_semaphore, #tpu.memory_space<semaphore_mem>>
      %dma_wait3A_346 = tpu.memref_squeeze %dma_wait3A_345 : memref<1x!tpu.dma_semaphore, #tpu.memory_space<semaphore_mem>> -> memref<!tpu.dma_semaphore, #tpu.memory_space<semaphore_mem>>
      tpu.wait_indirect_dma semaphore(%dma_wait3A_346 : memref<!tpu.dma_semaphore, #tpu.memory_space<semaphore_mem>>) src(%dma_wait3A_344 : memref<10000x128xf32, #tpu.memory_space<hbm>>) dst(%dma_wait3A_338 : memref<80x128xf32, #tpu.memory_space<vmem>>)
      %dma_start3A_347 = arith.constant 2 : i32
      %dma_start3A_348 = arith.constant 122 : i32
      %dma_start3A_349 = arith.constant 2 : i32
      %dma_start3A_350 = arith.constant 0 : i32
      %dma_start3A_351 = arith.constant 0 : i32
      %dma_start3A_352 = tpu.memref_slice %arg10[%dma_start3A_347, %dma_start3A_350, %dma_start3A_351] : memref<3x80x128xf32, #tpu.memory_space<vmem>> -> memref<1x80x128xf32, #tpu.memory_space<vmem>>
      %dma_start3A_353 = tpu.memref_squeeze %dma_start3A_352 : memref<1x80x128xf32, #tpu.memory_space<vmem>> -> memref<80x128xf32, #tpu.memory_space<vmem>>
      %dma_start3A_354 = arith.constant 0 : i32
      %dma_start3A_355 = tpu.memref_slice %arg9[%dma_start3A_348, %dma_start3A_354] : memref<125x80xi32, #tpu.memory_space<vmem>> -> memref<1x80xi32, #tpu.memory_space<vmem>>
      %dma_start3A_356 = tpu.memref_squeeze %dma_start3A_355 : memref<1x80xi32, #tpu.memory_space<vmem>> -> memref<80xi32, #tpu.memory_space<vmem>>
      %dma_start3A_357 = arith.constant 0 : i32
      %dma_start3A_358 = arith.constant 0 : i32
      %dma_start3A_359 = tpu.memref_slice %arg11[%dma_start3A_357, %dma_start3A_358] : memref<10000x128xf32, #tpu.memory_space<vmem_shared>> -> memref<10000x128xf32, #tpu.memory_space<vmem_shared>>
      %dma_start3A_360 = tpu.memref_slice %arg12[%dma_start3A_349] : memref<3x!tpu.dma_semaphore, #tpu.memory_space<semaphore_mem>> -> memref<1x!tpu.dma_semaphore, #tpu.memory_space<semaphore_mem>>
      %dma_start3A_361 = tpu.memref_squeeze %dma_start3A_360 : memref<1x!tpu.dma_semaphore, #tpu.memory_space<semaphore_mem>> -> memref<!tpu.dma_semaphore, #tpu.memory_space<semaphore_mem>>
      tpu.enqueue_indirect_dma source(%dma_start3A_353 : memref<80x128xf32, #tpu.memory_space<vmem>>) target(%dma_start3A_359 : memref<10000x128xf32, #tpu.memory_space<vmem_shared>>) offsets(%dma_start3A_356 : memref<80xi32, #tpu.memory_space<vmem>>) semaphore(%dma_start3A_361 : memref<!tpu.dma_semaphore, #tpu.memory_space<semaphore_mem>>) {add = true}
      %dma_wait3A_362 = arith.constant 1 : i32
      %dma_wait3A_363 = arith.constant 121 : i32
      %dma_wait3A_364 = arith.constant 1 : i32
      %dma_wait3A_365 = arith.constant 0 : i32
      %dma_wait3A_366 = arith.constant 0 : i32
      %dma_wait3A_367 = tpu.memref_slice %arg10[%dma_wait3A_362, %dma_wait3A_365, %dma_wait3A_366] : memref<3x80x128xf32, #tpu.memory_space<vmem>> -> memref<1x80x128xf32, #tpu.memory_space<vmem>>
      %dma_wait3A_368 = tpu.memref_squeeze %dma_wait3A_367 : memref<1x80x128xf32, #tpu.memory_space<vmem>> -> memref<80x128xf32, #tpu.memory_space<vmem>>
      %dma_wait3A_369 = arith.constant 0 : i32
      %dma_wait3A_370 = tpu.memref_slice %arg9[%dma_wait3A_363, %dma_wait3A_369] : memref<125x80xi32, #tpu.memory_space<vmem>> -> memref<1x80xi32, #tpu.memory_space<vmem>>
      %dma_wait3A_371 = tpu.memref_squeeze %dma_wait3A_370 : memref<1x80xi32, #tpu.memory_space<vmem>> -> memref<80xi32, #tpu.memory_space<vmem>>
      %dma_wait3A_372 = arith.constant 0 : i32
      %dma_wait3A_373 = arith.constant 0 : i32
      %dma_wait3A_374 = tpu.memref_slice %arg11[%dma_wait3A_372, %dma_wait3A_373] : memref<10000x128xf32, #tpu.memory_space<vmem_shared>> -> memref<10000x128xf32, #tpu.memory_space<vmem_shared>>
      %dma_wait3A_375 = tpu.memref_slice %arg12[%dma_wait3A_364] : memref<3x!tpu.dma_semaphore, #tpu.memory_space<semaphore_mem>> -> memref<1x!tpu.dma_semaphore, #tpu.memory_space<semaphore_mem>>
      %dma_wait3A_376 = tpu.memref_squeeze %dma_wait3A_375 : memref<1x!tpu.dma_semaphore, #tpu.memory_space<semaphore_mem>> -> memref<!tpu.dma_semaphore, #tpu.memory_space<semaphore_mem>>
      tpu.wait_indirect_dma semaphore(%dma_wait3A_376 : memref<!tpu.dma_semaphore, #tpu.memory_space<semaphore_mem>>) src(%dma_wait3A_368 : memref<80x128xf32, #tpu.memory_space<vmem>>) dst(%dma_wait3A_374 : memref<10000x128xf32, #tpu.memory_space<vmem_shared>>)
      %dma_start3A_377 = arith.constant 124 : i32
      %dma_start3A_378 = arith.constant 1 : i32
      %dma_start3A_379 = arith.constant 1 : i32
      %dma_start3A_380 = arith.constant 0 : i32
      %dma_start3A_381 = arith.constant 0 : i32
      %dma_start3A_382 = tpu.memref_slice %arg10[%dma_start3A_378, %dma_start3A_380, %dma_start3A_381] : memref<3x80x128xf32, #tpu.memory_space<vmem>> -> memref<1x80x128xf32, #tpu.memory_space<vmem>>
      %dma_start3A_383 = tpu.memref_squeeze %dma_start3A_382 : memref<1x80x128xf32, #tpu.memory_space<vmem>> -> memref<80x128xf32, #tpu.memory_space<vmem>>
      %dma_start3A_384 = arith.constant 0 : i32
      %dma_start3A_385 = tpu.memref_slice %arg8[%dma_start3A_377, %dma_start3A_384] : memref<125x80xi32, #tpu.memory_space<vmem>> -> memref<1x80xi32, #tpu.memory_space<vmem>>
      %dma_start3A_386 = tpu.memref_squeeze %dma_start3A_385 : memref<1x80xi32, #tpu.memory_space<vmem>> -> memref<80xi32, #tpu.memory_space<vmem>>
      %dma_start3A_387 = arith.constant 0 : i32
      %dma_start3A_388 = arith.constant 0 : i32
      %dma_start3A_389 = tpu.memref_slice %arg3[%dma_start3A_387, %dma_start3A_388] : memref<10000x128xf32, #tpu.memory_space<hbm>> -> memref<10000x128xf32, #tpu.memory_space<hbm>>
      %dma_start3A_390 = tpu.memref_slice %arg12[%dma_start3A_379] : memref<3x!tpu.dma_semaphore, #tpu.memory_space<semaphore_mem>> -> memref<1x!tpu.dma_semaphore, #tpu.memory_space<semaphore_mem>>
      %dma_start3A_391 = tpu.memref_squeeze %dma_start3A_390 : memref<1x!tpu.dma_semaphore, #tpu.memory_space<semaphore_mem>> -> memref<!tpu.dma_semaphore, #tpu.memory_space<semaphore_mem>>
      tpu.enqueue_indirect_dma source(%dma_start3A_389 : memref<10000x128xf32, #tpu.memory_space<hbm>>) target(%dma_start3A_383 : memref<80x128xf32, #tpu.memory_space<vmem>>) offsets(%dma_start3A_386 : memref<80xi32, #tpu.memory_space<vmem>>) semaphore(%dma_start3A_391 : memref<!tpu.dma_semaphore, #tpu.memory_space<semaphore_mem>>)
      %dma_wait3A_392 = arith.constant 123 : i32
      %dma_wait3A_393 = arith.constant 0 : i32
      %dma_wait3A_394 = arith.constant 0 : i32
      %dma_wait3A_395 = arith.constant 0 : i32
      %dma_wait3A_396 = arith.constant 0 : i32
      %dma_wait3A_397 = tpu.memref_slice %arg10[%dma_wait3A_393, %dma_wait3A_395, %dma_wait3A_396] : memref<3x80x128xf32, #tpu.memory_space<vmem>> -> memref<1x80x128xf32, #tpu.memory_space<vmem>>
      %dma_wait3A_398 = tpu.memref_squeeze %dma_wait3A_397 : memref<1x80x128xf32, #tpu.memory_space<vmem>> -> memref<80x128xf32, #tpu.memory_space<vmem>>
      %dma_wait3A_399 = arith.constant 0 : i32
      %dma_wait3A_400 = tpu.memref_slice %arg8[%dma_wait3A_392, %dma_wait3A_399] : memref<125x80xi32, #tpu.memory_space<vmem>> -> memref<1x80xi32, #tpu.memory_space<vmem>>
      %dma_wait3A_401 = tpu.memref_squeeze %dma_wait3A_400 : memref<1x80xi32, #tpu.memory_space<vmem>> -> memref<80xi32, #tpu.memory_space<vmem>>
      %dma_wait3A_402 = arith.constant 0 : i32
      %dma_wait3A_403 = arith.constant 0 : i32
      %dma_wait3A_404 = tpu.memref_slice %arg3[%dma_wait3A_402, %dma_wait3A_403] : memref<10000x128xf32, #tpu.memory_space<hbm>> -> memref<10000x128xf32, #tpu.memory_space<hbm>>
      %dma_wait3A_405 = tpu.memref_slice %arg12[%dma_wait3A_394] : memref<3x!tpu.dma_semaphore, #tpu.memory_space<semaphore_mem>> -> memref<1x!tpu.dma_semaphore, #tpu.memory_space<semaphore_mem>>
      %dma_wait3A_406 = tpu.memref_squeeze %dma_wait3A_405 : memref<1x!tpu.dma_semaphore, #tpu.memory_space<semaphore_mem>> -> memref<!tpu.dma_semaphore, #tpu.memory_space<semaphore_mem>>
      tpu.wait_indirect_dma semaphore(%dma_wait3A_406 : memref<!tpu.dma_semaphore, #tpu.memory_space<semaphore_mem>>) src(%dma_wait3A_404 : memref<10000x128xf32, #tpu.memory_space<hbm>>) dst(%dma_wait3A_398 : memref<80x128xf32, #tpu.memory_space<vmem>>)
      %dma_start3A_407 = arith.constant 0 : i32
      %dma_start3A_408 = arith.constant 123 : i32
      %dma_start3A_409 = arith.constant 0 : i32
      %dma_start3A_410 = arith.constant 0 : i32
      %dma_start3A_411 = arith.constant 0 : i32
      %dma_start3A_412 = tpu.memref_slice %arg10[%dma_start3A_407, %dma_start3A_410, %dma_start3A_411] : memref<3x80x128xf32, #tpu.memory_space<vmem>> -> memref<1x80x128xf32, #tpu.memory_space<vmem>>
      %dma_start3A_413 = tpu.memref_squeeze %dma_start3A_412 : memref<1x80x128xf32, #tpu.memory_space<vmem>> -> memref<80x128xf32, #tpu.memory_space<vmem>>
      %dma_start3A_414 = arith.constant 0 : i32
      %dma_start3A_415 = tpu.memref_slice %arg9[%dma_start3A_408, %dma_start3A_414] : memref<125x80xi32, #tpu.memory_space<vmem>> -> memref<1x80xi32, #tpu.memory_space<vmem>>
      %dma_start3A_416 = tpu.memref_squeeze %dma_start3A_415 : memref<1x80xi32, #tpu.memory_space<vmem>> -> memref<80xi32, #tpu.memory_space<vmem>>
      %dma_start3A_417 = arith.constant 0 : i32
      %dma_start3A_418 = arith.constant 0 : i32
      %dma_start3A_419 = tpu.memref_slice %arg11[%dma_start3A_417, %dma_start3A_418] : memref<10000x128xf32, #tpu.memory_space<vmem_shared>> -> memref<10000x128xf32, #tpu.memory_space<vmem_shared>>
      %dma_start3A_420 = tpu.memref_slice %arg12[%dma_start3A_409] : memref<3x!tpu.dma_semaphore, #tpu.memory_space<semaphore_mem>> -> memref<1x!tpu.dma_semaphore, #tpu.memory_space<semaphore_mem>>
      %dma_start3A_421 = tpu.memref_squeeze %dma_start3A_420 : memref<1x!tpu.dma_semaphore, #tpu.memory_space<semaphore_mem>> -> memref<!tpu.dma_semaphore, #tpu.memory_space<semaphore_mem>>
      tpu.enqueue_indirect_dma source(%dma_start3A_413 : memref<80x128xf32, #tpu.memory_space<vmem>>) target(%dma_start3A_419 : memref<10000x128xf32, #tpu.memory_space<vmem_shared>>) offsets(%dma_start3A_416 : memref<80xi32, #tpu.memory_space<vmem>>) semaphore(%dma_start3A_421 : memref<!tpu.dma_semaphore, #tpu.memory_space<semaphore_mem>>) {add = true}
      %dma_wait3A_422 = arith.constant 124 : i32
      %dma_wait3A_423 = arith.constant 1 : i32
      %dma_wait3A_424 = arith.constant 1 : i32
      %dma_wait3A_425 = arith.constant 0 : i32
      %dma_wait3A_426 = arith.constant 0 : i32
      %dma_wait3A_427 = tpu.memref_slice %arg10[%dma_wait3A_423, %dma_wait3A_425, %dma_wait3A_426] : memref<3x80x128xf32, #tpu.memory_space<vmem>> -> memref<1x80x128xf32, #tpu.memory_space<vmem>>
      %dma_wait3A_428 = tpu.memref_squeeze %dma_wait3A_427 : memref<1x80x128xf32, #tpu.memory_space<vmem>> -> memref<80x128xf32, #tpu.memory_space<vmem>>
      %dma_wait3A_429 = arith.constant 0 : i32
      %dma_wait3A_430 = tpu.memref_slice %arg8[%dma_wait3A_422, %dma_wait3A_429] : memref<125x80xi32, #tpu.memory_space<vmem>> -> memref<1x80xi32, #tpu.memory_space<vmem>>
      %dma_wait3A_431 = tpu.memref_squeeze %dma_wait3A_430 : memref<1x80xi32, #tpu.memory_space<vmem>> -> memref<80xi32, #tpu.memory_space<vmem>>
      %dma_wait3A_432 = arith.constant 0 : i32
      %dma_wait3A_433 = arith.constant 0 : i32
      %dma_wait3A_434 = tpu.memref_slice %arg3[%dma_wait3A_432, %dma_wait3A_433] : memref<10000x128xf32, #tpu.memory_space<hbm>> -> memref<10000x128xf32, #tpu.memory_space<hbm>>
      %dma_wait3A_435 = tpu.memref_slice %arg12[%dma_wait3A_424] : memref<3x!tpu.dma_semaphore, #tpu.memory_space<semaphore_mem>> -> memref<1x!tpu.dma_semaphore, #tpu.memory_space<semaphore_mem>>
      %dma_wait3A_436 = tpu.memref_squeeze %dma_wait3A_435 : memref<1x!tpu.dma_semaphore, #tpu.memory_space<semaphore_mem>> -> memref<!tpu.dma_semaphore, #tpu.memory_space<semaphore_mem>>
      tpu.wait_indirect_dma semaphore(%dma_wait3A_436 : memref<!tpu.dma_semaphore, #tpu.memory_space<semaphore_mem>>) src(%dma_wait3A_434 : memref<10000x128xf32, #tpu.memory_space<hbm>>) dst(%dma_wait3A_428 : memref<80x128xf32, #tpu.memory_space<vmem>>)
      %dma_start3A_437 = arith.constant 1 : i32
      %dma_start3A_438 = arith.constant 124 : i32
      %dma_start3A_439 = arith.constant 1 : i32
      %dma_start3A_440 = arith.constant 0 : i32
      %dma_start3A_441 = arith.constant 0 : i32
      %dma_start3A_442 = tpu.memref_slice %arg10[%dma_start3A_437, %dma_start3A_440, %dma_start3A_441] : memref<3x80x128xf32, #tpu.memory_space<vmem>> -> memref<1x80x128xf32, #tpu.memory_space<vmem>>
      %dma_start3A_443 = tpu.memref_squeeze %dma_start3A_442 : memref<1x80x128xf32, #tpu.memory_space<vmem>> -> memref<80x128xf32, #tpu.memory_space<vmem>>
      %dma_start3A_444 = arith.constant 0 : i32
      %dma_start3A_445 = tpu.memref_slice %arg9[%dma_start3A_438, %dma_start3A_444] : memref<125x80xi32, #tpu.memory_space<vmem>> -> memref<1x80xi32, #tpu.memory_space<vmem>>
      %dma_start3A_446 = tpu.memref_squeeze %dma_start3A_445 : memref<1x80xi32, #tpu.memory_space<vmem>> -> memref<80xi32, #tpu.memory_space<vmem>>
      %dma_start3A_447 = arith.constant 0 : i32
      %dma_start3A_448 = arith.constant 0 : i32
      %dma_start3A_449 = tpu.memref_slice %arg11[%dma_start3A_447, %dma_start3A_448] : memref<10000x128xf32, #tpu.memory_space<vmem_shared>> -> memref<10000x128xf32, #tpu.memory_space<vmem_shared>>
      %dma_start3A_450 = tpu.memref_slice %arg12[%dma_start3A_439] : memref<3x!tpu.dma_semaphore, #tpu.memory_space<semaphore_mem>> -> memref<1x!tpu.dma_semaphore, #tpu.memory_space<semaphore_mem>>
      %dma_start3A_451 = tpu.memref_squeeze %dma_start3A_450 : memref<1x!tpu.dma_semaphore, #tpu.memory_space<semaphore_mem>> -> memref<!tpu.dma_semaphore, #tpu.memory_space<semaphore_mem>>
      tpu.enqueue_indirect_dma source(%dma_start3A_443 : memref<80x128xf32, #tpu.memory_space<vmem>>) target(%dma_start3A_449 : memref<10000x128xf32, #tpu.memory_space<vmem_shared>>) offsets(%dma_start3A_446 : memref<80xi32, #tpu.memory_space<vmem>>) semaphore(%dma_start3A_451 : memref<!tpu.dma_semaphore, #tpu.memory_space<semaphore_mem>>) {add = true}
      %dma_wait3A_452 = arith.constant 0 : i32
      %dma_wait3A_453 = arith.constant 123 : i32
      %dma_wait3A_454 = arith.constant 0 : i32
      %dma_wait3A_455 = arith.constant 0 : i32
      %dma_wait3A_456 = arith.constant 0 : i32
      %dma_wait3A_457 = tpu.memref_slice %arg10[%dma_wait3A_452, %dma_wait3A_455, %dma_wait3A_456] : memref<3x80x128xf32, #tpu.memory_space<vmem>> -> memref<1x80x128xf32, #tpu.memory_space<vmem>>
      %dma_wait3A_458 = tpu.memref_squeeze %dma_wait3A_457 : memref<1x80x128xf32, #tpu.memory_space<vmem>> -> memref<80x128xf32, #tpu.memory_space<vmem>>
      %dma_wait3A_459 = arith.constant 0 : i32
      %dma_wait3A_460 = tpu.memref_slice %arg9[%dma_wait3A_453, %dma_wait3A_459] : memref<125x80xi32, #tpu.memory_space<vmem>> -> memref<1x80xi32, #tpu.memory_space<vmem>>
      %dma_wait3A_461 = tpu.memref_squeeze %dma_wait3A_460 : memref<1x80xi32, #tpu.memory_space<vmem>> -> memref<80xi32, #tpu.memory_space<vmem>>
      %dma_wait3A_462 = arith.constant 0 : i32
      %dma_wait3A_463 = arith.constant 0 : i32
      %dma_wait3A_464 = tpu.memref_slice %arg11[%dma_wait3A_462, %dma_wait3A_463] : memref<10000x128xf32, #tpu.memory_space<vmem_shared>> -> memref<10000x128xf32, #tpu.memory_space<vmem_shared>>
      %dma_wait3A_465 = tpu.memref_slice %arg12[%dma_wait3A_454] : memref<3x!tpu.dma_semaphore, #tpu.memory_space<semaphore_mem>> -> memref<1x!tpu.dma_semaphore, #tpu.memory_space<semaphore_mem>>
      %dma_wait3A_466 = tpu.memref_squeeze %dma_wait3A_465 : memref<1x!tpu.dma_semaphore, #tpu.memory_space<semaphore_mem>> -> memref<!tpu.dma_semaphore, #tpu.memory_space<semaphore_mem>>
      tpu.wait_indirect_dma semaphore(%dma_wait3A_466 : memref<!tpu.dma_semaphore, #tpu.memory_space<semaphore_mem>>) src(%dma_wait3A_458 : memref<80x128xf32, #tpu.memory_space<vmem>>) dst(%dma_wait3A_464 : memref<10000x128xf32, #tpu.memory_space<vmem_shared>>)
      %dma_wait3A_467 = arith.constant 1 : i32
      %dma_wait3A_468 = arith.constant 124 : i32
      %dma_wait3A_469 = arith.constant 1 : i32
      %dma_wait3A_470 = arith.constant 0 : i32
      %dma_wait3A_471 = arith.constant 0 : i32
      %dma_wait3A_472 = tpu.memref_slice %arg10[%dma_wait3A_467, %dma_wait3A_470, %dma_wait3A_471] : memref<3x80x128xf32, #tpu.memory_space<vmem>> -> memref<1x80x128xf32, #tpu.memory_space<vmem>>
      %dma_wait3A_473 = tpu.memref_squeeze %dma_wait3A_472 : memref<1x80x128xf32, #tpu.memory_space<vmem>> -> memref<80x128xf32, #tpu.memory_space<vmem>>
      %dma_wait3A_474 = arith.constant 0 : i32
      %dma_wait3A_475 = tpu.memref_slice %arg9[%dma_wait3A_468, %dma_wait3A_474] : memref<125x80xi32, #tpu.memory_space<vmem>> -> memref<1x80xi32, #tpu.memory_space<vmem>>
      %dma_wait3A_476 = tpu.memref_squeeze %dma_wait3A_475 : memref<1x80xi32, #tpu.memory_space<vmem>> -> memref<80xi32, #tpu.memory_space<vmem>>
      %dma_wait3A_477 = arith.constant 0 : i32
      %dma_wait3A_478 = arith.constant 0 : i32
      %dma_wait3A_479 = tpu.memref_slice %arg11[%dma_wait3A_477, %dma_wait3A_478] : memref<10000x128xf32, #tpu.memory_space<vmem_shared>> -> memref<10000x128xf32, #tpu.memory_space<vmem_shared>>
      %dma_wait3A_480 = tpu.memref_slice %arg12[%dma_wait3A_469] : memref<3x!tpu.dma_semaphore, #tpu.memory_space<semaphore_mem>> -> memref<1x!tpu.dma_semaphore, #tpu.memory_space<semaphore_mem>>
      %dma_wait3A_481 = tpu.memref_squeeze %dma_wait3A_480 : memref<1x!tpu.dma_semaphore, #tpu.memory_space<semaphore_mem>> -> memref<!tpu.dma_semaphore, #tpu.memory_space<semaphore_mem>>
      tpu.wait_indirect_dma semaphore(%dma_wait3A_481 : memref<!tpu.dma_semaphore, #tpu.memory_space<semaphore_mem>>) src(%dma_wait3A_473 : memref<80x128xf32, #tpu.memory_space<vmem>>) dst(%dma_wait3A_479 : memref<10000x128xf32, #tpu.memory_space<vmem_shared>>)
      %dma_wait3A_482 = arith.constant 2 : i32
      %dma_wait3A_483 = arith.constant 122 : i32
      %dma_wait3A_484 = arith.constant 2 : i32
      %dma_wait3A_485 = arith.constant 0 : i32
      %dma_wait3A_486 = arith.constant 0 : i32
      %dma_wait3A_487 = tpu.memref_slice %arg10[%dma_wait3A_482, %dma_wait3A_485, %dma_wait3A_486] : memref<3x80x128xf32, #tpu.memory_space<vmem>> -> memref<1x80x128xf32, #tpu.memory_space<vmem>>
      %dma_wait3A_488 = tpu.memref_squeeze %dma_wait3A_487 : memref<1x80x128xf32, #tpu.memory_space<vmem>> -> memref<80x128xf32, #tpu.memory_space<vmem>>
      %dma_wait3A_489 = arith.constant 0 : i32
      %dma_wait3A_490 = tpu.memref_slice %arg9[%dma_wait3A_483, %dma_wait3A_489] : memref<125x80xi32, #tpu.memory_space<vmem>> -> memref<1x80xi32, #tpu.memory_space<vmem>>
      %dma_wait3A_491 = tpu.memref_squeeze %dma_wait3A_490 : memref<1x80xi32, #tpu.memory_space<vmem>> -> memref<80xi32, #tpu.memory_space<vmem>>
      %dma_wait3A_492 = arith.constant 0 : i32
      %dma_wait3A_493 = arith.constant 0 : i32
      %dma_wait3A_494 = tpu.memref_slice %arg11[%dma_wait3A_492, %dma_wait3A_493] : memref<10000x128xf32, #tpu.memory_space<vmem_shared>> -> memref<10000x128xf32, #tpu.memory_space<vmem_shared>>
      %dma_wait3A_495 = tpu.memref_slice %arg12[%dma_wait3A_484] : memref<3x!tpu.dma_semaphore, #tpu.memory_space<semaphore_mem>> -> memref<1x!tpu.dma_semaphore, #tpu.memory_space<semaphore_mem>>
      %dma_wait3A_496 = tpu.memref_squeeze %dma_wait3A_495 : memref<1x!tpu.dma_semaphore, #tpu.memory_space<semaphore_mem>> -> memref<!tpu.dma_semaphore, #tpu.memory_space<semaphore_mem>>
      tpu.wait_indirect_dma semaphore(%dma_wait3A_496 : memref<!tpu.dma_semaphore, #tpu.memory_space<semaphore_mem>>) src(%dma_wait3A_488 : memref<80x128xf32, #tpu.memory_space<vmem>>) dst(%dma_wait3A_494 : memref<10000x128xf32, #tpu.memory_space<vmem_shared>>)
      %barrier3A_497 = arith.constant 0 : index
      tpu.barrier barrier_id(%barrier3A_497)
      %mul3A_498 = arith.constant 625 : i32
      %mul3A_499 = arith.muli %arg1, %mul3A_498 : i32
      %mul3A_500 = arith.constant 625 : i32
      %mul3A_501 = arith.muli %arg1, %mul3A_500 : i32
      "tpu.region"() ({
        %run_scoped3A = tpu.sem_alloc : memref<!tpu.dma_semaphore, #tpu.memory_space<semaphore_mem>>
        %dma_start3A_502 = arith.constant 0 : i32
        %dma_start3A_503 = tpu.memref_slice %arg7[%mul3A_501, %dma_start3A_502] : memref<10000x128xf32, #tpu.memory_space<hbm>> -> memref<625x128xf32, #tpu.memory_space<hbm>>
        %dma_start3A_504 = arith.constant 0 : i32
        %dma_start3A_505 = tpu.memref_slice %arg11[%mul3A_499, %dma_start3A_504] : memref<10000x128xf32, #tpu.memory_space<vmem_shared>> -> memref<625x128xf32, #tpu.memory_space<vmem_shared>>
        tpu.enqueue_dma source(%dma_start3A_505 : memref<625x128xf32, #tpu.memory_space<vmem_shared>>) target(%dma_start3A_503 : memref<625x128xf32, #tpu.memory_space<hbm>>) target_semaphore(%run_scoped3A : memref<!tpu.dma_semaphore, #tpu.memory_space<semaphore_mem>>)
        %dma_wait3A_506 = arith.constant 0 : i32
        %dma_wait3A_507 = tpu.memref_slice %arg7[%mul3A_501, %dma_wait3A_506] : memref<10000x128xf32, #tpu.memory_space<hbm>> -> memref<625x128xf32, #tpu.memory_space<hbm>>
        %dma_wait3A_508 = arith.constant 0 : i32
        %dma_wait3A_509 = tpu.memref_slice %arg11[%mul3A_499, %dma_wait3A_508] : memref<10000x128xf32, #tpu.memory_space<vmem_shared>> -> memref<625x128xf32, #tpu.memory_space<vmem_shared>>
        tpu.wait_dma2 semaphore(%run_scoped3A : memref<!tpu.dma_semaphore, #tpu.memory_space<semaphore_mem>>) src(%dma_wait3A_509 : memref<625x128xf32, #tpu.memory_space<vmem_shared>>) dst(%dma_wait3A_507 : memref<625x128xf32, #tpu.memory_space<hbm>>)
        tpu.yield
      }) : () -> ()
    } else {
    }
    return
  }
}

#map = affine_map<(d0, d1) -> (0)>
#map1 = affine_map<(d0, d1) -> (0, 0)>
module attributes {stable_mosaic.version = 14 : i64} {
  func.func @_deg_body(%arg0: i32, %arg1: i32, %arg2: memref<160000xi32, #tpu.memory_space<hbm>>, %arg3: memref<32x10000xf32, #tpu.memory_space<hbm>>, %arg4: memref<5008xi32, #tpu.memory_space<vmem>>, %arg5: memref<10000xf32, #tpu.memory_space<vmem>>) attributes {dimension_semantics = [#tpu.dimension_semantics<core_parallel>, #tpu.dimension_semantics<subcore_parallel>], iteration_bounds = array<i64: 2, 16>, scalar_prefetch = 0 : i64, scratch_operands = 2 : i64, tpu.core_type = #tpu.core_type<sc_vector_subcore>, window_params = [{transform_indices = #map}, {transform_indices = #map1}]} {
    %mul3A = arith.constant 16 : i32
    %mul3A_0 = arith.muli %arg0, %mul3A : i32
    %add3A = arith.addi %mul3A_0, %arg1 : i32
    %broadcast_in_dim3A = arith.constant 0.000000e+00 : f32
    %broadcast_in_dim3A_1 = vector.broadcast %broadcast_in_dim3A : f32 to vector<16xf32>
    %scan3A = arith.constant 0 : i32
    %scan3A_2 = arith.constant 0 : i32
    %scan3A_3 = arith.constant 625 : i32
    %scan3A_4 = arith.addi %scan3A_2, %scan3A_3 : i32
    %scan3A_5 = arith.constant 1 : i32
    scf.for %scan3A_23 = %scan3A_2 to %scan3A_4 step %scan3A_5  : i32 {
      %mul3A_24 = arith.constant 16 : i32
      %mul3A_25 = arith.muli %scan3A_23, %mul3A_24 : i32
      %swap3A_26 = arith.index_cast %mul3A_25 : i32 to index
      %swap3A_27 = tpu.vector_load %arg5[%swap3A_26] {strides = array<i32>} : memref<10000xf32, #tpu.memory_space<vmem>>, vector<16xf32>,
      tpu.vector_store %arg5[%swap3A_26], %broadcast_in_dim3A_1 {strides = array<i32>} : memref<10000xf32, #tpu.memory_space<vmem>>, vector<16xf32>,
    }
    %scan3A_6 = arith.constant 625 : i32
    %broadcast_in_dim3A_7 = arith.constant 0 : i32
    %broadcast_in_dim3A_8 = vector.broadcast %broadcast_in_dim3A_7 : i32 to vector<16xi32>
    %swap3A = arith.constant 4992 : index
    %swap3A_9 = tpu.vector_load %arg4[%swap3A] {strides = array<i32>} : memref<5008xi32, #tpu.memory_space<vmem>>, vector<16xi32>,
    tpu.vector_store %arg4[%swap3A], %broadcast_in_dim3A_8 {strides = array<i32>} : memref<5008xi32, #tpu.memory_space<vmem>>, vector<16xi32>,
    %mul3A_10 = arith.constant 5000 : i32
    %mul3A_11 = arith.muli %add3A, %mul3A_10 : i32
    "tpu.region"() ({
      %run_scoped3A = tpu.sem_alloc : memref<!tpu.dma_semaphore, #tpu.memory_space<semaphore_mem>>
      %dma_start3A = arith.constant 0 : i32
      %dma_start3A_23 = tpu.memref_slice %arg4[%dma_start3A] : memref<5008xi32, #tpu.memory_space<vmem>> -> memref<5000xi32, #tpu.memory_space<vmem>>
      %dma_start3A_24 = tpu.memref_slice %arg2[%mul3A_11] : memref<160000xi32, #tpu.memory_space<hbm>> -> memref<5000xi32, #tpu.memory_space<hbm>>
      %dma_start3A_25 = arith.constant 0 : i32
      %dma_start3A_26 = tpu.memref_slice %arg4[%dma_start3A_25] : memref<5008xi32, #tpu.memory_space<vmem>> -> memref<5000xi32, #tpu.memory_space<vmem>>
      %dma_start3A_27 = tpu.memref_slice %arg2[%mul3A_11] : memref<160000xi32, #tpu.memory_space<hbm>> -> memref<5000xi32, #tpu.memory_space<hbm>>
      tpu.enqueue_dma source(%dma_start3A_27 : memref<5000xi32, #tpu.memory_space<hbm>>) target(%dma_start3A_26 : memref<5000xi32, #tpu.memory_space<vmem>>) target_semaphore(%run_scoped3A : memref<!tpu.dma_semaphore, #tpu.memory_space<semaphore_mem>>)
      %dma_wait3A = arith.constant 0 : i32
      %dma_wait3A_28 = tpu.memref_slice %arg4[%dma_wait3A] : memref<5008xi32, #tpu.memory_space<vmem>> -> memref<5000xi32, #tpu.memory_space<vmem>>
      %dma_wait3A_29 = tpu.memref_slice %arg2[%mul3A_11] : memref<160000xi32, #tpu.memory_space<hbm>> -> memref<5000xi32, #tpu.memory_space<hbm>>
      %dma_wait3A_30 = arith.constant 0 : i32
      %dma_wait3A_31 = tpu.memref_slice %arg4[%dma_wait3A_30] : memref<5008xi32, #tpu.memory_space<vmem>> -> memref<5000xi32, #tpu.memory_space<vmem>>
      %dma_wait3A_32 = tpu.memref_slice %arg2[%mul3A_11] : memref<160000xi32, #tpu.memory_space<hbm>> -> memref<5000xi32, #tpu.memory_space<hbm>>
      tpu.wait_dma2 semaphore(%run_scoped3A : memref<!tpu.dma_semaphore, #tpu.memory_space<semaphore_mem>>) src(%dma_wait3A_32 : memref<5000xi32, #tpu.memory_space<hbm>>) dst(%dma_wait3A_31 : memref<5000xi32, #tpu.memory_space<vmem>>)
      tpu.yield
    }) : () -> ()
    %broadcast_in_dim3A_12 = arith.constant 1.000000e+00 : f32
    %broadcast_in_dim3A_13 = vector.broadcast %broadcast_in_dim3A_12 : f32 to vector<16xf32>
    %scan3A_14 = arith.constant 0 : i32
    %scan3A_15 = arith.constant 0 : i32
    %scan3A_16 = arith.constant 312 : i32
    %scan3A_17 = arith.addi %scan3A_15, %scan3A_16 : i32
    %scan3A_18 = arith.constant 1 : i32
    scf.for %scan3A_23 = %scan3A_15 to %scan3A_17 step %scan3A_18  : i32 {
      %mul3A_24 = arith.constant 16 : i32
      %mul3A_25 = arith.muli %scan3A_23, %mul3A_24 : i32
      %get3A_26 = arith.index_cast %mul3A_25 : i32 to index
      %get3A_27 = tpu.vector_load %arg4[%get3A_26] {strides = array<i32>} : memref<5008xi32, #tpu.memory_space<vmem>>, vector<16xi32>,
      tpu.vector_store_idx %arg5[%get3A_27], %broadcast_in_dim3A_13 {add = true} : memref<10000xf32, #tpu.memory_space<vmem>>[vector<16xi32>], vector<16xf32>,
    }
    %scan3A_19 = arith.constant 312 : i32
    %get3A = arith.constant 4992 : index
    %get3A_20 = tpu.vector_load %arg4[%get3A] {strides = array<i32>} : memref<5008xi32, #tpu.memory_space<vmem>>, vector<16xi32>,
    %iota3A = tpu.iota {dimensions = array<i32: 0>} : vector<16xi32>
    %lt3A = arith.constant 8 : i32
    %lt3A_21 = vector.broadcast %lt3A : i32 to vector<16xi32>
    %lt3A_22 = arith.cmpi slt, %iota3A, %lt3A_21 : vector<16xi32>
    tpu.vector_store_idx %arg5[%get3A_20], %broadcast_in_dim3A_13 masked %lt3A_22 {add = true} : memref<10000xf32, #tpu.memory_space<vmem>>[vector<16xi32>], vector<16xf32>, vector<16xi1>
    "tpu.region"() ({
      %run_scoped3A = tpu.sem_alloc : memref<!tpu.dma_semaphore, #tpu.memory_space<semaphore_mem>>
      %dma_start3A = arith.constant 0 : i32
      %dma_start3A_23 = tpu.memref_slice %arg3[%add3A, %dma_start3A] : memref<32x10000xf32, #tpu.memory_space<hbm>> -> memref<1x10000xf32, #tpu.memory_space<hbm>>
      %dma_start3A_24 = tpu.memref_squeeze %dma_start3A_23 : memref<1x10000xf32, #tpu.memory_space<hbm>> -> memref<10000xf32, #tpu.memory_space<hbm>>
      %dma_start3A_25 = arith.constant 0 : i32
      %dma_start3A_26 = tpu.memref_slice %arg3[%add3A, %dma_start3A_25] : memref<32x10000xf32, #tpu.memory_space<hbm>> -> memref<1x10000xf32, #tpu.memory_space<hbm>>
      %dma_start3A_27 = tpu.memref_squeeze %dma_start3A_26 : memref<1x10000xf32, #tpu.memory_space<hbm>> -> memref<10000xf32, #tpu.memory_space<hbm>>
      tpu.enqueue_dma source(%arg5 : memref<10000xf32, #tpu.memory_space<vmem>>) target(%dma_start3A_27 : memref<10000xf32, #tpu.memory_space<hbm>>) target_semaphore(%run_scoped3A : memref<!tpu.dma_semaphore, #tpu.memory_space<semaphore_mem>>)
      %dma_wait3A = arith.constant 0 : i32
      %dma_wait3A_28 = tpu.memref_slice %arg3[%add3A, %dma_wait3A] : memref<32x10000xf32, #tpu.memory_space<hbm>> -> memref<1x10000xf32, #tpu.memory_space<hbm>>
      %dma_wait3A_29 = tpu.memref_squeeze %dma_wait3A_28 : memref<1x10000xf32, #tpu.memory_space<hbm>> -> memref<10000xf32, #tpu.memory_space<hbm>>
      %dma_wait3A_30 = arith.constant 0 : i32
      %dma_wait3A_31 = tpu.memref_slice %arg3[%add3A, %dma_wait3A_30] : memref<32x10000xf32, #tpu.memory_space<hbm>> -> memref<1x10000xf32, #tpu.memory_space<hbm>>
      %dma_wait3A_32 = tpu.memref_squeeze %dma_wait3A_31 : memref<1x10000xf32, #tpu.memory_space<hbm>> -> memref<10000xf32, #tpu.memory_space<hbm>>
      tpu.wait_dma2 semaphore(%run_scoped3A : memref<!tpu.dma_semaphore, #tpu.memory_space<semaphore_mem>>) src(%arg5 : memref<10000xf32, #tpu.memory_space<vmem>>) dst(%dma_wait3A_32 : memref<10000xf32, #tpu.memory_space<hbm>>)
      tpu.yield
    }) : () -> ()
    return
  }
}

#map = affine_map<(d0, d1) -> (0, 0)>
module attributes {stable_mosaic.version = 14 : i64} {
  func.func @_agg_body(%arg0: i32, %arg1: i32, %arg2: memref<10000x128xf32, #tpu.memory_space<hbm>>, %arg3: memref<10000x128xf32, #tpu.memory_space<hbm>>, %arg4: memref<2000x80xi32, #tpu.memory_space<hbm>>, %arg5: memref<2000x80xi32, #tpu.memory_space<hbm>>, %arg6: memref<10000x128xf32, #tpu.memory_space<hbm>>, %arg7: memref<10000x128xf32, #tpu.memory_space<hbm>>, %arg8: memref<125x80xi32, #tpu.memory_space<vmem>>, %arg9: memref<125x80xi32, #tpu.memory_space<vmem>>, %arg10: memref<3x80x128xf32, #tpu.memory_space<vmem>>, %arg11: memref<10000x128xf32, #tpu.memory_space<vmem_shared>>, %arg12: memref<3x!tpu.dma_semaphore, #tpu.memory_space<semaphore_mem>>) attributes {dimension_semantics = [#tpu.dimension_semantics<core_parallel>, #tpu.dimension_semantics<subcore_parallel>], iteration_bounds = array<i64: 2, 16>, scalar_prefetch = 0 : i64, scratch_operands = 5 : i64, tpu.core_type = #tpu.core_type<sc_vector_subcore>, window_params = [{transform_indices = #map}, {transform_indices = #map}, {transform_indices = #map}, {transform_indices = #map}, {transform_indices = #map}, {transform_indices = #map}]} {
    %eq3A = arith.constant 0 : i32
    %eq3A_0 = arith.cmpi eq, %arg0, %eq3A : i32
    %convert_element_type3A = arith.extui %eq3A_0 : i1 to i32
    %cond3A = arith.constant 0 : i32
    %cond3A_1 = arith.cmpi ne, %convert_element_type3A, %cond3A : i32
    scf.if %cond3A_1 {
      %mul3A = arith.constant 125 : i32
      %mul3A_7 = arith.muli %arg1, %mul3A : i32
      "tpu.region"() ({
        %run_scoped3A = tpu.sem_alloc : memref<!tpu.dma_semaphore, #tpu.memory_space<semaphore_mem>>
        %dma_start3A_502 = arith.constant 0 : i32
        %dma_start3A_503 = tpu.memref_slice %arg4[%mul3A_7, %dma_start3A_502] : memref<2000x80xi32, #tpu.memory_space<hbm>> -> memref<125x80xi32, #tpu.memory_space<hbm>>
        %dma_start3A_504 = arith.constant 0 : i32
        %dma_start3A_505 = tpu.memref_slice %arg4[%mul3A_7, %dma_start3A_504] : memref<2000x80xi32, #tpu.memory_space<hbm>> -> memref<125x80xi32, #tpu.memory_space<hbm>>
        tpu.enqueue_dma source(%dma_start3A_505 : memref<125x80xi32, #tpu.memory_space<hbm>>) target(%arg8 : memref<125x80xi32, #tpu.memory_space<vmem>>) target_semaphore(%run_scoped3A : memref<!tpu.dma_semaphore, #tpu.memory_space<semaphore_mem>>)
        %dma_wait3A_506 = arith.constant 0 : i32
        %dma_wait3A_507 = tpu.memref_slice %arg4[%mul3A_7, %dma_wait3A_506] : memref<2000x80xi32, #tpu.memory_space<hbm>> -> memref<125x80xi32, #tpu.memory_space<hbm>>
        %dma_wait3A_508 = arith.constant 0 : i32
        %dma_wait3A_509 = tpu.memref_slice %arg4[%mul3A_7, %dma_wait3A_508] : memref<2000x80xi32, #tpu.memory_space<hbm>> -> memref<125x80xi32, #tpu.memory_space<hbm>>
        tpu.wait_dma2 semaphore(%run_scoped3A : memref<!tpu.dma_semaphore, #tpu.memory_space<semaphore_mem>>) src(%dma_wait3A_509 : memref<125x80xi32, #tpu.memory_space<hbm>>) dst(%arg8 : memref<125x80xi32, #tpu.memory_space<vmem>>)
        tpu.yield
      }) : () -> ()
      %mul3A_8 = arith.constant 125 : i32
      %mul3A_9 = arith.muli %arg1, %mul3A_8 : i32
      "tpu.region"() ({
        %run_scoped3A = tpu.sem_alloc : memref<!tpu.dma_semaphore, #tpu.memory_space<semaphore_mem>>
        %dma_start3A_502 = arith.constant 0 : i32
        %dma_start3A_503 = tpu.memref_slice %arg5[%mul3A_9, %dma_start3A_502] : memref<2000x80xi32, #tpu.memory_space<hbm>> -> memref<125x80xi32, #tpu.memory_space<hbm>>
        %dma_start3A_504 = arith.constant 0 : i32
        %dma_start3A_505 = tpu.memref_slice %arg5[%mul3A_9, %dma_start3A_504] : memref<2000x80xi32, #tpu.memory_space<hbm>> -> memref<125x80xi32, #tpu.memory_space<hbm>>
        tpu.enqueue_dma source(%dma_start3A_505 : memref<125x80xi32, #tpu.memory_space<hbm>>) target(%arg9 : memref<125x80xi32, #tpu.memory_space<vmem>>) target_semaphore(%run_scoped3A : memref<!tpu.dma_semaphore, #tpu.memory_space<semaphore_mem>>)
        %dma_wait3A_506 = arith.constant 0 : i32
        %dma_wait3A_507 = tpu.memref_slice %arg5[%mul3A_9, %dma_wait3A_506] : memref<2000x80xi32, #tpu.memory_space<hbm>> -> memref<125x80xi32, #tpu.memory_space<hbm>>
        %dma_wait3A_508 = arith.constant 0 : i32
        %dma_wait3A_509 = tpu.memref_slice %arg5[%mul3A_9, %dma_wait3A_508] : memref<2000x80xi32, #tpu.memory_space<hbm>> -> memref<125x80xi32, #tpu.memory_space<hbm>>
        tpu.wait_dma2 semaphore(%run_scoped3A : memref<!tpu.dma_semaphore, #tpu.memory_space<semaphore_mem>>) src(%dma_wait3A_509 : memref<125x80xi32, #tpu.memory_space<hbm>>) dst(%arg9 : memref<125x80xi32, #tpu.memory_space<vmem>>)
        tpu.yield
      }) : () -> ()
      %mul3A_10 = arith.constant 625 : i32
      %mul3A_11 = arith.muli %arg1, %mul3A_10 : i32
      %mul3A_12 = arith.constant 625 : i32
      %mul3A_13 = arith.muli %arg1, %mul3A_12 : i32
      "tpu.region"() ({
        %run_scoped3A = tpu.sem_alloc : memref<!tpu.dma_semaphore, #tpu.memory_space<semaphore_mem>>
        %dma_start3A_502 = arith.constant 0 : i32
        %dma_start3A_503 = tpu.memref_slice %arg11[%mul3A_13, %dma_start3A_502] : memref<10000x128xf32, #tpu.memory_space<vmem_shared>> -> memref<625x128xf32, #tpu.memory_space<vmem_shared>>
        %dma_start3A_504 = arith.constant 0 : i32
        %dma_start3A_505 = tpu.memref_slice %arg2[%mul3A_11, %dma_start3A_504] : memref<10000x128xf32, #tpu.memory_space<hbm>> -> memref<625x128xf32, #tpu.memory_space<hbm>>
        tpu.enqueue_dma source(%dma_start3A_505 : memref<625x128xf32, #tpu.memory_space<hbm>>) target(%dma_start3A_503 : memref<625x128xf32, #tpu.memory_space<vmem_shared>>) target_semaphore(%run_scoped3A : memref<!tpu.dma_semaphore, #tpu.memory_space<semaphore_mem>>)
        %dma_wait3A_506 = arith.constant 0 : i32
        %dma_wait3A_507 = tpu.memref_slice %arg11[%mul3A_13, %dma_wait3A_506] : memref<10000x128xf32, #tpu.memory_space<vmem_shared>> -> memref<625x128xf32, #tpu.memory_space<vmem_shared>>
        %dma_wait3A_508 = arith.constant 0 : i32
        %dma_wait3A_509 = tpu.memref_slice %arg2[%mul3A_11, %dma_wait3A_508] : memref<10000x128xf32, #tpu.memory_space<hbm>> -> memref<625x128xf32, #tpu.memory_space<hbm>>
        tpu.wait_dma2 semaphore(%run_scoped3A : memref<!tpu.dma_semaphore, #tpu.memory_space<semaphore_mem>>) src(%dma_wait3A_509 : memref<625x128xf32, #tpu.memory_space<hbm>>) dst(%dma_wait3A_507 : memref<625x128xf32, #tpu.memory_space<vmem_shared>>)
        tpu.yield
      }) : () -> ()
      %dma_start3A = arith.constant 0 : i32
      %dma_start3A_14 = arith.constant 0 : i32
      %dma_start3A_15 = arith.constant 0 : i32
      %dma_start3A_16 = arith.constant 0 : i32
      %dma_start3A_17 = arith.constant 0 : i32
      %dma_start3A_18 = tpu.memref_slice %arg10[%dma_start3A_14, %dma_start3A_16, %dma_start3A_17] : memref<3x80x128xf32, #tpu.memory_space<vmem>> -> memref<1x80x128xf32, #tpu.memory_space<vmem>>
      %dma_start3A_19 = tpu.memref_squeeze %dma_start3A_18 : memref<1x80x128xf32, #tpu.memory_space<vmem>> -> memref<80x128xf32, #tpu.memory_space<vmem>>
      %dma_start3A_20 = arith.constant 0 : i32
      %dma_start3A_21 = tpu.memref_slice %arg8[%dma_start3A, %dma_start3A_20] : memref<125x80xi32, #tpu.memory_space<vmem>> -> memref<1x80xi32, #tpu.memory_space<vmem>>
      %dma_start3A_22 = tpu.memref_squeeze %dma_start3A_21 : memref<1x80xi32, #tpu.memory_space<vmem>> -> memref<80xi32, #tpu.memory_space<vmem>>
      %dma_start3A_23 = arith.constant 0 : i32
      %dma_start3A_24 = arith.constant 0 : i32
      %dma_start3A_25 = tpu.memref_slice %arg2[%dma_start3A_23, %dma_start3A_24] : memref<10000x128xf32, #tpu.memory_space<hbm>> -> memref<10000x128xf32, #tpu.memory_space<hbm>>
      %dma_start3A_26 = tpu.memref_slice %arg12[%dma_start3A_15] : memref<3x!tpu.dma_semaphore, #tpu.memory_space<semaphore_mem>> -> memref<1x!tpu.dma_semaphore, #tpu.memory_space<semaphore_mem>>
      %dma_start3A_27 = tpu.memref_squeeze %dma_start3A_26 : memref<1x!tpu.dma_semaphore, #tpu.memory_space<semaphore_mem>> -> memref<!tpu.dma_semaphore, #tpu.memory_space<semaphore_mem>>
      tpu.enqueue_indirect_dma source(%dma_start3A_25 : memref<10000x128xf32, #tpu.memory_space<hbm>>) target(%dma_start3A_19 : memref<80x128xf32, #tpu.memory_space<vmem>>) offsets(%dma_start3A_22 : memref<80xi32, #tpu.memory_space<vmem>>) semaphore(%dma_start3A_27 : memref<!tpu.dma_semaphore, #tpu.memory_space<semaphore_mem>>)
      %barrier3A = arith.constant 0 : index
      tpu.barrier barrier_id(%barrier3A)
      %dma_start3A_28 = arith.constant 1 : i32
      %dma_start3A_29 = arith.constant 1 : i32
      %dma_start3A_30 = arith.constant 1 : i32
      %dma_start3A_31 = arith.constant 0 : i32
      %dma_start3A_32 = arith.constant 0 : i32
      %dma_start3A_33 = tpu.memref_slice %arg10[%dma_start3A_29, %dma_start3A_31, %dma_start3A_32] : memref<3x80x128xf32, #tpu.memory_space<vmem>> -> memref<1x80x128xf32, #tpu.memory_space<vmem>>
      %dma_start3A_34 = tpu.memref_squeeze %dma_start3A_33 : memref<1x80x128xf32, #tpu.memory_space<vmem>> -> memref<80x128xf32, #tpu.memory_space<vmem>>
      %dma_start3A_35 = arith.constant 0 : i32
      %dma_start3A_36 = tpu.memref_slice %arg8[%dma_start3A_28, %dma_start3A_35] : memref<125x80xi32, #tpu.memory_space<vmem>> -> memref<1x80xi32, #tpu.memory_space<vmem>>
      %dma_start3A_37 = tpu.memref_squeeze %dma_start3A_36 : memref<1x80xi32, #tpu.memory_space<vmem>> -> memref<80xi32, #tpu.memory_space<vmem>>
      %dma_start3A_38 = arith.constant 0 : i32
      %dma_start3A_39 = arith.constant 0 : i32
      %dma_start3A_40 = tpu.memref_slice %arg2[%dma_start3A_38, %dma_start3A_39] : memref<10000x128xf32, #tpu.memory_space<hbm>> -> memref<10000x128xf32, #tpu.memory_space<hbm>>
      %dma_start3A_41 = tpu.memref_slice %arg12[%dma_start3A_30] : memref<3x!tpu.dma_semaphore, #tpu.memory_space<semaphore_mem>> -> memref<1x!tpu.dma_semaphore, #tpu.memory_space<semaphore_mem>>
      %dma_start3A_42 = tpu.memref_squeeze %dma_start3A_41 : memref<1x!tpu.dma_semaphore, #tpu.memory_space<semaphore_mem>> -> memref<!tpu.dma_semaphore, #tpu.memory_space<semaphore_mem>>
      tpu.enqueue_indirect_dma source(%dma_start3A_40 : memref<10000x128xf32, #tpu.memory_space<hbm>>) target(%dma_start3A_34 : memref<80x128xf32, #tpu.memory_space<vmem>>) offsets(%dma_start3A_37 : memref<80xi32, #tpu.memory_space<vmem>>) semaphore(%dma_start3A_42 : memref<!tpu.dma_semaphore, #tpu.memory_space<semaphore_mem>>)
      %dma_wait3A = arith.constant 0 : i32
      %dma_wait3A_43 = arith.constant 0 : i32
      %dma_wait3A_44 = arith.constant 0 : i32
      %dma_wait3A_45 = arith.constant 0 : i32
      %dma_wait3A_46 = arith.constant 0 : i32
      %dma_wait3A_47 = tpu.memref_slice %arg10[%dma_wait3A_43, %dma_wait3A_45, %dma_wait3A_46] : memref<3x80x128xf32, #tpu.memory_space<vmem>> -> memref<1x80x128xf32, #tpu.memory_space<vmem>>
      %dma_wait3A_48 = tpu.memref_squeeze %dma_wait3A_47 : memref<1x80x128xf32, #tpu.memory_space<vmem>> -> memref<80x128xf32, #tpu.memory_space<vmem>>
      %dma_wait3A_49 = arith.constant 0 : i32
      %dma_wait3A_50 = tpu.memref_slice %arg8[%dma_wait3A, %dma_wait3A_49] : memref<125x80xi32, #tpu.memory_space<vmem>> -> memref<1x80xi32, #tpu.memory_space<vmem>>
      %dma_wait3A_51 = tpu.memref_squeeze %dma_wait3A_50 : memref<1x80xi32, #tpu.memory_space<vmem>> -> memref<80xi32, #tpu.memory_space<vmem>>
      %dma_wait3A_52 = arith.constant 0 : i32
      %dma_wait3A_53 = arith.constant 0 : i32
      %dma_wait3A_54 = tpu.memref_slice %arg2[%dma_wait3A_52, %dma_wait3A_53] : memref<10000x128xf32, #tpu.memory_space<hbm>> -> memref<10000x128xf32, #tpu.memory_space<hbm>>
      %dma_wait3A_55 = tpu.memref_slice %arg12[%dma_wait3A_44] : memref<3x!tpu.dma_semaphore, #tpu.memory_space<semaphore_mem>> -> memref<1x!tpu.dma_semaphore, #tpu.memory_space<semaphore_mem>>
      %dma_wait3A_56 = tpu.memref_squeeze %dma_wait3A_55 : memref<1x!tpu.dma_semaphore, #tpu.memory_space<semaphore_mem>> -> memref<!tpu.dma_semaphore, #tpu.memory_space<semaphore_mem>>
      tpu.wait_indirect_dma semaphore(%dma_wait3A_56 : memref<!tpu.dma_semaphore, #tpu.memory_space<semaphore_mem>>) src(%dma_wait3A_54 : memref<10000x128xf32, #tpu.memory_space<hbm>>) dst(%dma_wait3A_48 : memref<80x128xf32, #tpu.memory_space<vmem>>)
      %dma_start3A_57 = arith.constant 0 : i32
      %dma_start3A_58 = arith.constant 0 : i32
      %dma_start3A_59 = arith.constant 0 : i32
      %dma_start3A_60 = arith.constant 0 : i32
      %dma_start3A_61 = arith.constant 0 : i32
      %dma_start3A_62 = tpu.memref_slice %arg10[%dma_start3A_57, %dma_start3A_60, %dma_start3A_61] : memref<3x80x128xf32, #tpu.memory_space<vmem>> -> memref<1x80x128xf32, #tpu.memory_space<vmem>>
      %dma_start3A_63 = tpu.memref_squeeze %dma_start3A_62 : memref<1x80x128xf32, #tpu.memory_space<vmem>> -> memref<80x128xf32, #tpu.memory_space<vmem>>
      %dma_start3A_64 = arith.constant 0 : i32
      %dma_start3A_65 = tpu.memref_slice %arg9[%dma_start3A_58, %dma_start3A_64] : memref<125x80xi32, #tpu.memory_space<vmem>> -> memref<1x80xi32, #tpu.memory_space<vmem>>
      %dma_start3A_66 = tpu.memref_squeeze %dma_start3A_65 : memref<1x80xi32, #tpu.memory_space<vmem>> -> memref<80xi32, #tpu.memory_space<vmem>>
      %dma_start3A_67 = arith.constant 0 : i32
      %dma_start3A_68 = arith.constant 0 : i32
      %dma_start3A_69 = tpu.memref_slice %arg11[%dma_start3A_67, %dma_start3A_68] : memref<10000x128xf32, #tpu.memory_space<vmem_shared>> -> memref<10000x128xf32, #tpu.memory_space<vmem_shared>>
      %dma_start3A_70 = tpu.memref_slice %arg12[%dma_start3A_59] : memref<3x!tpu.dma_semaphore, #tpu.memory_space<semaphore_mem>> -> memref<1x!tpu.dma_semaphore, #tpu.memory_space<semaphore_mem>>
      %dma_start3A_71 = tpu.memref_squeeze %dma_start3A_70 : memref<1x!tpu.dma_semaphore, #tpu.memory_space<semaphore_mem>> -> memref<!tpu.dma_semaphore, #tpu.memory_space<semaphore_mem>>
      tpu.enqueue_indirect_dma source(%dma_start3A_63 : memref<80x128xf32, #tpu.memory_space<vmem>>) target(%dma_start3A_69 : memref<10000x128xf32, #tpu.memory_space<vmem_shared>>) offsets(%dma_start3A_66 : memref<80xi32, #tpu.memory_space<vmem>>) semaphore(%dma_start3A_71 : memref<!tpu.dma_semaphore, #tpu.memory_space<semaphore_mem>>) {add = true}
      %dma_start3A_72 = arith.constant 2 : i32
      %dma_start3A_73 = arith.constant 2 : i32
      %dma_start3A_74 = arith.constant 2 : i32
      %dma_start3A_75 = arith.constant 0 : i32
      %dma_start3A_76 = arith.constant 0 : i32
      %dma_start3A_77 = tpu.memref_slice %arg10[%dma_start3A_73, %dma_start3A_75, %dma_start3A_76] : memref<3x80x128xf32, #tpu.memory_space<vmem>> -> memref<1x80x128xf32, #tpu.memory_space<vmem>>
      %dma_start3A_78 = tpu.memref_squeeze %dma_start3A_77 : memref<1x80x128xf32, #tpu.memory_space<vmem>> -> memref<80x128xf32, #tpu.memory_space<vmem>>
      %dma_start3A_79 = arith.constant 0 : i32
      %dma_start3A_80 = tpu.memref_slice %arg8[%dma_start3A_72, %dma_start3A_79] : memref<125x80xi32, #tpu.memory_space<vmem>> -> memref<1x80xi32, #tpu.memory_space<vmem>>
      %dma_start3A_81 = tpu.memref_squeeze %dma_start3A_80 : memref<1x80xi32, #tpu.memory_space<vmem>> -> memref<80xi32, #tpu.memory_space<vmem>>
      %dma_start3A_82 = arith.constant 0 : i32
      %dma_start3A_83 = arith.constant 0 : i32
      %dma_start3A_84 = tpu.memref_slice %arg2[%dma_start3A_82, %dma_start3A_83] : memref<10000x128xf32, #tpu.memory_space<hbm>> -> memref<10000x128xf32, #tpu.memory_space<hbm>>
      %dma_start3A_85 = tpu.memref_slice %arg12[%dma_start3A_74] : memref<3x!tpu.dma_semaphore, #tpu.memory_space<semaphore_mem>> -> memref<1x!tpu.dma_semaphore, #tpu.memory_space<semaphore_mem>>
      %dma_start3A_86 = tpu.memref_squeeze %dma_start3A_85 : memref<1x!tpu.dma_semaphore, #tpu.memory_space<semaphore_mem>> -> memref<!tpu.dma_semaphore, #tpu.memory_space<semaphore_mem>>
      tpu.enqueue_indirect_dma source(%dma_start3A_84 : memref<10000x128xf32, #tpu.memory_space<hbm>>) target(%dma_start3A_78 : memref<80x128xf32, #tpu.memory_space<vmem>>) offsets(%dma_start3A_81 : memref<80xi32, #tpu.memory_space<vmem>>) semaphore(%dma_start3A_86 : memref<!tpu.dma_semaphore, #tpu.memory_space<semaphore_mem>>)
      %dma_wait3A_87 = arith.constant 1 : i32
      %dma_wait3A_88 = arith.constant 1 : i32
      %dma_wait3A_89 = arith.constant 1 : i32
      %dma_wait3A_90 = arith.constant 0 : i32
      %dma_wait3A_91 = arith.constant 0 : i32
      %dma_wait3A_92 = tpu.memref_slice %arg10[%dma_wait3A_88, %dma_wait3A_90, %dma_wait3A_91] : memref<3x80x128xf32, #tpu.memory_space<vmem>> -> memref<1x80x128xf32, #tpu.memory_space<vmem>>
      %dma_wait3A_93 = tpu.memref_squeeze %dma_wait3A_92 : memref<1x80x128xf32, #tpu.memory_space<vmem>> -> memref<80x128xf32, #tpu.memory_space<vmem>>
      %dma_wait3A_94 = arith.constant 0 : i32
      %dma_wait3A_95 = tpu.memref_slice %arg8[%dma_wait3A_87, %dma_wait3A_94] : memref<125x80xi32, #tpu.memory_space<vmem>> -> memref<1x80xi32, #tpu.memory_space<vmem>>
      %dma_wait3A_96 = tpu.memref_squeeze %dma_wait3A_95 : memref<1x80xi32, #tpu.memory_space<vmem>> -> memref<80xi32, #tpu.memory_space<vmem>>
      %dma_wait3A_97 = arith.constant 0 : i32
      %dma_wait3A_98 = arith.constant 0 : i32
      %dma_wait3A_99 = tpu.memref_slice %arg2[%dma_wait3A_97, %dma_wait3A_98] : memref<10000x128xf32, #tpu.memory_space<hbm>> -> memref<10000x128xf32, #tpu.memory_space<hbm>>
      %dma_wait3A_100 = tpu.memref_slice %arg12[%dma_wait3A_89] : memref<3x!tpu.dma_semaphore, #tpu.memory_space<semaphore_mem>> -> memref<1x!tpu.dma_semaphore, #tpu.memory_space<semaphore_mem>>
      %dma_wait3A_101 = tpu.memref_squeeze %dma_wait3A_100 : memref<1x!tpu.dma_semaphore, #tpu.memory_space<semaphore_mem>> -> memref<!tpu.dma_semaphore, #tpu.memory_space<semaphore_mem>>
      tpu.wait_indirect_dma semaphore(%dma_wait3A_101 : memref<!tpu.dma_semaphore, #tpu.memory_space<semaphore_mem>>) src(%dma_wait3A_99 : memref<10000x128xf32, #tpu.memory_space<hbm>>) dst(%dma_wait3A_93 : memref<80x128xf32, #tpu.memory_space<vmem>>)
      %dma_start3A_102 = arith.constant 1 : i32
      %dma_start3A_103 = arith.constant 1 : i32
      %dma_start3A_104 = arith.constant 1 : i32
      %dma_start3A_105 = arith.constant 0 : i32
      %dma_start3A_106 = arith.constant 0 : i32
      %dma_start3A_107 = tpu.memref_slice %arg10[%dma_start3A_102, %dma_start3A_105, %dma_start3A_106] : memref<3x80x128xf32, #tpu.memory_space<vmem>> -> memref<1x80x128xf32, #tpu.memory_space<vmem>>
      %dma_start3A_108 = tpu.memref_squeeze %dma_start3A_107 : memref<1x80x128xf32, #tpu.memory_space<vmem>> -> memref<80x128xf32, #tpu.memory_space<vmem>>
      %dma_start3A_109 = arith.constant 0 : i32
      %dma_start3A_110 = tpu.memref_slice %arg9[%dma_start3A_103, %dma_start3A_109] : memref<125x80xi32, #tpu.memory_space<vmem>> -> memref<1x80xi32, #tpu.memory_space<vmem>>
      %dma_start3A_111 = tpu.memref_squeeze %dma_start3A_110 : memref<1x80xi32, #tpu.memory_space<vmem>> -> memref<80xi32, #tpu.memory_space<vmem>>
      %dma_start3A_112 = arith.constant 0 : i32
      %dma_start3A_113 = arith.constant 0 : i32
      %dma_start3A_114 = tpu.memref_slice %arg11[%dma_start3A_112, %dma_start3A_113] : memref<10000x128xf32, #tpu.memory_space<vmem_shared>> -> memref<10000x128xf32, #tpu.memory_space<vmem_shared>>
      %dma_start3A_115 = tpu.memref_slice %arg12[%dma_start3A_104] : memref<3x!tpu.dma_semaphore, #tpu.memory_space<semaphore_mem>> -> memref<1x!tpu.dma_semaphore, #tpu.memory_space<semaphore_mem>>
      %dma_start3A_116 = tpu.memref_squeeze %dma_start3A_115 : memref<1x!tpu.dma_semaphore, #tpu.memory_space<semaphore_mem>> -> memref<!tpu.dma_semaphore, #tpu.memory_space<semaphore_mem>>
      tpu.enqueue_indirect_dma source(%dma_start3A_108 : memref<80x128xf32, #tpu.memory_space<vmem>>) target(%dma_start3A_114 : memref<10000x128xf32, #tpu.memory_space<vmem_shared>>) offsets(%dma_start3A_111 : memref<80xi32, #tpu.memory_space<vmem>>) semaphore(%dma_start3A_116 : memref<!tpu.dma_semaphore, #tpu.memory_space<semaphore_mem>>) {add = true}
      %dma_wait3A_117 = arith.constant 0 : i32
      %dma_wait3A_118 = arith.constant 0 : i32
      %dma_wait3A_119 = arith.constant 0 : i32
      %dma_wait3A_120 = arith.constant 0 : i32
      %dma_wait3A_121 = arith.constant 0 : i32
      %dma_wait3A_122 = tpu.memref_slice %arg10[%dma_wait3A_117, %dma_wait3A_120, %dma_wait3A_121] : memref<3x80x128xf32, #tpu.memory_space<vmem>> -> memref<1x80x128xf32, #tpu.memory_space<vmem>>
      %dma_wait3A_123 = tpu.memref_squeeze %dma_wait3A_122 : memref<1x80x128xf32, #tpu.memory_space<vmem>> -> memref<80x128xf32, #tpu.memory_space<vmem>>
      %dma_wait3A_124 = arith.constant 0 : i32
      %dma_wait3A_125 = tpu.memref_slice %arg9[%dma_wait3A_118, %dma_wait3A_124] : memref<125x80xi32, #tpu.memory_space<vmem>> -> memref<1x80xi32, #tpu.memory_space<vmem>>
      %dma_wait3A_126 = tpu.memref_squeeze %dma_wait3A_125 : memref<1x80xi32, #tpu.memory_space<vmem>> -> memref<80xi32, #tpu.memory_space<vmem>>
      %dma_wait3A_127 = arith.constant 0 : i32
      %dma_wait3A_128 = arith.constant 0 : i32
      %dma_wait3A_129 = tpu.memref_slice %arg11[%dma_wait3A_127, %dma_wait3A_128] : memref<10000x128xf32, #tpu.memory_space<vmem_shared>> -> memref<10000x128xf32, #tpu.memory_space<vmem_shared>>
      %dma_wait3A_130 = tpu.memref_slice %arg12[%dma_wait3A_119] : memref<3x!tpu.dma_semaphore, #tpu.memory_space<semaphore_mem>> -> memref<1x!tpu.dma_semaphore, #tpu.memory_space<semaphore_mem>>
      %dma_wait3A_131 = tpu.memref_squeeze %dma_wait3A_130 : memref<1x!tpu.dma_semaphore, #tpu.memory_space<semaphore_mem>> -> memref<!tpu.dma_semaphore, #tpu.memory_space<semaphore_mem>>
      tpu.wait_indirect_dma semaphore(%dma_wait3A_131 : memref<!tpu.dma_semaphore, #tpu.memory_space<semaphore_mem>>) src(%dma_wait3A_123 : memref<80x128xf32, #tpu.memory_space<vmem>>) dst(%dma_wait3A_129 : memref<10000x128xf32, #tpu.memory_space<vmem_shared>>)
      %dma_start3A_132 = arith.constant 3 : i32
      %dma_start3A_133 = arith.constant 0 : i32
      %dma_start3A_134 = arith.constant 0 : i32
      %dma_start3A_135 = arith.constant 0 : i32
      %dma_start3A_136 = arith.constant 0 : i32
      %dma_start3A_137 = tpu.memref_slice %arg10[%dma_start3A_133, %dma_start3A_135, %dma_start3A_136] : memref<3x80x128xf32, #tpu.memory_space<vmem>> -> memref<1x80x128xf32, #tpu.memory_space<vmem>>
      %dma_start3A_138 = tpu.memref_squeeze %dma_start3A_137 : memref<1x80x128xf32, #tpu.memory_space<vmem>> -> memref<80x128xf32, #tpu.memory_space<vmem>>
      %dma_start3A_139 = arith.constant 0 : i32
      %dma_start3A_140 = tpu.memref_slice %arg8[%dma_start3A_132, %dma_start3A_139] : memref<125x80xi32, #tpu.memory_space<vmem>> -> memref<1x80xi32, #tpu.memory_space<vmem>>
      %dma_start3A_141 = tpu.memref_squeeze %dma_start3A_140 : memref<1x80xi32, #tpu.memory_space<vmem>> -> memref<80xi32, #tpu.memory_space<vmem>>
      %dma_start3A_142 = arith.constant 0 : i32
      %dma_start3A_143 = arith.constant 0 : i32
      %dma_start3A_144 = tpu.memref_slice %arg2[%dma_start3A_142, %dma_start3A_143] : memref<10000x128xf32, #tpu.memory_space<hbm>> -> memref<10000x128xf32, #tpu.memory_space<hbm>>
      %dma_start3A_145 = tpu.memref_slice %arg12[%dma_start3A_134] : memref<3x!tpu.dma_semaphore, #tpu.memory_space<semaphore_mem>> -> memref<1x!tpu.dma_semaphore, #tpu.memory_space<semaphore_mem>>
      %dma_start3A_146 = tpu.memref_squeeze %dma_start3A_145 : memref<1x!tpu.dma_semaphore, #tpu.memory_space<semaphore_mem>> -> memref<!tpu.dma_semaphore, #tpu.memory_space<semaphore_mem>>
      tpu.enqueue_indirect_dma source(%dma_start3A_144 : memref<10000x128xf32, #tpu.memory_space<hbm>>) target(%dma_start3A_138 : memref<80x128xf32, #tpu.memory_space<vmem>>) offsets(%dma_start3A_141 : memref<80xi32, #tpu.memory_space<vmem>>) semaphore(%dma_start3A_146 : memref<!tpu.dma_semaphore, #tpu.memory_space<semaphore_mem>>)
      %dma_wait3A_147 = arith.constant 2 : i32
      %dma_wait3A_148 = arith.constant 2 : i32
      %dma_wait3A_149 = arith.constant 2 : i32
      %dma_wait3A_150 = arith.constant 0 : i32
      %dma_wait3A_151 = arith.constant 0 : i32
      %dma_wait3A_152 = tpu.memref_slice %arg10[%dma_wait3A_148, %dma_wait3A_150, %dma_wait3A_151] : memref<3x80x128xf32, #tpu.memory_space<vmem>> -> memref<1x80x128xf32, #tpu.memory_space<vmem>>
      %dma_wait3A_153 = tpu.memref_squeeze %dma_wait3A_152 : memref<1x80x128xf32, #tpu.memory_space<vmem>> -> memref<80x128xf32, #tpu.memory_space<vmem>>
      %dma_wait3A_154 = arith.constant 0 : i32
      %dma_wait3A_155 = tpu.memref_slice %arg8[%dma_wait3A_147, %dma_wait3A_154] : memref<125x80xi32, #tpu.memory_space<vmem>> -> memref<1x80xi32, #tpu.memory_space<vmem>>
      %dma_wait3A_156 = tpu.memref_squeeze %dma_wait3A_155 : memref<1x80xi32, #tpu.memory_space<vmem>> -> memref<80xi32, #tpu.memory_space<vmem>>
      %dma_wait3A_157 = arith.constant 0 : i32
      %dma_wait3A_158 = arith.constant 0 : i32
      %dma_wait3A_159 = tpu.memref_slice %arg2[%dma_wait3A_157, %dma_wait3A_158] : memref<10000x128xf32, #tpu.memory_space<hbm>> -> memref<10000x128xf32, #tpu.memory_space<hbm>>
      %dma_wait3A_160 = tpu.memref_slice %arg12[%dma_wait3A_149] : memref<3x!tpu.dma_semaphore, #tpu.memory_space<semaphore_mem>> -> memref<1x!tpu.dma_semaphore, #tpu.memory_space<semaphore_mem>>
      %dma_wait3A_161 = tpu.memref_squeeze %dma_wait3A_160 : memref<1x!tpu.dma_semaphore, #tpu.memory_space<semaphore_mem>> -> memref<!tpu.dma_semaphore, #tpu.memory_space<semaphore_mem>>
      tpu.wait_indirect_dma semaphore(%dma_wait3A_161 : memref<!tpu.dma_semaphore, #tpu.memory_space<semaphore_mem>>) src(%dma_wait3A_159 : memref<10000x128xf32, #tpu.memory_space<hbm>>) dst(%dma_wait3A_153 : memref<80x128xf32, #tpu.memory_space<vmem>>)
      %dma_start3A_162 = arith.constant 2 : i32
      %dma_start3A_163 = arith.constant 2 : i32
      %dma_start3A_164 = arith.constant 2 : i32
      %dma_start3A_165 = arith.constant 0 : i32
      %dma_start3A_166 = arith.constant 0 : i32
      %dma_start3A_167 = tpu.memref_slice %arg10[%dma_start3A_162, %dma_start3A_165, %dma_start3A_166] : memref<3x80x128xf32, #tpu.memory_space<vmem>> -> memref<1x80x128xf32, #tpu.memory_space<vmem>>
      %dma_start3A_168 = tpu.memref_squeeze %dma_start3A_167 : memref<1x80x128xf32, #tpu.memory_space<vmem>> -> memref<80x128xf32, #tpu.memory_space<vmem>>
      %dma_start3A_169 = arith.constant 0 : i32
      %dma_start3A_170 = tpu.memref_slice %arg9[%dma_start3A_163, %dma_start3A_169] : memref<125x80xi32, #tpu.memory_space<vmem>> -> memref<1x80xi32, #tpu.memory_space<vmem>>
      %dma_start3A_171 = tpu.memref_squeeze %dma_start3A_170 : memref<1x80xi32, #tpu.memory_space<vmem>> -> memref<80xi32, #tpu.memory_space<vmem>>
      %dma_start3A_172 = arith.constant 0 : i32
      %dma_start3A_173 = arith.constant 0 : i32
      %dma_start3A_174 = tpu.memref_slice %arg11[%dma_start3A_172, %dma_start3A_173] : memref<10000x128xf32, #tpu.memory_space<vmem_shared>> -> memref<10000x128xf32, #tpu.memory_space<vmem_shared>>
      %dma_start3A_175 = tpu.memref_slice %arg12[%dma_start3A_164] : memref<3x!tpu.dma_semaphore, #tpu.memory_space<semaphore_mem>> -> memref<1x!tpu.dma_semaphore, #tpu.memory_space<semaphore_mem>>
      %dma_start3A_176 = tpu.memref_squeeze %dma_start3A_175 : memref<1x!tpu.dma_semaphore, #tpu.memory_space<semaphore_mem>> -> memref<!tpu.dma_semaphore, #tpu.memory_space<semaphore_mem>>
      tpu.enqueue_indirect_dma source(%dma_start3A_168 : memref<80x128xf32, #tpu.memory_space<vmem>>) target(%dma_start3A_174 : memref<10000x128xf32, #tpu.memory_space<vmem_shared>>) offsets(%dma_start3A_171 : memref<80xi32, #tpu.memory_space<vmem>>) semaphore(%dma_start3A_176 : memref<!tpu.dma_semaphore, #tpu.memory_space<semaphore_mem>>) {add = true}
      %scan3A = arith.constant 0 : i32
      %scan3A_177 = arith.constant 1 : i32
      %scan3A_178 = arith.constant 39 : i32
      %scan3A_179 = arith.addi %scan3A_177, %scan3A_178 : i32
      %scan3A_180 = arith.constant 1 : i32
      scf.for %scan3A_502 = %scan3A_177 to %scan3A_179 step %scan3A_180  : i32 {
        %mul3A_503 = arith.constant 3 : i32
        %mul3A_504 = arith.muli %scan3A_502, %mul3A_503 : i32
        %add3A = arith.constant 0 : i32
        %add3A_505 = arith.addi %mul3A_504, %add3A : i32
        %add3A_506 = arith.constant 1 : i32
        %add3A_507 = arith.addi %add3A_505, %add3A_506 : i32
        %sub3A = arith.constant 3 : i32
        %sub3A_508 = arith.subi %add3A_507, %sub3A : i32
        %dma_wait3A_509 = arith.constant 1 : i32
        %dma_wait3A_510 = arith.constant 1 : i32
        %dma_wait3A_511 = arith.constant 0 : i32
        %dma_wait3A_512 = arith.constant 0 : i32
        %dma_wait3A_513 = tpu.memref_slice %arg10[%dma_wait3A_509, %dma_wait3A_511, %dma_wait3A_512] : memref<3x80x128xf32, #tpu.memory_space<vmem>> -> memref<1x80x128xf32, #tpu.memory_space<vmem>>
        %dma_wait3A_514 = tpu.memref_squeeze %dma_wait3A_513 : memref<1x80x128xf32, #tpu.memory_space<vmem>> -> memref<80x128xf32, #tpu.memory_space<vmem>>
        %dma_wait3A_515 = arith.constant 0 : i32
        %dma_wait3A_516 = tpu.memref_slice %arg9[%sub3A_508, %dma_wait3A_515] : memref<125x80xi32, #tpu.memory_space<vmem>> -> memref<1x80xi32, #tpu.memory_space<vmem>>
        %dma_wait3A_517 = tpu.memref_squeeze %dma_wait3A_516 : memref<1x80xi32, #tpu.memory_space<vmem>> -> memref<80xi32, #tpu.memory_space<vmem>>
        %dma_wait3A_518 = arith.constant 0 : i32
        %dma_wait3A_519 = arith.constant 0 : i32
        %dma_wait3A_520 = tpu.memref_slice %arg11[%dma_wait3A_518, %dma_wait3A_519] : memref<10000x128xf32, #tpu.memory_space<vmem_shared>> -> memref<10000x128xf32, #tpu.memory_space<vmem_shared>>
        %dma_wait3A_521 = tpu.memref_slice %arg12[%dma_wait3A_510] : memref<3x!tpu.dma_semaphore, #tpu.memory_space<semaphore_mem>> -> memref<1x!tpu.dma_semaphore, #tpu.memory_space<semaphore_mem>>
        %dma_wait3A_522 = tpu.memref_squeeze %dma_wait3A_521 : memref<1x!tpu.dma_semaphore, #tpu.memory_space<semaphore_mem>> -> memref<!tpu.dma_semaphore, #tpu.memory_space<semaphore_mem>>
        tpu.wait_indirect_dma semaphore(%dma_wait3A_522 : memref<!tpu.dma_semaphore, #tpu.memory_space<semaphore_mem>>) src(%dma_wait3A_514 : memref<80x128xf32, #tpu.memory_space<vmem>>) dst(%dma_wait3A_520 : memref<10000x128xf32, #tpu.memory_space<vmem_shared>>)
        %add3A_523 = arith.constant 1 : i32
        %add3A_524 = arith.addi %add3A_505, %add3A_523 : i32
        %dma_start3A_525 = arith.constant 1 : i32
        %dma_start3A_526 = arith.constant 1 : i32
        %dma_start3A_527 = arith.constant 0 : i32
        %dma_start3A_528 = arith.constant 0 : i32
        %dma_start3A_529 = tpu.memref_slice %arg10[%dma_start3A_525, %dma_start3A_527, %dma_start3A_528] : memref<3x80x128xf32, #tpu.memory_space<vmem>> -> memref<1x80x128xf32, #tpu.memory_space<vmem>>
        %dma_start3A_530 = tpu.memref_squeeze %dma_start3A_529 : memref<1x80x128xf32, #tpu.memory_space<vmem>> -> memref<80x128xf32, #tpu.memory_space<vmem>>
        %dma_start3A_531 = arith.constant 0 : i32
        %dma_start3A_532 = tpu.memref_slice %arg8[%add3A_524, %dma_start3A_531] : memref<125x80xi32, #tpu.memory_space<vmem>> -> memref<1x80xi32, #tpu.memory_space<vmem>>
        %dma_start3A_533 = tpu.memref_squeeze %dma_start3A_532 : memref<1x80xi32, #tpu.memory_space<vmem>> -> memref<80xi32, #tpu.memory_space<vmem>>
        %dma_start3A_534 = arith.constant 0 : i32
        %dma_start3A_535 = arith.constant 0 : i32
        %dma_start3A_536 = tpu.memref_slice %arg2[%dma_start3A_534, %dma_start3A_535] : memref<10000x128xf32, #tpu.memory_space<hbm>> -> memref<10000x128xf32, #tpu.memory_space<hbm>>
        %dma_start3A_537 = tpu.memref_slice %arg12[%dma_start3A_526] : memref<3x!tpu.dma_semaphore, #tpu.memory_space<semaphore_mem>> -> memref<1x!tpu.dma_semaphore, #tpu.memory_space<semaphore_mem>>
        %dma_start3A_538 = tpu.memref_squeeze %dma_start3A_537 : memref<1x!tpu.dma_semaphore, #tpu.memory_space<semaphore_mem>> -> memref<!tpu.dma_semaphore, #tpu.memory_space<semaphore_mem>>
        tpu.enqueue_indirect_dma source(%dma_start3A_536 : memref<10000x128xf32, #tpu.memory_space<hbm>>) target(%dma_start3A_530 : memref<80x128xf32, #tpu.memory_space<vmem>>) offsets(%dma_start3A_533 : memref<80xi32, #tpu.memory_space<vmem>>) semaphore(%dma_start3A_538 : memref<!tpu.dma_semaphore, #tpu.memory_space<semaphore_mem>>)
        %dma_wait3A_539 = arith.constant 0 : i32
        %dma_wait3A_540 = arith.constant 0 : i32
        %dma_wait3A_541 = arith.constant 0 : i32
        %dma_wait3A_542 = arith.constant 0 : i32
        %dma_wait3A_543 = tpu.memref_slice %arg10[%dma_wait3A_539, %dma_wait3A_541, %dma_wait3A_542] : memref<3x80x128xf32, #tpu.memory_space<vmem>> -> memref<1x80x128xf32, #tpu.memory_space<vmem>>
        %dma_wait3A_544 = tpu.memref_squeeze %dma_wait3A_543 : memref<1x80x128xf32, #tpu.memory_space<vmem>> -> memref<80x128xf32, #tpu.memory_space<vmem>>
        %dma_wait3A_545 = arith.constant 0 : i32
        %dma_wait3A_546 = tpu.memref_slice %arg8[%add3A_505, %dma_wait3A_545] : memref<125x80xi32, #tpu.memory_space<vmem>> -> memref<1x80xi32, #tpu.memory_space<vmem>>
        %dma_wait3A_547 = tpu.memref_squeeze %dma_wait3A_546 : memref<1x80xi32, #tpu.memory_space<vmem>> -> memref<80xi32, #tpu.memory_space<vmem>>
        %dma_wait3A_548 = arith.constant 0 : i32
        %dma_wait3A_549 = arith.constant 0 : i32
        %dma_wait3A_550 = tpu.memref_slice %arg2[%dma_wait3A_548, %dma_wait3A_549] : memref<10000x128xf32, #tpu.memory_space<hbm>> -> memref<10000x128xf32, #tpu.memory_space<hbm>>
        %dma_wait3A_551 = tpu.memref_slice %arg12[%dma_wait3A_540] : memref<3x!tpu.dma_semaphore, #tpu.memory_space<semaphore_mem>> -> memref<1x!tpu.dma_semaphore, #tpu.memory_space<semaphore_mem>>
        %dma_wait3A_552 = tpu.memref_squeeze %dma_wait3A_551 : memref<1x!tpu.dma_semaphore, #tpu.memory_space<semaphore_mem>> -> memref<!tpu.dma_semaphore, #tpu.memory_space<semaphore_mem>>
        tpu.wait_indirect_dma semaphore(%dma_wait3A_552 : memref<!tpu.dma_semaphore, #tpu.memory_space<semaphore_mem>>) src(%dma_wait3A_550 : memref<10000x128xf32, #tpu.memory_space<hbm>>) dst(%dma_wait3A_544 : memref<80x128xf32, #tpu.memory_space<vmem>>)
        %dma_start3A_553 = arith.constant 0 : i32
        %dma_start3A_554 = arith.constant 0 : i32
        %dma_start3A_555 = arith.constant 0 : i32
        %dma_start3A_556 = arith.constant 0 : i32
        %dma_start3A_557 = tpu.memref_slice %arg10[%dma_start3A_553, %dma_start3A_555, %dma_start3A_556] : memref<3x80x128xf32, #tpu.memory_space<vmem>> -> memref<1x80x128xf32, #tpu.memory_space<vmem>>
        %dma_start3A_558 = tpu.memref_squeeze %dma_start3A_557 : memref<1x80x128xf32, #tpu.memory_space<vmem>> -> memref<80x128xf32, #tpu.memory_space<vmem>>
        %dma_start3A_559 = arith.constant 0 : i32
        %dma_start3A_560 = tpu.memref_slice %arg9[%add3A_505, %dma_start3A_559] : memref<125x80xi32, #tpu.memory_space<vmem>> -> memref<1x80xi32, #tpu.memory_space<vmem>>
        %dma_start3A_561 = tpu.memref_squeeze %dma_start3A_560 : memref<1x80xi32, #tpu.memory_space<vmem>> -> memref<80xi32, #tpu.memory_space<vmem>>
        %dma_start3A_562 = arith.constant 0 : i32
        %dma_start3A_563 = arith.constant 0 : i32
        %dma_start3A_564 = tpu.memref_slice %arg11[%dma_start3A_562, %dma_start3A_563] : memref<10000x128xf32, #tpu.memory_space<vmem_shared>> -> memref<10000x128xf32, #tpu.memory_space<vmem_shared>>
        %dma_start3A_565 = tpu.memref_slice %arg12[%dma_start3A_554] : memref<3x!tpu.dma_semaphore, #tpu.memory_space<semaphore_mem>> -> memref<1x!tpu.dma_semaphore, #tpu.memory_space<semaphore_mem>>
        %dma_start3A_566 = tpu.memref_squeeze %dma_start3A_565 : memref<1x!tpu.dma_semaphore, #tpu.memory_space<semaphore_mem>> -> memref<!tpu.dma_semaphore, #tpu.memory_space<semaphore_mem>>
        tpu.enqueue_indirect_dma source(%dma_start3A_558 : memref<80x128xf32, #tpu.memory_space<vmem>>) target(%dma_start3A_564 : memref<10000x128xf32, #tpu.memory_space<vmem_shared>>) offsets(%dma_start3A_561 : memref<80xi32, #tpu.memory_space<vmem>>) semaphore(%dma_start3A_566 : memref<!tpu.dma_semaphore, #tpu.memory_space<semaphore_mem>>) {add = true}
        %add3A_567 = arith.constant 1 : i32
        %add3A_568 = arith.addi %mul3A_504, %add3A_567 : i32
        %add3A_569 = arith.constant 1 : i32
        %add3A_570 = arith.addi %add3A_568, %add3A_569 : i32
        %sub3A_571 = arith.constant 3 : i32
        %sub3A_572 = arith.subi %add3A_570, %sub3A_571 : i32
        %dma_wait3A_573 = arith.constant 2 : i32
        %dma_wait3A_574 = arith.constant 2 : i32
        %dma_wait3A_575 = arith.constant 0 : i32
        %dma_wait3A_576 = arith.constant 0 : i32
        %dma_wait3A_577 = tpu.memref_slice %arg10[%dma_wait3A_573, %dma_wait3A_575, %dma_wait3A_576] : memref<3x80x128xf32, #tpu.memory_space<vmem>> -> memref<1x80x128xf32, #tpu.memory_space<vmem>>
        %dma_wait3A_578 = tpu.memref_squeeze %dma_wait3A_577 : memref<1x80x128xf32, #tpu.memory_space<vmem>> -> memref<80x128xf32, #tpu.memory_space<vmem>>
        %dma_wait3A_579 = arith.constant 0 : i32
        %dma_wait3A_580 = tpu.memref_slice %arg9[%sub3A_572, %dma_wait3A_579] : memref<125x80xi32, #tpu.memory_space<vmem>> -> memref<1x80xi32, #tpu.memory_space<vmem>>
        %dma_wait3A_581 = tpu.memref_squeeze %dma_wait3A_580 : memref<1x80xi32, #tpu.memory_space<vmem>> -> memref<80xi32, #tpu.memory_space<vmem>>
        %dma_wait3A_582 = arith.constant 0 : i32
        %dma_wait3A_583 = arith.constant 0 : i32
        %dma_wait3A_584 = tpu.memref_slice %arg11[%dma_wait3A_582, %dma_wait3A_583] : memref<10000x128xf32, #tpu.memory_space<vmem_shared>> -> memref<10000x128xf32, #tpu.memory_space<vmem_shared>>
        %dma_wait3A_585 = tpu.memref_slice %arg12[%dma_wait3A_574] : memref<3x!tpu.dma_semaphore, #tpu.memory_space<semaphore_mem>> -> memref<1x!tpu.dma_semaphore, #tpu.memory_space<semaphore_mem>>
        %dma_wait3A_586 = tpu.memref_squeeze %dma_wait3A_585 : memref<1x!tpu.dma_semaphore, #tpu.memory_space<semaphore_mem>> -> memref<!tpu.dma_semaphore, #tpu.memory_space<semaphore_mem>>
        tpu.wait_indirect_dma semaphore(%dma_wait3A_586 : memref<!tpu.dma_semaphore, #tpu.memory_space<semaphore_mem>>) src(%dma_wait3A_578 : memref<80x128xf32, #tpu.memory_space<vmem>>) dst(%dma_wait3A_584 : memref<10000x128xf32, #tpu.memory_space<vmem_shared>>)
        %add3A_587 = arith.constant 1 : i32
        %add3A_588 = arith.addi %add3A_568, %add3A_587 : i32
        %dma_start3A_589 = arith.constant 2 : i32
        %dma_start3A_590 = arith.constant 2 : i32
        %dma_start3A_591 = arith.constant 0 : i32
        %dma_start3A_592 = arith.constant 0 : i32
        %dma_start3A_593 = tpu.memref_slice %arg10[%dma_start3A_589, %dma_start3A_591, %dma_start3A_592] : memref<3x80x128xf32, #tpu.memory_space<vmem>> -> memref<1x80x128xf32, #tpu.memory_space<vmem>>
        %dma_start3A_594 = tpu.memref_squeeze %dma_start3A_593 : memref<1x80x128xf32, #tpu.memory_space<vmem>> -> memref<80x128xf32, #tpu.memory_space<vmem>>
        %dma_start3A_595 = arith.constant 0 : i32
        %dma_start3A_596 = tpu.memref_slice %arg8[%add3A_588, %dma_start3A_595] : memref<125x80xi32, #tpu.memory_space<vmem>> -> memref<1x80xi32, #tpu.memory_space<vmem>>
        %dma_start3A_597 = tpu.memref_squeeze %dma_start3A_596 : memref<1x80xi32, #tpu.memory_space<vmem>> -> memref<80xi32, #tpu.memory_space<vmem>>
        %dma_start3A_598 = arith.constant 0 : i32
        %dma_start3A_599 = arith.constant 0 : i32
        %dma_start3A_600 = tpu.memref_slice %arg2[%dma_start3A_598, %dma_start3A_599] : memref<10000x128xf32, #tpu.memory_space<hbm>> -> memref<10000x128xf32, #tpu.memory_space<hbm>>
        %dma_start3A_601 = tpu.memref_slice %arg12[%dma_start3A_590] : memref<3x!tpu.dma_semaphore, #tpu.memory_space<semaphore_mem>> -> memref<1x!tpu.dma_semaphore, #tpu.memory_space<semaphore_mem>>
        %dma_start3A_602 = tpu.memref_squeeze %dma_start3A_601 : memref<1x!tpu.dma_semaphore, #tpu.memory_space<semaphore_mem>> -> memref<!tpu.dma_semaphore, #tpu.memory_space<semaphore_mem>>
        tpu.enqueue_indirect_dma source(%dma_start3A_600 : memref<10000x128xf32, #tpu.memory_space<hbm>>) target(%dma_start3A_594 : memref<80x128xf32, #tpu.memory_space<vmem>>) offsets(%dma_start3A_597 : memref<80xi32, #tpu.memory_space<vmem>>) semaphore(%dma_start3A_602 : memref<!tpu.dma_semaphore, #tpu.memory_space<semaphore_mem>>)
        %dma_wait3A_603 = arith.constant 1 : i32
        %dma_wait3A_604 = arith.constant 1 : i32
        %dma_wait3A_605 = arith.constant 0 : i32
        %dma_wait3A_606 = arith.constant 0 : i32
        %dma_wait3A_607 = tpu.memref_slice %arg10[%dma_wait3A_603, %dma_wait3A_605, %dma_wait3A_606] : memref<3x80x128xf32, #tpu.memory_space<vmem>> -> memref<1x80x128xf32, #tpu.memory_space<vmem>>
        %dma_wait3A_608 = tpu.memref_squeeze %dma_wait3A_607 : memref<1x80x128xf32, #tpu.memory_space<vmem>> -> memref<80x128xf32, #tpu.memory_space<vmem>>
        %dma_wait3A_609 = arith.constant 0 : i32
        %dma_wait3A_610 = tpu.memref_slice %arg8[%add3A_568, %dma_wait3A_609] : memref<125x80xi32, #tpu.memory_space<vmem>> -> memref<1x80xi32, #tpu.memory_space<vmem>>
        %dma_wait3A_611 = tpu.memref_squeeze %dma_wait3A_610 : memref<1x80xi32, #tpu.memory_space<vmem>> -> memref<80xi32, #tpu.memory_space<vmem>>
        %dma_wait3A_612 = arith.constant 0 : i32
        %dma_wait3A_613 = arith.constant 0 : i32
        %dma_wait3A_614 = tpu.memref_slice %arg2[%dma_wait3A_612, %dma_wait3A_613] : memref<10000x128xf32, #tpu.memory_space<hbm>> -> memref<10000x128xf32, #tpu.memory_space<hbm>>
        %dma_wait3A_615 = tpu.memref_slice %arg12[%dma_wait3A_604] : memref<3x!tpu.dma_semaphore, #tpu.memory_space<semaphore_mem>> -> memref<1x!tpu.dma_semaphore, #tpu.memory_space<semaphore_mem>>
        %dma_wait3A_616 = tpu.memref_squeeze %dma_wait3A_615 : memref<1x!tpu.dma_semaphore, #tpu.memory_space<semaphore_mem>> -> memref<!tpu.dma_semaphore, #tpu.memory_space<semaphore_mem>>
        tpu.wait_indirect_dma semaphore(%dma_wait3A_616 : memref<!tpu.dma_semaphore, #tpu.memory_space<semaphore_mem>>) src(%dma_wait3A_614 : memref<10000x128xf32, #tpu.memory_space<hbm>>) dst(%dma_wait3A_608 : memref<80x128xf32, #tpu.memory_space<vmem>>)
        %dma_start3A_617 = arith.constant 1 : i32
        %dma_start3A_618 = arith.constant 1 : i32
        %dma_start3A_619 = arith.constant 0 : i32
        %dma_start3A_620 = arith.constant 0 : i32
        %dma_start3A_621 = tpu.memref_slice %arg10[%dma_start3A_617, %dma_start3A_619, %dma_start3A_620] : memref<3x80x128xf32, #tpu.memory_space<vmem>> -> memref<1x80x128xf32, #tpu.memory_space<vmem>>
        %dma_start3A_622 = tpu.memref_squeeze %dma_start3A_621 : memref<1x80x128xf32, #tpu.memory_space<vmem>> -> memref<80x128xf32, #tpu.memory_space<vmem>>
        %dma_start3A_623 = arith.constant 0 : i32
        %dma_start3A_624 = tpu.memref_slice %arg9[%add3A_568, %dma_start3A_623] : memref<125x80xi32, #tpu.memory_space<vmem>> -> memref<1x80xi32, #tpu.memory_space<vmem>>
        %dma_start3A_625 = tpu.memref_squeeze %dma_start3A_624 : memref<1x80xi32, #tpu.memory_space<vmem>> -> memref<80xi32, #tpu.memory_space<vmem>>
        %dma_start3A_626 = arith.constant 0 : i32
        %dma_start3A_627 = arith.constant 0 : i32
        %dma_start3A_628 = tpu.memref_slice %arg11[%dma_start3A_626, %dma_start3A_627] : memref<10000x128xf32, #tpu.memory_space<vmem_shared>> -> memref<10000x128xf32, #tpu.memory_space<vmem_shared>>
        %dma_start3A_629 = tpu.memref_slice %arg12[%dma_start3A_618] : memref<3x!tpu.dma_semaphore, #tpu.memory_space<semaphore_mem>> -> memref<1x!tpu.dma_semaphore, #tpu.memory_space<semaphore_mem>>
        %dma_start3A_630 = tpu.memref_squeeze %dma_start3A_629 : memref<1x!tpu.dma_semaphore, #tpu.memory_space<semaphore_mem>> -> memref<!tpu.dma_semaphore, #tpu.memory_space<semaphore_mem>>
        tpu.enqueue_indirect_dma source(%dma_start3A_622 : memref<80x128xf32, #tpu.memory_space<vmem>>) target(%dma_start3A_628 : memref<10000x128xf32, #tpu.memory_space<vmem_shared>>) offsets(%dma_start3A_625 : memref<80xi32, #tpu.memory_space<vmem>>) semaphore(%dma_start3A_630 : memref<!tpu.dma_semaphore, #tpu.memory_space<semaphore_mem>>) {add = true}
        %add3A_631 = arith.constant 2 : i32
        %add3A_632 = arith.addi %mul3A_504, %add3A_631 : i32
        %add3A_633 = arith.constant 1 : i32
        %add3A_634 = arith.addi %add3A_632, %add3A_633 : i32
        %sub3A_635 = arith.constant 3 : i32
        %sub3A_636 = arith.subi %add3A_634, %sub3A_635 : i32
        %dma_wait3A_637 = arith.constant 0 : i32
        %dma_wait3A_638 = arith.constant 0 : i32
        %dma_wait3A_639 = arith.constant 0 : i32
        %dma_wait3A_640 = arith.constant 0 : i32
        %dma_wait3A_641 = tpu.memref_slice %arg10[%dma_wait3A_637, %dma_wait3A_639, %dma_wait3A_640] : memref<3x80x128xf32, #tpu.memory_space<vmem>> -> memref<1x80x128xf32, #tpu.memory_space<vmem>>
        %dma_wait3A_642 = tpu.memref_squeeze %dma_wait3A_641 : memref<1x80x128xf32, #tpu.memory_space<vmem>> -> memref<80x128xf32, #tpu.memory_space<vmem>>
        %dma_wait3A_643 = arith.constant 0 : i32
        %dma_wait3A_644 = tpu.memref_slice %arg9[%sub3A_636, %dma_wait3A_643] : memref<125x80xi32, #tpu.memory_space<vmem>> -> memref<1x80xi32, #tpu.memory_space<vmem>>
        %dma_wait3A_645 = tpu.memref_squeeze %dma_wait3A_644 : memref<1x80xi32, #tpu.memory_space<vmem>> -> memref<80xi32, #tpu.memory_space<vmem>>
        %dma_wait3A_646 = arith.constant 0 : i32
        %dma_wait3A_647 = arith.constant 0 : i32
        %dma_wait3A_648 = tpu.memref_slice %arg11[%dma_wait3A_646, %dma_wait3A_647] : memref<10000x128xf32, #tpu.memory_space<vmem_shared>> -> memref<10000x128xf32, #tpu.memory_space<vmem_shared>>
        %dma_wait3A_649 = tpu.memref_slice %arg12[%dma_wait3A_638] : memref<3x!tpu.dma_semaphore, #tpu.memory_space<semaphore_mem>> -> memref<1x!tpu.dma_semaphore, #tpu.memory_space<semaphore_mem>>
        %dma_wait3A_650 = tpu.memref_squeeze %dma_wait3A_649 : memref<1x!tpu.dma_semaphore, #tpu.memory_space<semaphore_mem>> -> memref<!tpu.dma_semaphore, #tpu.memory_space<semaphore_mem>>
        tpu.wait_indirect_dma semaphore(%dma_wait3A_650 : memref<!tpu.dma_semaphore, #tpu.memory_space<semaphore_mem>>) src(%dma_wait3A_642 : memref<80x128xf32, #tpu.memory_space<vmem>>) dst(%dma_wait3A_648 : memref<10000x128xf32, #tpu.memory_space<vmem_shared>>)
        %add3A_651 = arith.constant 1 : i32
        %add3A_652 = arith.addi %add3A_632, %add3A_651 : i32
        %dma_start3A_653 = arith.constant 0 : i32
        %dma_start3A_654 = arith.constant 0 : i32
        %dma_start3A_655 = arith.constant 0 : i32
        %dma_start3A_656 = arith.constant 0 : i32
        %dma_start3A_657 = tpu.memref_slice %arg10[%dma_start3A_653, %dma_start3A_655, %dma_start3A_656] : memref<3x80x128xf32, #tpu.memory_space<vmem>> -> memref<1x80x128xf32, #tpu.memory_space<vmem>>
        %dma_start3A_658 = tpu.memref_squeeze %dma_start3A_657 : memref<1x80x128xf32, #tpu.memory_space<vmem>> -> memref<80x128xf32, #tpu.memory_space<vmem>>
        %dma_start3A_659 = arith.constant 0 : i32
        %dma_start3A_660 = tpu.memref_slice %arg8[%add3A_652, %dma_start3A_659] : memref<125x80xi32, #tpu.memory_space<vmem>> -> memref<1x80xi32, #tpu.memory_space<vmem>>
        %dma_start3A_661 = tpu.memref_squeeze %dma_start3A_660 : memref<1x80xi32, #tpu.memory_space<vmem>> -> memref<80xi32, #tpu.memory_space<vmem>>
        %dma_start3A_662 = arith.constant 0 : i32
        %dma_start3A_663 = arith.constant 0 : i32
        %dma_start3A_664 = tpu.memref_slice %arg2[%dma_start3A_662, %dma_start3A_663] : memref<10000x128xf32, #tpu.memory_space<hbm>> -> memref<10000x128xf32, #tpu.memory_space<hbm>>
        %dma_start3A_665 = tpu.memref_slice %arg12[%dma_start3A_654] : memref<3x!tpu.dma_semaphore, #tpu.memory_space<semaphore_mem>> -> memref<1x!tpu.dma_semaphore, #tpu.memory_space<semaphore_mem>>
        %dma_start3A_666 = tpu.memref_squeeze %dma_start3A_665 : memref<1x!tpu.dma_semaphore, #tpu.memory_space<semaphore_mem>> -> memref<!tpu.dma_semaphore, #tpu.memory_space<semaphore_mem>>
        tpu.enqueue_indirect_dma source(%dma_start3A_664 : memref<10000x128xf32, #tpu.memory_space<hbm>>) target(%dma_start3A_658 : memref<80x128xf32, #tpu.memory_space<vmem>>) offsets(%dma_start3A_661 : memref<80xi32, #tpu.memory_space<vmem>>) semaphore(%dma_start3A_666 : memref<!tpu.dma_semaphore, #tpu.memory_space<semaphore_mem>>)
        %dma_wait3A_667 = arith.constant 2 : i32
        %dma_wait3A_668 = arith.constant 2 : i32
        %dma_wait3A_669 = arith.constant 0 : i32
        %dma_wait3A_670 = arith.constant 0 : i32
        %dma_wait3A_671 = tpu.memref_slice %arg10[%dma_wait3A_667, %dma_wait3A_669, %dma_wait3A_670] : memref<3x80x128xf32, #tpu.memory_space<vmem>> -> memref<1x80x128xf32, #tpu.memory_space<vmem>>
        %dma_wait3A_672 = tpu.memref_squeeze %dma_wait3A_671 : memref<1x80x128xf32, #tpu.memory_space<vmem>> -> memref<80x128xf32, #tpu.memory_space<vmem>>
        %dma_wait3A_673 = arith.constant 0 : i32
        %dma_wait3A_674 = tpu.memref_slice %arg8[%add3A_632, %dma_wait3A_673] : memref<125x80xi32, #tpu.memory_space<vmem>> -> memref<1x80xi32, #tpu.memory_space<vmem>>
        %dma_wait3A_675 = tpu.memref_squeeze %dma_wait3A_674 : memref<1x80xi32, #tpu.memory_space<vmem>> -> memref<80xi32, #tpu.memory_space<vmem>>
        %dma_wait3A_676 = arith.constant 0 : i32
        %dma_wait3A_677 = arith.constant 0 : i32
        %dma_wait3A_678 = tpu.memref_slice %arg2[%dma_wait3A_676, %dma_wait3A_677] : memref<10000x128xf32, #tpu.memory_space<hbm>> -> memref<10000x128xf32, #tpu.memory_space<hbm>>
        %dma_wait3A_679 = tpu.memref_slice %arg12[%dma_wait3A_668] : memref<3x!tpu.dma_semaphore, #tpu.memory_space<semaphore_mem>> -> memref<1x!tpu.dma_semaphore, #tpu.memory_space<semaphore_mem>>
        %dma_wait3A_680 = tpu.memref_squeeze %dma_wait3A_679 : memref<1x!tpu.dma_semaphore, #tpu.memory_space<semaphore_mem>> -> memref<!tpu.dma_semaphore, #tpu.memory_space<semaphore_mem>>
        tpu.wait_indirect_dma semaphore(%dma_wait3A_680 : memref<!tpu.dma_semaphore, #tpu.memory_space<semaphore_mem>>) src(%dma_wait3A_678 : memref<10000x128xf32, #tpu.memory_space<hbm>>) dst(%dma_wait3A_672 : memref<80x128xf32, #tpu.memory_space<vmem>>)
        %dma_start3A_681 = arith.constant 2 : i32
        %dma_start3A_682 = arith.constant 2 : i32
        %dma_start3A_683 = arith.constant 0 : i32
        %dma_start3A_684 = arith.constant 0 : i32
        %dma_start3A_685 = tpu.memref_slice %arg10[%dma_start3A_681, %dma_start3A_683, %dma_start3A_684] : memref<3x80x128xf32, #tpu.memory_space<vmem>> -> memref<1x80x128xf32, #tpu.memory_space<vmem>>
        %dma_start3A_686 = tpu.memref_squeeze %dma_start3A_685 : memref<1x80x128xf32, #tpu.memory_space<vmem>> -> memref<80x128xf32, #tpu.memory_space<vmem>>
        %dma_start3A_687 = arith.constant 0 : i32
        %dma_start3A_688 = tpu.memref_slice %arg9[%add3A_632, %dma_start3A_687] : memref<125x80xi32, #tpu.memory_space<vmem>> -> memref<1x80xi32, #tpu.memory_space<vmem>>
        %dma_start3A_689 = tpu.memref_squeeze %dma_start3A_688 : memref<1x80xi32, #tpu.memory_space<vmem>> -> memref<80xi32, #tpu.memory_space<vmem>>
        %dma_start3A_690 = arith.constant 0 : i32
        %dma_start3A_691 = arith.constant 0 : i32
        %dma_start3A_692 = tpu.memref_slice %arg11[%dma_start3A_690, %dma_start3A_691] : memref<10000x128xf32, #tpu.memory_space<vmem_shared>> -> memref<10000x128xf32, #tpu.memory_space<vmem_shared>>
        %dma_start3A_693 = tpu.memref_slice %arg12[%dma_start3A_682] : memref<3x!tpu.dma_semaphore, #tpu.memory_space<semaphore_mem>> -> memref<1x!tpu.dma_semaphore, #tpu.memory_space<semaphore_mem>>
        %dma_start3A_694 = tpu.memref_squeeze %dma_start3A_693 : memref<1x!tpu.dma_semaphore, #tpu.memory_space<semaphore_mem>> -> memref<!tpu.dma_semaphore, #tpu.memory_space<semaphore_mem>>
        tpu.enqueue_indirect_dma source(%dma_start3A_686 : memref<80x128xf32, #tpu.memory_space<vmem>>) target(%dma_start3A_692 : memref<10000x128xf32, #tpu.memory_space<vmem_shared>>) offsets(%dma_start3A_689 : memref<80xi32, #tpu.memory_space<vmem>>) semaphore(%dma_start3A_694 : memref<!tpu.dma_semaphore, #tpu.memory_space<semaphore_mem>>) {add = true}
      }
      %scan3A_181 = arith.constant 39 : i32
      %dma_wait3A_182 = arith.constant 1 : i32
      %dma_wait3A_183 = arith.constant 118 : i32
      %dma_wait3A_184 = arith.constant 1 : i32
      %dma_wait3A_185 = arith.constant 0 : i32
      %dma_wait3A_186 = arith.constant 0 : i32
      %dma_wait3A_187 = tpu.memref_slice %arg10[%dma_wait3A_182, %dma_wait3A_185, %dma_wait3A_186] : memref<3x80x128xf32, #tpu.memory_space<vmem>> -> memref<1x80x128xf32, #tpu.memory_space<vmem>>
      %dma_wait3A_188 = tpu.memref_squeeze %dma_wait3A_187 : memref<1x80x128xf32, #tpu.memory_space<vmem>> -> memref<80x128xf32, #tpu.memory_space<vmem>>
      %dma_wait3A_189 = arith.constant 0 : i32
      %dma_wait3A_190 = tpu.memref_slice %arg9[%dma_wait3A_183, %dma_wait3A_189] : memref<125x80xi32, #tpu.memory_space<vmem>> -> memref<1x80xi32, #tpu.memory_space<vmem>>
      %dma_wait3A_191 = tpu.memref_squeeze %dma_wait3A_190 : memref<1x80xi32, #tpu.memory_space<vmem>> -> memref<80xi32, #tpu.memory_space<vmem>>
      %dma_wait3A_192 = arith.constant 0 : i32
      %dma_wait3A_193 = arith.constant 0 : i32
      %dma_wait3A_194 = tpu.memref_slice %arg11[%dma_wait3A_192, %dma_wait3A_193] : memref<10000x128xf32, #tpu.memory_space<vmem_shared>> -> memref<10000x128xf32, #tpu.memory_space<vmem_shared>>
      %dma_wait3A_195 = tpu.memref_slice %arg12[%dma_wait3A_184] : memref<3x!tpu.dma_semaphore, #tpu.memory_space<semaphore_mem>> -> memref<1x!tpu.dma_semaphore, #tpu.memory_space<semaphore_mem>>
      %dma_wait3A_196 = tpu.memref_squeeze %dma_wait3A_195 : memref<1x!tpu.dma_semaphore, #tpu.memory_space<semaphore_mem>> -> memref<!tpu.dma_semaphore, #tpu.memory_space<semaphore_mem>>
      tpu.wait_indirect_dma semaphore(%dma_wait3A_196 : memref<!tpu.dma_semaphore, #tpu.memory_space<semaphore_mem>>) src(%dma_wait3A_188 : memref<80x128xf32, #tpu.memory_space<vmem>>) dst(%dma_wait3A_194 : memref<10000x128xf32, #tpu.memory_space<vmem_shared>>)
      %dma_start3A_197 = arith.constant 121 : i32
      %dma_start3A_198 = arith.constant 1 : i32
      %dma_start3A_199 = arith.constant 1 : i32
      %dma_start3A_200 = arith.constant 0 : i32
      %dma_start3A_201 = arith.constant 0 : i32
      %dma_start3A_202 = tpu.memref_slice %arg10[%dma_start3A_198, %dma_start3A_200, %dma_start3A_201] : memref<3x80x128xf32, #tpu.memory_space<vmem>> -> memref<1x80x128xf32, #tpu.memory_space<vmem>>
      %dma_start3A_203 = tpu.memref_squeeze %dma_start3A_202 : memref<1x80x128xf32, #tpu.memory_space<vmem>> -> memref<80x128xf32, #tpu.memory_space<vmem>>
      %dma_start3A_204 = arith.constant 0 : i32
      %dma_start3A_205 = tpu.memref_slice %arg8[%dma_start3A_197, %dma_start3A_204] : memref<125x80xi32, #tpu.memory_space<vmem>> -> memref<1x80xi32, #tpu.memory_space<vmem>>
      %dma_start3A_206 = tpu.memref_squeeze %dma_start3A_205 : memref<1x80xi32, #tpu.memory_space<vmem>> -> memref<80xi32, #tpu.memory_space<vmem>>
      %dma_start3A_207 = arith.constant 0 : i32
      %dma_start3A_208 = arith.constant 0 : i32
      %dma_start3A_209 = tpu.memref_slice %arg2[%dma_start3A_207, %dma_start3A_208] : memref<10000x128xf32, #tpu.memory_space<hbm>> -> memref<10000x128xf32, #tpu.memory_space<hbm>>
      %dma_start3A_210 = tpu.memref_slice %arg12[%dma_start3A_199] : memref<3x!tpu.dma_semaphore, #tpu.memory_space<semaphore_mem>> -> memref<1x!tpu.dma_semaphore, #tpu.memory_space<semaphore_mem>>
      %dma_start3A_211 = tpu.memref_squeeze %dma_start3A_210 : memref<1x!tpu.dma_semaphore, #tpu.memory_space<semaphore_mem>> -> memref<!tpu.dma_semaphore, #tpu.memory_space<semaphore_mem>>
      tpu.enqueue_indirect_dma source(%dma_start3A_209 : memref<10000x128xf32, #tpu.memory_space<hbm>>) target(%dma_start3A_203 : memref<80x128xf32, #tpu.memory_space<vmem>>) offsets(%dma_start3A_206 : memref<80xi32, #tpu.memory_space<vmem>>) semaphore(%dma_start3A_211 : memref<!tpu.dma_semaphore, #tpu.memory_space<semaphore_mem>>)
      %dma_wait3A_212 = arith.constant 120 : i32
      %dma_wait3A_213 = arith.constant 0 : i32
      %dma_wait3A_214 = arith.constant 0 : i32
      %dma_wait3A_215 = arith.constant 0 : i32
      %dma_wait3A_216 = arith.constant 0 : i32
      %dma_wait3A_217 = tpu.memref_slice %arg10[%dma_wait3A_213, %dma_wait3A_215, %dma_wait3A_216] : memref<3x80x128xf32, #tpu.memory_space<vmem>> -> memref<1x80x128xf32, #tpu.memory_space<vmem>>
      %dma_wait3A_218 = tpu.memref_squeeze %dma_wait3A_217 : memref<1x80x128xf32, #tpu.memory_space<vmem>> -> memref<80x128xf32, #tpu.memory_space<vmem>>
      %dma_wait3A_219 = arith.constant 0 : i32
      %dma_wait3A_220 = tpu.memref_slice %arg8[%dma_wait3A_212, %dma_wait3A_219] : memref<125x80xi32, #tpu.memory_space<vmem>> -> memref<1x80xi32, #tpu.memory_space<vmem>>
      %dma_wait3A_221 = tpu.memref_squeeze %dma_wait3A_220 : memref<1x80xi32, #tpu.memory_space<vmem>> -> memref<80xi32, #tpu.memory_space<vmem>>
      %dma_wait3A_222 = arith.constant 0 : i32
      %dma_wait3A_223 = arith.constant 0 : i32
      %dma_wait3A_224 = tpu.memref_slice %arg2[%dma_wait3A_222, %dma_wait3A_223] : memref<10000x128xf32, #tpu.memory_space<hbm>> -> memref<10000x128xf32, #tpu.memory_space<hbm>>
      %dma_wait3A_225 = tpu.memref_slice %arg12[%dma_wait3A_214] : memref<3x!tpu.dma_semaphore, #tpu.memory_space<semaphore_mem>> -> memref<1x!tpu.dma_semaphore, #tpu.memory_space<semaphore_mem>>
      %dma_wait3A_226 = tpu.memref_squeeze %dma_wait3A_225 : memref<1x!tpu.dma_semaphore, #tpu.memory_space<semaphore_mem>> -> memref<!tpu.dma_semaphore, #tpu.memory_space<semaphore_mem>>
      tpu.wait_indirect_dma semaphore(%dma_wait3A_226 : memref<!tpu.dma_semaphore, #tpu.memory_space<semaphore_mem>>) src(%dma_wait3A_224 : memref<10000x128xf32, #tpu.memory_space<hbm>>) dst(%dma_wait3A_218 : memref<80x128xf32, #tpu.memory_space<vmem>>)
      %dma_start3A_227 = arith.constant 0 : i32
      %dma_start3A_228 = arith.constant 120 : i32
      %dma_start3A_229 = arith.constant 0 : i32
      %dma_start3A_230 = arith.constant 0 : i32
      %dma_start3A_231 = arith.constant 0 : i32
      %dma_start3A_232 = tpu.memref_slice %arg10[%dma_start3A_227, %dma_start3A_230, %dma_start3A_231] : memref<3x80x128xf32, #tpu.memory_space<vmem>> -> memref<1x80x128xf32, #tpu.memory_space<vmem>>
      %dma_start3A_233 = tpu.memref_squeeze %dma_start3A_232 : memref<1x80x128xf32, #tpu.memory_space<vmem>> -> memref<80x128xf32, #tpu.memory_space<vmem>>
      %dma_start3A_234 = arith.constant 0 : i32
      %dma_start3A_235 = tpu.memref_slice %arg9[%dma_start3A_228, %dma_start3A_234] : memref<125x80xi32, #tpu.memory_space<vmem>> -> memref<1x80xi32, #tpu.memory_space<vmem>>
      %dma_start3A_236 = tpu.memref_squeeze %dma_start3A_235 : memref<1x80xi32, #tpu.memory_space<vmem>> -> memref<80xi32, #tpu.memory_space<vmem>>
      %dma_start3A_237 = arith.constant 0 : i32
      %dma_start3A_238 = arith.constant 0 : i32
      %dma_start3A_239 = tpu.memref_slice %arg11[%dma_start3A_237, %dma_start3A_238] : memref<10000x128xf32, #tpu.memory_space<vmem_shared>> -> memref<10000x128xf32, #tpu.memory_space<vmem_shared>>
      %dma_start3A_240 = tpu.memref_slice %arg12[%dma_start3A_229] : memref<3x!tpu.dma_semaphore, #tpu.memory_space<semaphore_mem>> -> memref<1x!tpu.dma_semaphore, #tpu.memory_space<semaphore_mem>>
      %dma_start3A_241 = tpu.memref_squeeze %dma_start3A_240 : memref<1x!tpu.dma_semaphore, #tpu.memory_space<semaphore_mem>> -> memref<!tpu.dma_semaphore, #tpu.memory_space<semaphore_mem>>
      tpu.enqueue_indirect_dma source(%dma_start3A_233 : memref<80x128xf32, #tpu.memory_space<vmem>>) target(%dma_start3A_239 : memref<10000x128xf32, #tpu.memory_space<vmem_shared>>) offsets(%dma_start3A_236 : memref<80xi32, #tpu.memory_space<vmem>>) semaphore(%dma_start3A_241 : memref<!tpu.dma_semaphore, #tpu.memory_space<semaphore_mem>>) {add = true}
      %dma_wait3A_242 = arith.constant 2 : i32
      %dma_wait3A_243 = arith.constant 119 : i32
      %dma_wait3A_244 = arith.constant 2 : i32
      %dma_wait3A_245 = arith.constant 0 : i32
      %dma_wait3A_246 = arith.constant 0 : i32
      %dma_wait3A_247 = tpu.memref_slice %arg10[%dma_wait3A_242, %dma_wait3A_245, %dma_wait3A_246] : memref<3x80x128xf32, #tpu.memory_space<vmem>> -> memref<1x80x128xf32, #tpu.memory_space<vmem>>
      %dma_wait3A_248 = tpu.memref_squeeze %dma_wait3A_247 : memref<1x80x128xf32, #tpu.memory_space<vmem>> -> memref<80x128xf32, #tpu.memory_space<vmem>>
      %dma_wait3A_249 = arith.constant 0 : i32
      %dma_wait3A_250 = tpu.memref_slice %arg9[%dma_wait3A_243, %dma_wait3A_249] : memref<125x80xi32, #tpu.memory_space<vmem>> -> memref<1x80xi32, #tpu.memory_space<vmem>>
      %dma_wait3A_251 = tpu.memref_squeeze %dma_wait3A_250 : memref<1x80xi32, #tpu.memory_space<vmem>> -> memref<80xi32, #tpu.memory_space<vmem>>
      %dma_wait3A_252 = arith.constant 0 : i32
      %dma_wait3A_253 = arith.constant 0 : i32
      %dma_wait3A_254 = tpu.memref_slice %arg11[%dma_wait3A_252, %dma_wait3A_253] : memref<10000x128xf32, #tpu.memory_space<vmem_shared>> -> memref<10000x128xf32, #tpu.memory_space<vmem_shared>>
      %dma_wait3A_255 = tpu.memref_slice %arg12[%dma_wait3A_244] : memref<3x!tpu.dma_semaphore, #tpu.memory_space<semaphore_mem>> -> memref<1x!tpu.dma_semaphore, #tpu.memory_space<semaphore_mem>>
      %dma_wait3A_256 = tpu.memref_squeeze %dma_wait3A_255 : memref<1x!tpu.dma_semaphore, #tpu.memory_space<semaphore_mem>> -> memref<!tpu.dma_semaphore, #tpu.memory_space<semaphore_mem>>
      tpu.wait_indirect_dma semaphore(%dma_wait3A_256 : memref<!tpu.dma_semaphore, #tpu.memory_space<semaphore_mem>>) src(%dma_wait3A_248 : memref<80x128xf32, #tpu.memory_space<vmem>>) dst(%dma_wait3A_254 : memref<10000x128xf32, #tpu.memory_space<vmem_shared>>)
      %dma_start3A_257 = arith.constant 122 : i32
      %dma_start3A_258 = arith.constant 2 : i32
      %dma_start3A_259 = arith.constant 2 : i32
      %dma_start3A_260 = arith.constant 0 : i32
      %dma_start3A_261 = arith.constant 0 : i32
      %dma_start3A_262 = tpu.memref_slice %arg10[%dma_start3A_258, %dma_start3A_260, %dma_start3A_261] : memref<3x80x128xf32, #tpu.memory_space<vmem>> -> memref<1x80x128xf32, #tpu.memory_space<vmem>>
      %dma_start3A_263 = tpu.memref_squeeze %dma_start3A_262 : memref<1x80x128xf32, #tpu.memory_space<vmem>> -> memref<80x128xf32, #tpu.memory_space<vmem>>
      %dma_start3A_264 = arith.constant 0 : i32
      %dma_start3A_265 = tpu.memref_slice %arg8[%dma_start3A_257, %dma_start3A_264] : memref<125x80xi32, #tpu.memory_space<vmem>> -> memref<1x80xi32, #tpu.memory_space<vmem>>
      %dma_start3A_266 = tpu.memref_squeeze %dma_start3A_265 : memref<1x80xi32, #tpu.memory_space<vmem>> -> memref<80xi32, #tpu.memory_space<vmem>>
      %dma_start3A_267 = arith.constant 0 : i32
      %dma_start3A_268 = arith.constant 0 : i32
      %dma_start3A_269 = tpu.memref_slice %arg2[%dma_start3A_267, %dma_start3A_268] : memref<10000x128xf32, #tpu.memory_space<hbm>> -> memref<10000x128xf32, #tpu.memory_space<hbm>>
      %dma_start3A_270 = tpu.memref_slice %arg12[%dma_start3A_259] : memref<3x!tpu.dma_semaphore, #tpu.memory_space<semaphore_mem>> -> memref<1x!tpu.dma_semaphore, #tpu.memory_space<semaphore_mem>>
      %dma_start3A_271 = tpu.memref_squeeze %dma_start3A_270 : memref<1x!tpu.dma_semaphore, #tpu.memory_space<semaphore_mem>> -> memref<!tpu.dma_semaphore, #tpu.memory_space<semaphore_mem>>
      tpu.enqueue_indirect_dma source(%dma_start3A_269 : memref<10000x128xf32, #tpu.memory_space<hbm>>) target(%dma_start3A_263 : memref<80x128xf32, #tpu.memory_space<vmem>>) offsets(%dma_start3A_266 : memref<80xi32, #tpu.memory_space<vmem>>) semaphore(%dma_start3A_271 : memref<!tpu.dma_semaphore, #tpu.memory_space<semaphore_mem>>)
      %dma_wait3A_272 = arith.constant 121 : i32
      %dma_wait3A_273 = arith.constant 1 : i32
      %dma_wait3A_274 = arith.constant 1 : i32
      %dma_wait3A_275 = arith.constant 0 : i32
      %dma_wait3A_276 = arith.constant 0 : i32
      %dma_wait3A_277 = tpu.memref_slice %arg10[%dma_wait3A_273, %dma_wait3A_275, %dma_wait3A_276] : memref<3x80x128xf32, #tpu.memory_space<vmem>> -> memref<1x80x128xf32, #tpu.memory_space<vmem>>
      %dma_wait3A_278 = tpu.memref_squeeze %dma_wait3A_277 : memref<1x80x128xf32, #tpu.memory_space<vmem>> -> memref<80x128xf32, #tpu.memory_space<vmem>>
      %dma_wait3A_279 = arith.constant 0 : i32
      %dma_wait3A_280 = tpu.memref_slice %arg8[%dma_wait3A_272, %dma_wait3A_279] : memref<125x80xi32, #tpu.memory_space<vmem>> -> memref<1x80xi32, #tpu.memory_space<vmem>>
      %dma_wait3A_281 = tpu.memref_squeeze %dma_wait3A_280 : memref<1x80xi32, #tpu.memory_space<vmem>> -> memref<80xi32, #tpu.memory_space<vmem>>
      %dma_wait3A_282 = arith.constant 0 : i32
      %dma_wait3A_283 = arith.constant 0 : i32
      %dma_wait3A_284 = tpu.memref_slice %arg2[%dma_wait3A_282, %dma_wait3A_283] : memref<10000x128xf32, #tpu.memory_space<hbm>> -> memref<10000x128xf32, #tpu.memory_space<hbm>>
      %dma_wait3A_285 = tpu.memref_slice %arg12[%dma_wait3A_274] : memref<3x!tpu.dma_semaphore, #tpu.memory_space<semaphore_mem>> -> memref<1x!tpu.dma_semaphore, #tpu.memory_space<semaphore_mem>>
      %dma_wait3A_286 = tpu.memref_squeeze %dma_wait3A_285 : memref<1x!tpu.dma_semaphore, #tpu.memory_space<semaphore_mem>> -> memref<!tpu.dma_semaphore, #tpu.memory_space<semaphore_mem>>
      tpu.wait_indirect_dma semaphore(%dma_wait3A_286 : memref<!tpu.dma_semaphore, #tpu.memory_space<semaphore_mem>>) src(%dma_wait3A_284 : memref<10000x128xf32, #tpu.memory_space<hbm>>) dst(%dma_wait3A_278 : memref<80x128xf32, #tpu.memory_space<vmem>>)
      %dma_start3A_287 = arith.constant 1 : i32
      %dma_start3A_288 = arith.constant 121 : i32
      %dma_start3A_289 = arith.constant 1 : i32
      %dma_start3A_290 = arith.constant 0 : i32
      %dma_start3A_291 = arith.constant 0 : i32
      %dma_start3A_292 = tpu.memref_slice %arg10[%dma_start3A_287, %dma_start3A_290, %dma_start3A_291] : memref<3x80x128xf32, #tpu.memory_space<vmem>> -> memref<1x80x128xf32, #tpu.memory_space<vmem>>
      %dma_start3A_293 = tpu.memref_squeeze %dma_start3A_292 : memref<1x80x128xf32, #tpu.memory_space<vmem>> -> memref<80x128xf32, #tpu.memory_space<vmem>>
      %dma_start3A_294 = arith.constant 0 : i32
      %dma_start3A_295 = tpu.memref_slice %arg9[%dma_start3A_288, %dma_start3A_294] : memref<125x80xi32, #tpu.memory_space<vmem>> -> memref<1x80xi32, #tpu.memory_space<vmem>>
      %dma_start3A_296 = tpu.memref_squeeze %dma_start3A_295 : memref<1x80xi32, #tpu.memory_space<vmem>> -> memref<80xi32, #tpu.memory_space<vmem>>
      %dma_start3A_297 = arith.constant 0 : i32
      %dma_start3A_298 = arith.constant 0 : i32
      %dma_start3A_299 = tpu.memref_slice %arg11[%dma_start3A_297, %dma_start3A_298] : memref<10000x128xf32, #tpu.memory_space<vmem_shared>> -> memref<10000x128xf32, #tpu.memory_space<vmem_shared>>
      %dma_start3A_300 = tpu.memref_slice %arg12[%dma_start3A_289] : memref<3x!tpu.dma_semaphore, #tpu.memory_space<semaphore_mem>> -> memref<1x!tpu.dma_semaphore, #tpu.memory_space<semaphore_mem>>
      %dma_start3A_301 = tpu.memref_squeeze %dma_start3A_300 : memref<1x!tpu.dma_semaphore, #tpu.memory_space<semaphore_mem>> -> memref<!tpu.dma_semaphore, #tpu.memory_space<semaphore_mem>>
      tpu.enqueue_indirect_dma source(%dma_start3A_293 : memref<80x128xf32, #tpu.memory_space<vmem>>) target(%dma_start3A_299 : memref<10000x128xf32, #tpu.memory_space<vmem_shared>>) offsets(%dma_start3A_296 : memref<80xi32, #tpu.memory_space<vmem>>) semaphore(%dma_start3A_301 : memref<!tpu.dma_semaphore, #tpu.memory_space<semaphore_mem>>) {add = true}
      %dma_wait3A_302 = arith.constant 0 : i32
      %dma_wait3A_303 = arith.constant 120 : i32
      %dma_wait3A_304 = arith.constant 0 : i32
      %dma_wait3A_305 = arith.constant 0 : i32
      %dma_wait3A_306 = arith.constant 0 : i32
      %dma_wait3A_307 = tpu.memref_slice %arg10[%dma_wait3A_302, %dma_wait3A_305, %dma_wait3A_306] : memref<3x80x128xf32, #tpu.memory_space<vmem>> -> memref<1x80x128xf32, #tpu.memory_space<vmem>>
      %dma_wait3A_308 = tpu.memref_squeeze %dma_wait3A_307 : memref<1x80x128xf32, #tpu.memory_space<vmem>> -> memref<80x128xf32, #tpu.memory_space<vmem>>
      %dma_wait3A_309 = arith.constant 0 : i32
      %dma_wait3A_310 = tpu.memref_slice %arg9[%dma_wait3A_303, %dma_wait3A_309] : memref<125x80xi32, #tpu.memory_space<vmem>> -> memref<1x80xi32, #tpu.memory_space<vmem>>
      %dma_wait3A_311 = tpu.memref_squeeze %dma_wait3A_310 : memref<1x80xi32, #tpu.memory_space<vmem>> -> memref<80xi32, #tpu.memory_space<vmem>>
      %dma_wait3A_312 = arith.constant 0 : i32
      %dma_wait3A_313 = arith.constant 0 : i32
      %dma_wait3A_314 = tpu.memref_slice %arg11[%dma_wait3A_312, %dma_wait3A_313] : memref<10000x128xf32, #tpu.memory_space<vmem_shared>> -> memref<10000x128xf32, #tpu.memory_space<vmem_shared>>
      %dma_wait3A_315 = tpu.memref_slice %arg12[%dma_wait3A_304] : memref<3x!tpu.dma_semaphore, #tpu.memory_space<semaphore_mem>> -> memref<1x!tpu.dma_semaphore, #tpu.memory_space<semaphore_mem>>
      %dma_wait3A_316 = tpu.memref_squeeze %dma_wait3A_315 : memref<1x!tpu.dma_semaphore, #tpu.memory_space<semaphore_mem>> -> memref<!tpu.dma_semaphore, #tpu.memory_space<semaphore_mem>>
      tpu.wait_indirect_dma semaphore(%dma_wait3A_316 : memref<!tpu.dma_semaphore, #tpu.memory_space<semaphore_mem>>) src(%dma_wait3A_308 : memref<80x128xf32, #tpu.memory_space<vmem>>) dst(%dma_wait3A_314 : memref<10000x128xf32, #tpu.memory_space<vmem_shared>>)
      %dma_start3A_317 = arith.constant 123 : i32
      %dma_start3A_318 = arith.constant 0 : i32
      %dma_start3A_319 = arith.constant 0 : i32
      %dma_start3A_320 = arith.constant 0 : i32
      %dma_start3A_321 = arith.constant 0 : i32
      %dma_start3A_322 = tpu.memref_slice %arg10[%dma_start3A_318, %dma_start3A_320, %dma_start3A_321] : memref<3x80x128xf32, #tpu.memory_space<vmem>> -> memref<1x80x128xf32, #tpu.memory_space<vmem>>
      %dma_start3A_323 = tpu.memref_squeeze %dma_start3A_322 : memref<1x80x128xf32, #tpu.memory_space<vmem>> -> memref<80x128xf32, #tpu.memory_space<vmem>>
      %dma_start3A_324 = arith.constant 0 : i32
      %dma_start3A_325 = tpu.memref_slice %arg8[%dma_start3A_317, %dma_start3A_324] : memref<125x80xi32, #tpu.memory_space<vmem>> -> memref<1x80xi32, #tpu.memory_space<vmem>>
      %dma_start3A_326 = tpu.memref_squeeze %dma_start3A_325 : memref<1x80xi32, #tpu.memory_space<vmem>> -> memref<80xi32, #tpu.memory_space<vmem>>
      %dma_start3A_327 = arith.constant 0 : i32
      %dma_start3A_328 = arith.constant 0 : i32
      %dma_start3A_329 = tpu.memref_slice %arg2[%dma_start3A_327, %dma_start3A_328] : memref<10000x128xf32, #tpu.memory_space<hbm>> -> memref<10000x128xf32, #tpu.memory_space<hbm>>
      %dma_start3A_330 = tpu.memref_slice %arg12[%dma_start3A_319] : memref<3x!tpu.dma_semaphore, #tpu.memory_space<semaphore_mem>> -> memref<1x!tpu.dma_semaphore, #tpu.memory_space<semaphore_mem>>
      %dma_start3A_331 = tpu.memref_squeeze %dma_start3A_330 : memref<1x!tpu.dma_semaphore, #tpu.memory_space<semaphore_mem>> -> memref<!tpu.dma_semaphore, #tpu.memory_space<semaphore_mem>>
      tpu.enqueue_indirect_dma source(%dma_start3A_329 : memref<10000x128xf32, #tpu.memory_space<hbm>>) target(%dma_start3A_323 : memref<80x128xf32, #tpu.memory_space<vmem>>) offsets(%dma_start3A_326 : memref<80xi32, #tpu.memory_space<vmem>>) semaphore(%dma_start3A_331 : memref<!tpu.dma_semaphore, #tpu.memory_space<semaphore_mem>>)
      %dma_wait3A_332 = arith.constant 122 : i32
      %dma_wait3A_333 = arith.constant 2 : i32
      %dma_wait3A_334 = arith.constant 2 : i32
      %dma_wait3A_335 = arith.constant 0 : i32
      %dma_wait3A_336 = arith.constant 0 : i32
      %dma_wait3A_337 = tpu.memref_slice %arg10[%dma_wait3A_333, %dma_wait3A_335, %dma_wait3A_336] : memref<3x80x128xf32, #tpu.memory_space<vmem>> -> memref<1x80x128xf32, #tpu.memory_space<vmem>>
      %dma_wait3A_338 = tpu.memref_squeeze %dma_wait3A_337 : memref<1x80x128xf32, #tpu.memory_space<vmem>> -> memref<80x128xf32, #tpu.memory_space<vmem>>
      %dma_wait3A_339 = arith.constant 0 : i32
      %dma_wait3A_340 = tpu.memref_slice %arg8[%dma_wait3A_332, %dma_wait3A_339] : memref<125x80xi32, #tpu.memory_space<vmem>> -> memref<1x80xi32, #tpu.memory_space<vmem>>
      %dma_wait3A_341 = tpu.memref_squeeze %dma_wait3A_340 : memref<1x80xi32, #tpu.memory_space<vmem>> -> memref<80xi32, #tpu.memory_space<vmem>>
      %dma_wait3A_342 = arith.constant 0 : i32
      %dma_wait3A_343 = arith.constant 0 : i32
      %dma_wait3A_344 = tpu.memref_slice %arg2[%dma_wait3A_342, %dma_wait3A_343] : memref<10000x128xf32, #tpu.memory_space<hbm>> -> memref<10000x128xf32, #tpu.memory_space<hbm>>
      %dma_wait3A_345 = tpu.memref_slice %arg12[%dma_wait3A_334] : memref<3x!tpu.dma_semaphore, #tpu.memory_space<semaphore_mem>> -> memref<1x!tpu.dma_semaphore, #tpu.memory_space<semaphore_mem>>
      %dma_wait3A_346 = tpu.memref_squeeze %dma_wait3A_345 : memref<1x!tpu.dma_semaphore, #tpu.memory_space<semaphore_mem>> -> memref<!tpu.dma_semaphore, #tpu.memory_space<semaphore_mem>>
      tpu.wait_indirect_dma semaphore(%dma_wait3A_346 : memref<!tpu.dma_semaphore, #tpu.memory_space<semaphore_mem>>) src(%dma_wait3A_344 : memref<10000x128xf32, #tpu.memory_space<hbm>>) dst(%dma_wait3A_338 : memref<80x128xf32, #tpu.memory_space<vmem>>)
      %dma_start3A_347 = arith.constant 2 : i32
      %dma_start3A_348 = arith.constant 122 : i32
      %dma_start3A_349 = arith.constant 2 : i32
      %dma_start3A_350 = arith.constant 0 : i32
      %dma_start3A_351 = arith.constant 0 : i32
      %dma_start3A_352 = tpu.memref_slice %arg10[%dma_start3A_347, %dma_start3A_350, %dma_start3A_351] : memref<3x80x128xf32, #tpu.memory_space<vmem>> -> memref<1x80x128xf32, #tpu.memory_space<vmem>>
      %dma_start3A_353 = tpu.memref_squeeze %dma_start3A_352 : memref<1x80x128xf32, #tpu.memory_space<vmem>> -> memref<80x128xf32, #tpu.memory_space<vmem>>
      %dma_start3A_354 = arith.constant 0 : i32
      %dma_start3A_355 = tpu.memref_slice %arg9[%dma_start3A_348, %dma_start3A_354] : memref<125x80xi32, #tpu.memory_space<vmem>> -> memref<1x80xi32, #tpu.memory_space<vmem>>
      %dma_start3A_356 = tpu.memref_squeeze %dma_start3A_355 : memref<1x80xi32, #tpu.memory_space<vmem>> -> memref<80xi32, #tpu.memory_space<vmem>>
      %dma_start3A_357 = arith.constant 0 : i32
      %dma_start3A_358 = arith.constant 0 : i32
      %dma_start3A_359 = tpu.memref_slice %arg11[%dma_start3A_357, %dma_start3A_358] : memref<10000x128xf32, #tpu.memory_space<vmem_shared>> -> memref<10000x128xf32, #tpu.memory_space<vmem_shared>>
      %dma_start3A_360 = tpu.memref_slice %arg12[%dma_start3A_349] : memref<3x!tpu.dma_semaphore, #tpu.memory_space<semaphore_mem>> -> memref<1x!tpu.dma_semaphore, #tpu.memory_space<semaphore_mem>>
      %dma_start3A_361 = tpu.memref_squeeze %dma_start3A_360 : memref<1x!tpu.dma_semaphore, #tpu.memory_space<semaphore_mem>> -> memref<!tpu.dma_semaphore, #tpu.memory_space<semaphore_mem>>
      tpu.enqueue_indirect_dma source(%dma_start3A_353 : memref<80x128xf32, #tpu.memory_space<vmem>>) target(%dma_start3A_359 : memref<10000x128xf32, #tpu.memory_space<vmem_shared>>) offsets(%dma_start3A_356 : memref<80xi32, #tpu.memory_space<vmem>>) semaphore(%dma_start3A_361 : memref<!tpu.dma_semaphore, #tpu.memory_space<semaphore_mem>>) {add = true}
      %dma_wait3A_362 = arith.constant 1 : i32
      %dma_wait3A_363 = arith.constant 121 : i32
      %dma_wait3A_364 = arith.constant 1 : i32
      %dma_wait3A_365 = arith.constant 0 : i32
      %dma_wait3A_366 = arith.constant 0 : i32
      %dma_wait3A_367 = tpu.memref_slice %arg10[%dma_wait3A_362, %dma_wait3A_365, %dma_wait3A_366] : memref<3x80x128xf32, #tpu.memory_space<vmem>> -> memref<1x80x128xf32, #tpu.memory_space<vmem>>
      %dma_wait3A_368 = tpu.memref_squeeze %dma_wait3A_367 : memref<1x80x128xf32, #tpu.memory_space<vmem>> -> memref<80x128xf32, #tpu.memory_space<vmem>>
      %dma_wait3A_369 = arith.constant 0 : i32
      %dma_wait3A_370 = tpu.memref_slice %arg9[%dma_wait3A_363, %dma_wait3A_369] : memref<125x80xi32, #tpu.memory_space<vmem>> -> memref<1x80xi32, #tpu.memory_space<vmem>>
      %dma_wait3A_371 = tpu.memref_squeeze %dma_wait3A_370 : memref<1x80xi32, #tpu.memory_space<vmem>> -> memref<80xi32, #tpu.memory_space<vmem>>
      %dma_wait3A_372 = arith.constant 0 : i32
      %dma_wait3A_373 = arith.constant 0 : i32
      %dma_wait3A_374 = tpu.memref_slice %arg11[%dma_wait3A_372, %dma_wait3A_373] : memref<10000x128xf32, #tpu.memory_space<vmem_shared>> -> memref<10000x128xf32, #tpu.memory_space<vmem_shared>>
      %dma_wait3A_375 = tpu.memref_slice %arg12[%dma_wait3A_364] : memref<3x!tpu.dma_semaphore, #tpu.memory_space<semaphore_mem>> -> memref<1x!tpu.dma_semaphore, #tpu.memory_space<semaphore_mem>>
      %dma_wait3A_376 = tpu.memref_squeeze %dma_wait3A_375 : memref<1x!tpu.dma_semaphore, #tpu.memory_space<semaphore_mem>> -> memref<!tpu.dma_semaphore, #tpu.memory_space<semaphore_mem>>
      tpu.wait_indirect_dma semaphore(%dma_wait3A_376 : memref<!tpu.dma_semaphore, #tpu.memory_space<semaphore_mem>>) src(%dma_wait3A_368 : memref<80x128xf32, #tpu.memory_space<vmem>>) dst(%dma_wait3A_374 : memref<10000x128xf32, #tpu.memory_space<vmem_shared>>)
      %dma_start3A_377 = arith.constant 124 : i32
      %dma_start3A_378 = arith.constant 1 : i32
      %dma_start3A_379 = arith.constant 1 : i32
      %dma_start3A_380 = arith.constant 0 : i32
      %dma_start3A_381 = arith.constant 0 : i32
      %dma_start3A_382 = tpu.memref_slice %arg10[%dma_start3A_378, %dma_start3A_380, %dma_start3A_381] : memref<3x80x128xf32, #tpu.memory_space<vmem>> -> memref<1x80x128xf32, #tpu.memory_space<vmem>>
      %dma_start3A_383 = tpu.memref_squeeze %dma_start3A_382 : memref<1x80x128xf32, #tpu.memory_space<vmem>> -> memref<80x128xf32, #tpu.memory_space<vmem>>
      %dma_start3A_384 = arith.constant 0 : i32
      %dma_start3A_385 = tpu.memref_slice %arg8[%dma_start3A_377, %dma_start3A_384] : memref<125x80xi32, #tpu.memory_space<vmem>> -> memref<1x80xi32, #tpu.memory_space<vmem>>
      %dma_start3A_386 = tpu.memref_squeeze %dma_start3A_385 : memref<1x80xi32, #tpu.memory_space<vmem>> -> memref<80xi32, #tpu.memory_space<vmem>>
      %dma_start3A_387 = arith.constant 0 : i32
      %dma_start3A_388 = arith.constant 0 : i32
      %dma_start3A_389 = tpu.memref_slice %arg2[%dma_start3A_387, %dma_start3A_388] : memref<10000x128xf32, #tpu.memory_space<hbm>> -> memref<10000x128xf32, #tpu.memory_space<hbm>>
      %dma_start3A_390 = tpu.memref_slice %arg12[%dma_start3A_379] : memref<3x!tpu.dma_semaphore, #tpu.memory_space<semaphore_mem>> -> memref<1x!tpu.dma_semaphore, #tpu.memory_space<semaphore_mem>>
      %dma_start3A_391 = tpu.memref_squeeze %dma_start3A_390 : memref<1x!tpu.dma_semaphore, #tpu.memory_space<semaphore_mem>> -> memref<!tpu.dma_semaphore, #tpu.memory_space<semaphore_mem>>
      tpu.enqueue_indirect_dma source(%dma_start3A_389 : memref<10000x128xf32, #tpu.memory_space<hbm>>) target(%dma_start3A_383 : memref<80x128xf32, #tpu.memory_space<vmem>>) offsets(%dma_start3A_386 : memref<80xi32, #tpu.memory_space<vmem>>) semaphore(%dma_start3A_391 : memref<!tpu.dma_semaphore, #tpu.memory_space<semaphore_mem>>)
      %dma_wait3A_392 = arith.constant 123 : i32
      %dma_wait3A_393 = arith.constant 0 : i32
      %dma_wait3A_394 = arith.constant 0 : i32
      %dma_wait3A_395 = arith.constant 0 : i32
      %dma_wait3A_396 = arith.constant 0 : i32
      %dma_wait3A_397 = tpu.memref_slice %arg10[%dma_wait3A_393, %dma_wait3A_395, %dma_wait3A_396] : memref<3x80x128xf32, #tpu.memory_space<vmem>> -> memref<1x80x128xf32, #tpu.memory_space<vmem>>
      %dma_wait3A_398 = tpu.memref_squeeze %dma_wait3A_397 : memref<1x80x128xf32, #tpu.memory_space<vmem>> -> memref<80x128xf32, #tpu.memory_space<vmem>>
      %dma_wait3A_399 = arith.constant 0 : i32
      %dma_wait3A_400 = tpu.memref_slice %arg8[%dma_wait3A_392, %dma_wait3A_399] : memref<125x80xi32, #tpu.memory_space<vmem>> -> memref<1x80xi32, #tpu.memory_space<vmem>>
      %dma_wait3A_401 = tpu.memref_squeeze %dma_wait3A_400 : memref<1x80xi32, #tpu.memory_space<vmem>> -> memref<80xi32, #tpu.memory_space<vmem>>
      %dma_wait3A_402 = arith.constant 0 : i32
      %dma_wait3A_403 = arith.constant 0 : i32
      %dma_wait3A_404 = tpu.memref_slice %arg2[%dma_wait3A_402, %dma_wait3A_403] : memref<10000x128xf32, #tpu.memory_space<hbm>> -> memref<10000x128xf32, #tpu.memory_space<hbm>>
      %dma_wait3A_405 = tpu.memref_slice %arg12[%dma_wait3A_394] : memref<3x!tpu.dma_semaphore, #tpu.memory_space<semaphore_mem>> -> memref<1x!tpu.dma_semaphore, #tpu.memory_space<semaphore_mem>>
      %dma_wait3A_406 = tpu.memref_squeeze %dma_wait3A_405 : memref<1x!tpu.dma_semaphore, #tpu.memory_space<semaphore_mem>> -> memref<!tpu.dma_semaphore, #tpu.memory_space<semaphore_mem>>
      tpu.wait_indirect_dma semaphore(%dma_wait3A_406 : memref<!tpu.dma_semaphore, #tpu.memory_space<semaphore_mem>>) src(%dma_wait3A_404 : memref<10000x128xf32, #tpu.memory_space<hbm>>) dst(%dma_wait3A_398 : memref<80x128xf32, #tpu.memory_space<vmem>>)
      %dma_start3A_407 = arith.constant 0 : i32
      %dma_start3A_408 = arith.constant 123 : i32
      %dma_start3A_409 = arith.constant 0 : i32
      %dma_start3A_410 = arith.constant 0 : i32
      %dma_start3A_411 = arith.constant 0 : i32
      %dma_start3A_412 = tpu.memref_slice %arg10[%dma_start3A_407, %dma_start3A_410, %dma_start3A_411] : memref<3x80x128xf32, #tpu.memory_space<vmem>> -> memref<1x80x128xf32, #tpu.memory_space<vmem>>
      %dma_start3A_413 = tpu.memref_squeeze %dma_start3A_412 : memref<1x80x128xf32, #tpu.memory_space<vmem>> -> memref<80x128xf32, #tpu.memory_space<vmem>>
      %dma_start3A_414 = arith.constant 0 : i32
      %dma_start3A_415 = tpu.memref_slice %arg9[%dma_start3A_408, %dma_start3A_414] : memref<125x80xi32, #tpu.memory_space<vmem>> -> memref<1x80xi32, #tpu.memory_space<vmem>>
      %dma_start3A_416 = tpu.memref_squeeze %dma_start3A_415 : memref<1x80xi32, #tpu.memory_space<vmem>> -> memref<80xi32, #tpu.memory_space<vmem>>
      %dma_start3A_417 = arith.constant 0 : i32
      %dma_start3A_418 = arith.constant 0 : i32
      %dma_start3A_419 = tpu.memref_slice %arg11[%dma_start3A_417, %dma_start3A_418] : memref<10000x128xf32, #tpu.memory_space<vmem_shared>> -> memref<10000x128xf32, #tpu.memory_space<vmem_shared>>
      %dma_start3A_420 = tpu.memref_slice %arg12[%dma_start3A_409] : memref<3x!tpu.dma_semaphore, #tpu.memory_space<semaphore_mem>> -> memref<1x!tpu.dma_semaphore, #tpu.memory_space<semaphore_mem>>
      %dma_start3A_421 = tpu.memref_squeeze %dma_start3A_420 : memref<1x!tpu.dma_semaphore, #tpu.memory_space<semaphore_mem>> -> memref<!tpu.dma_semaphore, #tpu.memory_space<semaphore_mem>>
      tpu.enqueue_indirect_dma source(%dma_start3A_413 : memref<80x128xf32, #tpu.memory_space<vmem>>) target(%dma_start3A_419 : memref<10000x128xf32, #tpu.memory_space<vmem_shared>>) offsets(%dma_start3A_416 : memref<80xi32, #tpu.memory_space<vmem>>) semaphore(%dma_start3A_421 : memref<!tpu.dma_semaphore, #tpu.memory_space<semaphore_mem>>) {add = true}
      %dma_wait3A_422 = arith.constant 124 : i32
      %dma_wait3A_423 = arith.constant 1 : i32
      %dma_wait3A_424 = arith.constant 1 : i32
      %dma_wait3A_425 = arith.constant 0 : i32
      %dma_wait3A_426 = arith.constant 0 : i32
      %dma_wait3A_427 = tpu.memref_slice %arg10[%dma_wait3A_423, %dma_wait3A_425, %dma_wait3A_426] : memref<3x80x128xf32, #tpu.memory_space<vmem>> -> memref<1x80x128xf32, #tpu.memory_space<vmem>>
      %dma_wait3A_428 = tpu.memref_squeeze %dma_wait3A_427 : memref<1x80x128xf32, #tpu.memory_space<vmem>> -> memref<80x128xf32, #tpu.memory_space<vmem>>
      %dma_wait3A_429 = arith.constant 0 : i32
      %dma_wait3A_430 = tpu.memref_slice %arg8[%dma_wait3A_422, %dma_wait3A_429] : memref<125x80xi32, #tpu.memory_space<vmem>> -> memref<1x80xi32, #tpu.memory_space<vmem>>
      %dma_wait3A_431 = tpu.memref_squeeze %dma_wait3A_430 : memref<1x80xi32, #tpu.memory_space<vmem>> -> memref<80xi32, #tpu.memory_space<vmem>>
      %dma_wait3A_432 = arith.constant 0 : i32
      %dma_wait3A_433 = arith.constant 0 : i32
      %dma_wait3A_434 = tpu.memref_slice %arg2[%dma_wait3A_432, %dma_wait3A_433] : memref<10000x128xf32, #tpu.memory_space<hbm>> -> memref<10000x128xf32, #tpu.memory_space<hbm>>
      %dma_wait3A_435 = tpu.memref_slice %arg12[%dma_wait3A_424] : memref<3x!tpu.dma_semaphore, #tpu.memory_space<semaphore_mem>> -> memref<1x!tpu.dma_semaphore, #tpu.memory_space<semaphore_mem>>
      %dma_wait3A_436 = tpu.memref_squeeze %dma_wait3A_435 : memref<1x!tpu.dma_semaphore, #tpu.memory_space<semaphore_mem>> -> memref<!tpu.dma_semaphore, #tpu.memory_space<semaphore_mem>>
      tpu.wait_indirect_dma semaphore(%dma_wait3A_436 : memref<!tpu.dma_semaphore, #tpu.memory_space<semaphore_mem>>) src(%dma_wait3A_434 : memref<10000x128xf32, #tpu.memory_space<hbm>>) dst(%dma_wait3A_428 : memref<80x128xf32, #tpu.memory_space<vmem>>)
      %dma_start3A_437 = arith.constant 1 : i32
      %dma_start3A_438 = arith.constant 124 : i32
      %dma_start3A_439 = arith.constant 1 : i32
      %dma_start3A_440 = arith.constant 0 : i32
      %dma_start3A_441 = arith.constant 0 : i32
      %dma_start3A_442 = tpu.memref_slice %arg10[%dma_start3A_437, %dma_start3A_440, %dma_start3A_441] : memref<3x80x128xf32, #tpu.memory_space<vmem>> -> memref<1x80x128xf32, #tpu.memory_space<vmem>>
      %dma_start3A_443 = tpu.memref_squeeze %dma_start3A_442 : memref<1x80x128xf32, #tpu.memory_space<vmem>> -> memref<80x128xf32, #tpu.memory_space<vmem>>
      %dma_start3A_444 = arith.constant 0 : i32
      %dma_start3A_445 = tpu.memref_slice %arg9[%dma_start3A_438, %dma_start3A_444] : memref<125x80xi32, #tpu.memory_space<vmem>> -> memref<1x80xi32, #tpu.memory_space<vmem>>
      %dma_start3A_446 = tpu.memref_squeeze %dma_start3A_445 : memref<1x80xi32, #tpu.memory_space<vmem>> -> memref<80xi32, #tpu.memory_space<vmem>>
      %dma_start3A_447 = arith.constant 0 : i32
      %dma_start3A_448 = arith.constant 0 : i32
      %dma_start3A_449 = tpu.memref_slice %arg11[%dma_start3A_447, %dma_start3A_448] : memref<10000x128xf32, #tpu.memory_space<vmem_shared>> -> memref<10000x128xf32, #tpu.memory_space<vmem_shared>>
      %dma_start3A_450 = tpu.memref_slice %arg12[%dma_start3A_439] : memref<3x!tpu.dma_semaphore, #tpu.memory_space<semaphore_mem>> -> memref<1x!tpu.dma_semaphore, #tpu.memory_space<semaphore_mem>>
      %dma_start3A_451 = tpu.memref_squeeze %dma_start3A_450 : memref<1x!tpu.dma_semaphore, #tpu.memory_space<semaphore_mem>> -> memref<!tpu.dma_semaphore, #tpu.memory_space<semaphore_mem>>
      tpu.enqueue_indirect_dma source(%dma_start3A_443 : memref<80x128xf32, #tpu.memory_space<vmem>>) target(%dma_start3A_449 : memref<10000x128xf32, #tpu.memory_space<vmem_shared>>) offsets(%dma_start3A_446 : memref<80xi32, #tpu.memory_space<vmem>>) semaphore(%dma_start3A_451 : memref<!tpu.dma_semaphore, #tpu.memory_space<semaphore_mem>>) {add = true}
      %dma_wait3A_452 = arith.constant 0 : i32
      %dma_wait3A_453 = arith.constant 123 : i32
      %dma_wait3A_454 = arith.constant 0 : i32
      %dma_wait3A_455 = arith.constant 0 : i32
      %dma_wait3A_456 = arith.constant 0 : i32
      %dma_wait3A_457 = tpu.memref_slice %arg10[%dma_wait3A_452, %dma_wait3A_455, %dma_wait3A_456] : memref<3x80x128xf32, #tpu.memory_space<vmem>> -> memref<1x80x128xf32, #tpu.memory_space<vmem>>
      %dma_wait3A_458 = tpu.memref_squeeze %dma_wait3A_457 : memref<1x80x128xf32, #tpu.memory_space<vmem>> -> memref<80x128xf32, #tpu.memory_space<vmem>>
      %dma_wait3A_459 = arith.constant 0 : i32
      %dma_wait3A_460 = tpu.memref_slice %arg9[%dma_wait3A_453, %dma_wait3A_459] : memref<125x80xi32, #tpu.memory_space<vmem>> -> memref<1x80xi32, #tpu.memory_space<vmem>>
      %dma_wait3A_461 = tpu.memref_squeeze %dma_wait3A_460 : memref<1x80xi32, #tpu.memory_space<vmem>> -> memref<80xi32, #tpu.memory_space<vmem>>
      %dma_wait3A_462 = arith.constant 0 : i32
      %dma_wait3A_463 = arith.constant 0 : i32
      %dma_wait3A_464 = tpu.memref_slice %arg11[%dma_wait3A_462, %dma_wait3A_463] : memref<10000x128xf32, #tpu.memory_space<vmem_shared>> -> memref<10000x128xf32, #tpu.memory_space<vmem_shared>>
      %dma_wait3A_465 = tpu.memref_slice %arg12[%dma_wait3A_454] : memref<3x!tpu.dma_semaphore, #tpu.memory_space<semaphore_mem>> -> memref<1x!tpu.dma_semaphore, #tpu.memory_space<semaphore_mem>>
      %dma_wait3A_466 = tpu.memref_squeeze %dma_wait3A_465 : memref<1x!tpu.dma_semaphore, #tpu.memory_space<semaphore_mem>> -> memref<!tpu.dma_semaphore, #tpu.memory_space<semaphore_mem>>
      tpu.wait_indirect_dma semaphore(%dma_wait3A_466 : memref<!tpu.dma_semaphore, #tpu.memory_space<semaphore_mem>>) src(%dma_wait3A_458 : memref<80x128xf32, #tpu.memory_space<vmem>>) dst(%dma_wait3A_464 : memref<10000x128xf32, #tpu.memory_space<vmem_shared>>)
      %dma_wait3A_467 = arith.constant 1 : i32
      %dma_wait3A_468 = arith.constant 124 : i32
      %dma_wait3A_469 = arith.constant 1 : i32
      %dma_wait3A_470 = arith.constant 0 : i32
      %dma_wait3A_471 = arith.constant 0 : i32
      %dma_wait3A_472 = tpu.memref_slice %arg10[%dma_wait3A_467, %dma_wait3A_470, %dma_wait3A_471] : memref<3x80x128xf32, #tpu.memory_space<vmem>> -> memref<1x80x128xf32, #tpu.memory_space<vmem>>
      %dma_wait3A_473 = tpu.memref_squeeze %dma_wait3A_472 : memref<1x80x128xf32, #tpu.memory_space<vmem>> -> memref<80x128xf32, #tpu.memory_space<vmem>>
      %dma_wait3A_474 = arith.constant 0 : i32
      %dma_wait3A_475 = tpu.memref_slice %arg9[%dma_wait3A_468, %dma_wait3A_474] : memref<125x80xi32, #tpu.memory_space<vmem>> -> memref<1x80xi32, #tpu.memory_space<vmem>>
      %dma_wait3A_476 = tpu.memref_squeeze %dma_wait3A_475 : memref<1x80xi32, #tpu.memory_space<vmem>> -> memref<80xi32, #tpu.memory_space<vmem>>
      %dma_wait3A_477 = arith.constant 0 : i32
      %dma_wait3A_478 = arith.constant 0 : i32
      %dma_wait3A_479 = tpu.memref_slice %arg11[%dma_wait3A_477, %dma_wait3A_478] : memref<10000x128xf32, #tpu.memory_space<vmem_shared>> -> memref<10000x128xf32, #tpu.memory_space<vmem_shared>>
      %dma_wait3A_480 = tpu.memref_slice %arg12[%dma_wait3A_469] : memref<3x!tpu.dma_semaphore, #tpu.memory_space<semaphore_mem>> -> memref<1x!tpu.dma_semaphore, #tpu.memory_space<semaphore_mem>>
      %dma_wait3A_481 = tpu.memref_squeeze %dma_wait3A_480 : memref<1x!tpu.dma_semaphore, #tpu.memory_space<semaphore_mem>> -> memref<!tpu.dma_semaphore, #tpu.memory_space<semaphore_mem>>
      tpu.wait_indirect_dma semaphore(%dma_wait3A_481 : memref<!tpu.dma_semaphore, #tpu.memory_space<semaphore_mem>>) src(%dma_wait3A_473 : memref<80x128xf32, #tpu.memory_space<vmem>>) dst(%dma_wait3A_479 : memref<10000x128xf32, #tpu.memory_space<vmem_shared>>)
      %dma_wait3A_482 = arith.constant 2 : i32
      %dma_wait3A_483 = arith.constant 122 : i32
      %dma_wait3A_484 = arith.constant 2 : i32
      %dma_wait3A_485 = arith.constant 0 : i32
      %dma_wait3A_486 = arith.constant 0 : i32
      %dma_wait3A_487 = tpu.memref_slice %arg10[%dma_wait3A_482, %dma_wait3A_485, %dma_wait3A_486] : memref<3x80x128xf32, #tpu.memory_space<vmem>> -> memref<1x80x128xf32, #tpu.memory_space<vmem>>
      %dma_wait3A_488 = tpu.memref_squeeze %dma_wait3A_487 : memref<1x80x128xf32, #tpu.memory_space<vmem>> -> memref<80x128xf32, #tpu.memory_space<vmem>>
      %dma_wait3A_489 = arith.constant 0 : i32
      %dma_wait3A_490 = tpu.memref_slice %arg9[%dma_wait3A_483, %dma_wait3A_489] : memref<125x80xi32, #tpu.memory_space<vmem>> -> memref<1x80xi32, #tpu.memory_space<vmem>>
      %dma_wait3A_491 = tpu.memref_squeeze %dma_wait3A_490 : memref<1x80xi32, #tpu.memory_space<vmem>> -> memref<80xi32, #tpu.memory_space<vmem>>
      %dma_wait3A_492 = arith.constant 0 : i32
      %dma_wait3A_493 = arith.constant 0 : i32
      %dma_wait3A_494 = tpu.memref_slice %arg11[%dma_wait3A_492, %dma_wait3A_493] : memref<10000x128xf32, #tpu.memory_space<vmem_shared>> -> memref<10000x128xf32, #tpu.memory_space<vmem_shared>>
      %dma_wait3A_495 = tpu.memref_slice %arg12[%dma_wait3A_484] : memref<3x!tpu.dma_semaphore, #tpu.memory_space<semaphore_mem>> -> memref<1x!tpu.dma_semaphore, #tpu.memory_space<semaphore_mem>>
      %dma_wait3A_496 = tpu.memref_squeeze %dma_wait3A_495 : memref<1x!tpu.dma_semaphore, #tpu.memory_space<semaphore_mem>> -> memref<!tpu.dma_semaphore, #tpu.memory_space<semaphore_mem>>
      tpu.wait_indirect_dma semaphore(%dma_wait3A_496 : memref<!tpu.dma_semaphore, #tpu.memory_space<semaphore_mem>>) src(%dma_wait3A_488 : memref<80x128xf32, #tpu.memory_space<vmem>>) dst(%dma_wait3A_494 : memref<10000x128xf32, #tpu.memory_space<vmem_shared>>)
      %barrier3A_497 = arith.constant 0 : index
      tpu.barrier barrier_id(%barrier3A_497)
      %mul3A_498 = arith.constant 625 : i32
      %mul3A_499 = arith.muli %arg1, %mul3A_498 : i32
      %mul3A_500 = arith.constant 625 : i32
      %mul3A_501 = arith.muli %arg1, %mul3A_500 : i32
      "tpu.region"() ({
        %run_scoped3A = tpu.sem_alloc : memref<!tpu.dma_semaphore, #tpu.memory_space<semaphore_mem>>
        %dma_start3A_502 = arith.constant 0 : i32
        %dma_start3A_503 = tpu.memref_slice %arg6[%mul3A_501, %dma_start3A_502] : memref<10000x128xf32, #tpu.memory_space<hbm>> -> memref<625x128xf32, #tpu.memory_space<hbm>>
        %dma_start3A_504 = arith.constant 0 : i32
        %dma_start3A_505 = tpu.memref_slice %arg11[%mul3A_499, %dma_start3A_504] : memref<10000x128xf32, #tpu.memory_space<vmem_shared>> -> memref<625x128xf32, #tpu.memory_space<vmem_shared>>
        tpu.enqueue_dma source(%dma_start3A_505 : memref<625x128xf32, #tpu.memory_space<vmem_shared>>) target(%dma_start3A_503 : memref<625x128xf32, #tpu.memory_space<hbm>>) target_semaphore(%run_scoped3A : memref<!tpu.dma_semaphore, #tpu.memory_space<semaphore_mem>>)
        %dma_wait3A_506 = arith.constant 0 : i32
        %dma_wait3A_507 = tpu.memref_slice %arg6[%mul3A_501, %dma_wait3A_506] : memref<10000x128xf32, #tpu.memory_space<hbm>> -> memref<625x128xf32, #tpu.memory_space<hbm>>
        %dma_wait3A_508 = arith.constant 0 : i32
        %dma_wait3A_509 = tpu.memref_slice %arg11[%mul3A_499, %dma_wait3A_508] : memref<10000x128xf32, #tpu.memory_space<vmem_shared>> -> memref<625x128xf32, #tpu.memory_space<vmem_shared>>
        tpu.wait_dma2 semaphore(%run_scoped3A : memref<!tpu.dma_semaphore, #tpu.memory_space<semaphore_mem>>) src(%dma_wait3A_509 : memref<625x128xf32, #tpu.memory_space<vmem_shared>>) dst(%dma_wait3A_507 : memref<625x128xf32, #tpu.memory_space<hbm>>)
        tpu.yield
      }) : () -> ()
    } else {
    }
    %eq3A_2 = arith.constant 1 : i32
    %eq3A_3 = arith.cmpi eq, %arg0, %eq3A_2 : i32
    %convert_element_type3A_4 = arith.extui %eq3A_3 : i1 to i32
    %cond3A_5 = arith.constant 0 : i32
    %cond3A_6 = arith.cmpi ne, %convert_element_type3A_4, %cond3A_5 : i32
    scf.if %cond3A_6 {
      %mul3A = arith.constant 125 : i32
      %mul3A_7 = arith.muli %arg1, %mul3A : i32
      "tpu.region"() ({
        %run_scoped3A = tpu.sem_alloc : memref<!tpu.dma_semaphore, #tpu.memory_space<semaphore_mem>>
        %dma_start3A_502 = arith.constant 0 : i32
        %dma_start3A_503 = tpu.memref_slice %arg4[%mul3A_7, %dma_start3A_502] : memref<2000x80xi32, #tpu.memory_space<hbm>> -> memref<125x80xi32, #tpu.memory_space<hbm>>
        %dma_start3A_504 = arith.constant 0 : i32
        %dma_start3A_505 = tpu.memref_slice %arg4[%mul3A_7, %dma_start3A_504] : memref<2000x80xi32, #tpu.memory_space<hbm>> -> memref<125x80xi32, #tpu.memory_space<hbm>>
        tpu.enqueue_dma source(%dma_start3A_505 : memref<125x80xi32, #tpu.memory_space<hbm>>) target(%arg8 : memref<125x80xi32, #tpu.memory_space<vmem>>) target_semaphore(%run_scoped3A : memref<!tpu.dma_semaphore, #tpu.memory_space<semaphore_mem>>)
        %dma_wait3A_506 = arith.constant 0 : i32
        %dma_wait3A_507 = tpu.memref_slice %arg4[%mul3A_7, %dma_wait3A_506] : memref<2000x80xi32, #tpu.memory_space<hbm>> -> memref<125x80xi32, #tpu.memory_space<hbm>>
        %dma_wait3A_508 = arith.constant 0 : i32
        %dma_wait3A_509 = tpu.memref_slice %arg4[%mul3A_7, %dma_wait3A_508] : memref<2000x80xi32, #tpu.memory_space<hbm>> -> memref<125x80xi32, #tpu.memory_space<hbm>>
        tpu.wait_dma2 semaphore(%run_scoped3A : memref<!tpu.dma_semaphore, #tpu.memory_space<semaphore_mem>>) src(%dma_wait3A_509 : memref<125x80xi32, #tpu.memory_space<hbm>>) dst(%arg8 : memref<125x80xi32, #tpu.memory_space<vmem>>)
        tpu.yield
      }) : () -> ()
      %mul3A_8 = arith.constant 125 : i32
      %mul3A_9 = arith.muli %arg1, %mul3A_8 : i32
      "tpu.region"() ({
        %run_scoped3A = tpu.sem_alloc : memref<!tpu.dma_semaphore, #tpu.memory_space<semaphore_mem>>
        %dma_start3A_502 = arith.constant 0 : i32
        %dma_start3A_503 = tpu.memref_slice %arg5[%mul3A_9, %dma_start3A_502] : memref<2000x80xi32, #tpu.memory_space<hbm>> -> memref<125x80xi32, #tpu.memory_space<hbm>>
        %dma_start3A_504 = arith.constant 0 : i32
        %dma_start3A_505 = tpu.memref_slice %arg5[%mul3A_9, %dma_start3A_504] : memref<2000x80xi32, #tpu.memory_space<hbm>> -> memref<125x80xi32, #tpu.memory_space<hbm>>
        tpu.enqueue_dma source(%dma_start3A_505 : memref<125x80xi32, #tpu.memory_space<hbm>>) target(%arg9 : memref<125x80xi32, #tpu.memory_space<vmem>>) target_semaphore(%run_scoped3A : memref<!tpu.dma_semaphore, #tpu.memory_space<semaphore_mem>>)
        %dma_wait3A_506 = arith.constant 0 : i32
        %dma_wait3A_507 = tpu.memref_slice %arg5[%mul3A_9, %dma_wait3A_506] : memref<2000x80xi32, #tpu.memory_space<hbm>> -> memref<125x80xi32, #tpu.memory_space<hbm>>
        %dma_wait3A_508 = arith.constant 0 : i32
        %dma_wait3A_509 = tpu.memref_slice %arg5[%mul3A_9, %dma_wait3A_508] : memref<2000x80xi32, #tpu.memory_space<hbm>> -> memref<125x80xi32, #tpu.memory_space<hbm>>
        tpu.wait_dma2 semaphore(%run_scoped3A : memref<!tpu.dma_semaphore, #tpu.memory_space<semaphore_mem>>) src(%dma_wait3A_509 : memref<125x80xi32, #tpu.memory_space<hbm>>) dst(%arg9 : memref<125x80xi32, #tpu.memory_space<vmem>>)
        tpu.yield
      }) : () -> ()
      %mul3A_10 = arith.constant 625 : i32
      %mul3A_11 = arith.muli %arg1, %mul3A_10 : i32
      %mul3A_12 = arith.constant 625 : i32
      %mul3A_13 = arith.muli %arg1, %mul3A_12 : i32
      "tpu.region"() ({
        %run_scoped3A = tpu.sem_alloc : memref<!tpu.dma_semaphore, #tpu.memory_space<semaphore_mem>>
        %dma_start3A_502 = arith.constant 0 : i32
        %dma_start3A_503 = tpu.memref_slice %arg11[%mul3A_13, %dma_start3A_502] : memref<10000x128xf32, #tpu.memory_space<vmem_shared>> -> memref<625x128xf32, #tpu.memory_space<vmem_shared>>
        %dma_start3A_504 = arith.constant 0 : i32
        %dma_start3A_505 = tpu.memref_slice %arg3[%mul3A_11, %dma_start3A_504] : memref<10000x128xf32, #tpu.memory_space<hbm>> -> memref<625x128xf32, #tpu.memory_space<hbm>>
        tpu.enqueue_dma source(%dma_start3A_505 : memref<625x128xf32, #tpu.memory_space<hbm>>) target(%dma_start3A_503 : memref<625x128xf32, #tpu.memory_space<vmem_shared>>) target_semaphore(%run_scoped3A : memref<!tpu.dma_semaphore, #tpu.memory_space<semaphore_mem>>)
        %dma_wait3A_506 = arith.constant 0 : i32
        %dma_wait3A_507 = tpu.memref_slice %arg11[%mul3A_13, %dma_wait3A_506] : memref<10000x128xf32, #tpu.memory_space<vmem_shared>> -> memref<625x128xf32, #tpu.memory_space<vmem_shared>>
        %dma_wait3A_508 = arith.constant 0 : i32
        %dma_wait3A_509 = tpu.memref_slice %arg3[%mul3A_11, %dma_wait3A_508] : memref<10000x128xf32, #tpu.memory_space<hbm>> -> memref<625x128xf32, #tpu.memory_space<hbm>>
        tpu.wait_dma2 semaphore(%run_scoped3A : memref<!tpu.dma_semaphore, #tpu.memory_space<semaphore_mem>>) src(%dma_wait3A_509 : memref<625x128xf32, #tpu.memory_space<hbm>>) dst(%dma_wait3A_507 : memref<625x128xf32, #tpu.memory_space<vmem_shared>>)
        tpu.yield
      }) : () -> ()
      %dma_start3A = arith.constant 0 : i32
      %dma_start3A_14 = arith.constant 0 : i32
      %dma_start3A_15 = arith.constant 0 : i32
      %dma_start3A_16 = arith.constant 0 : i32
      %dma_start3A_17 = arith.constant 0 : i32
      %dma_start3A_18 = tpu.memref_slice %arg10[%dma_start3A_14, %dma_start3A_16, %dma_start3A_17] : memref<3x80x128xf32, #tpu.memory_space<vmem>> -> memref<1x80x128xf32, #tpu.memory_space<vmem>>
      %dma_start3A_19 = tpu.memref_squeeze %dma_start3A_18 : memref<1x80x128xf32, #tpu.memory_space<vmem>> -> memref<80x128xf32, #tpu.memory_space<vmem>>
      %dma_start3A_20 = arith.constant 0 : i32
      %dma_start3A_21 = tpu.memref_slice %arg8[%dma_start3A, %dma_start3A_20] : memref<125x80xi32, #tpu.memory_space<vmem>> -> memref<1x80xi32, #tpu.memory_space<vmem>>
      %dma_start3A_22 = tpu.memref_squeeze %dma_start3A_21 : memref<1x80xi32, #tpu.memory_space<vmem>> -> memref<80xi32, #tpu.memory_space<vmem>>
      %dma_start3A_23 = arith.constant 0 : i32
      %dma_start3A_24 = arith.constant 0 : i32
      %dma_start3A_25 = tpu.memref_slice %arg3[%dma_start3A_23, %dma_start3A_24] : memref<10000x128xf32, #tpu.memory_space<hbm>> -> memref<10000x128xf32, #tpu.memory_space<hbm>>
      %dma_start3A_26 = tpu.memref_slice %arg12[%dma_start3A_15] : memref<3x!tpu.dma_semaphore, #tpu.memory_space<semaphore_mem>> -> memref<1x!tpu.dma_semaphore, #tpu.memory_space<semaphore_mem>>
      %dma_start3A_27 = tpu.memref_squeeze %dma_start3A_26 : memref<1x!tpu.dma_semaphore, #tpu.memory_space<semaphore_mem>> -> memref<!tpu.dma_semaphore, #tpu.memory_space<semaphore_mem>>
      tpu.enqueue_indirect_dma source(%dma_start3A_25 : memref<10000x128xf32, #tpu.memory_space<hbm>>) target(%dma_start3A_19 : memref<80x128xf32, #tpu.memory_space<vmem>>) offsets(%dma_start3A_22 : memref<80xi32, #tpu.memory_space<vmem>>) semaphore(%dma_start3A_27 : memref<!tpu.dma_semaphore, #tpu.memory_space<semaphore_mem>>)
      %barrier3A = arith.constant 0 : index
      tpu.barrier barrier_id(%barrier3A)
      %dma_start3A_28 = arith.constant 1 : i32
      %dma_start3A_29 = arith.constant 1 : i32
      %dma_start3A_30 = arith.constant 1 : i32
      %dma_start3A_31 = arith.constant 0 : i32
      %dma_start3A_32 = arith.constant 0 : i32
      %dma_start3A_33 = tpu.memref_slice %arg10[%dma_start3A_29, %dma_start3A_31, %dma_start3A_32] : memref<3x80x128xf32, #tpu.memory_space<vmem>> -> memref<1x80x128xf32, #tpu.memory_space<vmem>>
      %dma_start3A_34 = tpu.memref_squeeze %dma_start3A_33 : memref<1x80x128xf32, #tpu.memory_space<vmem>> -> memref<80x128xf32, #tpu.memory_space<vmem>>
      %dma_start3A_35 = arith.constant 0 : i32
      %dma_start3A_36 = tpu.memref_slice %arg8[%dma_start3A_28, %dma_start3A_35] : memref<125x80xi32, #tpu.memory_space<vmem>> -> memref<1x80xi32, #tpu.memory_space<vmem>>
      %dma_start3A_37 = tpu.memref_squeeze %dma_start3A_36 : memref<1x80xi32, #tpu.memory_space<vmem>> -> memref<80xi32, #tpu.memory_space<vmem>>
      %dma_start3A_38 = arith.constant 0 : i32
      %dma_start3A_39 = arith.constant 0 : i32
      %dma_start3A_40 = tpu.memref_slice %arg3[%dma_start3A_38, %dma_start3A_39] : memref<10000x128xf32, #tpu.memory_space<hbm>> -> memref<10000x128xf32, #tpu.memory_space<hbm>>
      %dma_start3A_41 = tpu.memref_slice %arg12[%dma_start3A_30] : memref<3x!tpu.dma_semaphore, #tpu.memory_space<semaphore_mem>> -> memref<1x!tpu.dma_semaphore, #tpu.memory_space<semaphore_mem>>
      %dma_start3A_42 = tpu.memref_squeeze %dma_start3A_41 : memref<1x!tpu.dma_semaphore, #tpu.memory_space<semaphore_mem>> -> memref<!tpu.dma_semaphore, #tpu.memory_space<semaphore_mem>>
      tpu.enqueue_indirect_dma source(%dma_start3A_40 : memref<10000x128xf32, #tpu.memory_space<hbm>>) target(%dma_start3A_34 : memref<80x128xf32, #tpu.memory_space<vmem>>) offsets(%dma_start3A_37 : memref<80xi32, #tpu.memory_space<vmem>>) semaphore(%dma_start3A_42 : memref<!tpu.dma_semaphore, #tpu.memory_space<semaphore_mem>>)
      %dma_wait3A = arith.constant 0 : i32
      %dma_wait3A_43 = arith.constant 0 : i32
      %dma_wait3A_44 = arith.constant 0 : i32
      %dma_wait3A_45 = arith.constant 0 : i32
      %dma_wait3A_46 = arith.constant 0 : i32
      %dma_wait3A_47 = tpu.memref_slice %arg10[%dma_wait3A_43, %dma_wait3A_45, %dma_wait3A_46] : memref<3x80x128xf32, #tpu.memory_space<vmem>> -> memref<1x80x128xf32, #tpu.memory_space<vmem>>
      %dma_wait3A_48 = tpu.memref_squeeze %dma_wait3A_47 : memref<1x80x128xf32, #tpu.memory_space<vmem>> -> memref<80x128xf32, #tpu.memory_space<vmem>>
      %dma_wait3A_49 = arith.constant 0 : i32
      %dma_wait3A_50 = tpu.memref_slice %arg8[%dma_wait3A, %dma_wait3A_49] : memref<125x80xi32, #tpu.memory_space<vmem>> -> memref<1x80xi32, #tpu.memory_space<vmem>>
      %dma_wait3A_51 = tpu.memref_squeeze %dma_wait3A_50 : memref<1x80xi32, #tpu.memory_space<vmem>> -> memref<80xi32, #tpu.memory_space<vmem>>
      %dma_wait3A_52 = arith.constant 0 : i32
      %dma_wait3A_53 = arith.constant 0 : i32
      %dma_wait3A_54 = tpu.memref_slice %arg3[%dma_wait3A_52, %dma_wait3A_53] : memref<10000x128xf32, #tpu.memory_space<hbm>> -> memref<10000x128xf32, #tpu.memory_space<hbm>>
      %dma_wait3A_55 = tpu.memref_slice %arg12[%dma_wait3A_44] : memref<3x!tpu.dma_semaphore, #tpu.memory_space<semaphore_mem>> -> memref<1x!tpu.dma_semaphore, #tpu.memory_space<semaphore_mem>>
      %dma_wait3A_56 = tpu.memref_squeeze %dma_wait3A_55 : memref<1x!tpu.dma_semaphore, #tpu.memory_space<semaphore_mem>> -> memref<!tpu.dma_semaphore, #tpu.memory_space<semaphore_mem>>
      tpu.wait_indirect_dma semaphore(%dma_wait3A_56 : memref<!tpu.dma_semaphore, #tpu.memory_space<semaphore_mem>>) src(%dma_wait3A_54 : memref<10000x128xf32, #tpu.memory_space<hbm>>) dst(%dma_wait3A_48 : memref<80x128xf32, #tpu.memory_space<vmem>>)
      %dma_start3A_57 = arith.constant 0 : i32
      %dma_start3A_58 = arith.constant 0 : i32
      %dma_start3A_59 = arith.constant 0 : i32
      %dma_start3A_60 = arith.constant 0 : i32
      %dma_start3A_61 = arith.constant 0 : i32
      %dma_start3A_62 = tpu.memref_slice %arg10[%dma_start3A_57, %dma_start3A_60, %dma_start3A_61] : memref<3x80x128xf32, #tpu.memory_space<vmem>> -> memref<1x80x128xf32, #tpu.memory_space<vmem>>
      %dma_start3A_63 = tpu.memref_squeeze %dma_start3A_62 : memref<1x80x128xf32, #tpu.memory_space<vmem>> -> memref<80x128xf32, #tpu.memory_space<vmem>>
      %dma_start3A_64 = arith.constant 0 : i32
      %dma_start3A_65 = tpu.memref_slice %arg9[%dma_start3A_58, %dma_start3A_64] : memref<125x80xi32, #tpu.memory_space<vmem>> -> memref<1x80xi32, #tpu.memory_space<vmem>>
      %dma_start3A_66 = tpu.memref_squeeze %dma_start3A_65 : memref<1x80xi32, #tpu.memory_space<vmem>> -> memref<80xi32, #tpu.memory_space<vmem>>
      %dma_start3A_67 = arith.constant 0 : i32
      %dma_start3A_68 = arith.constant 0 : i32
      %dma_start3A_69 = tpu.memref_slice %arg11[%dma_start3A_67, %dma_start3A_68] : memref<10000x128xf32, #tpu.memory_space<vmem_shared>> -> memref<10000x128xf32, #tpu.memory_space<vmem_shared>>
      %dma_start3A_70 = tpu.memref_slice %arg12[%dma_start3A_59] : memref<3x!tpu.dma_semaphore, #tpu.memory_space<semaphore_mem>> -> memref<1x!tpu.dma_semaphore, #tpu.memory_space<semaphore_mem>>
      %dma_start3A_71 = tpu.memref_squeeze %dma_start3A_70 : memref<1x!tpu.dma_semaphore, #tpu.memory_space<semaphore_mem>> -> memref<!tpu.dma_semaphore, #tpu.memory_space<semaphore_mem>>
      tpu.enqueue_indirect_dma source(%dma_start3A_63 : memref<80x128xf32, #tpu.memory_space<vmem>>) target(%dma_start3A_69 : memref<10000x128xf32, #tpu.memory_space<vmem_shared>>) offsets(%dma_start3A_66 : memref<80xi32, #tpu.memory_space<vmem>>) semaphore(%dma_start3A_71 : memref<!tpu.dma_semaphore, #tpu.memory_space<semaphore_mem>>) {add = true}
      %dma_start3A_72 = arith.constant 2 : i32
      %dma_start3A_73 = arith.constant 2 : i32
      %dma_start3A_74 = arith.constant 2 : i32
      %dma_start3A_75 = arith.constant 0 : i32
      %dma_start3A_76 = arith.constant 0 : i32
      %dma_start3A_77 = tpu.memref_slice %arg10[%dma_start3A_73, %dma_start3A_75, %dma_start3A_76] : memref<3x80x128xf32, #tpu.memory_space<vmem>> -> memref<1x80x128xf32, #tpu.memory_space<vmem>>
      %dma_start3A_78 = tpu.memref_squeeze %dma_start3A_77 : memref<1x80x128xf32, #tpu.memory_space<vmem>> -> memref<80x128xf32, #tpu.memory_space<vmem>>
      %dma_start3A_79 = arith.constant 0 : i32
      %dma_start3A_80 = tpu.memref_slice %arg8[%dma_start3A_72, %dma_start3A_79] : memref<125x80xi32, #tpu.memory_space<vmem>> -> memref<1x80xi32, #tpu.memory_space<vmem>>
      %dma_start3A_81 = tpu.memref_squeeze %dma_start3A_80 : memref<1x80xi32, #tpu.memory_space<vmem>> -> memref<80xi32, #tpu.memory_space<vmem>>
      %dma_start3A_82 = arith.constant 0 : i32
      %dma_start3A_83 = arith.constant 0 : i32
      %dma_start3A_84 = tpu.memref_slice %arg3[%dma_start3A_82, %dma_start3A_83] : memref<10000x128xf32, #tpu.memory_space<hbm>> -> memref<10000x128xf32, #tpu.memory_space<hbm>>
      %dma_start3A_85 = tpu.memref_slice %arg12[%dma_start3A_74] : memref<3x!tpu.dma_semaphore, #tpu.memory_space<semaphore_mem>> -> memref<1x!tpu.dma_semaphore, #tpu.memory_space<semaphore_mem>>
      %dma_start3A_86 = tpu.memref_squeeze %dma_start3A_85 : memref<1x!tpu.dma_semaphore, #tpu.memory_space<semaphore_mem>> -> memref<!tpu.dma_semaphore, #tpu.memory_space<semaphore_mem>>
      tpu.enqueue_indirect_dma source(%dma_start3A_84 : memref<10000x128xf32, #tpu.memory_space<hbm>>) target(%dma_start3A_78 : memref<80x128xf32, #tpu.memory_space<vmem>>) offsets(%dma_start3A_81 : memref<80xi32, #tpu.memory_space<vmem>>) semaphore(%dma_start3A_86 : memref<!tpu.dma_semaphore, #tpu.memory_space<semaphore_mem>>)
      %dma_wait3A_87 = arith.constant 1 : i32
      %dma_wait3A_88 = arith.constant 1 : i32
      %dma_wait3A_89 = arith.constant 1 : i32
      %dma_wait3A_90 = arith.constant 0 : i32
      %dma_wait3A_91 = arith.constant 0 : i32
      %dma_wait3A_92 = tpu.memref_slice %arg10[%dma_wait3A_88, %dma_wait3A_90, %dma_wait3A_91] : memref<3x80x128xf32, #tpu.memory_space<vmem>> -> memref<1x80x128xf32, #tpu.memory_space<vmem>>
      %dma_wait3A_93 = tpu.memref_squeeze %dma_wait3A_92 : memref<1x80x128xf32, #tpu.memory_space<vmem>> -> memref<80x128xf32, #tpu.memory_space<vmem>>
      %dma_wait3A_94 = arith.constant 0 : i32
      %dma_wait3A_95 = tpu.memref_slice %arg8[%dma_wait3A_87, %dma_wait3A_94] : memref<125x80xi32, #tpu.memory_space<vmem>> -> memref<1x80xi32, #tpu.memory_space<vmem>>
      %dma_wait3A_96 = tpu.memref_squeeze %dma_wait3A_95 : memref<1x80xi32, #tpu.memory_space<vmem>> -> memref<80xi32, #tpu.memory_space<vmem>>
      %dma_wait3A_97 = arith.constant 0 : i32
      %dma_wait3A_98 = arith.constant 0 : i32
      %dma_wait3A_99 = tpu.memref_slice %arg3[%dma_wait3A_97, %dma_wait3A_98] : memref<10000x128xf32, #tpu.memory_space<hbm>> -> memref<10000x128xf32, #tpu.memory_space<hbm>>
      %dma_wait3A_100 = tpu.memref_slice %arg12[%dma_wait3A_89] : memref<3x!tpu.dma_semaphore, #tpu.memory_space<semaphore_mem>> -> memref<1x!tpu.dma_semaphore, #tpu.memory_space<semaphore_mem>>
      %dma_wait3A_101 = tpu.memref_squeeze %dma_wait3A_100 : memref<1x!tpu.dma_semaphore, #tpu.memory_space<semaphore_mem>> -> memref<!tpu.dma_semaphore, #tpu.memory_space<semaphore_mem>>
      tpu.wait_indirect_dma semaphore(%dma_wait3A_101 : memref<!tpu.dma_semaphore, #tpu.memory_space<semaphore_mem>>) src(%dma_wait3A_99 : memref<10000x128xf32, #tpu.memory_space<hbm>>) dst(%dma_wait3A_93 : memref<80x128xf32, #tpu.memory_space<vmem>>)
      %dma_start3A_102 = arith.constant 1 : i32
      %dma_start3A_103 = arith.constant 1 : i32
      %dma_start3A_104 = arith.constant 1 : i32
      %dma_start3A_105 = arith.constant 0 : i32
      %dma_start3A_106 = arith.constant 0 : i32
      %dma_start3A_107 = tpu.memref_slice %arg10[%dma_start3A_102, %dma_start3A_105, %dma_start3A_106] : memref<3x80x128xf32, #tpu.memory_space<vmem>> -> memref<1x80x128xf32, #tpu.memory_space<vmem>>
      %dma_start3A_108 = tpu.memref_squeeze %dma_start3A_107 : memref<1x80x128xf32, #tpu.memory_space<vmem>> -> memref<80x128xf32, #tpu.memory_space<vmem>>
      %dma_start3A_109 = arith.constant 0 : i32
      %dma_start3A_110 = tpu.memref_slice %arg9[%dma_start3A_103, %dma_start3A_109] : memref<125x80xi32, #tpu.memory_space<vmem>> -> memref<1x80xi32, #tpu.memory_space<vmem>>
      %dma_start3A_111 = tpu.memref_squeeze %dma_start3A_110 : memref<1x80xi32, #tpu.memory_space<vmem>> -> memref<80xi32, #tpu.memory_space<vmem>>
      %dma_start3A_112 = arith.constant 0 : i32
      %dma_start3A_113 = arith.constant 0 : i32
      %dma_start3A_114 = tpu.memref_slice %arg11[%dma_start3A_112, %dma_start3A_113] : memref<10000x128xf32, #tpu.memory_space<vmem_shared>> -> memref<10000x128xf32, #tpu.memory_space<vmem_shared>>
      %dma_start3A_115 = tpu.memref_slice %arg12[%dma_start3A_104] : memref<3x!tpu.dma_semaphore, #tpu.memory_space<semaphore_mem>> -> memref<1x!tpu.dma_semaphore, #tpu.memory_space<semaphore_mem>>
      %dma_start3A_116 = tpu.memref_squeeze %dma_start3A_115 : memref<1x!tpu.dma_semaphore, #tpu.memory_space<semaphore_mem>> -> memref<!tpu.dma_semaphore, #tpu.memory_space<semaphore_mem>>
      tpu.enqueue_indirect_dma source(%dma_start3A_108 : memref<80x128xf32, #tpu.memory_space<vmem>>) target(%dma_start3A_114 : memref<10000x128xf32, #tpu.memory_space<vmem_shared>>) offsets(%dma_start3A_111 : memref<80xi32, #tpu.memory_space<vmem>>) semaphore(%dma_start3A_116 : memref<!tpu.dma_semaphore, #tpu.memory_space<semaphore_mem>>) {add = true}
      %dma_wait3A_117 = arith.constant 0 : i32
      %dma_wait3A_118 = arith.constant 0 : i32
      %dma_wait3A_119 = arith.constant 0 : i32
      %dma_wait3A_120 = arith.constant 0 : i32
      %dma_wait3A_121 = arith.constant 0 : i32
      %dma_wait3A_122 = tpu.memref_slice %arg10[%dma_wait3A_117, %dma_wait3A_120, %dma_wait3A_121] : memref<3x80x128xf32, #tpu.memory_space<vmem>> -> memref<1x80x128xf32, #tpu.memory_space<vmem>>
      %dma_wait3A_123 = tpu.memref_squeeze %dma_wait3A_122 : memref<1x80x128xf32, #tpu.memory_space<vmem>> -> memref<80x128xf32, #tpu.memory_space<vmem>>
      %dma_wait3A_124 = arith.constant 0 : i32
      %dma_wait3A_125 = tpu.memref_slice %arg9[%dma_wait3A_118, %dma_wait3A_124] : memref<125x80xi32, #tpu.memory_space<vmem>> -> memref<1x80xi32, #tpu.memory_space<vmem>>
      %dma_wait3A_126 = tpu.memref_squeeze %dma_wait3A_125 : memref<1x80xi32, #tpu.memory_space<vmem>> -> memref<80xi32, #tpu.memory_space<vmem>>
      %dma_wait3A_127 = arith.constant 0 : i32
      %dma_wait3A_128 = arith.constant 0 : i32
      %dma_wait3A_129 = tpu.memref_slice %arg11[%dma_wait3A_127, %dma_wait3A_128] : memref<10000x128xf32, #tpu.memory_space<vmem_shared>> -> memref<10000x128xf32, #tpu.memory_space<vmem_shared>>
      %dma_wait3A_130 = tpu.memref_slice %arg12[%dma_wait3A_119] : memref<3x!tpu.dma_semaphore, #tpu.memory_space<semaphore_mem>> -> memref<1x!tpu.dma_semaphore, #tpu.memory_space<semaphore_mem>>
      %dma_wait3A_131 = tpu.memref_squeeze %dma_wait3A_130 : memref<1x!tpu.dma_semaphore, #tpu.memory_space<semaphore_mem>> -> memref<!tpu.dma_semaphore, #tpu.memory_space<semaphore_mem>>
      tpu.wait_indirect_dma semaphore(%dma_wait3A_131 : memref<!tpu.dma_semaphore, #tpu.memory_space<semaphore_mem>>) src(%dma_wait3A_123 : memref<80x128xf32, #tpu.memory_space<vmem>>) dst(%dma_wait3A_129 : memref<10000x128xf32, #tpu.memory_space<vmem_shared>>)
      %dma_start3A_132 = arith.constant 3 : i32
      %dma_start3A_133 = arith.constant 0 : i32
      %dma_start3A_134 = arith.constant 0 : i32
      %dma_start3A_135 = arith.constant 0 : i32
      %dma_start3A_136 = arith.constant 0 : i32
      %dma_start3A_137 = tpu.memref_slice %arg10[%dma_start3A_133, %dma_start3A_135, %dma_start3A_136] : memref<3x80x128xf32, #tpu.memory_space<vmem>> -> memref<1x80x128xf32, #tpu.memory_space<vmem>>
      %dma_start3A_138 = tpu.memref_squeeze %dma_start3A_137 : memref<1x80x128xf32, #tpu.memory_space<vmem>> -> memref<80x128xf32, #tpu.memory_space<vmem>>
      %dma_start3A_139 = arith.constant 0 : i32
      %dma_start3A_140 = tpu.memref_slice %arg8[%dma_start3A_132, %dma_start3A_139] : memref<125x80xi32, #tpu.memory_space<vmem>> -> memref<1x80xi32, #tpu.memory_space<vmem>>
      %dma_start3A_141 = tpu.memref_squeeze %dma_start3A_140 : memref<1x80xi32, #tpu.memory_space<vmem>> -> memref<80xi32, #tpu.memory_space<vmem>>
      %dma_start3A_142 = arith.constant 0 : i32
      %dma_start3A_143 = arith.constant 0 : i32
      %dma_start3A_144 = tpu.memref_slice %arg3[%dma_start3A_142, %dma_start3A_143] : memref<10000x128xf32, #tpu.memory_space<hbm>> -> memref<10000x128xf32, #tpu.memory_space<hbm>>
      %dma_start3A_145 = tpu.memref_slice %arg12[%dma_start3A_134] : memref<3x!tpu.dma_semaphore, #tpu.memory_space<semaphore_mem>> -> memref<1x!tpu.dma_semaphore, #tpu.memory_space<semaphore_mem>>
      %dma_start3A_146 = tpu.memref_squeeze %dma_start3A_145 : memref<1x!tpu.dma_semaphore, #tpu.memory_space<semaphore_mem>> -> memref<!tpu.dma_semaphore, #tpu.memory_space<semaphore_mem>>
      tpu.enqueue_indirect_dma source(%dma_start3A_144 : memref<10000x128xf32, #tpu.memory_space<hbm>>) target(%dma_start3A_138 : memref<80x128xf32, #tpu.memory_space<vmem>>) offsets(%dma_start3A_141 : memref<80xi32, #tpu.memory_space<vmem>>) semaphore(%dma_start3A_146 : memref<!tpu.dma_semaphore, #tpu.memory_space<semaphore_mem>>)
      %dma_wait3A_147 = arith.constant 2 : i32
      %dma_wait3A_148 = arith.constant 2 : i32
      %dma_wait3A_149 = arith.constant 2 : i32
      %dma_wait3A_150 = arith.constant 0 : i32
      %dma_wait3A_151 = arith.constant 0 : i32
      %dma_wait3A_152 = tpu.memref_slice %arg10[%dma_wait3A_148, %dma_wait3A_150, %dma_wait3A_151] : memref<3x80x128xf32, #tpu.memory_space<vmem>> -> memref<1x80x128xf32, #tpu.memory_space<vmem>>
      %dma_wait3A_153 = tpu.memref_squeeze %dma_wait3A_152 : memref<1x80x128xf32, #tpu.memory_space<vmem>> -> memref<80x128xf32, #tpu.memory_space<vmem>>
      %dma_wait3A_154 = arith.constant 0 : i32
      %dma_wait3A_155 = tpu.memref_slice %arg8[%dma_wait3A_147, %dma_wait3A_154] : memref<125x80xi32, #tpu.memory_space<vmem>> -> memref<1x80xi32, #tpu.memory_space<vmem>>
      %dma_wait3A_156 = tpu.memref_squeeze %dma_wait3A_155 : memref<1x80xi32, #tpu.memory_space<vmem>> -> memref<80xi32, #tpu.memory_space<vmem>>
      %dma_wait3A_157 = arith.constant 0 : i32
      %dma_wait3A_158 = arith.constant 0 : i32
      %dma_wait3A_159 = tpu.memref_slice %arg3[%dma_wait3A_157, %dma_wait3A_158] : memref<10000x128xf32, #tpu.memory_space<hbm>> -> memref<10000x128xf32, #tpu.memory_space<hbm>>
      %dma_wait3A_160 = tpu.memref_slice %arg12[%dma_wait3A_149] : memref<3x!tpu.dma_semaphore, #tpu.memory_space<semaphore_mem>> -> memref<1x!tpu.dma_semaphore, #tpu.memory_space<semaphore_mem>>
      %dma_wait3A_161 = tpu.memref_squeeze %dma_wait3A_160 : memref<1x!tpu.dma_semaphore, #tpu.memory_space<semaphore_mem>> -> memref<!tpu.dma_semaphore, #tpu.memory_space<semaphore_mem>>
      tpu.wait_indirect_dma semaphore(%dma_wait3A_161 : memref<!tpu.dma_semaphore, #tpu.memory_space<semaphore_mem>>) src(%dma_wait3A_159 : memref<10000x128xf32, #tpu.memory_space<hbm>>) dst(%dma_wait3A_153 : memref<80x128xf32, #tpu.memory_space<vmem>>)
      %dma_start3A_162 = arith.constant 2 : i32
      %dma_start3A_163 = arith.constant 2 : i32
      %dma_start3A_164 = arith.constant 2 : i32
      %dma_start3A_165 = arith.constant 0 : i32
      %dma_start3A_166 = arith.constant 0 : i32
      %dma_start3A_167 = tpu.memref_slice %arg10[%dma_start3A_162, %dma_start3A_165, %dma_start3A_166] : memref<3x80x128xf32, #tpu.memory_space<vmem>> -> memref<1x80x128xf32, #tpu.memory_space<vmem>>
      %dma_start3A_168 = tpu.memref_squeeze %dma_start3A_167 : memref<1x80x128xf32, #tpu.memory_space<vmem>> -> memref<80x128xf32, #tpu.memory_space<vmem>>
      %dma_start3A_169 = arith.constant 0 : i32
      %dma_start3A_170 = tpu.memref_slice %arg9[%dma_start3A_163, %dma_start3A_169] : memref<125x80xi32, #tpu.memory_space<vmem>> -> memref<1x80xi32, #tpu.memory_space<vmem>>
      %dma_start3A_171 = tpu.memref_squeeze %dma_start3A_170 : memref<1x80xi32, #tpu.memory_space<vmem>> -> memref<80xi32, #tpu.memory_space<vmem>>
      %dma_start3A_172 = arith.constant 0 : i32
      %dma_start3A_173 = arith.constant 0 : i32
      %dma_start3A_174 = tpu.memref_slice %arg11[%dma_start3A_172, %dma_start3A_173] : memref<10000x128xf32, #tpu.memory_space<vmem_shared>> -> memref<10000x128xf32, #tpu.memory_space<vmem_shared>>
      %dma_start3A_175 = tpu.memref_slice %arg12[%dma_start3A_164] : memref<3x!tpu.dma_semaphore, #tpu.memory_space<semaphore_mem>> -> memref<1x!tpu.dma_semaphore, #tpu.memory_space<semaphore_mem>>
      %dma_start3A_176 = tpu.memref_squeeze %dma_start3A_175 : memref<1x!tpu.dma_semaphore, #tpu.memory_space<semaphore_mem>> -> memref<!tpu.dma_semaphore, #tpu.memory_space<semaphore_mem>>
      tpu.enqueue_indirect_dma source(%dma_start3A_168 : memref<80x128xf32, #tpu.memory_space<vmem>>) target(%dma_start3A_174 : memref<10000x128xf32, #tpu.memory_space<vmem_shared>>) offsets(%dma_start3A_171 : memref<80xi32, #tpu.memory_space<vmem>>) semaphore(%dma_start3A_176 : memref<!tpu.dma_semaphore, #tpu.memory_space<semaphore_mem>>) {add = true}
      %scan3A = arith.constant 0 : i32
      %scan3A_177 = arith.constant 1 : i32
      %scan3A_178 = arith.constant 39 : i32
      %scan3A_179 = arith.addi %scan3A_177, %scan3A_178 : i32
      %scan3A_180 = arith.constant 1 : i32
      scf.for %scan3A_502 = %scan3A_177 to %scan3A_179 step %scan3A_180  : i32 {
        %mul3A_503 = arith.constant 3 : i32
        %mul3A_504 = arith.muli %scan3A_502, %mul3A_503 : i32
        %add3A = arith.constant 0 : i32
        %add3A_505 = arith.addi %mul3A_504, %add3A : i32
        %add3A_506 = arith.constant 1 : i32
        %add3A_507 = arith.addi %add3A_505, %add3A_506 : i32
        %sub3A = arith.constant 3 : i32
        %sub3A_508 = arith.subi %add3A_507, %sub3A : i32
        %dma_wait3A_509 = arith.constant 1 : i32
        %dma_wait3A_510 = arith.constant 1 : i32
        %dma_wait3A_511 = arith.constant 0 : i32
        %dma_wait3A_512 = arith.constant 0 : i32
        %dma_wait3A_513 = tpu.memref_slice %arg10[%dma_wait3A_509, %dma_wait3A_511, %dma_wait3A_512] : memref<3x80x128xf32, #tpu.memory_space<vmem>> -> memref<1x80x128xf32, #tpu.memory_space<vmem>>
        %dma_wait3A_514 = tpu.memref_squeeze %dma_wait3A_513 : memref<1x80x128xf32, #tpu.memory_space<vmem>> -> memref<80x128xf32, #tpu.memory_space<vmem>>
        %dma_wait3A_515 = arith.constant 0 : i32
        %dma_wait3A_516 = tpu.memref_slice %arg9[%sub3A_508, %dma_wait3A_515] : memref<125x80xi32, #tpu.memory_space<vmem>> -> memref<1x80xi32, #tpu.memory_space<vmem>>
        %dma_wait3A_517 = tpu.memref_squeeze %dma_wait3A_516 : memref<1x80xi32, #tpu.memory_space<vmem>> -> memref<80xi32, #tpu.memory_space<vmem>>
        %dma_wait3A_518 = arith.constant 0 : i32
        %dma_wait3A_519 = arith.constant 0 : i32
        %dma_wait3A_520 = tpu.memref_slice %arg11[%dma_wait3A_518, %dma_wait3A_519] : memref<10000x128xf32, #tpu.memory_space<vmem_shared>> -> memref<10000x128xf32, #tpu.memory_space<vmem_shared>>
        %dma_wait3A_521 = tpu.memref_slice %arg12[%dma_wait3A_510] : memref<3x!tpu.dma_semaphore, #tpu.memory_space<semaphore_mem>> -> memref<1x!tpu.dma_semaphore, #tpu.memory_space<semaphore_mem>>
        %dma_wait3A_522 = tpu.memref_squeeze %dma_wait3A_521 : memref<1x!tpu.dma_semaphore, #tpu.memory_space<semaphore_mem>> -> memref<!tpu.dma_semaphore, #tpu.memory_space<semaphore_mem>>
        tpu.wait_indirect_dma semaphore(%dma_wait3A_522 : memref<!tpu.dma_semaphore, #tpu.memory_space<semaphore_mem>>) src(%dma_wait3A_514 : memref<80x128xf32, #tpu.memory_space<vmem>>) dst(%dma_wait3A_520 : memref<10000x128xf32, #tpu.memory_space<vmem_shared>>)
        %add3A_523 = arith.constant 1 : i32
        %add3A_524 = arith.addi %add3A_505, %add3A_523 : i32
        %dma_start3A_525 = arith.constant 1 : i32
        %dma_start3A_526 = arith.constant 1 : i32
        %dma_start3A_527 = arith.constant 0 : i32
        %dma_start3A_528 = arith.constant 0 : i32
        %dma_start3A_529 = tpu.memref_slice %arg10[%dma_start3A_525, %dma_start3A_527, %dma_start3A_528] : memref<3x80x128xf32, #tpu.memory_space<vmem>> -> memref<1x80x128xf32, #tpu.memory_space<vmem>>
        %dma_start3A_530 = tpu.memref_squeeze %dma_start3A_529 : memref<1x80x128xf32, #tpu.memory_space<vmem>> -> memref<80x128xf32, #tpu.memory_space<vmem>>
        %dma_start3A_531 = arith.constant 0 : i32
        %dma_start3A_532 = tpu.memref_slice %arg8[%add3A_524, %dma_start3A_531] : memref<125x80xi32, #tpu.memory_space<vmem>> -> memref<1x80xi32, #tpu.memory_space<vmem>>
        %dma_start3A_533 = tpu.memref_squeeze %dma_start3A_532 : memref<1x80xi32, #tpu.memory_space<vmem>> -> memref<80xi32, #tpu.memory_space<vmem>>
        %dma_start3A_534 = arith.constant 0 : i32
        %dma_start3A_535 = arith.constant 0 : i32
        %dma_start3A_536 = tpu.memref_slice %arg3[%dma_start3A_534, %dma_start3A_535] : memref<10000x128xf32, #tpu.memory_space<hbm>> -> memref<10000x128xf32, #tpu.memory_space<hbm>>
        %dma_start3A_537 = tpu.memref_slice %arg12[%dma_start3A_526] : memref<3x!tpu.dma_semaphore, #tpu.memory_space<semaphore_mem>> -> memref<1x!tpu.dma_semaphore, #tpu.memory_space<semaphore_mem>>
        %dma_start3A_538 = tpu.memref_squeeze %dma_start3A_537 : memref<1x!tpu.dma_semaphore, #tpu.memory_space<semaphore_mem>> -> memref<!tpu.dma_semaphore, #tpu.memory_space<semaphore_mem>>
        tpu.enqueue_indirect_dma source(%dma_start3A_536 : memref<10000x128xf32, #tpu.memory_space<hbm>>) target(%dma_start3A_530 : memref<80x128xf32, #tpu.memory_space<vmem>>) offsets(%dma_start3A_533 : memref<80xi32, #tpu.memory_space<vmem>>) semaphore(%dma_start3A_538 : memref<!tpu.dma_semaphore, #tpu.memory_space<semaphore_mem>>)
        %dma_wait3A_539 = arith.constant 0 : i32
        %dma_wait3A_540 = arith.constant 0 : i32
        %dma_wait3A_541 = arith.constant 0 : i32
        %dma_wait3A_542 = arith.constant 0 : i32
        %dma_wait3A_543 = tpu.memref_slice %arg10[%dma_wait3A_539, %dma_wait3A_541, %dma_wait3A_542] : memref<3x80x128xf32, #tpu.memory_space<vmem>> -> memref<1x80x128xf32, #tpu.memory_space<vmem>>
        %dma_wait3A_544 = tpu.memref_squeeze %dma_wait3A_543 : memref<1x80x128xf32, #tpu.memory_space<vmem>> -> memref<80x128xf32, #tpu.memory_space<vmem>>
        %dma_wait3A_545 = arith.constant 0 : i32
        %dma_wait3A_546 = tpu.memref_slice %arg8[%add3A_505, %dma_wait3A_545] : memref<125x80xi32, #tpu.memory_space<vmem>> -> memref<1x80xi32, #tpu.memory_space<vmem>>
        %dma_wait3A_547 = tpu.memref_squeeze %dma_wait3A_546 : memref<1x80xi32, #tpu.memory_space<vmem>> -> memref<80xi32, #tpu.memory_space<vmem>>
        %dma_wait3A_548 = arith.constant 0 : i32
        %dma_wait3A_549 = arith.constant 0 : i32
        %dma_wait3A_550 = tpu.memref_slice %arg3[%dma_wait3A_548, %dma_wait3A_549] : memref<10000x128xf32, #tpu.memory_space<hbm>> -> memref<10000x128xf32, #tpu.memory_space<hbm>>
        %dma_wait3A_551 = tpu.memref_slice %arg12[%dma_wait3A_540] : memref<3x!tpu.dma_semaphore, #tpu.memory_space<semaphore_mem>> -> memref<1x!tpu.dma_semaphore, #tpu.memory_space<semaphore_mem>>
        %dma_wait3A_552 = tpu.memref_squeeze %dma_wait3A_551 : memref<1x!tpu.dma_semaphore, #tpu.memory_space<semaphore_mem>> -> memref<!tpu.dma_semaphore, #tpu.memory_space<semaphore_mem>>
        tpu.wait_indirect_dma semaphore(%dma_wait3A_552 : memref<!tpu.dma_semaphore, #tpu.memory_space<semaphore_mem>>) src(%dma_wait3A_550 : memref<10000x128xf32, #tpu.memory_space<hbm>>) dst(%dma_wait3A_544 : memref<80x128xf32, #tpu.memory_space<vmem>>)
        %dma_start3A_553 = arith.constant 0 : i32
        %dma_start3A_554 = arith.constant 0 : i32
        %dma_start3A_555 = arith.constant 0 : i32
        %dma_start3A_556 = arith.constant 0 : i32
        %dma_start3A_557 = tpu.memref_slice %arg10[%dma_start3A_553, %dma_start3A_555, %dma_start3A_556] : memref<3x80x128xf32, #tpu.memory_space<vmem>> -> memref<1x80x128xf32, #tpu.memory_space<vmem>>
        %dma_start3A_558 = tpu.memref_squeeze %dma_start3A_557 : memref<1x80x128xf32, #tpu.memory_space<vmem>> -> memref<80x128xf32, #tpu.memory_space<vmem>>
        %dma_start3A_559 = arith.constant 0 : i32
        %dma_start3A_560 = tpu.memref_slice %arg9[%add3A_505, %dma_start3A_559] : memref<125x80xi32, #tpu.memory_space<vmem>> -> memref<1x80xi32, #tpu.memory_space<vmem>>
        %dma_start3A_561 = tpu.memref_squeeze %dma_start3A_560 : memref<1x80xi32, #tpu.memory_space<vmem>> -> memref<80xi32, #tpu.memory_space<vmem>>
        %dma_start3A_562 = arith.constant 0 : i32
        %dma_start3A_563 = arith.constant 0 : i32
        %dma_start3A_564 = tpu.memref_slice %arg11[%dma_start3A_562, %dma_start3A_563] : memref<10000x128xf32, #tpu.memory_space<vmem_shared>> -> memref<10000x128xf32, #tpu.memory_space<vmem_shared>>
        %dma_start3A_565 = tpu.memref_slice %arg12[%dma_start3A_554] : memref<3x!tpu.dma_semaphore, #tpu.memory_space<semaphore_mem>> -> memref<1x!tpu.dma_semaphore, #tpu.memory_space<semaphore_mem>>
        %dma_start3A_566 = tpu.memref_squeeze %dma_start3A_565 : memref<1x!tpu.dma_semaphore, #tpu.memory_space<semaphore_mem>> -> memref<!tpu.dma_semaphore, #tpu.memory_space<semaphore_mem>>
        tpu.enqueue_indirect_dma source(%dma_start3A_558 : memref<80x128xf32, #tpu.memory_space<vmem>>) target(%dma_start3A_564 : memref<10000x128xf32, #tpu.memory_space<vmem_shared>>) offsets(%dma_start3A_561 : memref<80xi32, #tpu.memory_space<vmem>>) semaphore(%dma_start3A_566 : memref<!tpu.dma_semaphore, #tpu.memory_space<semaphore_mem>>) {add = true}
        %add3A_567 = arith.constant 1 : i32
        %add3A_568 = arith.addi %mul3A_504, %add3A_567 : i32
        %add3A_569 = arith.constant 1 : i32
        %add3A_570 = arith.addi %add3A_568, %add3A_569 : i32
        %sub3A_571 = arith.constant 3 : i32
        %sub3A_572 = arith.subi %add3A_570, %sub3A_571 : i32
        %dma_wait3A_573 = arith.constant 2 : i32
        %dma_wait3A_574 = arith.constant 2 : i32
        %dma_wait3A_575 = arith.constant 0 : i32
        %dma_wait3A_576 = arith.constant 0 : i32
        %dma_wait3A_577 = tpu.memref_slice %arg10[%dma_wait3A_573, %dma_wait3A_575, %dma_wait3A_576] : memref<3x80x128xf32, #tpu.memory_space<vmem>> -> memref<1x80x128xf32, #tpu.memory_space<vmem>>
        %dma_wait3A_578 = tpu.memref_squeeze %dma_wait3A_577 : memref<1x80x128xf32, #tpu.memory_space<vmem>> -> memref<80x128xf32, #tpu.memory_space<vmem>>
        %dma_wait3A_579 = arith.constant 0 : i32
        %dma_wait3A_580 = tpu.memref_slice %arg9[%sub3A_572, %dma_wait3A_579] : memref<125x80xi32, #tpu.memory_space<vmem>> -> memref<1x80xi32, #tpu.memory_space<vmem>>
        %dma_wait3A_581 = tpu.memref_squeeze %dma_wait3A_580 : memref<1x80xi32, #tpu.memory_space<vmem>> -> memref<80xi32, #tpu.memory_space<vmem>>
        %dma_wait3A_582 = arith.constant 0 : i32
        %dma_wait3A_583 = arith.constant 0 : i32
        %dma_wait3A_584 = tpu.memref_slice %arg11[%dma_wait3A_582, %dma_wait3A_583] : memref<10000x128xf32, #tpu.memory_space<vmem_shared>> -> memref<10000x128xf32, #tpu.memory_space<vmem_shared>>
        %dma_wait3A_585 = tpu.memref_slice %arg12[%dma_wait3A_574] : memref<3x!tpu.dma_semaphore, #tpu.memory_space<semaphore_mem>> -> memref<1x!tpu.dma_semaphore, #tpu.memory_space<semaphore_mem>>
        %dma_wait3A_586 = tpu.memref_squeeze %dma_wait3A_585 : memref<1x!tpu.dma_semaphore, #tpu.memory_space<semaphore_mem>> -> memref<!tpu.dma_semaphore, #tpu.memory_space<semaphore_mem>>
        tpu.wait_indirect_dma semaphore(%dma_wait3A_586 : memref<!tpu.dma_semaphore, #tpu.memory_space<semaphore_mem>>) src(%dma_wait3A_578 : memref<80x128xf32, #tpu.memory_space<vmem>>) dst(%dma_wait3A_584 : memref<10000x128xf32, #tpu.memory_space<vmem_shared>>)
        %add3A_587 = arith.constant 1 : i32
        %add3A_588 = arith.addi %add3A_568, %add3A_587 : i32
        %dma_start3A_589 = arith.constant 2 : i32
        %dma_start3A_590 = arith.constant 2 : i32
        %dma_start3A_591 = arith.constant 0 : i32
        %dma_start3A_592 = arith.constant 0 : i32
        %dma_start3A_593 = tpu.memref_slice %arg10[%dma_start3A_589, %dma_start3A_591, %dma_start3A_592] : memref<3x80x128xf32, #tpu.memory_space<vmem>> -> memref<1x80x128xf32, #tpu.memory_space<vmem>>
        %dma_start3A_594 = tpu.memref_squeeze %dma_start3A_593 : memref<1x80x128xf32, #tpu.memory_space<vmem>> -> memref<80x128xf32, #tpu.memory_space<vmem>>
        %dma_start3A_595 = arith.constant 0 : i32
        %dma_start3A_596 = tpu.memref_slice %arg8[%add3A_588, %dma_start3A_595] : memref<125x80xi32, #tpu.memory_space<vmem>> -> memref<1x80xi32, #tpu.memory_space<vmem>>
        %dma_start3A_597 = tpu.memref_squeeze %dma_start3A_596 : memref<1x80xi32, #tpu.memory_space<vmem>> -> memref<80xi32, #tpu.memory_space<vmem>>
        %dma_start3A_598 = arith.constant 0 : i32
        %dma_start3A_599 = arith.constant 0 : i32
        %dma_start3A_600 = tpu.memref_slice %arg3[%dma_start3A_598, %dma_start3A_599] : memref<10000x128xf32, #tpu.memory_space<hbm>> -> memref<10000x128xf32, #tpu.memory_space<hbm>>
        %dma_start3A_601 = tpu.memref_slice %arg12[%dma_start3A_590] : memref<3x!tpu.dma_semaphore, #tpu.memory_space<semaphore_mem>> -> memref<1x!tpu.dma_semaphore, #tpu.memory_space<semaphore_mem>>
        %dma_start3A_602 = tpu.memref_squeeze %dma_start3A_601 : memref<1x!tpu.dma_semaphore, #tpu.memory_space<semaphore_mem>> -> memref<!tpu.dma_semaphore, #tpu.memory_space<semaphore_mem>>
        tpu.enqueue_indirect_dma source(%dma_start3A_600 : memref<10000x128xf32, #tpu.memory_space<hbm>>) target(%dma_start3A_594 : memref<80x128xf32, #tpu.memory_space<vmem>>) offsets(%dma_start3A_597 : memref<80xi32, #tpu.memory_space<vmem>>) semaphore(%dma_start3A_602 : memref<!tpu.dma_semaphore, #tpu.memory_space<semaphore_mem>>)
        %dma_wait3A_603 = arith.constant 1 : i32
        %dma_wait3A_604 = arith.constant 1 : i32
        %dma_wait3A_605 = arith.constant 0 : i32
        %dma_wait3A_606 = arith.constant 0 : i32
        %dma_wait3A_607 = tpu.memref_slice %arg10[%dma_wait3A_603, %dma_wait3A_605, %dma_wait3A_606] : memref<3x80x128xf32, #tpu.memory_space<vmem>> -> memref<1x80x128xf32, #tpu.memory_space<vmem>>
        %dma_wait3A_608 = tpu.memref_squeeze %dma_wait3A_607 : memref<1x80x128xf32, #tpu.memory_space<vmem>> -> memref<80x128xf32, #tpu.memory_space<vmem>>
        %dma_wait3A_609 = arith.constant 0 : i32
        %dma_wait3A_610 = tpu.memref_slice %arg8[%add3A_568, %dma_wait3A_609] : memref<125x80xi32, #tpu.memory_space<vmem>> -> memref<1x80xi32, #tpu.memory_space<vmem>>
        %dma_wait3A_611 = tpu.memref_squeeze %dma_wait3A_610 : memref<1x80xi32, #tpu.memory_space<vmem>> -> memref<80xi32, #tpu.memory_space<vmem>>
        %dma_wait3A_612 = arith.constant 0 : i32
        %dma_wait3A_613 = arith.constant 0 : i32
        %dma_wait3A_614 = tpu.memref_slice %arg3[%dma_wait3A_612, %dma_wait3A_613] : memref<10000x128xf32, #tpu.memory_space<hbm>> -> memref<10000x128xf32, #tpu.memory_space<hbm>>
        %dma_wait3A_615 = tpu.memref_slice %arg12[%dma_wait3A_604] : memref<3x!tpu.dma_semaphore, #tpu.memory_space<semaphore_mem>> -> memref<1x!tpu.dma_semaphore, #tpu.memory_space<semaphore_mem>>
        %dma_wait3A_616 = tpu.memref_squeeze %dma_wait3A_615 : memref<1x!tpu.dma_semaphore, #tpu.memory_space<semaphore_mem>> -> memref<!tpu.dma_semaphore, #tpu.memory_space<semaphore_mem>>
        tpu.wait_indirect_dma semaphore(%dma_wait3A_616 : memref<!tpu.dma_semaphore, #tpu.memory_space<semaphore_mem>>) src(%dma_wait3A_614 : memref<10000x128xf32, #tpu.memory_space<hbm>>) dst(%dma_wait3A_608 : memref<80x128xf32, #tpu.memory_space<vmem>>)
        %dma_start3A_617 = arith.constant 1 : i32
        %dma_start3A_618 = arith.constant 1 : i32
        %dma_start3A_619 = arith.constant 0 : i32
        %dma_start3A_620 = arith.constant 0 : i32
        %dma_start3A_621 = tpu.memref_slice %arg10[%dma_start3A_617, %dma_start3A_619, %dma_start3A_620] : memref<3x80x128xf32, #tpu.memory_space<vmem>> -> memref<1x80x128xf32, #tpu.memory_space<vmem>>
        %dma_start3A_622 = tpu.memref_squeeze %dma_start3A_621 : memref<1x80x128xf32, #tpu.memory_space<vmem>> -> memref<80x128xf32, #tpu.memory_space<vmem>>
        %dma_start3A_623 = arith.constant 0 : i32
        %dma_start3A_624 = tpu.memref_slice %arg9[%add3A_568, %dma_start3A_623] : memref<125x80xi32, #tpu.memory_space<vmem>> -> memref<1x80xi32, #tpu.memory_space<vmem>>
        %dma_start3A_625 = tpu.memref_squeeze %dma_start3A_624 : memref<1x80xi32, #tpu.memory_space<vmem>> -> memref<80xi32, #tpu.memory_space<vmem>>
        %dma_start3A_626 = arith.constant 0 : i32
        %dma_start3A_627 = arith.constant 0 : i32
        %dma_start3A_628 = tpu.memref_slice %arg11[%dma_start3A_626, %dma_start3A_627] : memref<10000x128xf32, #tpu.memory_space<vmem_shared>> -> memref<10000x128xf32, #tpu.memory_space<vmem_shared>>
        %dma_start3A_629 = tpu.memref_slice %arg12[%dma_start3A_618] : memref<3x!tpu.dma_semaphore, #tpu.memory_space<semaphore_mem>> -> memref<1x!tpu.dma_semaphore, #tpu.memory_space<semaphore_mem>>
        %dma_start3A_630 = tpu.memref_squeeze %dma_start3A_629 : memref<1x!tpu.dma_semaphore, #tpu.memory_space<semaphore_mem>> -> memref<!tpu.dma_semaphore, #tpu.memory_space<semaphore_mem>>
        tpu.enqueue_indirect_dma source(%dma_start3A_622 : memref<80x128xf32, #tpu.memory_space<vmem>>) target(%dma_start3A_628 : memref<10000x128xf32, #tpu.memory_space<vmem_shared>>) offsets(%dma_start3A_625 : memref<80xi32, #tpu.memory_space<vmem>>) semaphore(%dma_start3A_630 : memref<!tpu.dma_semaphore, #tpu.memory_space<semaphore_mem>>) {add = true}
        %add3A_631 = arith.constant 2 : i32
        %add3A_632 = arith.addi %mul3A_504, %add3A_631 : i32
        %add3A_633 = arith.constant 1 : i32
        %add3A_634 = arith.addi %add3A_632, %add3A_633 : i32
        %sub3A_635 = arith.constant 3 : i32
        %sub3A_636 = arith.subi %add3A_634, %sub3A_635 : i32
        %dma_wait3A_637 = arith.constant 0 : i32
        %dma_wait3A_638 = arith.constant 0 : i32
        %dma_wait3A_639 = arith.constant 0 : i32
        %dma_wait3A_640 = arith.constant 0 : i32
        %dma_wait3A_641 = tpu.memref_slice %arg10[%dma_wait3A_637, %dma_wait3A_639, %dma_wait3A_640] : memref<3x80x128xf32, #tpu.memory_space<vmem>> -> memref<1x80x128xf32, #tpu.memory_space<vmem>>
        %dma_wait3A_642 = tpu.memref_squeeze %dma_wait3A_641 : memref<1x80x128xf32, #tpu.memory_space<vmem>> -> memref<80x128xf32, #tpu.memory_space<vmem>>
        %dma_wait3A_643 = arith.constant 0 : i32
        %dma_wait3A_644 = tpu.memref_slice %arg9[%sub3A_636, %dma_wait3A_643] : memref<125x80xi32, #tpu.memory_space<vmem>> -> memref<1x80xi32, #tpu.memory_space<vmem>>
        %dma_wait3A_645 = tpu.memref_squeeze %dma_wait3A_644 : memref<1x80xi32, #tpu.memory_space<vmem>> -> memref<80xi32, #tpu.memory_space<vmem>>
        %dma_wait3A_646 = arith.constant 0 : i32
        %dma_wait3A_647 = arith.constant 0 : i32
        %dma_wait3A_648 = tpu.memref_slice %arg11[%dma_wait3A_646, %dma_wait3A_647] : memref<10000x128xf32, #tpu.memory_space<vmem_shared>> -> memref<10000x128xf32, #tpu.memory_space<vmem_shared>>
        %dma_wait3A_649 = tpu.memref_slice %arg12[%dma_wait3A_638] : memref<3x!tpu.dma_semaphore, #tpu.memory_space<semaphore_mem>> -> memref<1x!tpu.dma_semaphore, #tpu.memory_space<semaphore_mem>>
        %dma_wait3A_650 = tpu.memref_squeeze %dma_wait3A_649 : memref<1x!tpu.dma_semaphore, #tpu.memory_space<semaphore_mem>> -> memref<!tpu.dma_semaphore, #tpu.memory_space<semaphore_mem>>
        tpu.wait_indirect_dma semaphore(%dma_wait3A_650 : memref<!tpu.dma_semaphore, #tpu.memory_space<semaphore_mem>>) src(%dma_wait3A_642 : memref<80x128xf32, #tpu.memory_space<vmem>>) dst(%dma_wait3A_648 : memref<10000x128xf32, #tpu.memory_space<vmem_shared>>)
        %add3A_651 = arith.constant 1 : i32
        %add3A_652 = arith.addi %add3A_632, %add3A_651 : i32
        %dma_start3A_653 = arith.constant 0 : i32
        %dma_start3A_654 = arith.constant 0 : i32
        %dma_start3A_655 = arith.constant 0 : i32
        %dma_start3A_656 = arith.constant 0 : i32
        %dma_start3A_657 = tpu.memref_slice %arg10[%dma_start3A_653, %dma_start3A_655, %dma_start3A_656] : memref<3x80x128xf32, #tpu.memory_space<vmem>> -> memref<1x80x128xf32, #tpu.memory_space<vmem>>
        %dma_start3A_658 = tpu.memref_squeeze %dma_start3A_657 : memref<1x80x128xf32, #tpu.memory_space<vmem>> -> memref<80x128xf32, #tpu.memory_space<vmem>>
        %dma_start3A_659 = arith.constant 0 : i32
        %dma_start3A_660 = tpu.memref_slice %arg8[%add3A_652, %dma_start3A_659] : memref<125x80xi32, #tpu.memory_space<vmem>> -> memref<1x80xi32, #tpu.memory_space<vmem>>
        %dma_start3A_661 = tpu.memref_squeeze %dma_start3A_660 : memref<1x80xi32, #tpu.memory_space<vmem>> -> memref<80xi32, #tpu.memory_space<vmem>>
        %dma_start3A_662 = arith.constant 0 : i32
        %dma_start3A_663 = arith.constant 0 : i32
        %dma_start3A_664 = tpu.memref_slice %arg3[%dma_start3A_662, %dma_start3A_663] : memref<10000x128xf32, #tpu.memory_space<hbm>> -> memref<10000x128xf32, #tpu.memory_space<hbm>>
        %dma_start3A_665 = tpu.memref_slice %arg12[%dma_start3A_654] : memref<3x!tpu.dma_semaphore, #tpu.memory_space<semaphore_mem>> -> memref<1x!tpu.dma_semaphore, #tpu.memory_space<semaphore_mem>>
        %dma_start3A_666 = tpu.memref_squeeze %dma_start3A_665 : memref<1x!tpu.dma_semaphore, #tpu.memory_space<semaphore_mem>> -> memref<!tpu.dma_semaphore, #tpu.memory_space<semaphore_mem>>
        tpu.enqueue_indirect_dma source(%dma_start3A_664 : memref<10000x128xf32, #tpu.memory_space<hbm>>) target(%dma_start3A_658 : memref<80x128xf32, #tpu.memory_space<vmem>>) offsets(%dma_start3A_661 : memref<80xi32, #tpu.memory_space<vmem>>) semaphore(%dma_start3A_666 : memref<!tpu.dma_semaphore, #tpu.memory_space<semaphore_mem>>)
        %dma_wait3A_667 = arith.constant 2 : i32
        %dma_wait3A_668 = arith.constant 2 : i32
        %dma_wait3A_669 = arith.constant 0 : i32
        %dma_wait3A_670 = arith.constant 0 : i32
        %dma_wait3A_671 = tpu.memref_slice %arg10[%dma_wait3A_667, %dma_wait3A_669, %dma_wait3A_670] : memref<3x80x128xf32, #tpu.memory_space<vmem>> -> memref<1x80x128xf32, #tpu.memory_space<vmem>>
        %dma_wait3A_672 = tpu.memref_squeeze %dma_wait3A_671 : memref<1x80x128xf32, #tpu.memory_space<vmem>> -> memref<80x128xf32, #tpu.memory_space<vmem>>
        %dma_wait3A_673 = arith.constant 0 : i32
        %dma_wait3A_674 = tpu.memref_slice %arg8[%add3A_632, %dma_wait3A_673] : memref<125x80xi32, #tpu.memory_space<vmem>> -> memref<1x80xi32, #tpu.memory_space<vmem>>
        %dma_wait3A_675 = tpu.memref_squeeze %dma_wait3A_674 : memref<1x80xi32, #tpu.memory_space<vmem>> -> memref<80xi32, #tpu.memory_space<vmem>>
        %dma_wait3A_676 = arith.constant 0 : i32
        %dma_wait3A_677 = arith.constant 0 : i32
        %dma_wait3A_678 = tpu.memref_slice %arg3[%dma_wait3A_676, %dma_wait3A_677] : memref<10000x128xf32, #tpu.memory_space<hbm>> -> memref<10000x128xf32, #tpu.memory_space<hbm>>
        %dma_wait3A_679 = tpu.memref_slice %arg12[%dma_wait3A_668] : memref<3x!tpu.dma_semaphore, #tpu.memory_space<semaphore_mem>> -> memref<1x!tpu.dma_semaphore, #tpu.memory_space<semaphore_mem>>
        %dma_wait3A_680 = tpu.memref_squeeze %dma_wait3A_679 : memref<1x!tpu.dma_semaphore, #tpu.memory_space<semaphore_mem>> -> memref<!tpu.dma_semaphore, #tpu.memory_space<semaphore_mem>>
        tpu.wait_indirect_dma semaphore(%dma_wait3A_680 : memref<!tpu.dma_semaphore, #tpu.memory_space<semaphore_mem>>) src(%dma_wait3A_678 : memref<10000x128xf32, #tpu.memory_space<hbm>>) dst(%dma_wait3A_672 : memref<80x128xf32, #tpu.memory_space<vmem>>)
        %dma_start3A_681 = arith.constant 2 : i32
        %dma_start3A_682 = arith.constant 2 : i32
        %dma_start3A_683 = arith.constant 0 : i32
        %dma_start3A_684 = arith.constant 0 : i32
        %dma_start3A_685 = tpu.memref_slice %arg10[%dma_start3A_681, %dma_start3A_683, %dma_start3A_684] : memref<3x80x128xf32, #tpu.memory_space<vmem>> -> memref<1x80x128xf32, #tpu.memory_space<vmem>>
        %dma_start3A_686 = tpu.memref_squeeze %dma_start3A_685 : memref<1x80x128xf32, #tpu.memory_space<vmem>> -> memref<80x128xf32, #tpu.memory_space<vmem>>
        %dma_start3A_687 = arith.constant 0 : i32
        %dma_start3A_688 = tpu.memref_slice %arg9[%add3A_632, %dma_start3A_687] : memref<125x80xi32, #tpu.memory_space<vmem>> -> memref<1x80xi32, #tpu.memory_space<vmem>>
        %dma_start3A_689 = tpu.memref_squeeze %dma_start3A_688 : memref<1x80xi32, #tpu.memory_space<vmem>> -> memref<80xi32, #tpu.memory_space<vmem>>
        %dma_start3A_690 = arith.constant 0 : i32
        %dma_start3A_691 = arith.constant 0 : i32
        %dma_start3A_692 = tpu.memref_slice %arg11[%dma_start3A_690, %dma_start3A_691] : memref<10000x128xf32, #tpu.memory_space<vmem_shared>> -> memref<10000x128xf32, #tpu.memory_space<vmem_shared>>
        %dma_start3A_693 = tpu.memref_slice %arg12[%dma_start3A_682] : memref<3x!tpu.dma_semaphore, #tpu.memory_space<semaphore_mem>> -> memref<1x!tpu.dma_semaphore, #tpu.memory_space<semaphore_mem>>
        %dma_start3A_694 = tpu.memref_squeeze %dma_start3A_693 : memref<1x!tpu.dma_semaphore, #tpu.memory_space<semaphore_mem>> -> memref<!tpu.dma_semaphore, #tpu.memory_space<semaphore_mem>>
        tpu.enqueue_indirect_dma source(%dma_start3A_686 : memref<80x128xf32, #tpu.memory_space<vmem>>) target(%dma_start3A_692 : memref<10000x128xf32, #tpu.memory_space<vmem_shared>>) offsets(%dma_start3A_689 : memref<80xi32, #tpu.memory_space<vmem>>) semaphore(%dma_start3A_694 : memref<!tpu.dma_semaphore, #tpu.memory_space<semaphore_mem>>) {add = true}
      }
      %scan3A_181 = arith.constant 39 : i32
      %dma_wait3A_182 = arith.constant 1 : i32
      %dma_wait3A_183 = arith.constant 118 : i32
      %dma_wait3A_184 = arith.constant 1 : i32
      %dma_wait3A_185 = arith.constant 0 : i32
      %dma_wait3A_186 = arith.constant 0 : i32
      %dma_wait3A_187 = tpu.memref_slice %arg10[%dma_wait3A_182, %dma_wait3A_185, %dma_wait3A_186] : memref<3x80x128xf32, #tpu.memory_space<vmem>> -> memref<1x80x128xf32, #tpu.memory_space<vmem>>
      %dma_wait3A_188 = tpu.memref_squeeze %dma_wait3A_187 : memref<1x80x128xf32, #tpu.memory_space<vmem>> -> memref<80x128xf32, #tpu.memory_space<vmem>>
      %dma_wait3A_189 = arith.constant 0 : i32
      %dma_wait3A_190 = tpu.memref_slice %arg9[%dma_wait3A_183, %dma_wait3A_189] : memref<125x80xi32, #tpu.memory_space<vmem>> -> memref<1x80xi32, #tpu.memory_space<vmem>>
      %dma_wait3A_191 = tpu.memref_squeeze %dma_wait3A_190 : memref<1x80xi32, #tpu.memory_space<vmem>> -> memref<80xi32, #tpu.memory_space<vmem>>
      %dma_wait3A_192 = arith.constant 0 : i32
      %dma_wait3A_193 = arith.constant 0 : i32
      %dma_wait3A_194 = tpu.memref_slice %arg11[%dma_wait3A_192, %dma_wait3A_193] : memref<10000x128xf32, #tpu.memory_space<vmem_shared>> -> memref<10000x128xf32, #tpu.memory_space<vmem_shared>>
      %dma_wait3A_195 = tpu.memref_slice %arg12[%dma_wait3A_184] : memref<3x!tpu.dma_semaphore, #tpu.memory_space<semaphore_mem>> -> memref<1x!tpu.dma_semaphore, #tpu.memory_space<semaphore_mem>>
      %dma_wait3A_196 = tpu.memref_squeeze %dma_wait3A_195 : memref<1x!tpu.dma_semaphore, #tpu.memory_space<semaphore_mem>> -> memref<!tpu.dma_semaphore, #tpu.memory_space<semaphore_mem>>
      tpu.wait_indirect_dma semaphore(%dma_wait3A_196 : memref<!tpu.dma_semaphore, #tpu.memory_space<semaphore_mem>>) src(%dma_wait3A_188 : memref<80x128xf32, #tpu.memory_space<vmem>>) dst(%dma_wait3A_194 : memref<10000x128xf32, #tpu.memory_space<vmem_shared>>)
      %dma_start3A_197 = arith.constant 121 : i32
      %dma_start3A_198 = arith.constant 1 : i32
      %dma_start3A_199 = arith.constant 1 : i32
      %dma_start3A_200 = arith.constant 0 : i32
      %dma_start3A_201 = arith.constant 0 : i32
      %dma_start3A_202 = tpu.memref_slice %arg10[%dma_start3A_198, %dma_start3A_200, %dma_start3A_201] : memref<3x80x128xf32, #tpu.memory_space<vmem>> -> memref<1x80x128xf32, #tpu.memory_space<vmem>>
      %dma_start3A_203 = tpu.memref_squeeze %dma_start3A_202 : memref<1x80x128xf32, #tpu.memory_space<vmem>> -> memref<80x128xf32, #tpu.memory_space<vmem>>
      %dma_start3A_204 = arith.constant 0 : i32
      %dma_start3A_205 = tpu.memref_slice %arg8[%dma_start3A_197, %dma_start3A_204] : memref<125x80xi32, #tpu.memory_space<vmem>> -> memref<1x80xi32, #tpu.memory_space<vmem>>
      %dma_start3A_206 = tpu.memref_squeeze %dma_start3A_205 : memref<1x80xi32, #tpu.memory_space<vmem>> -> memref<80xi32, #tpu.memory_space<vmem>>
      %dma_start3A_207 = arith.constant 0 : i32
      %dma_start3A_208 = arith.constant 0 : i32
      %dma_start3A_209 = tpu.memref_slice %arg3[%dma_start3A_207, %dma_start3A_208] : memref<10000x128xf32, #tpu.memory_space<hbm>> -> memref<10000x128xf32, #tpu.memory_space<hbm>>
      %dma_start3A_210 = tpu.memref_slice %arg12[%dma_start3A_199] : memref<3x!tpu.dma_semaphore, #tpu.memory_space<semaphore_mem>> -> memref<1x!tpu.dma_semaphore, #tpu.memory_space<semaphore_mem>>
      %dma_start3A_211 = tpu.memref_squeeze %dma_start3A_210 : memref<1x!tpu.dma_semaphore, #tpu.memory_space<semaphore_mem>> -> memref<!tpu.dma_semaphore, #tpu.memory_space<semaphore_mem>>
      tpu.enqueue_indirect_dma source(%dma_start3A_209 : memref<10000x128xf32, #tpu.memory_space<hbm>>) target(%dma_start3A_203 : memref<80x128xf32, #tpu.memory_space<vmem>>) offsets(%dma_start3A_206 : memref<80xi32, #tpu.memory_space<vmem>>) semaphore(%dma_start3A_211 : memref<!tpu.dma_semaphore, #tpu.memory_space<semaphore_mem>>)
      %dma_wait3A_212 = arith.constant 120 : i32
      %dma_wait3A_213 = arith.constant 0 : i32
      %dma_wait3A_214 = arith.constant 0 : i32
      %dma_wait3A_215 = arith.constant 0 : i32
      %dma_wait3A_216 = arith.constant 0 : i32
      %dma_wait3A_217 = tpu.memref_slice %arg10[%dma_wait3A_213, %dma_wait3A_215, %dma_wait3A_216] : memref<3x80x128xf32, #tpu.memory_space<vmem>> -> memref<1x80x128xf32, #tpu.memory_space<vmem>>
      %dma_wait3A_218 = tpu.memref_squeeze %dma_wait3A_217 : memref<1x80x128xf32, #tpu.memory_space<vmem>> -> memref<80x128xf32, #tpu.memory_space<vmem>>
      %dma_wait3A_219 = arith.constant 0 : i32
      %dma_wait3A_220 = tpu.memref_slice %arg8[%dma_wait3A_212, %dma_wait3A_219] : memref<125x80xi32, #tpu.memory_space<vmem>> -> memref<1x80xi32, #tpu.memory_space<vmem>>
      %dma_wait3A_221 = tpu.memref_squeeze %dma_wait3A_220 : memref<1x80xi32, #tpu.memory_space<vmem>> -> memref<80xi32, #tpu.memory_space<vmem>>
      %dma_wait3A_222 = arith.constant 0 : i32
      %dma_wait3A_223 = arith.constant 0 : i32
      %dma_wait3A_224 = tpu.memref_slice %arg3[%dma_wait3A_222, %dma_wait3A_223] : memref<10000x128xf32, #tpu.memory_space<hbm>> -> memref<10000x128xf32, #tpu.memory_space<hbm>>
      %dma_wait3A_225 = tpu.memref_slice %arg12[%dma_wait3A_214] : memref<3x!tpu.dma_semaphore, #tpu.memory_space<semaphore_mem>> -> memref<1x!tpu.dma_semaphore, #tpu.memory_space<semaphore_mem>>
      %dma_wait3A_226 = tpu.memref_squeeze %dma_wait3A_225 : memref<1x!tpu.dma_semaphore, #tpu.memory_space<semaphore_mem>> -> memref<!tpu.dma_semaphore, #tpu.memory_space<semaphore_mem>>
      tpu.wait_indirect_dma semaphore(%dma_wait3A_226 : memref<!tpu.dma_semaphore, #tpu.memory_space<semaphore_mem>>) src(%dma_wait3A_224 : memref<10000x128xf32, #tpu.memory_space<hbm>>) dst(%dma_wait3A_218 : memref<80x128xf32, #tpu.memory_space<vmem>>)
      %dma_start3A_227 = arith.constant 0 : i32
      %dma_start3A_228 = arith.constant 120 : i32
      %dma_start3A_229 = arith.constant 0 : i32
      %dma_start3A_230 = arith.constant 0 : i32
      %dma_start3A_231 = arith.constant 0 : i32
      %dma_start3A_232 = tpu.memref_slice %arg10[%dma_start3A_227, %dma_start3A_230, %dma_start3A_231] : memref<3x80x128xf32, #tpu.memory_space<vmem>> -> memref<1x80x128xf32, #tpu.memory_space<vmem>>
      %dma_start3A_233 = tpu.memref_squeeze %dma_start3A_232 : memref<1x80x128xf32, #tpu.memory_space<vmem>> -> memref<80x128xf32, #tpu.memory_space<vmem>>
      %dma_start3A_234 = arith.constant 0 : i32
      %dma_start3A_235 = tpu.memref_slice %arg9[%dma_start3A_228, %dma_start3A_234] : memref<125x80xi32, #tpu.memory_space<vmem>> -> memref<1x80xi32, #tpu.memory_space<vmem>>
      %dma_start3A_236 = tpu.memref_squeeze %dma_start3A_235 : memref<1x80xi32, #tpu.memory_space<vmem>> -> memref<80xi32, #tpu.memory_space<vmem>>
      %dma_start3A_237 = arith.constant 0 : i32
      %dma_start3A_238 = arith.constant 0 : i32
      %dma_start3A_239 = tpu.memref_slice %arg11[%dma_start3A_237, %dma_start3A_238] : memref<10000x128xf32, #tpu.memory_space<vmem_shared>> -> memref<10000x128xf32, #tpu.memory_space<vmem_shared>>
      %dma_start3A_240 = tpu.memref_slice %arg12[%dma_start3A_229] : memref<3x!tpu.dma_semaphore, #tpu.memory_space<semaphore_mem>> -> memref<1x!tpu.dma_semaphore, #tpu.memory_space<semaphore_mem>>
      %dma_start3A_241 = tpu.memref_squeeze %dma_start3A_240 : memref<1x!tpu.dma_semaphore, #tpu.memory_space<semaphore_mem>> -> memref<!tpu.dma_semaphore, #tpu.memory_space<semaphore_mem>>
      tpu.enqueue_indirect_dma source(%dma_start3A_233 : memref<80x128xf32, #tpu.memory_space<vmem>>) target(%dma_start3A_239 : memref<10000x128xf32, #tpu.memory_space<vmem_shared>>) offsets(%dma_start3A_236 : memref<80xi32, #tpu.memory_space<vmem>>) semaphore(%dma_start3A_241 : memref<!tpu.dma_semaphore, #tpu.memory_space<semaphore_mem>>) {add = true}
      %dma_wait3A_242 = arith.constant 2 : i32
      %dma_wait3A_243 = arith.constant 119 : i32
      %dma_wait3A_244 = arith.constant 2 : i32
      %dma_wait3A_245 = arith.constant 0 : i32
      %dma_wait3A_246 = arith.constant 0 : i32
      %dma_wait3A_247 = tpu.memref_slice %arg10[%dma_wait3A_242, %dma_wait3A_245, %dma_wait3A_246] : memref<3x80x128xf32, #tpu.memory_space<vmem>> -> memref<1x80x128xf32, #tpu.memory_space<vmem>>
      %dma_wait3A_248 = tpu.memref_squeeze %dma_wait3A_247 : memref<1x80x128xf32, #tpu.memory_space<vmem>> -> memref<80x128xf32, #tpu.memory_space<vmem>>
      %dma_wait3A_249 = arith.constant 0 : i32
      %dma_wait3A_250 = tpu.memref_slice %arg9[%dma_wait3A_243, %dma_wait3A_249] : memref<125x80xi32, #tpu.memory_space<vmem>> -> memref<1x80xi32, #tpu.memory_space<vmem>>
      %dma_wait3A_251 = tpu.memref_squeeze %dma_wait3A_250 : memref<1x80xi32, #tpu.memory_space<vmem>> -> memref<80xi32, #tpu.memory_space<vmem>>
      %dma_wait3A_252 = arith.constant 0 : i32
      %dma_wait3A_253 = arith.constant 0 : i32
      %dma_wait3A_254 = tpu.memref_slice %arg11[%dma_wait3A_252, %dma_wait3A_253] : memref<10000x128xf32, #tpu.memory_space<vmem_shared>> -> memref<10000x128xf32, #tpu.memory_space<vmem_shared>>
      %dma_wait3A_255 = tpu.memref_slice %arg12[%dma_wait3A_244] : memref<3x!tpu.dma_semaphore, #tpu.memory_space<semaphore_mem>> -> memref<1x!tpu.dma_semaphore, #tpu.memory_space<semaphore_mem>>
      %dma_wait3A_256 = tpu.memref_squeeze %dma_wait3A_255 : memref<1x!tpu.dma_semaphore, #tpu.memory_space<semaphore_mem>> -> memref<!tpu.dma_semaphore, #tpu.memory_space<semaphore_mem>>
      tpu.wait_indirect_dma semaphore(%dma_wait3A_256 : memref<!tpu.dma_semaphore, #tpu.memory_space<semaphore_mem>>) src(%dma_wait3A_248 : memref<80x128xf32, #tpu.memory_space<vmem>>) dst(%dma_wait3A_254 : memref<10000x128xf32, #tpu.memory_space<vmem_shared>>)
      %dma_start3A_257 = arith.constant 122 : i32
      %dma_start3A_258 = arith.constant 2 : i32
      %dma_start3A_259 = arith.constant 2 : i32
      %dma_start3A_260 = arith.constant 0 : i32
      %dma_start3A_261 = arith.constant 0 : i32
      %dma_start3A_262 = tpu.memref_slice %arg10[%dma_start3A_258, %dma_start3A_260, %dma_start3A_261] : memref<3x80x128xf32, #tpu.memory_space<vmem>> -> memref<1x80x128xf32, #tpu.memory_space<vmem>>
      %dma_start3A_263 = tpu.memref_squeeze %dma_start3A_262 : memref<1x80x128xf32, #tpu.memory_space<vmem>> -> memref<80x128xf32, #tpu.memory_space<vmem>>
      %dma_start3A_264 = arith.constant 0 : i32
      %dma_start3A_265 = tpu.memref_slice %arg8[%dma_start3A_257, %dma_start3A_264] : memref<125x80xi32, #tpu.memory_space<vmem>> -> memref<1x80xi32, #tpu.memory_space<vmem>>
      %dma_start3A_266 = tpu.memref_squeeze %dma_start3A_265 : memref<1x80xi32, #tpu.memory_space<vmem>> -> memref<80xi32, #tpu.memory_space<vmem>>
      %dma_start3A_267 = arith.constant 0 : i32
      %dma_start3A_268 = arith.constant 0 : i32
      %dma_start3A_269 = tpu.memref_slice %arg3[%dma_start3A_267, %dma_start3A_268] : memref<10000x128xf32, #tpu.memory_space<hbm>> -> memref<10000x128xf32, #tpu.memory_space<hbm>>
      %dma_start3A_270 = tpu.memref_slice %arg12[%dma_start3A_259] : memref<3x!tpu.dma_semaphore, #tpu.memory_space<semaphore_mem>> -> memref<1x!tpu.dma_semaphore, #tpu.memory_space<semaphore_mem>>
      %dma_start3A_271 = tpu.memref_squeeze %dma_start3A_270 : memref<1x!tpu.dma_semaphore, #tpu.memory_space<semaphore_mem>> -> memref<!tpu.dma_semaphore, #tpu.memory_space<semaphore_mem>>
      tpu.enqueue_indirect_dma source(%dma_start3A_269 : memref<10000x128xf32, #tpu.memory_space<hbm>>) target(%dma_start3A_263 : memref<80x128xf32, #tpu.memory_space<vmem>>) offsets(%dma_start3A_266 : memref<80xi32, #tpu.memory_space<vmem>>) semaphore(%dma_start3A_271 : memref<!tpu.dma_semaphore, #tpu.memory_space<semaphore_mem>>)
      %dma_wait3A_272 = arith.constant 121 : i32
      %dma_wait3A_273 = arith.constant 1 : i32
      %dma_wait3A_274 = arith.constant 1 : i32
      %dma_wait3A_275 = arith.constant 0 : i32
      %dma_wait3A_276 = arith.constant 0 : i32
      %dma_wait3A_277 = tpu.memref_slice %arg10[%dma_wait3A_273, %dma_wait3A_275, %dma_wait3A_276] : memref<3x80x128xf32, #tpu.memory_space<vmem>> -> memref<1x80x128xf32, #tpu.memory_space<vmem>>
      %dma_wait3A_278 = tpu.memref_squeeze %dma_wait3A_277 : memref<1x80x128xf32, #tpu.memory_space<vmem>> -> memref<80x128xf32, #tpu.memory_space<vmem>>
      %dma_wait3A_279 = arith.constant 0 : i32
      %dma_wait3A_280 = tpu.memref_slice %arg8[%dma_wait3A_272, %dma_wait3A_279] : memref<125x80xi32, #tpu.memory_space<vmem>> -> memref<1x80xi32, #tpu.memory_space<vmem>>
      %dma_wait3A_281 = tpu.memref_squeeze %dma_wait3A_280 : memref<1x80xi32, #tpu.memory_space<vmem>> -> memref<80xi32, #tpu.memory_space<vmem>>
      %dma_wait3A_282 = arith.constant 0 : i32
      %dma_wait3A_283 = arith.constant 0 : i32
      %dma_wait3A_284 = tpu.memref_slice %arg3[%dma_wait3A_282, %dma_wait3A_283] : memref<10000x128xf32, #tpu.memory_space<hbm>> -> memref<10000x128xf32, #tpu.memory_space<hbm>>
      %dma_wait3A_285 = tpu.memref_slice %arg12[%dma_wait3A_274] : memref<3x!tpu.dma_semaphore, #tpu.memory_space<semaphore_mem>> -> memref<1x!tpu.dma_semaphore, #tpu.memory_space<semaphore_mem>>
      %dma_wait3A_286 = tpu.memref_squeeze %dma_wait3A_285 : memref<1x!tpu.dma_semaphore, #tpu.memory_space<semaphore_mem>> -> memref<!tpu.dma_semaphore, #tpu.memory_space<semaphore_mem>>
      tpu.wait_indirect_dma semaphore(%dma_wait3A_286 : memref<!tpu.dma_semaphore, #tpu.memory_space<semaphore_mem>>) src(%dma_wait3A_284 : memref<10000x128xf32, #tpu.memory_space<hbm>>) dst(%dma_wait3A_278 : memref<80x128xf32, #tpu.memory_space<vmem>>)
      %dma_start3A_287 = arith.constant 1 : i32
      %dma_start3A_288 = arith.constant 121 : i32
      %dma_start3A_289 = arith.constant 1 : i32
      %dma_start3A_290 = arith.constant 0 : i32
      %dma_start3A_291 = arith.constant 0 : i32
      %dma_start3A_292 = tpu.memref_slice %arg10[%dma_start3A_287, %dma_start3A_290, %dma_start3A_291] : memref<3x80x128xf32, #tpu.memory_space<vmem>> -> memref<1x80x128xf32, #tpu.memory_space<vmem>>
      %dma_start3A_293 = tpu.memref_squeeze %dma_start3A_292 : memref<1x80x128xf32, #tpu.memory_space<vmem>> -> memref<80x128xf32, #tpu.memory_space<vmem>>
      %dma_start3A_294 = arith.constant 0 : i32
      %dma_start3A_295 = tpu.memref_slice %arg9[%dma_start3A_288, %dma_start3A_294] : memref<125x80xi32, #tpu.memory_space<vmem>> -> memref<1x80xi32, #tpu.memory_space<vmem>>
      %dma_start3A_296 = tpu.memref_squeeze %dma_start3A_295 : memref<1x80xi32, #tpu.memory_space<vmem>> -> memref<80xi32, #tpu.memory_space<vmem>>
      %dma_start3A_297 = arith.constant 0 : i32
      %dma_start3A_298 = arith.constant 0 : i32
      %dma_start3A_299 = tpu.memref_slice %arg11[%dma_start3A_297, %dma_start3A_298] : memref<10000x128xf32, #tpu.memory_space<vmem_shared>> -> memref<10000x128xf32, #tpu.memory_space<vmem_shared>>
      %dma_start3A_300 = tpu.memref_slice %arg12[%dma_start3A_289] : memref<3x!tpu.dma_semaphore, #tpu.memory_space<semaphore_mem>> -> memref<1x!tpu.dma_semaphore, #tpu.memory_space<semaphore_mem>>
      %dma_start3A_301 = tpu.memref_squeeze %dma_start3A_300 : memref<1x!tpu.dma_semaphore, #tpu.memory_space<semaphore_mem>> -> memref<!tpu.dma_semaphore, #tpu.memory_space<semaphore_mem>>
      tpu.enqueue_indirect_dma source(%dma_start3A_293 : memref<80x128xf32, #tpu.memory_space<vmem>>) target(%dma_start3A_299 : memref<10000x128xf32, #tpu.memory_space<vmem_shared>>) offsets(%dma_start3A_296 : memref<80xi32, #tpu.memory_space<vmem>>) semaphore(%dma_start3A_301 : memref<!tpu.dma_semaphore, #tpu.memory_space<semaphore_mem>>) {add = true}
      %dma_wait3A_302 = arith.constant 0 : i32
      %dma_wait3A_303 = arith.constant 120 : i32
      %dma_wait3A_304 = arith.constant 0 : i32
      %dma_wait3A_305 = arith.constant 0 : i32
      %dma_wait3A_306 = arith.constant 0 : i32
      %dma_wait3A_307 = tpu.memref_slice %arg10[%dma_wait3A_302, %dma_wait3A_305, %dma_wait3A_306] : memref<3x80x128xf32, #tpu.memory_space<vmem>> -> memref<1x80x128xf32, #tpu.memory_space<vmem>>
      %dma_wait3A_308 = tpu.memref_squeeze %dma_wait3A_307 : memref<1x80x128xf32, #tpu.memory_space<vmem>> -> memref<80x128xf32, #tpu.memory_space<vmem>>
      %dma_wait3A_309 = arith.constant 0 : i32
      %dma_wait3A_310 = tpu.memref_slice %arg9[%dma_wait3A_303, %dma_wait3A_309] : memref<125x80xi32, #tpu.memory_space<vmem>> -> memref<1x80xi32, #tpu.memory_space<vmem>>
      %dma_wait3A_311 = tpu.memref_squeeze %dma_wait3A_310 : memref<1x80xi32, #tpu.memory_space<vmem>> -> memref<80xi32, #tpu.memory_space<vmem>>
      %dma_wait3A_312 = arith.constant 0 : i32
      %dma_wait3A_313 = arith.constant 0 : i32
      %dma_wait3A_314 = tpu.memref_slice %arg11[%dma_wait3A_312, %dma_wait3A_313] : memref<10000x128xf32, #tpu.memory_space<vmem_shared>> -> memref<10000x128xf32, #tpu.memory_space<vmem_shared>>
      %dma_wait3A_315 = tpu.memref_slice %arg12[%dma_wait3A_304] : memref<3x!tpu.dma_semaphore, #tpu.memory_space<semaphore_mem>> -> memref<1x!tpu.dma_semaphore, #tpu.memory_space<semaphore_mem>>
      %dma_wait3A_316 = tpu.memref_squeeze %dma_wait3A_315 : memref<1x!tpu.dma_semaphore, #tpu.memory_space<semaphore_mem>> -> memref<!tpu.dma_semaphore, #tpu.memory_space<semaphore_mem>>
      tpu.wait_indirect_dma semaphore(%dma_wait3A_316 : memref<!tpu.dma_semaphore, #tpu.memory_space<semaphore_mem>>) src(%dma_wait3A_308 : memref<80x128xf32, #tpu.memory_space<vmem>>) dst(%dma_wait3A_314 : memref<10000x128xf32, #tpu.memory_space<vmem_shared>>)
      %dma_start3A_317 = arith.constant 123 : i32
      %dma_start3A_318 = arith.constant 0 : i32
      %dma_start3A_319 = arith.constant 0 : i32
      %dma_start3A_320 = arith.constant 0 : i32
      %dma_start3A_321 = arith.constant 0 : i32
      %dma_start3A_322 = tpu.memref_slice %arg10[%dma_start3A_318, %dma_start3A_320, %dma_start3A_321] : memref<3x80x128xf32, #tpu.memory_space<vmem>> -> memref<1x80x128xf32, #tpu.memory_space<vmem>>
      %dma_start3A_323 = tpu.memref_squeeze %dma_start3A_322 : memref<1x80x128xf32, #tpu.memory_space<vmem>> -> memref<80x128xf32, #tpu.memory_space<vmem>>
      %dma_start3A_324 = arith.constant 0 : i32
      %dma_start3A_325 = tpu.memref_slice %arg8[%dma_start3A_317, %dma_start3A_324] : memref<125x80xi32, #tpu.memory_space<vmem>> -> memref<1x80xi32, #tpu.memory_space<vmem>>
      %dma_start3A_326 = tpu.memref_squeeze %dma_start3A_325 : memref<1x80xi32, #tpu.memory_space<vmem>> -> memref<80xi32, #tpu.memory_space<vmem>>
      %dma_start3A_327 = arith.constant 0 : i32
      %dma_start3A_328 = arith.constant 0 : i32
      %dma_start3A_329 = tpu.memref_slice %arg3[%dma_start3A_327, %dma_start3A_328] : memref<10000x128xf32, #tpu.memory_space<hbm>> -> memref<10000x128xf32, #tpu.memory_space<hbm>>
      %dma_start3A_330 = tpu.memref_slice %arg12[%dma_start3A_319] : memref<3x!tpu.dma_semaphore, #tpu.memory_space<semaphore_mem>> -> memref<1x!tpu.dma_semaphore, #tpu.memory_space<semaphore_mem>>
      %dma_start3A_331 = tpu.memref_squeeze %dma_start3A_330 : memref<1x!tpu.dma_semaphore, #tpu.memory_space<semaphore_mem>> -> memref<!tpu.dma_semaphore, #tpu.memory_space<semaphore_mem>>
      tpu.enqueue_indirect_dma source(%dma_start3A_329 : memref<10000x128xf32, #tpu.memory_space<hbm>>) target(%dma_start3A_323 : memref<80x128xf32, #tpu.memory_space<vmem>>) offsets(%dma_start3A_326 : memref<80xi32, #tpu.memory_space<vmem>>) semaphore(%dma_start3A_331 : memref<!tpu.dma_semaphore, #tpu.memory_space<semaphore_mem>>)
      %dma_wait3A_332 = arith.constant 122 : i32
      %dma_wait3A_333 = arith.constant 2 : i32
      %dma_wait3A_334 = arith.constant 2 : i32
      %dma_wait3A_335 = arith.constant 0 : i32
      %dma_wait3A_336 = arith.constant 0 : i32
      %dma_wait3A_337 = tpu.memref_slice %arg10[%dma_wait3A_333, %dma_wait3A_335, %dma_wait3A_336] : memref<3x80x128xf32, #tpu.memory_space<vmem>> -> memref<1x80x128xf32, #tpu.memory_space<vmem>>
      %dma_wait3A_338 = tpu.memref_squeeze %dma_wait3A_337 : memref<1x80x128xf32, #tpu.memory_space<vmem>> -> memref<80x128xf32, #tpu.memory_space<vmem>>
      %dma_wait3A_339 = arith.constant 0 : i32
      %dma_wait3A_340 = tpu.memref_slice %arg8[%dma_wait3A_332, %dma_wait3A_339] : memref<125x80xi32, #tpu.memory_space<vmem>> -> memref<1x80xi32, #tpu.memory_space<vmem>>
      %dma_wait3A_341 = tpu.memref_squeeze %dma_wait3A_340 : memref<1x80xi32, #tpu.memory_space<vmem>> -> memref<80xi32, #tpu.memory_space<vmem>>
      %dma_wait3A_342 = arith.constant 0 : i32
      %dma_wait3A_343 = arith.constant 0 : i32
      %dma_wait3A_344 = tpu.memref_slice %arg3[%dma_wait3A_342, %dma_wait3A_343] : memref<10000x128xf32, #tpu.memory_space<hbm>> -> memref<10000x128xf32, #tpu.memory_space<hbm>>
      %dma_wait3A_345 = tpu.memref_slice %arg12[%dma_wait3A_334] : memref<3x!tpu.dma_semaphore, #tpu.memory_space<semaphore_mem>> -> memref<1x!tpu.dma_semaphore, #tpu.memory_space<semaphore_mem>>
      %dma_wait3A_346 = tpu.memref_squeeze %dma_wait3A_345 : memref<1x!tpu.dma_semaphore, #tpu.memory_space<semaphore_mem>> -> memref<!tpu.dma_semaphore, #tpu.memory_space<semaphore_mem>>
      tpu.wait_indirect_dma semaphore(%dma_wait3A_346 : memref<!tpu.dma_semaphore, #tpu.memory_space<semaphore_mem>>) src(%dma_wait3A_344 : memref<10000x128xf32, #tpu.memory_space<hbm>>) dst(%dma_wait3A_338 : memref<80x128xf32, #tpu.memory_space<vmem>>)
      %dma_start3A_347 = arith.constant 2 : i32
      %dma_start3A_348 = arith.constant 122 : i32
      %dma_start3A_349 = arith.constant 2 : i32
      %dma_start3A_350 = arith.constant 0 : i32
      %dma_start3A_351 = arith.constant 0 : i32
      %dma_start3A_352 = tpu.memref_slice %arg10[%dma_start3A_347, %dma_start3A_350, %dma_start3A_351] : memref<3x80x128xf32, #tpu.memory_space<vmem>> -> memref<1x80x128xf32, #tpu.memory_space<vmem>>
      %dma_start3A_353 = tpu.memref_squeeze %dma_start3A_352 : memref<1x80x128xf32, #tpu.memory_space<vmem>> -> memref<80x128xf32, #tpu.memory_space<vmem>>
      %dma_start3A_354 = arith.constant 0 : i32
      %dma_start3A_355 = tpu.memref_slice %arg9[%dma_start3A_348, %dma_start3A_354] : memref<125x80xi32, #tpu.memory_space<vmem>> -> memref<1x80xi32, #tpu.memory_space<vmem>>
      %dma_start3A_356 = tpu.memref_squeeze %dma_start3A_355 : memref<1x80xi32, #tpu.memory_space<vmem>> -> memref<80xi32, #tpu.memory_space<vmem>>
      %dma_start3A_357 = arith.constant 0 : i32
      %dma_start3A_358 = arith.constant 0 : i32
      %dma_start3A_359 = tpu.memref_slice %arg11[%dma_start3A_357, %dma_start3A_358] : memref<10000x128xf32, #tpu.memory_space<vmem_shared>> -> memref<10000x128xf32, #tpu.memory_space<vmem_shared>>
      %dma_start3A_360 = tpu.memref_slice %arg12[%dma_start3A_349] : memref<3x!tpu.dma_semaphore, #tpu.memory_space<semaphore_mem>> -> memref<1x!tpu.dma_semaphore, #tpu.memory_space<semaphore_mem>>
      %dma_start3A_361 = tpu.memref_squeeze %dma_start3A_360 : memref<1x!tpu.dma_semaphore, #tpu.memory_space<semaphore_mem>> -> memref<!tpu.dma_semaphore, #tpu.memory_space<semaphore_mem>>
      tpu.enqueue_indirect_dma source(%dma_start3A_353 : memref<80x128xf32, #tpu.memory_space<vmem>>) target(%dma_start3A_359 : memref<10000x128xf32, #tpu.memory_space<vmem_shared>>) offsets(%dma_start3A_356 : memref<80xi32, #tpu.memory_space<vmem>>) semaphore(%dma_start3A_361 : memref<!tpu.dma_semaphore, #tpu.memory_space<semaphore_mem>>) {add = true}
      %dma_wait3A_362 = arith.constant 1 : i32
      %dma_wait3A_363 = arith.constant 121 : i32
      %dma_wait3A_364 = arith.constant 1 : i32
      %dma_wait3A_365 = arith.constant 0 : i32
      %dma_wait3A_366 = arith.constant 0 : i32
      %dma_wait3A_367 = tpu.memref_slice %arg10[%dma_wait3A_362, %dma_wait3A_365, %dma_wait3A_366] : memref<3x80x128xf32, #tpu.memory_space<vmem>> -> memref<1x80x128xf32, #tpu.memory_space<vmem>>
      %dma_wait3A_368 = tpu.memref_squeeze %dma_wait3A_367 : memref<1x80x128xf32, #tpu.memory_space<vmem>> -> memref<80x128xf32, #tpu.memory_space<vmem>>
      %dma_wait3A_369 = arith.constant 0 : i32
      %dma_wait3A_370 = tpu.memref_slice %arg9[%dma_wait3A_363, %dma_wait3A_369] : memref<125x80xi32, #tpu.memory_space<vmem>> -> memref<1x80xi32, #tpu.memory_space<vmem>>
      %dma_wait3A_371 = tpu.memref_squeeze %dma_wait3A_370 : memref<1x80xi32, #tpu.memory_space<vmem>> -> memref<80xi32, #tpu.memory_space<vmem>>
      %dma_wait3A_372 = arith.constant 0 : i32
      %dma_wait3A_373 = arith.constant 0 : i32
      %dma_wait3A_374 = tpu.memref_slice %arg11[%dma_wait3A_372, %dma_wait3A_373] : memref<10000x128xf32, #tpu.memory_space<vmem_shared>> -> memref<10000x128xf32, #tpu.memory_space<vmem_shared>>
      %dma_wait3A_375 = tpu.memref_slice %arg12[%dma_wait3A_364] : memref<3x!tpu.dma_semaphore, #tpu.memory_space<semaphore_mem>> -> memref<1x!tpu.dma_semaphore, #tpu.memory_space<semaphore_mem>>
      %dma_wait3A_376 = tpu.memref_squeeze %dma_wait3A_375 : memref<1x!tpu.dma_semaphore, #tpu.memory_space<semaphore_mem>> -> memref<!tpu.dma_semaphore, #tpu.memory_space<semaphore_mem>>
      tpu.wait_indirect_dma semaphore(%dma_wait3A_376 : memref<!tpu.dma_semaphore, #tpu.memory_space<semaphore_mem>>) src(%dma_wait3A_368 : memref<80x128xf32, #tpu.memory_space<vmem>>) dst(%dma_wait3A_374 : memref<10000x128xf32, #tpu.memory_space<vmem_shared>>)
      %dma_start3A_377 = arith.constant 124 : i32
      %dma_start3A_378 = arith.constant 1 : i32
      %dma_start3A_379 = arith.constant 1 : i32
      %dma_start3A_380 = arith.constant 0 : i32
      %dma_start3A_381 = arith.constant 0 : i32
      %dma_start3A_382 = tpu.memref_slice %arg10[%dma_start3A_378, %dma_start3A_380, %dma_start3A_381] : memref<3x80x128xf32, #tpu.memory_space<vmem>> -> memref<1x80x128xf32, #tpu.memory_space<vmem>>
      %dma_start3A_383 = tpu.memref_squeeze %dma_start3A_382 : memref<1x80x128xf32, #tpu.memory_space<vmem>> -> memref<80x128xf32, #tpu.memory_space<vmem>>
      %dma_start3A_384 = arith.constant 0 : i32
      %dma_start3A_385 = tpu.memref_slice %arg8[%dma_start3A_377, %dma_start3A_384] : memref<125x80xi32, #tpu.memory_space<vmem>> -> memref<1x80xi32, #tpu.memory_space<vmem>>
      %dma_start3A_386 = tpu.memref_squeeze %dma_start3A_385 : memref<1x80xi32, #tpu.memory_space<vmem>> -> memref<80xi32, #tpu.memory_space<vmem>>
      %dma_start3A_387 = arith.constant 0 : i32
      %dma_start3A_388 = arith.constant 0 : i32
      %dma_start3A_389 = tpu.memref_slice %arg3[%dma_start3A_387, %dma_start3A_388] : memref<10000x128xf32, #tpu.memory_space<hbm>> -> memref<10000x128xf32, #tpu.memory_space<hbm>>
      %dma_start3A_390 = tpu.memref_slice %arg12[%dma_start3A_379] : memref<3x!tpu.dma_semaphore, #tpu.memory_space<semaphore_mem>> -> memref<1x!tpu.dma_semaphore, #tpu.memory_space<semaphore_mem>>
      %dma_start3A_391 = tpu.memref_squeeze %dma_start3A_390 : memref<1x!tpu.dma_semaphore, #tpu.memory_space<semaphore_mem>> -> memref<!tpu.dma_semaphore, #tpu.memory_space<semaphore_mem>>
      tpu.enqueue_indirect_dma source(%dma_start3A_389 : memref<10000x128xf32, #tpu.memory_space<hbm>>) target(%dma_start3A_383 : memref<80x128xf32, #tpu.memory_space<vmem>>) offsets(%dma_start3A_386 : memref<80xi32, #tpu.memory_space<vmem>>) semaphore(%dma_start3A_391 : memref<!tpu.dma_semaphore, #tpu.memory_space<semaphore_mem>>)
      %dma_wait3A_392 = arith.constant 123 : i32
      %dma_wait3A_393 = arith.constant 0 : i32
      %dma_wait3A_394 = arith.constant 0 : i32
      %dma_wait3A_395 = arith.constant 0 : i32
      %dma_wait3A_396 = arith.constant 0 : i32
      %dma_wait3A_397 = tpu.memref_slice %arg10[%dma_wait3A_393, %dma_wait3A_395, %dma_wait3A_396] : memref<3x80x128xf32, #tpu.memory_space<vmem>> -> memref<1x80x128xf32, #tpu.memory_space<vmem>>
      %dma_wait3A_398 = tpu.memref_squeeze %dma_wait3A_397 : memref<1x80x128xf32, #tpu.memory_space<vmem>> -> memref<80x128xf32, #tpu.memory_space<vmem>>
      %dma_wait3A_399 = arith.constant 0 : i32
      %dma_wait3A_400 = tpu.memref_slice %arg8[%dma_wait3A_392, %dma_wait3A_399] : memref<125x80xi32, #tpu.memory_space<vmem>> -> memref<1x80xi32, #tpu.memory_space<vmem>>
      %dma_wait3A_401 = tpu.memref_squeeze %dma_wait3A_400 : memref<1x80xi32, #tpu.memory_space<vmem>> -> memref<80xi32, #tpu.memory_space<vmem>>
      %dma_wait3A_402 = arith.constant 0 : i32
      %dma_wait3A_403 = arith.constant 0 : i32
      %dma_wait3A_404 = tpu.memref_slice %arg3[%dma_wait3A_402, %dma_wait3A_403] : memref<10000x128xf32, #tpu.memory_space<hbm>> -> memref<10000x128xf32, #tpu.memory_space<hbm>>
      %dma_wait3A_405 = tpu.memref_slice %arg12[%dma_wait3A_394] : memref<3x!tpu.dma_semaphore, #tpu.memory_space<semaphore_mem>> -> memref<1x!tpu.dma_semaphore, #tpu.memory_space<semaphore_mem>>
      %dma_wait3A_406 = tpu.memref_squeeze %dma_wait3A_405 : memref<1x!tpu.dma_semaphore, #tpu.memory_space<semaphore_mem>> -> memref<!tpu.dma_semaphore, #tpu.memory_space<semaphore_mem>>
      tpu.wait_indirect_dma semaphore(%dma_wait3A_406 : memref<!tpu.dma_semaphore, #tpu.memory_space<semaphore_mem>>) src(%dma_wait3A_404 : memref<10000x128xf32, #tpu.memory_space<hbm>>) dst(%dma_wait3A_398 : memref<80x128xf32, #tpu.memory_space<vmem>>)
      %dma_start3A_407 = arith.constant 0 : i32
      %dma_start3A_408 = arith.constant 123 : i32
      %dma_start3A_409 = arith.constant 0 : i32
      %dma_start3A_410 = arith.constant 0 : i32
      %dma_start3A_411 = arith.constant 0 : i32
      %dma_start3A_412 = tpu.memref_slice %arg10[%dma_start3A_407, %dma_start3A_410, %dma_start3A_411] : memref<3x80x128xf32, #tpu.memory_space<vmem>> -> memref<1x80x128xf32, #tpu.memory_space<vmem>>
      %dma_start3A_413 = tpu.memref_squeeze %dma_start3A_412 : memref<1x80x128xf32, #tpu.memory_space<vmem>> -> memref<80x128xf32, #tpu.memory_space<vmem>>
      %dma_start3A_414 = arith.constant 0 : i32
      %dma_start3A_415 = tpu.memref_slice %arg9[%dma_start3A_408, %dma_start3A_414] : memref<125x80xi32, #tpu.memory_space<vmem>> -> memref<1x80xi32, #tpu.memory_space<vmem>>
      %dma_start3A_416 = tpu.memref_squeeze %dma_start3A_415 : memref<1x80xi32, #tpu.memory_space<vmem>> -> memref<80xi32, #tpu.memory_space<vmem>>
      %dma_start3A_417 = arith.constant 0 : i32
      %dma_start3A_418 = arith.constant 0 : i32
      %dma_start3A_419 = tpu.memref_slice %arg11[%dma_start3A_417, %dma_start3A_418] : memref<10000x128xf32, #tpu.memory_space<vmem_shared>> -> memref<10000x128xf32, #tpu.memory_space<vmem_shared>>
      %dma_start3A_420 = tpu.memref_slice %arg12[%dma_start3A_409] : memref<3x!tpu.dma_semaphore, #tpu.memory_space<semaphore_mem>> -> memref<1x!tpu.dma_semaphore, #tpu.memory_space<semaphore_mem>>
      %dma_start3A_421 = tpu.memref_squeeze %dma_start3A_420 : memref<1x!tpu.dma_semaphore, #tpu.memory_space<semaphore_mem>> -> memref<!tpu.dma_semaphore, #tpu.memory_space<semaphore_mem>>
      tpu.enqueue_indirect_dma source(%dma_start3A_413 : memref<80x128xf32, #tpu.memory_space<vmem>>) target(%dma_start3A_419 : memref<10000x128xf32, #tpu.memory_space<vmem_shared>>) offsets(%dma_start3A_416 : memref<80xi32, #tpu.memory_space<vmem>>) semaphore(%dma_start3A_421 : memref<!tpu.dma_semaphore, #tpu.memory_space<semaphore_mem>>) {add = true}
      %dma_wait3A_422 = arith.constant 124 : i32
      %dma_wait3A_423 = arith.constant 1 : i32
      %dma_wait3A_424 = arith.constant 1 : i32
      %dma_wait3A_425 = arith.constant 0 : i32
      %dma_wait3A_426 = arith.constant 0 : i32
      %dma_wait3A_427 = tpu.memref_slice %arg10[%dma_wait3A_423, %dma_wait3A_425, %dma_wait3A_426] : memref<3x80x128xf32, #tpu.memory_space<vmem>> -> memref<1x80x128xf32, #tpu.memory_space<vmem>>
      %dma_wait3A_428 = tpu.memref_squeeze %dma_wait3A_427 : memref<1x80x128xf32, #tpu.memory_space<vmem>> -> memref<80x128xf32, #tpu.memory_space<vmem>>
      %dma_wait3A_429 = arith.constant 0 : i32
      %dma_wait3A_430 = tpu.memref_slice %arg8[%dma_wait3A_422, %dma_wait3A_429] : memref<125x80xi32, #tpu.memory_space<vmem>> -> memref<1x80xi32, #tpu.memory_space<vmem>>
      %dma_wait3A_431 = tpu.memref_squeeze %dma_wait3A_430 : memref<1x80xi32, #tpu.memory_space<vmem>> -> memref<80xi32, #tpu.memory_space<vmem>>
      %dma_wait3A_432 = arith.constant 0 : i32
      %dma_wait3A_433 = arith.constant 0 : i32
      %dma_wait3A_434 = tpu.memref_slice %arg3[%dma_wait3A_432, %dma_wait3A_433] : memref<10000x128xf32, #tpu.memory_space<hbm>> -> memref<10000x128xf32, #tpu.memory_space<hbm>>
      %dma_wait3A_435 = tpu.memref_slice %arg12[%dma_wait3A_424] : memref<3x!tpu.dma_semaphore, #tpu.memory_space<semaphore_mem>> -> memref<1x!tpu.dma_semaphore, #tpu.memory_space<semaphore_mem>>
      %dma_wait3A_436 = tpu.memref_squeeze %dma_wait3A_435 : memref<1x!tpu.dma_semaphore, #tpu.memory_space<semaphore_mem>> -> memref<!tpu.dma_semaphore, #tpu.memory_space<semaphore_mem>>
      tpu.wait_indirect_dma semaphore(%dma_wait3A_436 : memref<!tpu.dma_semaphore, #tpu.memory_space<semaphore_mem>>) src(%dma_wait3A_434 : memref<10000x128xf32, #tpu.memory_space<hbm>>) dst(%dma_wait3A_428 : memref<80x128xf32, #tpu.memory_space<vmem>>)
      %dma_start3A_437 = arith.constant 1 : i32
      %dma_start3A_438 = arith.constant 124 : i32
      %dma_start3A_439 = arith.constant 1 : i32
      %dma_start3A_440 = arith.constant 0 : i32
      %dma_start3A_441 = arith.constant 0 : i32
      %dma_start3A_442 = tpu.memref_slice %arg10[%dma_start3A_437, %dma_start3A_440, %dma_start3A_441] : memref<3x80x128xf32, #tpu.memory_space<vmem>> -> memref<1x80x128xf32, #tpu.memory_space<vmem>>
      %dma_start3A_443 = tpu.memref_squeeze %dma_start3A_442 : memref<1x80x128xf32, #tpu.memory_space<vmem>> -> memref<80x128xf32, #tpu.memory_space<vmem>>
      %dma_start3A_444 = arith.constant 0 : i32
      %dma_start3A_445 = tpu.memref_slice %arg9[%dma_start3A_438, %dma_start3A_444] : memref<125x80xi32, #tpu.memory_space<vmem>> -> memref<1x80xi32, #tpu.memory_space<vmem>>
      %dma_start3A_446 = tpu.memref_squeeze %dma_start3A_445 : memref<1x80xi32, #tpu.memory_space<vmem>> -> memref<80xi32, #tpu.memory_space<vmem>>
      %dma_start3A_447 = arith.constant 0 : i32
      %dma_start3A_448 = arith.constant 0 : i32
      %dma_start3A_449 = tpu.memref_slice %arg11[%dma_start3A_447, %dma_start3A_448] : memref<10000x128xf32, #tpu.memory_space<vmem_shared>> -> memref<10000x128xf32, #tpu.memory_space<vmem_shared>>
      %dma_start3A_450 = tpu.memref_slice %arg12[%dma_start3A_439] : memref<3x!tpu.dma_semaphore, #tpu.memory_space<semaphore_mem>> -> memref<1x!tpu.dma_semaphore, #tpu.memory_space<semaphore_mem>>
      %dma_start3A_451 = tpu.memref_squeeze %dma_start3A_450 : memref<1x!tpu.dma_semaphore, #tpu.memory_space<semaphore_mem>> -> memref<!tpu.dma_semaphore, #tpu.memory_space<semaphore_mem>>
      tpu.enqueue_indirect_dma source(%dma_start3A_443 : memref<80x128xf32, #tpu.memory_space<vmem>>) target(%dma_start3A_449 : memref<10000x128xf32, #tpu.memory_space<vmem_shared>>) offsets(%dma_start3A_446 : memref<80xi32, #tpu.memory_space<vmem>>) semaphore(%dma_start3A_451 : memref<!tpu.dma_semaphore, #tpu.memory_space<semaphore_mem>>) {add = true}
      %dma_wait3A_452 = arith.constant 0 : i32
      %dma_wait3A_453 = arith.constant 123 : i32
      %dma_wait3A_454 = arith.constant 0 : i32
      %dma_wait3A_455 = arith.constant 0 : i32
      %dma_wait3A_456 = arith.constant 0 : i32
      %dma_wait3A_457 = tpu.memref_slice %arg10[%dma_wait3A_452, %dma_wait3A_455, %dma_wait3A_456] : memref<3x80x128xf32, #tpu.memory_space<vmem>> -> memref<1x80x128xf32, #tpu.memory_space<vmem>>
      %dma_wait3A_458 = tpu.memref_squeeze %dma_wait3A_457 : memref<1x80x128xf32, #tpu.memory_space<vmem>> -> memref<80x128xf32, #tpu.memory_space<vmem>>
      %dma_wait3A_459 = arith.constant 0 : i32
      %dma_wait3A_460 = tpu.memref_slice %arg9[%dma_wait3A_453, %dma_wait3A_459] : memref<125x80xi32, #tpu.memory_space<vmem>> -> memref<1x80xi32, #tpu.memory_space<vmem>>
      %dma_wait3A_461 = tpu.memref_squeeze %dma_wait3A_460 : memref<1x80xi32, #tpu.memory_space<vmem>> -> memref<80xi32, #tpu.memory_space<vmem>>
      %dma_wait3A_462 = arith.constant 0 : i32
      %dma_wait3A_463 = arith.constant 0 : i32
      %dma_wait3A_464 = tpu.memref_slice %arg11[%dma_wait3A_462, %dma_wait3A_463] : memref<10000x128xf32, #tpu.memory_space<vmem_shared>> -> memref<10000x128xf32, #tpu.memory_space<vmem_shared>>
      %dma_wait3A_465 = tpu.memref_slice %arg12[%dma_wait3A_454] : memref<3x!tpu.dma_semaphore, #tpu.memory_space<semaphore_mem>> -> memref<1x!tpu.dma_semaphore, #tpu.memory_space<semaphore_mem>>
      %dma_wait3A_466 = tpu.memref_squeeze %dma_wait3A_465 : memref<1x!tpu.dma_semaphore, #tpu.memory_space<semaphore_mem>> -> memref<!tpu.dma_semaphore, #tpu.memory_space<semaphore_mem>>
      tpu.wait_indirect_dma semaphore(%dma_wait3A_466 : memref<!tpu.dma_semaphore, #tpu.memory_space<semaphore_mem>>) src(%dma_wait3A_458 : memref<80x128xf32, #tpu.memory_space<vmem>>) dst(%dma_wait3A_464 : memref<10000x128xf32, #tpu.memory_space<vmem_shared>>)
      %dma_wait3A_467 = arith.constant 1 : i32
      %dma_wait3A_468 = arith.constant 124 : i32
      %dma_wait3A_469 = arith.constant 1 : i32
      %dma_wait3A_470 = arith.constant 0 : i32
      %dma_wait3A_471 = arith.constant 0 : i32
      %dma_wait3A_472 = tpu.memref_slice %arg10[%dma_wait3A_467, %dma_wait3A_470, %dma_wait3A_471] : memref<3x80x128xf32, #tpu.memory_space<vmem>> -> memref<1x80x128xf32, #tpu.memory_space<vmem>>
      %dma_wait3A_473 = tpu.memref_squeeze %dma_wait3A_472 : memref<1x80x128xf32, #tpu.memory_space<vmem>> -> memref<80x128xf32, #tpu.memory_space<vmem>>
      %dma_wait3A_474 = arith.constant 0 : i32
      %dma_wait3A_475 = tpu.memref_slice %arg9[%dma_wait3A_468, %dma_wait3A_474] : memref<125x80xi32, #tpu.memory_space<vmem>> -> memref<1x80xi32, #tpu.memory_space<vmem>>
      %dma_wait3A_476 = tpu.memref_squeeze %dma_wait3A_475 : memref<1x80xi32, #tpu.memory_space<vmem>> -> memref<80xi32, #tpu.memory_space<vmem>>
      %dma_wait3A_477 = arith.constant 0 : i32
      %dma_wait3A_478 = arith.constant 0 : i32
      %dma_wait3A_479 = tpu.memref_slice %arg11[%dma_wait3A_477, %dma_wait3A_478] : memref<10000x128xf32, #tpu.memory_space<vmem_shared>> -> memref<10000x128xf32, #tpu.memory_space<vmem_shared>>
      %dma_wait3A_480 = tpu.memref_slice %arg12[%dma_wait3A_469] : memref<3x!tpu.dma_semaphore, #tpu.memory_space<semaphore_mem>> -> memref<1x!tpu.dma_semaphore, #tpu.memory_space<semaphore_mem>>
      %dma_wait3A_481 = tpu.memref_squeeze %dma_wait3A_480 : memref<1x!tpu.dma_semaphore, #tpu.memory_space<semaphore_mem>> -> memref<!tpu.dma_semaphore, #tpu.memory_space<semaphore_mem>>
      tpu.wait_indirect_dma semaphore(%dma_wait3A_481 : memref<!tpu.dma_semaphore, #tpu.memory_space<semaphore_mem>>) src(%dma_wait3A_473 : memref<80x128xf32, #tpu.memory_space<vmem>>) dst(%dma_wait3A_479 : memref<10000x128xf32, #tpu.memory_space<vmem_shared>>)
      %dma_wait3A_482 = arith.constant 2 : i32
      %dma_wait3A_483 = arith.constant 122 : i32
      %dma_wait3A_484 = arith.constant 2 : i32
      %dma_wait3A_485 = arith.constant 0 : i32
      %dma_wait3A_486 = arith.constant 0 : i32
      %dma_wait3A_487 = tpu.memref_slice %arg10[%dma_wait3A_482, %dma_wait3A_485, %dma_wait3A_486] : memref<3x80x128xf32, #tpu.memory_space<vmem>> -> memref<1x80x128xf32, #tpu.memory_space<vmem>>
      %dma_wait3A_488 = tpu.memref_squeeze %dma_wait3A_487 : memref<1x80x128xf32, #tpu.memory_space<vmem>> -> memref<80x128xf32, #tpu.memory_space<vmem>>
      %dma_wait3A_489 = arith.constant 0 : i32
      %dma_wait3A_490 = tpu.memref_slice %arg9[%dma_wait3A_483, %dma_wait3A_489] : memref<125x80xi32, #tpu.memory_space<vmem>> -> memref<1x80xi32, #tpu.memory_space<vmem>>
      %dma_wait3A_491 = tpu.memref_squeeze %dma_wait3A_490 : memref<1x80xi32, #tpu.memory_space<vmem>> -> memref<80xi32, #tpu.memory_space<vmem>>
      %dma_wait3A_492 = arith.constant 0 : i32
      %dma_wait3A_493 = arith.constant 0 : i32
      %dma_wait3A_494 = tpu.memref_slice %arg11[%dma_wait3A_492, %dma_wait3A_493] : memref<10000x128xf32, #tpu.memory_space<vmem_shared>> -> memref<10000x128xf32, #tpu.memory_space<vmem_shared>>
      %dma_wait3A_495 = tpu.memref_slice %arg12[%dma_wait3A_484] : memref<3x!tpu.dma_semaphore, #tpu.memory_space<semaphore_mem>> -> memref<1x!tpu.dma_semaphore, #tpu.memory_space<semaphore_mem>>
      %dma_wait3A_496 = tpu.memref_squeeze %dma_wait3A_495 : memref<1x!tpu.dma_semaphore, #tpu.memory_space<semaphore_mem>> -> memref<!tpu.dma_semaphore, #tpu.memory_space<semaphore_mem>>
      tpu.wait_indirect_dma semaphore(%dma_wait3A_496 : memref<!tpu.dma_semaphore, #tpu.memory_space<semaphore_mem>>) src(%dma_wait3A_488 : memref<80x128xf32, #tpu.memory_space<vmem>>) dst(%dma_wait3A_494 : memref<10000x128xf32, #tpu.memory_space<vmem_shared>>)
      %barrier3A_497 = arith.constant 0 : index
      tpu.barrier barrier_id(%barrier3A_497)
      %mul3A_498 = arith.constant 625 : i32
      %mul3A_499 = arith.muli %arg1, %mul3A_498 : i32
      %mul3A_500 = arith.constant 625 : i32
      %mul3A_501 = arith.muli %arg1, %mul3A_500 : i32
      "tpu.region"() ({
        %run_scoped3A = tpu.sem_alloc : memref<!tpu.dma_semaphore, #tpu.memory_space<semaphore_mem>>
        %dma_start3A_502 = arith.constant 0 : i32
        %dma_start3A_503 = tpu.memref_slice %arg7[%mul3A_501, %dma_start3A_502] : memref<10000x128xf32, #tpu.memory_space<hbm>> -> memref<625x128xf32, #tpu.memory_space<hbm>>
        %dma_start3A_504 = arith.constant 0 : i32
        %dma_start3A_505 = tpu.memref_slice %arg11[%mul3A_499, %dma_start3A_504] : memref<10000x128xf32, #tpu.memory_space<vmem_shared>> -> memref<625x128xf32, #tpu.memory_space<vmem_shared>>
        tpu.enqueue_dma source(%dma_start3A_505 : memref<625x128xf32, #tpu.memory_space<vmem_shared>>) target(%dma_start3A_503 : memref<625x128xf32, #tpu.memory_space<hbm>>) target_semaphore(%run_scoped3A : memref<!tpu.dma_semaphore, #tpu.memory_space<semaphore_mem>>)
        %dma_wait3A_506 = arith.constant 0 : i32
        %dma_wait3A_507 = tpu.memref_slice %arg7[%mul3A_501, %dma_wait3A_506] : memref<10000x128xf32, #tpu.memory_space<hbm>> -> memref<625x128xf32, #tpu.memory_space<hbm>>
        %dma_wait3A_508 = arith.constant 0 : i32
        %dma_wait3A_509 = tpu.memref_slice %arg11[%mul3A_499, %dma_wait3A_508] : memref<10000x128xf32, #tpu.memory_space<vmem_shared>> -> memref<625x128xf32, #tpu.memory_space<vmem_shared>>
        tpu.wait_dma2 semaphore(%run_scoped3A : memref<!tpu.dma_semaphore, #tpu.memory_space<semaphore_mem>>) src(%dma_wait3A_509 : memref<625x128xf32, #tpu.memory_space<vmem_shared>>) dst(%dma_wait3A_507 : memref<625x128xf32, #tpu.memory_space<hbm>>)
        tpu.yield
      }) : () -> ()
    } else {
    }
    return
  }
}

module attributes {stable_mosaic.version = 14 : i64} {
  func.func @_t1_body(%arg0: i32, %arg1: memref<1024x256xf32, #tpu.memory_space<vmem>>, %arg2: memref<256x256xf32, #tpu.memory_space<vmem>>, %arg3: memref<32x1024xf32, #tpu.memory_space<vmem>>, %arg4: memref<1024x128xf32, #tpu.memory_space<vmem>>, %arg5: memref<1024x128xf32, #tpu.memory_space<vmem>>, %arg6: memref<1024x1xf32, #tpu.memory_space<vmem>>) attributes {dimension_semantics = [#tpu.dimension_semantics<arbitrary>], iteration_bounds = array<i64: 10>, scalar_prefetch = 0 : i64, scratch_operands = 0 : i64, tpu.core_type = #tpu.core_type<tc>, window_params = [{transform_indices = @transform_0, window_bounds = array<i64: 1024, 256>}, {pipeline_mode = #tpu.pipeline_mode<synchronous>, transform_indices = @transform_1, window_bounds = array<i64: 256, 256>}, {transform_indices = @transform_2, window_bounds = array<i64: 32, 1024>}, {transform_indices = @transform_3, window_bounds = array<i64: 1024, 128>}, {transform_indices = @transform_4, window_bounds = array<i64: 1024, 128>}, {transform_indices = @transform_5, window_bounds = array<i64: 1024, 1>}]} {
    %get3A = arith.constant 0 : index
    %get3A_0 = arith.constant 0 : index
    %get3A_1 = vector.load %arg3[%get3A, %get3A_0] : memref<32x1024xf32, #tpu.memory_space<vmem>>, vector<32x1024xf32>
    %reduce_sum3A = arith.constant dense<0.000000e+00> : vector<1024xf32>
    %reduce_sum3A_2 = vector.multi_reduction <add>, %get3A_1, %reduce_sum3A [0] : vector<32x1024xf32> to vector<1024xf32>
    %add3A = arith.constant 1.000000e+00 : f32
    %add3A_3 = vector.broadcast %add3A : f32 to vector<1024xf32>
    %add3A_4 = arith.addf %reduce_sum3A_2, %add3A_3 : vector<1024xf32>
    %rsqrt3A = math.rsqrt %add3A_4 : vector<1024xf32>
    %get3A_5 = arith.constant 0 : index
    %get3A_6 = arith.constant 0 : index
    %get3A_7 = vector.load %arg1[%get3A_5, %get3A_6] : memref<1024x256xf32, #tpu.memory_space<vmem>>, vector<1024x256xf32>
    %get3A_8 = arith.constant 0 : index
    %get3A_9 = arith.constant 0 : index
    %get3A_10 = vector.load %arg2[%get3A_8, %get3A_9] : memref<256x256xf32, #tpu.memory_space<vmem>>, vector<256x256xf32>
    %dot_general3A = arith.constant dense<0.000000e+00> : vector<1024x256xf32>
    %dot_general3A_11 = tpu.matmul %get3A_7, %get3A_10, %dot_general3A {dimension_numbers = #tpu.dot_dimension_numbers<[1], [0], [0], [1], [0, 0, 1, 1], [], []>, transpose_lhs_hint = false} : vector<1024x256xf32>, vector<256x256xf32>, vector<1024x256xf32> -> vector<1024x256xf32>
    %broadcast_in_dim3A = vector.shape_cast %rsqrt3A : vector<1024xf32> to vector<1024x1xf32>
    %mul3A = vector.broadcast %broadcast_in_dim3A : vector<1024x1xf32> to vector<1024x256xf32>
    %mul3A_12 = arith.mulf %dot_general3A_11, %mul3A : vector<1024x256xf32>
    %slice3A = vector.extract_strided_slice %mul3A_12 {offsets = [0, 0], sizes = [1024, 128], strides = [1, 1]} : vector<1024x256xf32> to vector<1024x128xf32>
    %swap3A = arith.constant 0 : index
    %swap3A_13 = arith.constant 0 : index
    %swap3A_14 = vector.load %arg4[%swap3A, %swap3A_13] : memref<1024x128xf32, #tpu.memory_space<vmem>>, vector<1024x128xf32>
    tpu.vector_store %arg4[%swap3A, %swap3A_13], %slice3A {strides = array<i32>} : memref<1024x128xf32, #tpu.memory_space<vmem>>, vector<1024x128xf32>,
    %slice3A_15 = vector.extract_strided_slice %mul3A_12 {offsets = [0, 128], sizes = [1024, 128], strides = [1, 1]} : vector<1024x256xf32> to vector<1024x128xf32>
    %swap3A_16 = arith.constant 0 : index
    %swap3A_17 = arith.constant 0 : index
    %swap3A_18 = vector.load %arg5[%swap3A_16, %swap3A_17] : memref<1024x128xf32, #tpu.memory_space<vmem>>, vector<1024x128xf32>
    tpu.vector_store %arg5[%swap3A_16, %swap3A_17], %slice3A_15 {strides = array<i32>} : memref<1024x128xf32, #tpu.memory_space<vmem>>, vector<1024x128xf32>,
    %broadcast_in_dim3A_19 = vector.shape_cast %rsqrt3A : vector<1024xf32> to vector<1024x1xf32>
    %swap3A_20 = arith.constant 0 : index
    %swap3A_21 = arith.constant 0 : index
    %swap3A_22 = vector.load %arg6[%swap3A_20, %swap3A_21] : memref<1024x1xf32, #tpu.memory_space<vmem>>, vector<1024x1xf32>
    tpu.vector_store %arg6[%swap3A_20, %swap3A_21], %broadcast_in_dim3A_19 {strides = array<i32>} : memref<1024x1xf32, #tpu.memory_space<vmem>>, vector<1024x1xf32>,
    return
  }
  func.func @transform_0(%arg0: i32) -> (i32, i32) {
    %c0_i32 = arith.constant 0 : i32
    %c0_i32_0 = arith.constant 0 : i32
    return %arg0, %c0_i32 : i32, i32
  }
  func.func @transform_1(%arg0: i32) -> (i32, i32) {
    %c0_i32 = arith.constant 0 : i32
    %c0_i32_0 = arith.constant 0 : i32
    %c0_i32_1 = arith.constant 0 : i32
    return %c0_i32, %c0_i32_0 : i32, i32
  }
  func.func @transform_2(%arg0: i32) -> (i32, i32) {
    %c0_i32 = arith.constant 0 : i32
    %c0_i32_0 = arith.constant 0 : i32
    return %c0_i32, %arg0 : i32, i32
  }
  func.func @transform_3(%arg0: i32) -> (i32, i32) {
    %c0_i32 = arith.constant 0 : i32
    %c0_i32_0 = arith.constant 0 : i32
    return %arg0, %c0_i32 : i32, i32
  }
  func.func @transform_4(%arg0: i32) -> (i32, i32) {
    %c0_i32 = arith.constant 0 : i32
    %c0_i32_0 = arith.constant 0 : i32
    return %arg0, %c0_i32 : i32, i32
  }
  func.func @transform_5(%arg0: i32) -> (i32, i32) {
    %c0_i32 = arith.constant 0 : i32
    %c0_i32_0 = arith.constant 0 : i32
    return %arg0, %c0_i32 : i32, i32
  }
}

module attributes {stable_mosaic.version = 14 : i64} {
  func.func @_t2_body(%arg0: i32, %arg1: memref<1024x128xf32, #tpu.memory_space<vmem>>, %arg2: memref<1024x128xf32, #tpu.memory_space<vmem>>, %arg3: memref<1024x1xf32, #tpu.memory_space<vmem>>, %arg4: memref<1x256xf32, #tpu.memory_space<vmem>>, %arg5: memref<1x256xf32, #tpu.memory_space<vmem>>, %arg6: memref<256x256xf32, #tpu.memory_space<vmem>>, %arg7: memref<1024x128xf32, #tpu.memory_space<vmem>>, %arg8: memref<1024x128xf32, #tpu.memory_space<vmem>>) attributes {dimension_semantics = [#tpu.dimension_semantics<arbitrary>], iteration_bounds = array<i64: 10>, scalar_prefetch = 0 : i64, scratch_operands = 0 : i64, tpu.core_type = #tpu.core_type<tc>, window_params = [{transform_indices = @transform_0, window_bounds = array<i64: 1024, 128>}, {transform_indices = @transform_1, window_bounds = array<i64: 1024, 128>}, {transform_indices = @transform_2, window_bounds = array<i64: 1024, 1>}, {pipeline_mode = #tpu.pipeline_mode<synchronous>, transform_indices = @transform_3, window_bounds = array<i64: 1, 256>}, {pipeline_mode = #tpu.pipeline_mode<synchronous>, transform_indices = @transform_4, window_bounds = array<i64: 1, 256>}, {pipeline_mode = #tpu.pipeline_mode<synchronous>, transform_indices = @transform_5, window_bounds = array<i64: 256, 256>}, {transform_indices = @transform_6, window_bounds = array<i64: 1024, 128>}, {transform_indices = @transform_7, window_bounds = array<i64: 1024, 128>}]} {
    %get3A = arith.constant 0 : index
    %get3A_0 = arith.constant 0 : index
    %get3A_1 = vector.load %arg1[%get3A, %get3A_0] : memref<1024x128xf32, #tpu.memory_space<vmem>>, vector<1024x128xf32>
    %get3A_2 = arith.constant 0 : index
    %get3A_3 = arith.constant 0 : index
    %get3A_4 = vector.load %arg2[%get3A_2, %get3A_3] : memref<1024x128xf32, #tpu.memory_space<vmem>>, vector<1024x128xf32>
    %concatenate3A = tpu.concatenate %get3A_1, %get3A_4 in 1 : vector<1024x128xf32>, vector<1024x128xf32> -> vector<1024x256xf32>
    %get3A_5 = arith.constant 0 : index
    %get3A_6 = arith.constant 0 : index
    %get3A_7 = vector.load %arg3[%get3A_5, %get3A_6] : memref<1024x1xf32, #tpu.memory_space<vmem>>, vector<1024x1xf32>
    %mul3A = vector.broadcast %get3A_7 : vector<1024x1xf32> to vector<1024x256xf32>
    %mul3A_8 = arith.mulf %concatenate3A, %mul3A : vector<1024x256xf32>
    %get3A_9 = arith.constant 0 : index
    %get3A_10 = arith.constant 0 : index
    %get3A_11 = vector.load %arg4[%get3A_9, %get3A_10] : memref<1x256xf32, #tpu.memory_space<vmem>>, vector<1x256xf32>
    %add3A = vector.broadcast %get3A_11 : vector<1x256xf32> to vector<1024x256xf32>
    %add3A_12 = arith.addf %mul3A_8, %add3A : vector<1024x256xf32>
    %ge3A = arith.constant 0.000000e+00 : f32
    %ge3A_13 = vector.broadcast %ge3A : f32 to vector<1024x256xf32>
    %ge3A_14 = arith.cmpf oge, %add3A_12, %ge3A_13 : vector<1024x256xf32>
    %get3A_15 = arith.constant 0 : index
    %get3A_16 = arith.constant 0 : index
    %get3A_17 = vector.load %arg5[%get3A_15, %get3A_16] : memref<1x256xf32, #tpu.memory_space<vmem>>, vector<1x256xf32>
    %mul3A_18 = vector.broadcast %get3A_17 : vector<1x256xf32> to vector<1024x256xf32>
    %mul3A_19 = arith.mulf %mul3A_18, %add3A_12 : vector<1024x256xf32>
    %select_n3A = arith.select %ge3A_14, %add3A_12, %mul3A_19 : vector<1024x256xi1>, vector<1024x256xf32>
    %get3A_20 = arith.constant 0 : index
    %get3A_21 = arith.constant 0 : index
    %get3A_22 = vector.load %arg6[%get3A_20, %get3A_21] : memref<256x256xf32, #tpu.memory_space<vmem>>, vector<256x256xf32>
    %dot_general3A = arith.constant dense<0.000000e+00> : vector<1024x256xf32>
    %dot_general3A_23 = tpu.matmul %select_n3A, %get3A_22, %dot_general3A {dimension_numbers = #tpu.dot_dimension_numbers<[1], [0], [0], [1], [0, 0, 1, 1], [], []>, transpose_lhs_hint = false} : vector<1024x256xf32>, vector<256x256xf32>, vector<1024x256xf32> -> vector<1024x256xf32>
    %mul3A_24 = vector.broadcast %get3A_7 : vector<1024x1xf32> to vector<1024x256xf32>
    %mul3A_25 = arith.mulf %dot_general3A_23, %mul3A_24 : vector<1024x256xf32>
    %slice3A = vector.extract_strided_slice %mul3A_25 {offsets = [0, 0], sizes = [1024, 128], strides = [1, 1]} : vector<1024x256xf32> to vector<1024x128xf32>
    %swap3A = arith.constant 0 : index
    %swap3A_26 = arith.constant 0 : index
    %swap3A_27 = vector.load %arg7[%swap3A, %swap3A_26] : memref<1024x128xf32, #tpu.memory_space<vmem>>, vector<1024x128xf32>
    tpu.vector_store %arg7[%swap3A, %swap3A_26], %slice3A {strides = array<i32>} : memref<1024x128xf32, #tpu.memory_space<vmem>>, vector<1024x128xf32>,
    %slice3A_28 = vector.extract_strided_slice %mul3A_25 {offsets = [0, 128], sizes = [1024, 128], strides = [1, 1]} : vector<1024x256xf32> to vector<1024x128xf32>
    %swap3A_29 = arith.constant 0 : index
    %swap3A_30 = arith.constant 0 : index
    %swap3A_31 = vector.load %arg8[%swap3A_29, %swap3A_30] : memref<1024x128xf32, #tpu.memory_space<vmem>>, vector<1024x128xf32>
    tpu.vector_store %arg8[%swap3A_29, %swap3A_30], %slice3A_28 {strides = array<i32>} : memref<1024x128xf32, #tpu.memory_space<vmem>>, vector<1024x128xf32>,
    return
  }
  func.func @transform_0(%arg0: i32) -> (i32, i32) {
    %c0_i32 = arith.constant 0 : i32
    %c0_i32_0 = arith.constant 0 : i32
    return %arg0, %c0_i32 : i32, i32
  }
  func.func @transform_1(%arg0: i32) -> (i32, i32) {
    %c0_i32 = arith.constant 0 : i32
    %c0_i32_0 = arith.constant 0 : i32
    return %arg0, %c0_i32 : i32, i32
  }
  func.func @transform_2(%arg0: i32) -> (i32, i32) {
    %c0_i32 = arith.constant 0 : i32
    %c0_i32_0 = arith.constant 0 : i32
    return %arg0, %c0_i32 : i32, i32
  }
  func.func @transform_3(%arg0: i32) -> (i32, i32) {
    %c0_i32 = arith.constant 0 : i32
    %c0_i32_0 = arith.constant 0 : i32
    %c0_i32_1 = arith.constant 0 : i32
    return %c0_i32, %c0_i32_0 : i32, i32
  }
  func.func @transform_4(%arg0: i32) -> (i32, i32) {
    %c0_i32 = arith.constant 0 : i32
    %c0_i32_0 = arith.constant 0 : i32
    %c0_i32_1 = arith.constant 0 : i32
    return %c0_i32, %c0_i32_0 : i32, i32
  }
  func.func @transform_5(%arg0: i32) -> (i32, i32) {
    %c0_i32 = arith.constant 0 : i32
    %c0_i32_0 = arith.constant 0 : i32
    %c0_i32_1 = arith.constant 0 : i32
    return %c0_i32, %c0_i32_0 : i32, i32
  }
  func.func @transform_6(%arg0: i32) -> (i32, i32) {
    %c0_i32 = arith.constant 0 : i32
    %c0_i32_0 = arith.constant 0 : i32
    return %arg0, %c0_i32 : i32, i32
  }
  func.func @transform_7(%arg0: i32) -> (i32, i32) {
    %c0_i32 = arith.constant 0 : i32
    %c0_i32_0 = arith.constant 0 : i32
    return %arg0, %c0_i32 : i32, i32
  }
}

module attributes {stable_mosaic.version = 14 : i64} {
  func.func @_t3_body(%arg0: i32, %arg1: memref<1024x128xf32, #tpu.memory_space<vmem>>, %arg2: memref<1024x128xf32, #tpu.memory_space<vmem>>, %arg3: memref<1024x1xf32, #tpu.memory_space<vmem>>, %arg4: memref<1x256xf32, #tpu.memory_space<vmem>>, %arg5: memref<1x256xf32, #tpu.memory_space<vmem>>, %arg6: memref<1024x256xf32, #tpu.memory_space<vmem>>) attributes {dimension_semantics = [#tpu.dimension_semantics<arbitrary>], iteration_bounds = array<i64: 10>, scalar_prefetch = 0 : i64, scratch_operands = 0 : i64, tpu.core_type = #tpu.core_type<tc>, window_params = [{transform_indices = @transform_0, window_bounds = array<i64: 1024, 128>}, {transform_indices = @transform_1, window_bounds = array<i64: 1024, 128>}, {transform_indices = @transform_2, window_bounds = array<i64: 1024, 1>}, {pipeline_mode = #tpu.pipeline_mode<synchronous>, transform_indices = @transform_3, window_bounds = array<i64: 1, 256>}, {pipeline_mode = #tpu.pipeline_mode<synchronous>, transform_indices = @transform_4, window_bounds = array<i64: 1, 256>}, {transform_indices = @transform_5, window_bounds = array<i64: 1024, 256>}]} {
    %get3A = arith.constant 0 : index
    %get3A_0 = arith.constant 0 : index
    %get3A_1 = vector.load %arg1[%get3A, %get3A_0] : memref<1024x128xf32, #tpu.memory_space<vmem>>, vector<1024x128xf32>
    %get3A_2 = arith.constant 0 : index
    %get3A_3 = arith.constant 0 : index
    %get3A_4 = vector.load %arg2[%get3A_2, %get3A_3] : memref<1024x128xf32, #tpu.memory_space<vmem>>, vector<1024x128xf32>
    %concatenate3A = tpu.concatenate %get3A_1, %get3A_4 in 1 : vector<1024x128xf32>, vector<1024x128xf32> -> vector<1024x256xf32>
    %get3A_5 = arith.constant 0 : index
    %get3A_6 = arith.constant 0 : index
    %get3A_7 = vector.load %arg3[%get3A_5, %get3A_6] : memref<1024x1xf32, #tpu.memory_space<vmem>>, vector<1024x1xf32>
    %mul3A = vector.broadcast %get3A_7 : vector<1024x1xf32> to vector<1024x256xf32>
    %mul3A_8 = arith.mulf %concatenate3A, %mul3A : vector<1024x256xf32>
    %get3A_9 = arith.constant 0 : index
    %get3A_10 = arith.constant 0 : index
    %get3A_11 = vector.load %arg4[%get3A_9, %get3A_10] : memref<1x256xf32, #tpu.memory_space<vmem>>, vector<1x256xf32>
    %add3A = vector.broadcast %get3A_11 : vector<1x256xf32> to vector<1024x256xf32>
    %add3A_12 = arith.addf %mul3A_8, %add3A : vector<1024x256xf32>
    %ge3A = arith.constant 0.000000e+00 : f32
    %ge3A_13 = vector.broadcast %ge3A : f32 to vector<1024x256xf32>
    %ge3A_14 = arith.cmpf oge, %add3A_12, %ge3A_13 : vector<1024x256xf32>
    %get3A_15 = arith.constant 0 : index
    %get3A_16 = arith.constant 0 : index
    %get3A_17 = vector.load %arg5[%get3A_15, %get3A_16] : memref<1x256xf32, #tpu.memory_space<vmem>>, vector<1x256xf32>
    %mul3A_18 = vector.broadcast %get3A_17 : vector<1x256xf32> to vector<1024x256xf32>
    %mul3A_19 = arith.mulf %mul3A_18, %add3A_12 : vector<1024x256xf32>
    %select_n3A = arith.select %ge3A_14, %add3A_12, %mul3A_19 : vector<1024x256xi1>, vector<1024x256xf32>
    %swap3A = arith.constant 0 : index
    %swap3A_20 = arith.constant 0 : index
    %swap3A_21 = vector.load %arg6[%swap3A, %swap3A_20] : memref<1024x256xf32, #tpu.memory_space<vmem>>, vector<1024x256xf32>
    tpu.vector_store %arg6[%swap3A, %swap3A_20], %select_n3A {strides = array<i32>} : memref<1024x256xf32, #tpu.memory_space<vmem>>, vector<1024x256xf32>,
    return
  }
  func.func @transform_0(%arg0: i32) -> (i32, i32) {
    %c0_i32 = arith.constant 0 : i32
    %c0_i32_0 = arith.constant 0 : i32
    return %arg0, %c0_i32 : i32, i32
  }
  func.func @transform_1(%arg0: i32) -> (i32, i32) {
    %c0_i32 = arith.constant 0 : i32
    %c0_i32_0 = arith.constant 0 : i32
    return %arg0, %c0_i32 : i32, i32
  }
  func.func @transform_2(%arg0: i32) -> (i32, i32) {
    %c0_i32 = arith.constant 0 : i32
    %c0_i32_0 = arith.constant 0 : i32
    return %arg0, %c0_i32 : i32, i32
  }
  func.func @transform_3(%arg0: i32) -> (i32, i32) {
    %c0_i32 = arith.constant 0 : i32
    %c0_i32_0 = arith.constant 0 : i32
    %c0_i32_1 = arith.constant 0 : i32
    return %c0_i32, %c0_i32_0 : i32, i32
  }
  func.func @transform_4(%arg0: i32) -> (i32, i32) {
    %c0_i32 = arith.constant 0 : i32
    %c0_i32_0 = arith.constant 0 : i32
    %c0_i32_1 = arith.constant 0 : i32
    return %c0_i32, %c0_i32_0 : i32, i32
  }
  func.func @transform_5(%arg0: i32) -> (i32, i32) {
    %c0_i32 = arith.constant 0 : i32
    %c0_i32_0 = arith.constant 0 : i32
    return %arg0, %c0_i32 : i32, i32
  }
}

</mosaic_0001>

<sc_bundles>
// kernel: kernel.11.cloned.1.call-start
scs
__scs_entry_jumppad:
0x0: {  	(pc) =	sbr.rel $0x88, $3  }
0x1: {  	(tag) =	ssettag $0x0;
	lr =	simm.s32 $0x1  }
0x2: {  	[smem:$0x3F9A] =	sst lr;
	_ =	strace $0xD0000000  }
0x3: {  	_ = 	snop  }
0x4: {  	_ = 	snop  }
0x5: {  	_ = 	snop  }
0x6: {  	_ = 	snop  }
0x7: {  	_ = 	snop  }
__scs_overlays_trampoline_lowered:
0x8: {  	[smem:$0x3FA9] =	sst s0  }
0x9: {  	[smem:$0x3FAA] =	sst s1  }
0xa: {  	[smem:$0x3FAB] =	sst s2  }
0xb: {  	[smem:$0x3FAC] =	sst s3  }
0xc: {  	[smem:$0x3FAD] =	sst s4  }
0xd: {  	[smem:$0x3FAE] =	sst s5  }
0xe: {  	[smem:$0x3FAF] =	sst s6  }
0xf: {  	[smem:$0x3FB0] =	sst s7  }
0x10: {  	[smem:$0x3FB1] =	sst s8  }
0x11: {  	[smem:$0x3FB2] =	sst s9;
	s0 =	simm.s32 @!p0 $0x0  }
0x12: {  	s1 =	sld [smem:$0x3F98];
	s0 =	simm.s32 @p0 $0x1  }
0x13: {  	[smem:$0x3FB3] =	sst s0;
	s0 =	simm.s32 @!p1 $0x0  }
0x14: {  	s2 =	sld [smem:$0x3F97];
	s0 =	simm.s32 @p1 $0x1  }
0x15: {  	[smem:$0x3FB4] =	sst s0;
	s0 =	simm.s32 @!p2 $0x0  }
0x16: {  	s3 =	sld [smem:$0x3FDB];
	s0 =	simm.s32 @p2 $0x1  }
0x17: {  	s4 =	simm.s32 $0x1BF5;
	[smem:$0x3FB6] =	sst s0  }
0x18: {  	s0 =	sld [smem:$0x3F99];
	_ =	swait.ge [sflag:s4], $0x0  }
0x19: {  	s7 =	sld [smem:$0x3F9A]  }
0x1a: {  	s8 =	sadd.s32 $0xFFFFE003, lr  }
0x1b: {  	s9 =	sadd.s32 $0xFFFFFEF7, lr;
	s5 =	simm.s32 $0xFFFFFFFF;
	p2 =	slt.u32 s8, $0xFFFFF086  }
0x1c: {  	p1 =	slt.u32 s9, $0xF7A;
	s5 =	simm.s32 @!p2 $0x0  }
0x1d: {  	s5 =	simm.s32 @p1 $0x1;
	p0 =	seq.s32 s7, s2  }
0x1e: {  	s7 =	smul.u32 @!p0 $0xF7A, s2;
	p2 =	seq.s32 @!p0 s5, $0x0  }
0x1f: {  	s9 =	smul.u32 $0xF7A, s1;
	s8 =	simm.s32 @!p0 $0x1BF5;
	p2 =	por !p2, p0  }
0x20: {  	[sflag:s8] =	ssyncset.s32 @!p0 $0xFFFFF086;
	s6 =	sadd.s32 @!p0 s3, s7;
	s7 =	simm.s32 @!p0 $0x108  }
0x21: {  	s3 =	sadd.s32 s3, s9;
	s6 =	sadd.s32 @!p0 $0x88, s6;
	s7 =	simm.s32 @p2 $0x1082  }
0x22: {  	[simem:s7], [sflag:s8] =	dma.local @!p0 [hbm:s6], $0xF7A  }
0x23: {  	s9 =	sor.u32 $0xD0000000, s2;
	s6 =	simm.s32 $0x108;
	_ =	swait.ge @!p0 [sflag:s8], $0x0  }
0x24: {  	s3 =	sadd.s32 $0x88, s3;
	s6 =	simm.s32 @!p1 $0x1082;
	[sflag:s4] =	ssyncset.s32 $0xFFFFF086  }
0x25: {  	[simem:s6], [sflag:s4] =	dma.local [hbm:s3], $0xF7A  }
0x26: {  	[smem:$0x3F9A] =	sst s1;
	(tag) =	ssettag s2;
	_ =	strace s9  }
0x27: {  	s1 =	sld [smem:$0x3FAA]  }
0x28: {  	s2 =	sld [smem:$0x3FAB]  }
0x29: {  	s4 =	sld [smem:$0x3FAD]  }
0x2a: {  	p0 =	seq.s32 s5, $0x0;
	s5 =	sld [smem:$0x3FAE]  }
0x2b: {  	s6 =	sld [smem:$0x3FAF]  }
0x2c: {  	s7 =	sld [smem:$0x3FB0]  }
0x2d: {  	s3 =	simm.s32 $0x108;
	s8 =	sld [smem:$0x3FB1]  }
0x2e: {  	s3 =	simm.s32 @!p0 $0x1082;
	s9 =	sld [smem:$0x3FB2]  }
0x2f: {  	lr =	sadd.s32 s0, s3;
	s0 =	sld [smem:$0x3FA9]  }
0x30: {  	s3 =	sld [smem:$0x3FAC]  }
0x31: {  	[smem:$0x3FB5] =	sst s10  }
0x32: {  	s10 =	sld [smem:$0x3FB3];
	_ =	sdelay $0x3  }
0x33: {  	p0 =	seq.s32 s10, $0x1;
	s10 =	sld [smem:$0x3FB5];
	_ =	sdelay $0x3  }
0x34: {  	[smem:$0x3FB5] =	sst s10  }
0x35: {  	s10 =	sld [smem:$0x3FB4];
	_ =	sdelay $0x3  }
0x36: {  	p1 =	seq.s32 s10, $0x1;
	s10 =	sld [smem:$0x3FB5];
	_ =	sdelay $0x3  }
0x37: {  	[smem:$0x3FB5] =	sst s10  }
0x38: {  	s10 =	sld [smem:$0x3FB6]  }
0x39: {  	_ = 	snop;
	(pc) =	sbr.ind lr, $3  }
0x3a: {  	_ = 	snop  }
0x3b: {  	_ = 	snop  }
0x3c: {  	p2 =	seq.s32 s10, $0x1;
	s10 =	sld [smem:$0x3FB5]  }
0x3d: {  	_ =	shalt  }
0x3e: {  	_ =	shalt  }
0x3f: {  	_ =	shalt  }
0x40: {  	_ =	shalt  }
0x41: {  	_ =	shalt  }
0x42: {  	_ =	shalt  }
0x43: {  	_ =	shalt  }
0x44: {  	_ =	shalt  }
0x45: {  	_ =	shalt  }
0x46: {  	_ =	shalt  }
0x47: {  	_ =	shalt  }
0x48: {  	_ =	shalt  }
0x49: {  	_ =	shalt  }
0x4a: {  	_ =	shalt  }
0x4b: {  	_ =	shalt  }
0x4c: {  	_ =	shalt  }
0x4d: {  	_ =	shalt  }
0x4e: {  	_ =	shalt  }
0x4f: {  	_ =	shalt  }
0x50: {  	_ =	shalt  }
0x51: {  	_ =	shalt  }
0x52: {  	_ =	shalt  }
0x53: {  	_ =	shalt  }
0x54: {  	_ =	shalt  }
0x55: {  	_ =	shalt  }
0x56: {  	_ =	shalt  }
0x57: {  	_ =	shalt  }
0x58: {  	_ =	shalt  }
0x59: {  	_ =	shalt  }
0x5a: {  	_ =	shalt  }
0x5b: {  	_ =	shalt  }
0x5c: {  	_ =	shalt  }
0x5d: {  	_ =	shalt  }
0x5e: {  	_ =	shalt  }
0x5f: {  	_ =	shalt  }
0x60: {  	_ =	shalt  }
0x61: {  	_ =	shalt  }
0x62: {  	_ =	shalt  }
0x63: {  	_ =	shalt  }
0x64: {  	_ =	shalt  }
0x65: {  	_ =	shalt  }
0x66: {  	_ =	shalt  }
0x67: {  	_ =	shalt  }
0x68: {  	_ =	shalt  }
0x69: {  	_ =	shalt  }
0x6a: {  	_ =	shalt  }
0x6b: {  	_ =	shalt  }
0x6c: {  	_ =	shalt  }
0x6d: {  	_ =	shalt  }
0x6e: {  	_ =	shalt  }
0x6f: {  	_ =	shalt  }
0x70: {  	_ =	shalt  }
0x71: {  	_ =	shalt  }
0x72: {  	_ =	shalt  }
0x73: {  	_ =	shalt  }
0x74: {  	_ =	shalt  }
0x75: {  	_ =	shalt  }
0x76: {  	_ =	shalt  }
0x77: {  	_ =	shalt  }
0x78: {  	_ =	shalt  }
0x79: {  	_ =	shalt  }
0x7a: {  	_ =	shalt  }
0x7b: {  	_ =	shalt  }
0x7c: {  	_ =	shalt  }
0x7d: {  	_ =	shalt  }
0x7e: {  	_ =	shalt  }
0x7f: {  	_ =	shalt  }
0x80: {  	_ =	shalt  }
0x81: {  	_ =	shalt  }
0x82: {  	_ =	shalt  }
0x83: {  	_ =	shalt  }
0x84: {  	_ =	shalt  }
0x85: {  	_ =	shalt  }
0x86: {  	_ =	shalt  }
0x87: {  	_ =	shalt  }
.Lfunc_end0:
.L_simem_size_0:
called_computation.1_lowered:
.L_overlay_start_0:
0x88: {  	s2 =	sld [smem:$0x3FD9]  }
0x89: {  	s3 =	sld [smem:$0x3FFE];
	_ =	sdelay $0x1  }
0x8a: {  	s1 =	srdreg.scid  }
0x8b: {  	s0 =	sand.u32 $0x1, s1  }
0x8c: {  	s17 =	sshll.u32 s0, $0xA;
	s2 =	sadd.s32 s3, s2  }
0x8d: {  	s2 =	sadd.s32 s2, s17  }
0x8e: {  	[smem:$0x3FC1] =	sst s2  }
0x8f: {  	_ = 	snop  }
0x90: {  	s2 =	sld [smem:$0x3FD0];
	(tm) =	ssettm $0x1  }
0x91: {  	s18 =	sld [smem:$0x3FFB];
	_ =	sdelay $0x3  }
0x92: {  	_ =	strace s18  }
0x93: {  	s3 =	sld [smem:$0x3FFC];
	_ =	sdelay $0x3  }
0x94: {  	_ =	strace s3  }
0x95: {  	s3 =	sld [smem:$0x3FFD];
	_ =	sdelay $0x3  }
0x96: {  	_ =	strace s3  }
0x97: {  	_ =	strace $0x8FFFFFFF  }
0x98: {  	s19 =	sld [smem:$0x3FDB];
	_ =	sdelay $0x1  }
0x99: {  	s4 =	simm.s32 $_scs_section_size  }
0x9a: {  	s5 =	simm.s32 $_size__tile_overlayer_lowered;
	s6 =	simm.s32 $_tile_overlayer_lowered  }
0x9b: {  	s22 =	simm.s32 $0x1BFF;
	s21 =	sshll.u32 s6, $0x1;
	s3 =	sadd.s32 s4, s19  }
0x9c: {  	s7 =	simm.s32 $0x0;
	s20 =	sshll.u32 s5, $0x1;
	s5 =	sadd.s32 s21, s3  }
0x9d: {  	[timem:s7], [sflag:s22] =	dma.local [hbm:s5], s20  }
0x9e: {  	_ =	swait.ge [sflag:s22], s20  }
0x9f: {  	s4 =	ssub.s32 $0x0, s20;
	[sflag:s22] =	ssyncset.done $0x0  }
0xa0: {  	[sflag:s22] =	ssyncadd.s32 s4;
	_ =	sdelay $0x1  }
0xa1: {  	s23 =	simm.s32 $0x1B8B  }
0xa2: {  	_ =	swait.ge [sflag:s23], $0x1  }
0xa3: {  	[sflag:s23] =	ssyncset.done $0x0  }
0xa4: {  	s25 =	simm.s32 $0x1B8E;
	s24 =	sld [smem:$0x3FFE];
	[sflag:s23] =	ssyncadd.s32 $0xFFFFFFFF  }
0xa5: {  	s26 =	simm.s32 $execute0_lowered;
	[smem:$0x3FD2] =	sst s25  }
0xa6: {  	s5 =	sshll.u32 s26, $0x1;
	_ =	strace $0x80000049;
	[dreg:$0x1] =	wrdreg $0xFFFFFFFF  }
0xa7: {  	s28 =	simm.s32 $_size_execute0_lowered;
	s3 =	sadd.s32 s3, s5;
	[dreg:$0x0] =	wrdreg $0x0  }
0xa8: {  	s5 =	sshll.u32 s28, $0x1;
	[dreg:$0x2] =	wrdreg s3  }
0xa9: {  	[dreg:$0x3] =	wrdreg s5  }
0xaa: {  	[dreg:$0x4] =	wrdreg $0xC0  }
0xab: {  	_ =	task [dreg:s7], $0x5FFFF  }
0xac: {  	[dreg:$0x1] =	wrdreg $0xFFFFFFFF  }
0xad: {  	[dreg:$0x0] =	wrdreg $0x60  }
0xae: {  	[dreg:$0x2] =	wrdreg s2  }
0xaf: {  	[dreg:$0x3] =	wrdreg s24  }
0xb0: {  	[dreg:$0x4] =	wrdreg $0xC6200  }
0xb1: {  	[dreg:$0x5] =	wrdreg $0x9  }
0xb2: {  	_ =	task.clear_ibuf [dreg:s7], $0x6FFFF;
	_ =	strace $0x90000049  }
0xb3: {  	s29 =	simm.s32 $0x9;
	_ =	strace $0x8000004B  }
0xb4: {  	_ =	swait.ge [sflag:s29], $0x1  }
0xb5: {  	[sflag:s29] =	ssyncadd.s32 $0xFFFFFFFF  }
0xb6: {  	_ =	strace $0x9000004B  }
0xb7: {  	_ =	sfence  }
0xb8: {  	s30 =	sld [smem:$0x0];
	_ =	sdelay $0x2  }
0xb9: {  	s31 =	sshll.u32 s1, $0xD;
	s1 =	sshrl.u32 s1, $0x2  }
0xba: {  	s3 =	sand.u32 $0x4000, s31;
	s1 =	sadd.s32 s1, s30  }
0xbb: {  	s0 =	sor.u32 s3, s0;
	s1 =	sshll.u32 s1, $0x11  }
0xbc: {  	s0 =	sor.u32 s1, s0  }
0xbd: {  	s0 =	sadd.s32 $0x8F2B, s0  }
0xbe: {  	[sflag:s0] =	ssyncadd.remote.s32 $0x1  }
0xbf: {  	_ =	sfence.sel $0xFFFF  }
0xc0: {  	[dreg:$0x0] =	wrdreg $0xFFFFFFFF;
	(pc) =	sbr.abs _section_cstart, $3  }
0xc1: {  	[dreg:$0x1] =	wrdreg $0xFFFFFFFF  }
0xc2: {  	_ =	task.clear_ibuf [dreg:s7], $0x2FFFF;
	_ =	strace $0x9FFFFFFF  }
0xc3: {  	(tm) =	ssettm $0x7FFFFFFF  }
tec
execute0_lowered:
.L_overlay_start_1:
0x0: {  	(tag) =	ssettag $0x1  }
0x1: {  	s1 =	rddreg [dreg:$0x0]  }
0x2: {  	s0 =	rddreg [dreg:$0x1]  }
0x3: {  	s3 =	rddreg [dreg:$0x2];
	s4 =	simm.s32 $0x0;
	s12 =	stileid.u32  }
0x4: {  	s5 =	srdreg.scid;
	s14 =	simm.s32 $0x4;
	s16 =	simm.s32 $0x2710  }
0x5: {  	s19 =	simm.s32 $0x50;
	s20 =	simm.s32 $0x4E20;
	s21 =	simm.s32 $0x7620  }
0x6: {  	s22 =	simm.s32 $0x1;
	s29 =	simm.s32 $0x3;
	s28 =	simm.s32 $0x0  }
0x7: {  	[smem:$0x7FF] =	sst s4;
	s2 =	smul.u32 $0x4E2, s12;
	s6 =	sand.u32 $0x1, s5  }
0x8: {  	s5 =	sadd.s32 $0xD400, s0;
	s8 =	sadd.s32 $0x5B800, s0;
	s11 =	smul.u32 $0x13880, s12  }
0x9: {  	s15 =	sshll.u32 s12, $0x6;
	s12 =	simm.s32 $0x26C0;
	_ =	strace $0x8000004A  }
0xa: {  	s7 =	ssub.s32 $0x2, s6;
	[dreg:$0x4] =	wrdreg s8;
	p0 =	seq.s32 s6, $0x1  }
0xb: {  	s30 =	sor.u32 $0x1C04, s15;
	s6 =	simm.s32 $0x4CE0;
	s2 =	sadd.s32 s2, s0  }
0xc: {  	s23 =	sshrl.u32 s7, $0x1;
	s0 =	sadd.s32 $0x82A00, s0;
	s10 =	sshrl.u32 s11, $0x3  }
0xd: {  	s25 =	sadd.s32 s11, s3;
	s11 =	simm.s32 $0x4D30;
	[dreg:$0x5] =	wrdreg s0  }
.Ltmp0:
0xe: {  	s24 =	ssub.s32 s7, s23;
	s8 =	sadd.s32 $0x3400, s2;
	(pc) =	sbr.rel .LBB2_1-.Ltmp0, $4  }
0xf: {  	s9 =	sadd.s32 $0x8400, s2;
	s26 =	sadd.s32 s1, s10;
	s31 =	sadd.s32 s5, s10  }
0x10: {  	s18 =	sshrl.u32 s25, $0x3;
	s25 =	simm.s32 $0x2;
	[dreg:$0x6] =	wrdreg s26  }
0x11: {  	s7 =	simm.s32 $0x2670;
	s23 =	simm.s32 $0x4D80;
	[dreg:$0x7] =	wrdreg s31  }
0x12: {  	s13 =	smax.u32 s24, $0x1;
	s24 =	simm.s32 $0x9E20;
	s26 =	simm.s32 $0x4DD0  }
.LBB2_7:
0x13: {  	[spmem:s3] =	stream.indirect.scatter.add.f32 [tilespmem:s24], [sflag:$0x3], $0x80, s0, s19, $0xb8;
	[tilespmem:$0x1FEA0] =	vst v63  }
0x14: {  	s0 =	smov.u32 s5;
	s31 =	rddreg [dreg:$0x5];
	s17 =	smov.u32 s30  }
.LBB2_8:
0x15: {  	_ =	swait.ge [sflag:s25], $0x2800  }
0x16: {  	[sflag:s25] =	ssyncset.done $0x0  }
0x17: {  	s2 =	simm.s32 $0x25D0;
	[sflag:s25] =	ssyncadd.s32 $0xFFFFD800  }
0x18: {  	[tilespmem:s21], [sflag:$0x2] =	stream.indirect.gather [hbm4b:s0+s19], $0x80, s2, s19, $0xb8;
	[tilespmem:$0x1FEA0] =	vst v63  }
0x19: {  	_ =	swait.ge [sflag:s22], $0x2800  }
0x1a: {  	[sflag:s22] =	ssyncset.done $0x0  }
0x1b: {  	s2 =	simm.s32 $0x4C90;
	[sflag:s22] =	ssyncadd.s32 $0xFFFFD800  }
0x1c: {  	[spmem:s3] =	stream.indirect.scatter.add.f32 [tilespmem:s20], [sflag:$0x1], $0x80, s2, s19, $0xb8;
	[tilespmem:$0x1FEA0] =	vst v63  }
0x1d: {  	_ =	swait.ge [sflag:s29], $0x2800  }
0x1e: {  	[sflag:s29] =	ssyncset.done $0x0  }
0x1f: {  	s2 =	simm.s32 $0x2620;
	[sflag:s29] =	ssyncadd.s32 $0xFFFFD800  }
0x20: {  	[tilespmem:s24], [sflag:$0x3] =	stream.indirect.gather [hbm4b:s0+s19], $0x80, s2, s19, $0xb8;
	[tilespmem:$0x1FEA0] =	vst v63  }
0x21: {  	_ =	swait.ge [sflag:s25], $0x2800  }
0x22: {  	[sflag:s25] =	ssyncset.done $0x0  }
0x23: {  	[sflag:s25] =	ssyncadd.s32 $0xFFFFD800  }
0x24: {  	[spmem:s3] =	stream.indirect.scatter.add.f32 [tilespmem:s21], [sflag:$0x2], $0x80, s6, s19, $0xb8;
	[tilespmem:$0x1FEA0] =	vst v63  }
0x25: {  	_ =	swait.ge [sflag:s22], $0x2800  }
0x26: {  	[sflag:s22] =	ssyncset.done $0x0  }
0x27: {  	[sflag:s22] =	ssyncadd.s32 $0xFFFFD800  }
0x28: {  	[tilespmem:s20], [sflag:$0x1] =	stream.indirect.gather [hbm4b:s0+s19], $0x80, s7, s19, $0xb8;
	[tilespmem:$0x1FEA0] =	vst v63  }
0x29: {  	_ =	swait.ge [sflag:s29], $0x2800  }
0x2a: {  	[sflag:s29] =	ssyncset.done $0x0  }
0x2b: {  	[sflag:s29] =	ssyncadd.s32 $0xFFFFD800  }
0x2c: {  	[spmem:s3] =	stream.indirect.scatter.add.f32 [tilespmem:s24], [sflag:$0x3], $0x80, s11, s19, $0xb8;
	[tilespmem:$0x1FEA0] =	vst v63  }
0x2d: {  	_ =	swait.ge [sflag:s25], $0x2800  }
0x2e: {  	[sflag:s25] =	ssyncset.done $0x0  }
0x2f: {  	[sflag:s25] =	ssyncadd.s32 $0xFFFFD800  }
0x30: {  	[tilespmem:s21], [sflag:$0x2] =	stream.indirect.gather [hbm4b:s0+s19], $0x80, s12, s19, $0xb8;
	[tilespmem:$0x1FEA0] =	vst v63  }
0x31: {  	_ =	swait.ge [sflag:s22], $0x2800  }
0x32: {  	[sflag:s22] =	ssyncset.done $0x0  }
0x33: {  	[sflag:s22] =	ssyncadd.s32 $0xFFFFD800  }
0x34: {  	[spmem:s3] =	stream.indirect.scatter.add.f32 [tilespmem:s20], [sflag:$0x1], $0x80, s23, s19, $0xb8;
	[tilespmem:$0x1FEA0] =	vst v63  }
0x35: {  	_ =	swait.ge [sflag:s25], $0x2800  }
0x36: {  	[sflag:s25] =	ssyncset.done $0x0  }
0x37: {  	[sflag:s25] =	ssyncadd.s32 $0xFFFFD800  }
0x38: {  	[spmem:s3] =	stream.indirect.scatter.add.f32 [tilespmem:s21], [sflag:$0x2], $0x80, s26, s19, $0xb8;
	[tilespmem:$0x1FEA0] =	vst v63  }
0x39: {  	_ =	swait.ge [sflag:s22], $0x2800  }
0x3a: {  	[sflag:s22] =	ssyncset.done $0x0  }
0x3b: {  	[sflag:s22] =	ssyncadd.s32 $0xFFFFD800  }
0x3c: {  	_ =	swait.ge [sflag:s25], $0x2800  }
0x3d: {  	[sflag:s25] =	ssyncset.done $0x0  }
0x3e: {  	[sflag:s25] =	ssyncadd.s32 $0xFFFFD800  }
0x3f: {  	_ =	swait.ge [sflag:s29], $0x2800  }
0x40: {  	s28 =	sadd.s32 $0x1, s28;
	[sflag:s29] =	ssyncset.done $0x0  }
0x41: {  	p1 =	sne.s32 s28, s13;
	[sflag:s29] =	ssyncadd.s32 $0xFFFFD800  }
.Ltmp1:
0x42: {  	s31 =	sadd.s32 s31, s10;
	[bflag:$0x0] =	sbarrier.arrive $0xFFFF;
	(pc) =	sbr.rel @!p1 .LBB2_9-.Ltmp1, $4  }
0x43: {  	[hbm:s31], [sflag:s17] =	dma.local [spmem:s18], $0x2710  }
0x44: {  	_ =	swait.ge [sflag:s14], $0x2710  }
0x45: {  	[sflag:s14] =	ssyncset.done $0x0  }
0x46: {  	[sflag:s14] =	ssyncadd.s32 $0xFFFFD8F0  }
.LBB2_1:
0x47: {  	[tilespmem:s4], [sflag:$0x4] =	stream.linear.gather [hbm4b:s8+s4], $0x2710, $0x38;
	[tilespmem:$0x1FEA0] =	vst v63  }
0x48: {  	_ =	swait.ge [sflag:s14], $0x2710  }
0x49: {  	[sflag:s14] =	ssyncset.done $0x0  }
.Ltmp2:
0x4a: {  	[sflag:s14] =	ssyncadd.s32 $0xFFFFD8F0;
	(pc) =	sbr.rel @!p0 .LBB2_2-.Ltmp2, $4  }
0x4b: {  	[tilespmem:s16], [sflag:$0x4] =	stream.linear.gather [hbm4b:s9+s4], $0x2710, $0x38;
	[tilespmem:$0x1FEA0] =	vst v63  }
0x4c: {  	_ =	swait.ge [sflag:s14], $0x2710  }
0x4d: {  	[sflag:s14] =	ssyncset.done $0x0  }
0x4e: {  	[sflag:s14] =	ssyncadd.s32 $0xFFFFD8F0  }
0x4f: {  	s0 =	rddreg [dreg:$0x7]  }
0x50: {  	[spmem:s18], [sflag:s30] =	dma.local [hbm:s0], $0x2710  }
0x51: {  	_ =	swait.ge [sflag:s14], $0x2710  }
0x52: {  	[sflag:s14] =	ssyncset.done $0x0  }
0x53: {  	s31 =	simm.s32 $0x0;
	[sflag:s14] =	ssyncadd.s32 $0xFFFFD8F0  }
0x54: {  	[tilespmem:s20], [sflag:$0x1] =	stream.indirect.gather [hbm4b:s5+s19], $0x80, s31, s19, $0xb8;
	[tilespmem:$0x1FEA0] =	vst v63  }
0x55: {  	[bflag:$0x0] =	sbarrier.arrive $0xFFFF  }
0x56: {  	[tilespmem:s21], [sflag:$0x2] =	stream.indirect.gather [hbm4b:s5+s19], $0x80, s19, s19, $0xb8;
	[tilespmem:$0x1FEA0] =	vst v63  }
0x57: {  	_ =	swait.ge [sflag:s22], $0x2800  }
0x58: {  	[sflag:s22] =	ssyncset.done $0x0  }
0x59: {  	[sflag:s22] =	ssyncadd.s32 $0xFFFFD800  }
0x5a: {  	[spmem:s3] =	stream.indirect.scatter.add.f32 [tilespmem:s20], [sflag:$0x1], $0x80, s16, s19, $0xb8;
	[tilespmem:$0x1FEA0] =	vst v63  }
0x5b: {  	s2 =	simm.s32 $0xA0  }
0x5c: {  	[tilespmem:s24], [sflag:$0x3] =	stream.indirect.gather [hbm4b:s5+s19], $0x80, s2, s19, $0xb8;
	[tilespmem:$0x1FEA0] =	vst v63  }
0x5d: {  	_ =	swait.ge [sflag:s25], $0x2800  }
0x5e: {  	[sflag:s25] =	ssyncset.done $0x0  }
0x5f: {  	s17 =	simm.s32 $0x2760;
	[sflag:s25] =	ssyncadd.s32 $0xFFFFD800  }
0x60: {  	[spmem:s3] =	stream.indirect.scatter.add.f32 [tilespmem:s21], [sflag:$0x2], $0x80, s17, s19, $0xb8;
	[tilespmem:$0x1FEA0] =	vst v63  }
0x61: {  	_ =	swait.ge [sflag:s22], $0x2800  }
0x62: {  	[sflag:s22] =	ssyncset.done $0x0  }
0x63: {  	s31 =	simm.s32 $0xF0;
	[sflag:s22] =	ssyncadd.s32 $0xFFFFD800  }
0x64: {  	[tilespmem:s20], [sflag:$0x1] =	stream.indirect.gather [hbm4b:s5+s19], $0x80, s31, s19, $0xb8;
	[tilespmem:$0x1FEA0] =	vst v63  }
0x65: {  	_ =	swait.ge [sflag:s29], $0x2800  }
0x66: {  	[sflag:s29] =	ssyncset.done $0x0  }
0x67: {  	s2 =	simm.s32 $0x27B0;
	[sflag:s29] =	ssyncadd.s32 $0xFFFFD800  }
0x68: {  	[spmem:s3] =	stream.indirect.scatter.add.f32 [tilespmem:s24], [sflag:$0x3], $0x80, s2, s19, $0xb8;
	[tilespmem:$0x1FEA0] =	vst v63  }
0x69: {  	_ =	swait.ge [sflag:s25], $0x2800  }
0x6a: {  	[sflag:s25] =	ssyncset.done $0x0  }
0x6b: {  	s17 =	simm.s32 $0x140;
	[sflag:s25] =	ssyncadd.s32 $0xFFFFD800  }
0x6c: {  	[tilespmem:s21], [sflag:$0x2] =	stream.indirect.gather [hbm4b:s5+s19], $0x80, s17, s19, $0xb8;
	[tilespmem:$0x1FEA0] =	vst v63  }
0x6d: {  	_ =	swait.ge [sflag:s22], $0x2800  }
0x6e: {  	[sflag:s22] =	ssyncset.done $0x0  }
0x6f: {  	s31 =	simm.s32 $0x2800;
	[sflag:s22] =	ssyncadd.s32 $0xFFFFD800  }
0x70: {  	[spmem:s3] =	stream.indirect.scatter.add.f32 [tilespmem:s20], [sflag:$0x1], $0x80, s31, s19, $0xb8;
	[tilespmem:$0x1FEA0] =	vst v63  }
0x71: {  	_ =	swait.ge [sflag:s29], $0x2800  }
0x72: {  	[sflag:s29] =	ssyncset.done $0x0  }
0x73: {  	s2 =	simm.s32 $0x190;
	[sflag:s29] =	ssyncadd.s32 $0xFFFFD800  }
0x74: {  	[tilespmem:s24], [sflag:$0x3] =	stream.indirect.gather [hbm4b:s5+s19], $0x80, s2, s19, $0xb8;
	[tilespmem:$0x1FEA0] =	vst v63  }
0x75: {  	_ =	swait.ge [sflag:s25], $0x2800  }
0x76: {  	[sflag:s25] =	ssyncset.done $0x0  }
0x77: {  	s17 =	simm.s32 $0x2850;
	[sflag:s25] =	ssyncadd.s32 $0xFFFFD800  }
0x78: {  	[spmem:s3] =	stream.indirect.scatter.add.f32 [tilespmem:s21], [sflag:$0x2], $0x80, s17, s19, $0xb8;
	[tilespmem:$0x1FEA0] =	vst v63  }
0x79: {  	_ =	swait.ge [sflag:s22], $0x2800  }
0x7a: {  	[sflag:s22] =	ssyncset.done $0x0  }
0x7b: {  	s31 =	simm.s32 $0x1E0;
	[sflag:s22] =	ssyncadd.s32 $0xFFFFD800  }
0x7c: {  	[tilespmem:s20], [sflag:$0x1] =	stream.indirect.gather [hbm4b:s5+s19], $0x80, s31, s19, $0xb8;
	[tilespmem:$0x1FEA0] =	vst v63  }
0x7d: {  	_ =	swait.ge [sflag:s29], $0x2800  }
0x7e: {  	[sflag:s29] =	ssyncset.done $0x0  }
0x7f: {  	s0 =	simm.s32 $0x28A0;
	s17 =	simm.s32 $0x3C0;
	[sflag:s29] =	ssyncadd.s32 $0xFFFFD800  }
.LBB2_6:
0x80: {  	[spmem:s3] =	stream.indirect.scatter.add.f32 [tilespmem:s24], [sflag:$0x3], $0x80, s0, s19, $0xb8;
	[tilespmem:$0x1FEA0] =	vst v63  }
0x81: {  	s0 =	smov.u32 s17  }
0x82: {  	p1 =	sne.s32 s17, $0x8E80;
	s17 =	sadd.s32 $0x3C0, s17;
	_ =	swait.ge [sflag:s25], $0x2800  }
0x83: {  	s0 =	sshra.s32 s0, $0x2;
	[sflag:s25] =	ssyncset.done $0x0  }
0x84: {  	s2 =	sadd.s32 $0x140, s0;
	[sflag:s25] =	ssyncadd.s32 $0xFFFFD800  }
0x85: {  	[tilespmem:s21], [sflag:$0x2] =	stream.indirect.gather [hbm4b:s5+s19], $0x80, s2, s19, $0xb8;
	[tilespmem:$0x1FEA0] =	vst v63  }
0x86: {  	_ =	swait.ge [sflag:s22], $0x2800  }
0x87: {  	[sflag:s22] =	ssyncset.done $0x0  }
0x88: {  	s2 =	sadd.s32 $0x2800, s0;
	[sflag:s22] =	ssyncadd.s32 $0xFFFFD800  }
0x89: {  	[spmem:s3] =	stream.indirect.scatter.add.f32 [tilespmem:s20], [sflag:$0x1], $0x80, s2, s19, $0xb8;
	[tilespmem:$0x1FEA0] =	vst v63  }
0x8a: {  	_ =	swait.ge [sflag:s29], $0x2800  }
0x8b: {  	[sflag:s29] =	ssyncset.done $0x0  }
0x8c: {  	s2 =	sadd.s32 $0x190, s0;
	[sflag:s29] =	ssyncadd.s32 $0xFFFFD800  }
0x8d: {  	[tilespmem:s24], [sflag:$0x3] =	stream.indirect.gather [hbm4b:s5+s19], $0x80, s2, s19, $0xb8;
	[tilespmem:$0x1FEA0] =	vst v63  }
0x8e: {  	_ =	swait.ge [sflag:s25], $0x2800  }
0x8f: {  	[sflag:s25] =	ssyncset.done $0x0  }
0x90: {  	s2 =	sadd.s32 $0x2850, s0;
	[sflag:s25] =	ssyncadd.s32 $0xFFFFD800  }
0x91: {  	[spmem:s3] =	stream.indirect.scatter.add.f32 [tilespmem:s21], [sflag:$0x2], $0x80, s2, s19, $0xb8;
	[tilespmem:$0x1FEA0] =	vst v63  }
0x92: {  	_ =	swait.ge [sflag:s22], $0x2800  }
0x93: {  	[sflag:s22] =	ssyncset.done $0x0  }
.Ltmp3:
0x94: {  	s2 =	sadd.s32 $0x1E0, s0;
	[sflag:s22] =	ssyncadd.s32 $0xFFFFD800;
	(pc) =	sbr.rel @p1 .LBB2_6-.Ltmp3, $4  }
0x95: {  	[tilespmem:s20], [sflag:$0x1] =	stream.indirect.gather [hbm4b:s5+s19], $0x80, s2, s19, $0xb8;
	[tilespmem:$0x1FEA0] =	vst v63  }
0x96: {  	_ =	swait.ge [sflag:s29], $0x2800  }
0x97: {  	[sflag:s29] =	ssyncset.done $0x0  }
0x98: {  	s0 =	sadd.s32 $0x28A0, s0;
	[sflag:s29] =	ssyncadd.s32 $0xFFFFD800  }
.Ltmp4:
0x99: {  	_ = 	snop;
	(pc) =	sbr.rel .LBB2_7-.Ltmp4, $1  }
0x9a: {  	_ =	sdelay $0x3  }
.LBB2_2:
0x9b: {  	s17 =	sor.u32 $0x1C04, s15;
	s0 =	rddreg [dreg:$0x6]  }
0x9c: {  	[spmem:s18], [sflag:s17] =	dma.local [hbm:s0], $0x2710  }
0x9d: {  	_ =	swait.ge [sflag:s14], $0x2710  }
0x9e: {  	[sflag:s14] =	ssyncset.done $0x0  }
0x9f: {  	s2 =	simm.s32 $0x0;
	[sflag:s14] =	ssyncadd.s32 $0xFFFFD8F0  }
0xa0: {  	[tilespmem:s20], [sflag:$0x1] =	stream.indirect.gather [hbm4b:s1+s19], $0x80, s2, s19, $0xb8;
	[tilespmem:$0x1FEA0] =	vst v63  }
0xa1: {  	[bflag:$0x0] =	sbarrier.arrive $0xFFFF  }
0xa2: {  	[tilespmem:s21], [sflag:$0x2] =	stream.indirect.gather [hbm4b:s1+s19], $0x80, s19, s19, $0xb8;
	[tilespmem:$0x1FEA0] =	vst v63  }
0xa3: {  	_ =	swait.ge [sflag:s22], $0x2800  }
0xa4: {  	[sflag:s22] =	ssyncset.done $0x0  }
0xa5: {  	[sflag:s22] =	ssyncadd.s32 $0xFFFFD800  }
0xa6: {  	[spmem:s3] =	stream.indirect.scatter.add.f32 [tilespmem:s20], [sflag:$0x1], $0x80, s16, s19, $0xb8;
	[tilespmem:$0x1FEA0] =	vst v63  }
0xa7: {  	s2 =	simm.s32 $0xA0  }
0xa8: {  	[tilespmem:s24], [sflag:$0x3] =	stream.indirect.gather [hbm4b:s1+s19], $0x80, s2, s19, $0xb8;
	[tilespmem:$0x1FEA0] =	vst v63  }
0xa9: {  	_ =	swait.ge [sflag:s25], $0x2800  }
0xaa: {  	[sflag:s25] =	ssyncset.done $0x0  }
0xab: {  	s2 =	simm.s32 $0x2760;
	[sflag:s25] =	ssyncadd.s32 $0xFFFFD800  }
0xac: {  	[spmem:s3] =	stream.indirect.scatter.add.f32 [tilespmem:s21], [sflag:$0x2], $0x80, s2, s19, $0xb8;
	[tilespmem:$0x1FEA0] =	vst v63  }
0xad: {  	_ =	swait.ge [sflag:s22], $0x2800  }
0xae: {  	[sflag:s22] =	ssyncset.done $0x0  }
0xaf: {  	s2 =	simm.s32 $0xF0;
	[sflag:s22] =	ssyncadd.s32 $0xFFFFD800  }
0xb0: {  	[tilespmem:s20], [sflag:$0x1] =	stream.indirect.gather [hbm4b:s1+s19], $0x80, s2, s19, $0xb8;
	[tilespmem:$0x1FEA0] =	vst v63  }
0xb1: {  	_ =	swait.ge [sflag:s29], $0x2800  }
0xb2: {  	[sflag:s29] =	ssyncset.done $0x0  }
0xb3: {  	s2 =	simm.s32 $0x27B0;
	[sflag:s29] =	ssyncadd.s32 $0xFFFFD800  }
0xb4: {  	[spmem:s3] =	stream.indirect.scatter.add.f32 [tilespmem:s24], [sflag:$0x3], $0x80, s2, s19, $0xb8;
	[tilespmem:$0x1FEA0] =	vst v63  }
0xb5: {  	_ =	swait.ge [sflag:s25], $0x2800  }
0xb6: {  	[sflag:s25] =	ssyncset.done $0x0  }
0xb7: {  	s2 =	simm.s32 $0x140;
	[sflag:s25] =	ssyncadd.s32 $0xFFFFD800  }
0xb8: {  	[tilespmem:s21], [sflag:$0x2] =	stream.indirect.gather [hbm4b:s1+s19], $0x80, s2, s19, $0xb8;
	[tilespmem:$0x1FEA0] =	vst v63  }
0xb9: {  	_ =	swait.ge [sflag:s22], $0x2800  }
0xba: {  	[sflag:s22] =	ssyncset.done $0x0  }
0xbb: {  	s2 =	simm.s32 $0x2800;
	[sflag:s22] =	ssyncadd.s32 $0xFFFFD800  }
0xbc: {  	[spmem:s3] =	stream.indirect.scatter.add.f32 [tilespmem:s20], [sflag:$0x1], $0x80, s2, s19, $0xb8;
	[tilespmem:$0x1FEA0] =	vst v63  }
0xbd: {  	_ =	swait.ge [sflag:s29], $0x2800  }
0xbe: {  	[sflag:s29] =	ssyncset.done $0x0  }
0xbf: {  	s2 =	simm.s32 $0x190;
	[sflag:s29] =	ssyncadd.s32 $0xFFFFD800  }
0xc0: {  	[tilespmem:s24], [sflag:$0x3] =	stream.indirect.gather [hbm4b:s1+s19], $0x80, s2, s19, $0xb8;
	[tilespmem:$0x1FEA0] =	vst v63  }
0xc1: {  	_ =	swait.ge [sflag:s25], $0x2800  }
0xc2: {  	[sflag:s25] =	ssyncset.done $0x0  }
0xc3: {  	s2 =	simm.s32 $0x2850;
	[sflag:s25] =	ssyncadd.s32 $0xFFFFD800  }
0xc4: {  	[spmem:s3] =	stream.indirect.scatter.add.f32 [tilespmem:s21], [sflag:$0x2], $0x80, s2, s19, $0xb8;
	[tilespmem:$0x1FEA0] =	vst v63  }
0xc5: {  	_ =	swait.ge [sflag:s22], $0x2800  }
0xc6: {  	[sflag:s22] =	ssyncset.done $0x0  }
0xc7: {  	s2 =	simm.s32 $0x1E0;
	[sflag:s22] =	ssyncadd.s32 $0xFFFFD800  }
0xc8: {  	[tilespmem:s20], [sflag:$0x1] =	stream.indirect.gather [hbm4b:s1+s19], $0x80, s2, s19, $0xb8;
	[tilespmem:$0x1FEA0] =	vst v63  }
0xc9: {  	_ =	swait.ge [sflag:s29], $0x2800  }
0xca: {  	[sflag:s29] =	ssyncset.done $0x0  }
0xcb: {  	s31 =	simm.s32 $0x3C0;
	s0 =	simm.s32 $0x28A0;
	[sflag:s29] =	ssyncadd.s32 $0xFFFFD800  }
.LBB2_3:
0xcc: {  	[spmem:s3] =	stream.indirect.scatter.add.f32 [tilespmem:s24], [sflag:$0x3], $0x80, s0, s19, $0xb8;
	[tilespmem:$0x1FEA0] =	vst v63  }
0xcd: {  	s0 =	smov.u32 s31  }
0xce: {  	p1 =	seq.s32 s31, $0x8E80;
	s31 =	sadd.s32 $0x3C0, s31;
	_ =	swait.ge [sflag:s25], $0x2800  }
0xcf: {  	s0 =	sshra.s32 s0, $0x2;
	[sflag:s25] =	ssyncset.done $0x0  }
0xd0: {  	s2 =	sadd.s32 $0x140, s0;
	[sflag:s25] =	ssyncadd.s32 $0xFFFFD800  }
0xd1: {  	[tilespmem:s21], [sflag:$0x2] =	stream.indirect.gather [hbm4b:s1+s19], $0x80, s2, s19, $0xb8;
	[tilespmem:$0x1FEA0] =	vst v63  }
0xd2: {  	_ =	swait.ge [sflag:s22], $0x2800  }
0xd3: {  	[sflag:s22] =	ssyncset.done $0x0  }
0xd4: {  	s2 =	sadd.s32 $0x2800, s0;
	[sflag:s22] =	ssyncadd.s32 $0xFFFFD800  }
0xd5: {  	[spmem:s3] =	stream.indirect.scatter.add.f32 [tilespmem:s20], [sflag:$0x1], $0x80, s2, s19, $0xb8;
	[tilespmem:$0x1FEA0] =	vst v63  }
0xd6: {  	_ =	swait.ge [sflag:s29], $0x2800  }
0xd7: {  	[sflag:s29] =	ssyncset.done $0x0  }
0xd8: {  	s2 =	sadd.s32 $0x190, s0;
	[sflag:s29] =	ssyncadd.s32 $0xFFFFD800  }
0xd9: {  	[tilespmem:s24], [sflag:$0x3] =	stream.indirect.gather [hbm4b:s1+s19], $0x80, s2, s19, $0xb8;
	[tilespmem:$0x1FEA0] =	vst v63  }
0xda: {  	_ =	swait.ge [sflag:s25], $0x2800  }
0xdb: {  	[sflag:s25] =	ssyncset.done $0x0  }
0xdc: {  	s2 =	sadd.s32 $0x2850, s0;
	[sflag:s25] =	ssyncadd.s32 $0xFFFFD800  }
0xdd: {  	[spmem:s3] =	stream.indirect.scatter.add.f32 [tilespmem:s21], [sflag:$0x2], $0x80, s2, s19, $0xb8;
	[tilespmem:$0x1FEA0] =	vst v63  }
0xde: {  	_ =	swait.ge [sflag:s22], $0x2800  }
0xdf: {  	[sflag:s22] =	ssyncset.done $0x0  }
.Ltmp5:
0xe0: {  	s2 =	sadd.s32 $0x1E0, s0;
	[sflag:s22] =	ssyncadd.s32 $0xFFFFD800;
	(pc) =	sbr.rel @!p1 .LBB2_3-.Ltmp5, $4  }
0xe1: {  	[tilespmem:s20], [sflag:$0x1] =	stream.indirect.gather [hbm4b:s1+s19], $0x80, s2, s19, $0xb8;
	[tilespmem:$0x1FEA0] =	vst v63  }
0xe2: {  	_ =	swait.ge [sflag:s29], $0x2800  }
0xe3: {  	[sflag:s29] =	ssyncset.done $0x0  }
0xe4: {  	s0 =	sadd.s32 $0x28A0, s0;
	[sflag:s29] =	ssyncadd.s32 $0xFFFFD800  }
.Ltmp6:
0xe5: {  	(pc) =	sbr.rel .LBB2_8-.Ltmp6, $3  }
0xe6: {  	_ =	sdelay $0x1  }
0xe7: {  	[spmem:s3] =	stream.indirect.scatter.add.f32 [tilespmem:s24], [sflag:$0x3], $0x80, s0, s19, $0xb8;
	[tilespmem:$0x1FEA0] =	vst v63  }
0xe8: {  	s0 =	smov.u32 s1;
	s31 =	rddreg [dreg:$0x4]  }
.LBB2_9:
0xe9: {  	_ =	sfence.sel $0x180000  }
0xea: {  	[bflag:$0x0] =	sbarrier.arrive $0xFFFF  }
0xeb: {  	_ =	strace $0x9000004A  }
0xec: {  	s0 =	stileid.u32;
	[bflag:$0x2] =	sbarrier.arrive $0xFFFF  }
0xed: {  	p0 =	sne.s32 s0, $0x0;
	s0 =	rddreg [dreg:$0x3]  }
0xee: {  	s0 =	sadd.s32 @!p0 $0x100000, s0  }
0xef: {  	[sflag:s0] =	ssyncadd.tile.s32 @!p0 $0x1;
	_ =	shalt  }
.Lfunc_end2:
_tile_overlayer_lowered:
.L_overlay_start_2:
0xf0: {  	(tag) =	ssettag $0x2  }
0xf1: {  	s0 =	rddreg [dreg:$0x0];
	s2 =	stileid.u32  }
0xf2: {  	s1 =	rddreg [dreg:$0x1];
	p0 =	sne.s32 s2, $0x0  }
0xf3: {  	s3 =	rddreg [dreg:$0x2];
	[bflag:$0x3] =	sbarrier.arrive $0xFFFF;
	s2 =	simm.s32 @!p0 $0x1C04  }
0xf4: {  	[timem:s3], [sflag:s2] =	dma.local @!p0 [hbm:s0], s1  }
0xf5: {  	s0 =	simm.s32 @!p0 $0x4  }
0xf6: {  	_ =	swait.ge @!p0 [sflag:s0], s1  }
0xf7: {  	s1 =	ssub.s32 @!p0 $0x0, s1;
	[sflag:s0] =	ssyncset.done @!p0 $0x0  }
0xf8: {  	[sflag:s0] =	ssyncadd.s32 @!p0 s1  }
0xf9: {  	[bflag:$0x3] =	sbarrier.arrive $0xFFFF  }
0xfa: {  	_ =	shalt  }

// kernel: kernel.14.cloned.1.call-start
scs
__scs_entry_jumppad:
0x0: {  	(pc) =	sbr.rel $0x88, $3  }
0x1: {  	(tag) =	ssettag $0x0;
	lr =	simm.s32 $0x1  }
0x2: {  	[smem:$0x3F9A] =	sst lr;
	_ =	strace $0xD0000000  }
0x3: {  	_ = 	snop  }
0x4: {  	_ = 	snop  }
0x5: {  	_ = 	snop  }
0x6: {  	_ = 	snop  }
0x7: {  	_ = 	snop  }
__scs_overlays_trampoline_lowered:
0x8: {  	[smem:$0x3FA9] =	sst s0  }
0x9: {  	[smem:$0x3FAA] =	sst s1  }
0xa: {  	[smem:$0x3FAB] =	sst s2  }
0xb: {  	[smem:$0x3FAC] =	sst s3  }
0xc: {  	[smem:$0x3FAD] =	sst s4  }
0xd: {  	[smem:$0x3FAE] =	sst s5  }
0xe: {  	[smem:$0x3FAF] =	sst s6  }
0xf: {  	[smem:$0x3FB0] =	sst s7  }
0x10: {  	[smem:$0x3FB1] =	sst s8  }
0x11: {  	[smem:$0x3FB2] =	sst s9;
	s0 =	simm.s32 @!p0 $0x0  }
0x12: {  	s1 =	sld [smem:$0x3F98];
	s0 =	simm.s32 @p0 $0x1  }
0x13: {  	[smem:$0x3FB3] =	sst s0;
	s0 =	simm.s32 @!p1 $0x0  }
0x14: {  	s2 =	sld [smem:$0x3F97];
	s0 =	simm.s32 @p1 $0x1  }
0x15: {  	[smem:$0x3FB4] =	sst s0;
	s0 =	simm.s32 @!p2 $0x0  }
0x16: {  	s3 =	sld [smem:$0x3FDB];
	s0 =	simm.s32 @p2 $0x1  }
0x17: {  	s4 =	simm.s32 $0x1BF5;
	[smem:$0x3FB6] =	sst s0  }
0x18: {  	s0 =	sld [smem:$0x3F99];
	_ =	swait.ge [sflag:s4], $0x0  }
0x19: {  	s7 =	sld [smem:$0x3F9A]  }
0x1a: {  	s8 =	sadd.s32 $0xFFFFE003, lr  }
0x1b: {  	s9 =	sadd.s32 $0xFFFFFEF7, lr;
	s5 =	simm.s32 $0xFFFFFFFF;
	p2 =	slt.u32 s8, $0xFFFFF086  }
0x1c: {  	p1 =	slt.u32 s9, $0xF7A;
	s5 =	simm.s32 @!p2 $0x0  }
0x1d: {  	s5 =	simm.s32 @p1 $0x1;
	p0 =	seq.s32 s7, s2  }
0x1e: {  	s7 =	smul.u32 @!p0 $0xF7A, s2;
	p2 =	seq.s32 @!p0 s5, $0x0  }
0x1f: {  	s9 =	smul.u32 $0xF7A, s1;
	s8 =	simm.s32 @!p0 $0x1BF5;
	p2 =	por !p2, p0  }
0x20: {  	[sflag:s8] =	ssyncset.s32 @!p0 $0xFFFFF086;
	s6 =	sadd.s32 @!p0 s3, s7;
	s7 =	simm.s32 @!p0 $0x108  }
0x21: {  	s3 =	sadd.s32 s3, s9;
	s6 =	sadd.s32 @!p0 $0x88, s6;
	s7 =	simm.s32 @p2 $0x1082  }
0x22: {  	[simem:s7], [sflag:s8] =	dma.local @!p0 [hbm:s6], $0xF7A  }
0x23: {  	s9 =	sor.u32 $0xD0000000, s2;
	s6 =	simm.s32 $0x108;
	_ =	swait.ge @!p0 [sflag:s8], $0x0  }
0x24: {  	s3 =	sadd.s32 $0x88, s3;
	s6 =	simm.s32 @!p1 $0x1082;
	[sflag:s4] =	ssyncset.s32 $0xFFFFF086  }
0x25: {  	[simem:s6], [sflag:s4] =	dma.local [hbm:s3], $0xF7A  }
0x26: {  	[smem:$0x3F9A] =	sst s1;
	(tag) =	ssettag s2;
	_ =	strace s9  }
0x27: {  	s1 =	sld [smem:$0x3FAA]  }
0x28: {  	s2 =	sld [smem:$0x3FAB]  }
0x29: {  	s4 =	sld [smem:$0x3FAD]  }
0x2a: {  	p0 =	seq.s32 s5, $0x0;
	s5 =	sld [smem:$0x3FAE]  }
0x2b: {  	s6 =	sld [smem:$0x3FAF]  }
0x2c: {  	s7 =	sld [smem:$0x3FB0]  }
0x2d: {  	s3 =	simm.s32 $0x108;
	s8 =	sld [smem:$0x3FB1]  }
0x2e: {  	s3 =	simm.s32 @!p0 $0x1082;
	s9 =	sld [smem:$0x3FB2]  }
0x2f: {  	lr =	sadd.s32 s0, s3;
	s0 =	sld [smem:$0x3FA9]  }
0x30: {  	s3 =	sld [smem:$0x3FAC]  }
0x31: {  	[smem:$0x3FB5] =	sst s10  }
0x32: {  	s10 =	sld [smem:$0x3FB3];
	_ =	sdelay $0x3  }
0x33: {  	p0 =	seq.s32 s10, $0x1;
	s10 =	sld [smem:$0x3FB5];
	_ =	sdelay $0x3  }
0x34: {  	[smem:$0x3FB5] =	sst s10  }
0x35: {  	s10 =	sld [smem:$0x3FB4];
	_ =	sdelay $0x3  }
0x36: {  	p1 =	seq.s32 s10, $0x1;
	s10 =	sld [smem:$0x3FB5];
	_ =	sdelay $0x3  }
0x37: {  	[smem:$0x3FB5] =	sst s10  }
0x38: {  	s10 =	sld [smem:$0x3FB6]  }
0x39: {  	_ = 	snop;
	(pc) =	sbr.ind lr, $3  }
0x3a: {  	_ = 	snop  }
0x3b: {  	_ = 	snop  }
0x3c: {  	p2 =	seq.s32 s10, $0x1;
	s10 =	sld [smem:$0x3FB5]  }
0x3d: {  	_ =	shalt  }
0x3e: {  	_ =	shalt  }
0x3f: {  	_ =	shalt  }
0x40: {  	_ =	shalt  }
0x41: {  	_ =	shalt  }
0x42: {  	_ =	shalt  }
0x43: {  	_ =	shalt  }
0x44: {  	_ =	shalt  }
0x45: {  	_ =	shalt  }
0x46: {  	_ =	shalt  }
0x47: {  	_ =	shalt  }
0x48: {  	_ =	shalt  }
0x49: {  	_ =	shalt  }
0x4a: {  	_ =	shalt  }
0x4b: {  	_ =	shalt  }
0x4c: {  	_ =	shalt  }
0x4d: {  	_ =	shalt  }
0x4e: {  	_ =	shalt  }
0x4f: {  	_ =	shalt  }
0x50: {  	_ =	shalt  }
0x51: {  	_ =	shalt  }
0x52: {  	_ =	shalt  }
0x53: {  	_ =	shalt  }
0x54: {  	_ =	shalt  }
0x55: {  	_ =	shalt  }
0x56: {  	_ =	shalt  }
0x57: {  	_ =	shalt  }
0x58: {  	_ =	shalt  }
0x59: {  	_ =	shalt  }
0x5a: {  	_ =	shalt  }
0x5b: {  	_ =	shalt  }
0x5c: {  	_ =	shalt  }
0x5d: {  	_ =	shalt  }
0x5e: {  	_ =	shalt  }
0x5f: {  	_ =	shalt  }
0x60: {  	_ =	shalt  }
0x61: {  	_ =	shalt  }
0x62: {  	_ =	shalt  }
0x63: {  	_ =	shalt  }
0x64: {  	_ =	shalt  }
0x65: {  	_ =	shalt  }
0x66: {  	_ =	shalt  }
0x67: {  	_ =	shalt  }
0x68: {  	_ =	shalt  }
0x69: {  	_ =	shalt  }
0x6a: {  	_ =	shalt  }
0x6b: {  	_ =	shalt  }
0x6c: {  	_ =	shalt  }
0x6d: {  	_ =	shalt  }
0x6e: {  	_ =	shalt  }
0x6f: {  	_ =	shalt  }
0x70: {  	_ =	shalt  }
0x71: {  	_ =	shalt  }
0x72: {  	_ =	shalt  }
0x73: {  	_ =	shalt  }
0x74: {  	_ =	shalt  }
0x75: {  	_ =	shalt  }
0x76: {  	_ =	shalt  }
0x77: {  	_ =	shalt  }
0x78: {  	_ =	shalt  }
0x79: {  	_ =	shalt  }
0x7a: {  	_ =	shalt  }
0x7b: {  	_ =	shalt  }
0x7c: {  	_ =	shalt  }
0x7d: {  	_ =	shalt  }
0x7e: {  	_ =	shalt  }
0x7f: {  	_ =	shalt  }
0x80: {  	_ =	shalt  }
0x81: {  	_ =	shalt  }
0x82: {  	_ =	shalt  }
0x83: {  	_ =	shalt  }
0x84: {  	_ =	shalt  }
0x85: {  	_ =	shalt  }
0x86: {  	_ =	shalt  }
0x87: {  	_ =	shalt  }
.Lfunc_end0:
.L_simem_size_0:
called_computation.2_lowered:
.L_overlay_start_0:
0x88: {  	s2 =	sld [smem:$0x3FD9]  }
0x89: {  	s3 =	sld [smem:$0x3FFE];
	_ =	sdelay $0x1  }
0x8a: {  	s1 =	srdreg.scid  }
0x8b: {  	s0 =	sand.u32 $0x1, s1  }
0x8c: {  	s17 =	sshll.u32 s0, $0xA;
	s2 =	sadd.s32 s3, s2  }
0x8d: {  	s2 =	sadd.s32 s2, s17  }
0x8e: {  	[smem:$0x3FC1] =	sst s2  }
0x8f: {  	_ = 	snop  }
0x90: {  	s2 =	sld [smem:$0x3FD0];
	(tm) =	ssettm $0x1  }
0x91: {  	s18 =	sld [smem:$0x3FFB];
	_ =	sdelay $0x3  }
0x92: {  	_ =	strace s18  }
0x93: {  	s3 =	sld [smem:$0x3FFC];
	_ =	sdelay $0x3  }
0x94: {  	_ =	strace s3  }
0x95: {  	s3 =	sld [smem:$0x3FFD];
	_ =	sdelay $0x3  }
0x96: {  	_ =	strace s3  }
0x97: {  	_ =	strace $0x8FFFFFFF  }
0x98: {  	s19 =	sld [smem:$0x3FDB];
	_ =	sdelay $0x1  }
0x99: {  	s4 =	simm.s32 $_scs_section_size  }
0x9a: {  	s5 =	simm.s32 $_size__tile_overlayer_lowered;
	s6 =	simm.s32 $_tile_overlayer_lowered  }
0x9b: {  	s22 =	simm.s32 $0x1BFF;
	s21 =	sshll.u32 s6, $0x1;
	s3 =	sadd.s32 s4, s19  }
0x9c: {  	s7 =	simm.s32 $0x0;
	s20 =	sshll.u32 s5, $0x1;
	s5 =	sadd.s32 s21, s3  }
0x9d: {  	[timem:s7], [sflag:s22] =	dma.local [hbm:s5], s20  }
0x9e: {  	_ =	swait.ge [sflag:s22], s20  }
0x9f: {  	s4 =	ssub.s32 $0x0, s20;
	[sflag:s22] =	ssyncset.done $0x0  }
0xa0: {  	[sflag:s22] =	ssyncadd.s32 s4;
	_ =	sdelay $0x1  }
0xa1: {  	s23 =	simm.s32 $0x1B8B  }
0xa2: {  	_ =	swait.ge [sflag:s23], $0x1  }
0xa3: {  	[sflag:s23] =	ssyncset.done $0x0  }
0xa4: {  	s25 =	simm.s32 $0x1B8E;
	s24 =	sld [smem:$0x3FFE];
	[sflag:s23] =	ssyncadd.s32 $0xFFFFFFFF  }
0xa5: {  	s26 =	simm.s32 $execute0_lowered;
	[smem:$0x3FD2] =	sst s25  }
0xa6: {  	s5 =	sshll.u32 s26, $0x1;
	_ =	strace $0x8000004C;
	[dreg:$0x1] =	wrdreg $0xFFFFFFFF  }
0xa7: {  	s28 =	simm.s32 $_size_execute0_lowered;
	s3 =	sadd.s32 s3, s5;
	[dreg:$0x0] =	wrdreg $0x0  }
0xa8: {  	s5 =	sshll.u32 s28, $0x1;
	[dreg:$0x2] =	wrdreg s3  }
0xa9: {  	[dreg:$0x3] =	wrdreg s5  }
0xaa: {  	[dreg:$0x4] =	wrdreg $0xC0  }
0xab: {  	_ =	task [dreg:s7], $0x5FFFF  }
0xac: {  	[dreg:$0x1] =	wrdreg $0xFFFFFFFF  }
0xad: {  	[dreg:$0x0] =	wrdreg $0x60  }
0xae: {  	[dreg:$0x2] =	wrdreg s2  }
0xaf: {  	[dreg:$0x3] =	wrdreg s24  }
0xb0: {  	[dreg:$0x4] =	wrdreg $0xC6200  }
0xb1: {  	[dreg:$0x5] =	wrdreg $0x9  }
0xb2: {  	_ =	task.clear_ibuf [dreg:s7], $0x6FFFF;
	_ =	strace $0x9000004C  }
0xb3: {  	s29 =	simm.s32 $0x9;
	_ =	strace $0x8000004E  }
0xb4: {  	_ =	swait.ge [sflag:s29], $0x1  }
0xb5: {  	[sflag:s29] =	ssyncadd.s32 $0xFFFFFFFF  }
0xb6: {  	_ =	strace $0x9000004E  }
0xb7: {  	_ =	sfence  }
0xb8: {  	s30 =	sld [smem:$0x0];
	_ =	sdelay $0x2  }
0xb9: {  	s31 =	sshll.u32 s1, $0xD;
	s1 =	sshrl.u32 s1, $0x2  }
0xba: {  	s3 =	sand.u32 $0x4000, s31;
	s1 =	sadd.s32 s1, s30  }
0xbb: {  	s0 =	sor.u32 s3, s0;
	s1 =	sshll.u32 s1, $0x11  }
0xbc: {  	s0 =	sor.u32 s1, s0  }
0xbd: {  	s0 =	sadd.s32 $0x8F2B, s0  }
0xbe: {  	[sflag:s0] =	ssyncadd.remote.s32 $0x1  }
0xbf: {  	_ =	sfence.sel $0xFFFF  }
0xc0: {  	[dreg:$0x0] =	wrdreg $0xFFFFFFFF;
	(pc) =	sbr.abs _section_cstart, $3  }
0xc1: {  	[dreg:$0x1] =	wrdreg $0xFFFFFFFF  }
0xc2: {  	_ =	task.clear_ibuf [dreg:s7], $0x2FFFF;
	_ =	strace $0x9FFFFFFF  }
0xc3: {  	(tm) =	ssettm $0x7FFFFFFF  }
tec
execute0_lowered:
.L_overlay_start_1:
0x0: {  	(tag) =	ssettag $0x1  }
0x1: {  	s1 =	rddreg [dreg:$0x0]  }
0x2: {  	s0 =	rddreg [dreg:$0x1]  }
0x3: {  	s3 =	rddreg [dreg:$0x2];
	s4 =	simm.s32 $0x0;
	s12 =	stileid.u32  }
0x4: {  	s5 =	srdreg.scid;
	s14 =	simm.s32 $0x4;
	s16 =	simm.s32 $0x2710  }
0x5: {  	s19 =	simm.s32 $0x50;
	s20 =	simm.s32 $0x4E20;
	s21 =	simm.s32 $0x7620  }
0x6: {  	s22 =	simm.s32 $0x1;
	s29 =	simm.s32 $0x3;
	s28 =	simm.s32 $0x0  }
0x7: {  	[smem:$0x7FF] =	sst s4;
	s2 =	smul.u32 $0x4E2, s12;
	s6 =	sand.u32 $0x1, s5  }
0x8: {  	s5 =	sadd.s32 $0xD400, s0;
	s8 =	sadd.s32 $0x5B800, s0;
	s11 =	smul.u32 $0x13880, s12  }
0x9: {  	s15 =	sshll.u32 s12, $0x6;
	s12 =	simm.s32 $0x26C0;
	_ =	strace $0x8000004D  }
0xa: {  	s7 =	ssub.s32 $0x2, s6;
	[dreg:$0x4] =	wrdreg s8;
	p0 =	seq.s32 s6, $0x1  }
0xb: {  	s30 =	sor.u32 $0x1C04, s15;
	s6 =	simm.s32 $0x4CE0;
	s2 =	sadd.s32 s2, s0  }
0xc: {  	s23 =	sshrl.u32 s7, $0x1;
	s0 =	sadd.s32 $0x82A00, s0;
	s10 =	sshrl.u32 s11, $0x3  }
0xd: {  	s25 =	sadd.s32 s11, s3;
	s11 =	simm.s32 $0x4D30;
	[dreg:$0x5] =	wrdreg s0  }
.Ltmp0:
0xe: {  	s24 =	ssub.s32 s7, s23;
	s8 =	sadd.s32 $0x3400, s2;
	(pc) =	sbr.rel .LBB2_1-.Ltmp0, $4  }
0xf: {  	s9 =	sadd.s32 $0x8400, s2;
	s26 =	sadd.s32 s1, s10;
	s31 =	sadd.s32 s5, s10  }
0x10: {  	s18 =	sshrl.u32 s25, $0x3;
	s25 =	simm.s32 $0x2;
	[dreg:$0x6] =	wrdreg s26  }
0x11: {  	s7 =	simm.s32 $0x2670;
	s23 =	simm.s32 $0x4D80;
	[dreg:$0x7] =	wrdreg s31  }
0x12: {  	s13 =	smax.u32 s24, $0x1;
	s24 =	simm.s32 $0x9E20;
	s26 =	simm.s32 $0x4DD0  }
.LBB2_7:
0x13: {  	[spmem:s3] =	stream.indirect.scatter.add.f32 [tilespmem:s24], [sflag:$0x3], $0x80, s0, s19, $0xb8;
	[tilespmem:$0x1FEA0] =	vst v63  }
0x14: {  	s0 =	smov.u32 s5;
	s31 =	rddreg [dreg:$0x5];
	s17 =	smov.u32 s30  }
.LBB2_8:
0x15: {  	_ =	swait.ge [sflag:s25], $0x2800  }
0x16: {  	[sflag:s25] =	ssyncset.done $0x0  }
0x17: {  	s2 =	simm.s32 $0x25D0;
	[sflag:s25] =	ssyncadd.s32 $0xFFFFD800  }
0x18: {  	[tilespmem:s21], [sflag:$0x2] =	stream.indirect.gather [hbm4b:s0+s19], $0x80, s2, s19, $0xb8;
	[tilespmem:$0x1FEA0] =	vst v63  }
0x19: {  	_ =	swait.ge [sflag:s22], $0x2800  }
0x1a: {  	[sflag:s22] =	ssyncset.done $0x0  }
0x1b: {  	s2 =	simm.s32 $0x4C90;
	[sflag:s22] =	ssyncadd.s32 $0xFFFFD800  }
0x1c: {  	[spmem:s3] =	stream.indirect.scatter.add.f32 [tilespmem:s20], [sflag:$0x1], $0x80, s2, s19, $0xb8;
	[tilespmem:$0x1FEA0] =	vst v63  }
0x1d: {  	_ =	swait.ge [sflag:s29], $0x2800  }
0x1e: {  	[sflag:s29] =	ssyncset.done $0x0  }
0x1f: {  	s2 =	simm.s32 $0x2620;
	[sflag:s29] =	ssyncadd.s32 $0xFFFFD800  }
0x20: {  	[tilespmem:s24], [sflag:$0x3] =	stream.indirect.gather [hbm4b:s0+s19], $0x80, s2, s19, $0xb8;
	[tilespmem:$0x1FEA0] =	vst v63  }
0x21: {  	_ =	swait.ge [sflag:s25], $0x2800  }
0x22: {  	[sflag:s25] =	ssyncset.done $0x0  }
0x23: {  	[sflag:s25] =	ssyncadd.s32 $0xFFFFD800  }
0x24: {  	[spmem:s3] =	stream.indirect.scatter.add.f32 [tilespmem:s21], [sflag:$0x2], $0x80, s6, s19, $0xb8;
	[tilespmem:$0x1FEA0] =	vst v63  }
0x25: {  	_ =	swait.ge [sflag:s22], $0x2800  }
0x26: {  	[sflag:s22] =	ssyncset.done $0x0  }
0x27: {  	[sflag:s22] =	ssyncadd.s32 $0xFFFFD800  }
0x28: {  	[tilespmem:s20], [sflag:$0x1] =	stream.indirect.gather [hbm4b:s0+s19], $0x80, s7, s19, $0xb8;
	[tilespmem:$0x1FEA0] =	vst v63  }
0x29: {  	_ =	swait.ge [sflag:s29], $0x2800  }
0x2a: {  	[sflag:s29] =	ssyncset.done $0x0  }
0x2b: {  	[sflag:s29] =	ssyncadd.s32 $0xFFFFD800  }
0x2c: {  	[spmem:s3] =	stream.indirect.scatter.add.f32 [tilespmem:s24], [sflag:$0x3], $0x80, s11, s19, $0xb8;
	[tilespmem:$0x1FEA0] =	vst v63  }
0x2d: {  	_ =	swait.ge [sflag:s25], $0x2800  }
0x2e: {  	[sflag:s25] =	ssyncset.done $0x0  }
0x2f: {  	[sflag:s25] =	ssyncadd.s32 $0xFFFFD800  }
0x30: {  	[tilespmem:s21], [sflag:$0x2] =	stream.indirect.gather [hbm4b:s0+s19], $0x80, s12, s19, $0xb8;
	[tilespmem:$0x1FEA0] =	vst v63  }
0x31: {  	_ =	swait.ge [sflag:s22], $0x2800  }
0x32: {  	[sflag:s22] =	ssyncset.done $0x0  }
0x33: {  	[sflag:s22] =	ssyncadd.s32 $0xFFFFD800  }
0x34: {  	[spmem:s3] =	stream.indirect.scatter.add.f32 [tilespmem:s20], [sflag:$0x1], $0x80, s23, s19, $0xb8;
	[tilespmem:$0x1FEA0] =	vst v63  }
0x35: {  	_ =	swait.ge [sflag:s25], $0x2800  }
0x36: {  	[sflag:s25] =	ssyncset.done $0x0  }
0x37: {  	[sflag:s25] =	ssyncadd.s32 $0xFFFFD800  }
0x38: {  	[spmem:s3] =	stream.indirect.scatter.add.f32 [tilespmem:s21], [sflag:$0x2], $0x80, s26, s19, $0xb8;
	[tilespmem:$0x1FEA0] =	vst v63  }
0x39: {  	_ =	swait.ge [sflag:s22], $0x2800  }
0x3a: {  	[sflag:s22] =	ssyncset.done $0x0  }
0x3b: {  	[sflag:s22] =	ssyncadd.s32 $0xFFFFD800  }
0x3c: {  	_ =	swait.ge [sflag:s25], $0x2800  }
0x3d: {  	[sflag:s25] =	ssyncset.done $0x0  }
0x3e: {  	[sflag:s25] =	ssyncadd.s32 $0xFFFFD800  }
0x3f: {  	_ =	swait.ge [sflag:s29], $0x2800  }
0x40: {  	s28 =	sadd.s32 $0x1, s28;
	[sflag:s29] =	ssyncset.done $0x0  }
0x41: {  	p1 =	sne.s32 s28, s13;
	[sflag:s29] =	ssyncadd.s32 $0xFFFFD800  }
.Ltmp1:
0x42: {  	s31 =	sadd.s32 s31, s10;
	[bflag:$0x0] =	sbarrier.arrive $0xFFFF;
	(pc) =	sbr.rel @!p1 .LBB2_9-.Ltmp1, $4  }
0x43: {  	[hbm:s31], [sflag:s17] =	dma.local [spmem:s18], $0x2710  }
0x44: {  	_ =	swait.ge [sflag:s14], $0x2710  }
0x45: {  	[sflag:s14] =	ssyncset.done $0x0  }
0x46: {  	[sflag:s14] =	ssyncadd.s32 $0xFFFFD8F0  }
.LBB2_1:
0x47: {  	[tilespmem:s4], [sflag:$0x4] =	stream.linear.gather [hbm4b:s8+s4], $0x2710, $0x38;
	[tilespmem:$0x1FEA0] =	vst v63  }
0x48: {  	_ =	swait.ge [sflag:s14], $0x2710  }
0x49: {  	[sflag:s14] =	ssyncset.done $0x0  }
.Ltmp2:
0x4a: {  	[sflag:s14] =	ssyncadd.s32 $0xFFFFD8F0;
	(pc) =	sbr.rel @!p0 .LBB2_2-.Ltmp2, $4  }
0x4b: {  	[tilespmem:s16], [sflag:$0x4] =	stream.linear.gather [hbm4b:s9+s4], $0x2710, $0x38;
	[tilespmem:$0x1FEA0] =	vst v63  }
0x4c: {  	_ =	swait.ge [sflag:s14], $0x2710  }
0x4d: {  	[sflag:s14] =	ssyncset.done $0x0  }
0x4e: {  	[sflag:s14] =	ssyncadd.s32 $0xFFFFD8F0  }
0x4f: {  	s0 =	rddreg [dreg:$0x7]  }
0x50: {  	[spmem:s18], [sflag:s30] =	dma.local [hbm:s0], $0x2710  }
0x51: {  	_ =	swait.ge [sflag:s14], $0x2710  }
0x52: {  	[sflag:s14] =	ssyncset.done $0x0  }
0x53: {  	s31 =	simm.s32 $0x0;
	[sflag:s14] =	ssyncadd.s32 $0xFFFFD8F0  }
0x54: {  	[tilespmem:s20], [sflag:$0x1] =	stream.indirect.gather [hbm4b:s5+s19], $0x80, s31, s19, $0xb8;
	[tilespmem:$0x1FEA0] =	vst v63  }
0x55: {  	[bflag:$0x0] =	sbarrier.arrive $0xFFFF  }
0x56: {  	[tilespmem:s21], [sflag:$0x2] =	stream.indirect.gather [hbm4b:s5+s19], $0x80, s19, s19, $0xb8;
	[tilespmem:$0x1FEA0] =	vst v63  }
0x57: {  	_ =	swait.ge [sflag:s22], $0x2800  }
0x58: {  	[sflag:s22] =	ssyncset.done $0x0  }
0x59: {  	[sflag:s22] =	ssyncadd.s32 $0xFFFFD800  }
0x5a: {  	[spmem:s3] =	stream.indirect.scatter.add.f32 [tilespmem:s20], [sflag:$0x1], $0x80, s16, s19, $0xb8;
	[tilespmem:$0x1FEA0] =	vst v63  }
0x5b: {  	s2 =	simm.s32 $0xA0  }
0x5c: {  	[tilespmem:s24], [sflag:$0x3] =	stream.indirect.gather [hbm4b:s5+s19], $0x80, s2, s19, $0xb8;
	[tilespmem:$0x1FEA0] =	vst v63  }
0x5d: {  	_ =	swait.ge [sflag:s25], $0x2800  }
0x5e: {  	[sflag:s25] =	ssyncset.done $0x0  }
0x5f: {  	s17 =	simm.s32 $0x2760;
	[sflag:s25] =	ssyncadd.s32 $0xFFFFD800  }
0x60: {  	[spmem:s3] =	stream.indirect.scatter.add.f32 [tilespmem:s21], [sflag:$0x2], $0x80, s17, s19, $0xb8;
	[tilespmem:$0x1FEA0] =	vst v63  }
0x61: {  	_ =	swait.ge [sflag:s22], $0x2800  }
0x62: {  	[sflag:s22] =	ssyncset.done $0x0  }
0x63: {  	s31 =	simm.s32 $0xF0;
	[sflag:s22] =	ssyncadd.s32 $0xFFFFD800  }
0x64: {  	[tilespmem:s20], [sflag:$0x1] =	stream.indirect.gather [hbm4b:s5+s19], $0x80, s31, s19, $0xb8;
	[tilespmem:$0x1FEA0] =	vst v63  }
0x65: {  	_ =	swait.ge [sflag:s29], $0x2800  }
0x66: {  	[sflag:s29] =	ssyncset.done $0x0  }
0x67: {  	s2 =	simm.s32 $0x27B0;
	[sflag:s29] =	ssyncadd.s32 $0xFFFFD800  }
0x68: {  	[spmem:s3] =	stream.indirect.scatter.add.f32 [tilespmem:s24], [sflag:$0x3], $0x80, s2, s19, $0xb8;
	[tilespmem:$0x1FEA0] =	vst v63  }
0x69: {  	_ =	swait.ge [sflag:s25], $0x2800  }
0x6a: {  	[sflag:s25] =	ssyncset.done $0x0  }
0x6b: {  	s17 =	simm.s32 $0x140;
	[sflag:s25] =	ssyncadd.s32 $0xFFFFD800  }
0x6c: {  	[tilespmem:s21], [sflag:$0x2] =	stream.indirect.gather [hbm4b:s5+s19], $0x80, s17, s19, $0xb8;
	[tilespmem:$0x1FEA0] =	vst v63  }
0x6d: {  	_ =	swait.ge [sflag:s22], $0x2800  }
0x6e: {  	[sflag:s22] =	ssyncset.done $0x0  }
0x6f: {  	s31 =	simm.s32 $0x2800;
	[sflag:s22] =	ssyncadd.s32 $0xFFFFD800  }
0x70: {  	[spmem:s3] =	stream.indirect.scatter.add.f32 [tilespmem:s20], [sflag:$0x1], $0x80, s31, s19, $0xb8;
	[tilespmem:$0x1FEA0] =	vst v63  }
0x71: {  	_ =	swait.ge [sflag:s29], $0x2800  }
0x72: {  	[sflag:s29] =	ssyncset.done $0x0  }
0x73: {  	s2 =	simm.s32 $0x190;
	[sflag:s29] =	ssyncadd.s32 $0xFFFFD800  }
0x74: {  	[tilespmem:s24], [sflag:$0x3] =	stream.indirect.gather [hbm4b:s5+s19], $0x80, s2, s19, $0xb8;
	[tilespmem:$0x1FEA0] =	vst v63  }
0x75: {  	_ =	swait.ge [sflag:s25], $0x2800  }
0x76: {  	[sflag:s25] =	ssyncset.done $0x0  }
0x77: {  	s17 =	simm.s32 $0x2850;
	[sflag:s25] =	ssyncadd.s32 $0xFFFFD800  }
0x78: {  	[spmem:s3] =	stream.indirect.scatter.add.f32 [tilespmem:s21], [sflag:$0x2], $0x80, s17, s19, $0xb8;
	[tilespmem:$0x1FEA0] =	vst v63  }
0x79: {  	_ =	swait.ge [sflag:s22], $0x2800  }
0x7a: {  	[sflag:s22] =	ssyncset.done $0x0  }
0x7b: {  	s31 =	simm.s32 $0x1E0;
	[sflag:s22] =	ssyncadd.s32 $0xFFFFD800  }
0x7c: {  	[tilespmem:s20], [sflag:$0x1] =	stream.indirect.gather [hbm4b:s5+s19], $0x80, s31, s19, $0xb8;
	[tilespmem:$0x1FEA0] =	vst v63  }
0x7d: {  	_ =	swait.ge [sflag:s29], $0x2800  }
0x7e: {  	[sflag:s29] =	ssyncset.done $0x0  }
0x7f: {  	s0 =	simm.s32 $0x28A0;
	s17 =	simm.s32 $0x3C0;
	[sflag:s29] =	ssyncadd.s32 $0xFFFFD800  }
.LBB2_6:
0x80: {  	[spmem:s3] =	stream.indirect.scatter.add.f32 [tilespmem:s24], [sflag:$0x3], $0x80, s0, s19, $0xb8;
	[tilespmem:$0x1FEA0] =	vst v63  }
0x81: {  	s0 =	smov.u32 s17  }
0x82: {  	p1 =	sne.s32 s17, $0x8E80;
	s17 =	sadd.s32 $0x3C0, s17;
	_ =	swait.ge [sflag:s25], $0x2800  }
0x83: {  	s0 =	sshra.s32 s0, $0x2;
	[sflag:s25] =	ssyncset.done $0x0  }
0x84: {  	s2 =	sadd.s32 $0x140, s0;
	[sflag:s25] =	ssyncadd.s32 $0xFFFFD800  }
0x85: {  	[tilespmem:s21], [sflag:$0x2] =	stream.indirect.gather [hbm4b:s5+s19], $0x80, s2, s19, $0xb8;
	[tilespmem:$0x1FEA0] =	vst v63  }
0x86: {  	_ =	swait.ge [sflag:s22], $0x2800  }
0x87: {  	[sflag:s22] =	ssyncset.done $0x0  }
0x88: {  	s2 =	sadd.s32 $0x2800, s0;
	[sflag:s22] =	ssyncadd.s32 $0xFFFFD800  }
0x89: {  	[spmem:s3] =	stream.indirect.scatter.add.f32 [tilespmem:s20], [sflag:$0x1], $0x80, s2, s19, $0xb8;
	[tilespmem:$0x1FEA0] =	vst v63  }
0x8a: {  	_ =	swait.ge [sflag:s29], $0x2800  }
0x8b: {  	[sflag:s29] =	ssyncset.done $0x0  }
0x8c: {  	s2 =	sadd.s32 $0x190, s0;
	[sflag:s29] =	ssyncadd.s32 $0xFFFFD800  }
0x8d: {  	[tilespmem:s24], [sflag:$0x3] =	stream.indirect.gather [hbm4b:s5+s19], $0x80, s2, s19, $0xb8;
	[tilespmem:$0x1FEA0] =	vst v63  }
0x8e: {  	_ =	swait.ge [sflag:s25], $0x2800  }
0x8f: {  	[sflag:s25] =	ssyncset.done $0x0  }
0x90: {  	s2 =	sadd.s32 $0x2850, s0;
	[sflag:s25] =	ssyncadd.s32 $0xFFFFD800  }
0x91: {  	[spmem:s3] =	stream.indirect.scatter.add.f32 [tilespmem:s21], [sflag:$0x2], $0x80, s2, s19, $0xb8;
	[tilespmem:$0x1FEA0] =	vst v63  }
0x92: {  	_ =	swait.ge [sflag:s22], $0x2800  }
0x93: {  	[sflag:s22] =	ssyncset.done $0x0  }
.Ltmp3:
0x94: {  	s2 =	sadd.s32 $0x1E0, s0;
	[sflag:s22] =	ssyncadd.s32 $0xFFFFD800;
	(pc) =	sbr.rel @p1 .LBB2_6-.Ltmp3, $4  }
0x95: {  	[tilespmem:s20], [sflag:$0x1] =	stream.indirect.gather [hbm4b:s5+s19], $0x80, s2, s19, $0xb8;
	[tilespmem:$0x1FEA0] =	vst v63  }
0x96: {  	_ =	swait.ge [sflag:s29], $0x2800  }
0x97: {  	[sflag:s29] =	ssyncset.done $0x0  }
0x98: {  	s0 =	sadd.s32 $0x28A0, s0;
	[sflag:s29] =	ssyncadd.s32 $0xFFFFD800  }
.Ltmp4:
0x99: {  	_ = 	snop;
	(pc) =	sbr.rel .LBB2_7-.Ltmp4, $1  }
0x9a: {  	_ =	sdelay $0x3  }
.LBB2_2:
0x9b: {  	s17 =	sor.u32 $0x1C04, s15;
	s0 =	rddreg [dreg:$0x6]  }
0x9c: {  	[spmem:s18], [sflag:s17] =	dma.local [hbm:s0], $0x2710  }
0x9d: {  	_ =	swait.ge [sflag:s14], $0x2710  }
0x9e: {  	[sflag:s14] =	ssyncset.done $0x0  }
0x9f: {  	s2 =	simm.s32 $0x0;
	[sflag:s14] =	ssyncadd.s32 $0xFFFFD8F0  }
0xa0: {  	[tilespmem:s20], [sflag:$0x1] =	stream.indirect.gather [hbm4b:s1+s19], $0x80, s2, s19, $0xb8;
	[tilespmem:$0x1FEA0] =	vst v63  }
0xa1: {  	[bflag:$0x0] =	sbarrier.arrive $0xFFFF  }
0xa2: {  	[tilespmem:s21], [sflag:$0x2] =	stream.indirect.gather [hbm4b:s1+s19], $0x80, s19, s19, $0xb8;
	[tilespmem:$0x1FEA0] =	vst v63  }
0xa3: {  	_ =	swait.ge [sflag:s22], $0x2800  }
0xa4: {  	[sflag:s22] =	ssyncset.done $0x0  }
0xa5: {  	[sflag:s22] =	ssyncadd.s32 $0xFFFFD800  }
0xa6: {  	[spmem:s3] =	stream.indirect.scatter.add.f32 [tilespmem:s20], [sflag:$0x1], $0x80, s16, s19, $0xb8;
	[tilespmem:$0x1FEA0] =	vst v63  }
0xa7: {  	s2 =	simm.s32 $0xA0  }
0xa8: {  	[tilespmem:s24], [sflag:$0x3] =	stream.indirect.gather [hbm4b:s1+s19], $0x80, s2, s19, $0xb8;
	[tilespmem:$0x1FEA0] =	vst v63  }
0xa9: {  	_ =	swait.ge [sflag:s25], $0x2800  }
0xaa: {  	[sflag:s25] =	ssyncset.done $0x0  }
0xab: {  	s2 =	simm.s32 $0x2760;
	[sflag:s25] =	ssyncadd.s32 $0xFFFFD800  }
0xac: {  	[spmem:s3] =	stream.indirect.scatter.add.f32 [tilespmem:s21], [sflag:$0x2], $0x80, s2, s19, $0xb8;
	[tilespmem:$0x1FEA0] =	vst v63  }
0xad: {  	_ =	swait.ge [sflag:s22], $0x2800  }
0xae: {  	[sflag:s22] =	ssyncset.done $0x0  }
0xaf: {  	s2 =	simm.s32 $0xF0;
	[sflag:s22] =	ssyncadd.s32 $0xFFFFD800  }
0xb0: {  	[tilespmem:s20], [sflag:$0x1] =	stream.indirect.gather [hbm4b:s1+s19], $0x80, s2, s19, $0xb8;
	[tilespmem:$0x1FEA0] =	vst v63  }
0xb1: {  	_ =	swait.ge [sflag:s29], $0x2800  }
0xb2: {  	[sflag:s29] =	ssyncset.done $0x0  }
0xb3: {  	s2 =	simm.s32 $0x27B0;
	[sflag:s29] =	ssyncadd.s32 $0xFFFFD800  }
0xb4: {  	[spmem:s3] =	stream.indirect.scatter.add.f32 [tilespmem:s24], [sflag:$0x3], $0x80, s2, s19, $0xb8;
	[tilespmem:$0x1FEA0] =	vst v63  }
0xb5: {  	_ =	swait.ge [sflag:s25], $0x2800  }
0xb6: {  	[sflag:s25] =	ssyncset.done $0x0  }
0xb7: {  	s2 =	simm.s32 $0x140;
	[sflag:s25] =	ssyncadd.s32 $0xFFFFD800  }
0xb8: {  	[tilespmem:s21], [sflag:$0x2] =	stream.indirect.gather [hbm4b:s1+s19], $0x80, s2, s19, $0xb8;
	[tilespmem:$0x1FEA0] =	vst v63  }
0xb9: {  	_ =	swait.ge [sflag:s22], $0x2800  }
0xba: {  	[sflag:s22] =	ssyncset.done $0x0  }
0xbb: {  	s2 =	simm.s32 $0x2800;
	[sflag:s22] =	ssyncadd.s32 $0xFFFFD800  }
0xbc: {  	[spmem:s3] =	stream.indirect.scatter.add.f32 [tilespmem:s20], [sflag:$0x1], $0x80, s2, s19, $0xb8;
	[tilespmem:$0x1FEA0] =	vst v63  }
0xbd: {  	_ =	swait.ge [sflag:s29], $0x2800  }
0xbe: {  	[sflag:s29] =	ssyncset.done $0x0  }
0xbf: {  	s2 =	simm.s32 $0x190;
	[sflag:s29] =	ssyncadd.s32 $0xFFFFD800  }
0xc0: {  	[tilespmem:s24], [sflag:$0x3] =	stream.indirect.gather [hbm4b:s1+s19], $0x80, s2, s19, $0xb8;
	[tilespmem:$0x1FEA0] =	vst v63  }
0xc1: {  	_ =	swait.ge [sflag:s25], $0x2800  }
0xc2: {  	[sflag:s25] =	ssyncset.done $0x0  }
0xc3: {  	s2 =	simm.s32 $0x2850;
	[sflag:s25] =	ssyncadd.s32 $0xFFFFD800  }
0xc4: {  	[spmem:s3] =	stream.indirect.scatter.add.f32 [tilespmem:s21], [sflag:$0x2], $0x80, s2, s19, $0xb8;
	[tilespmem:$0x1FEA0] =	vst v63  }
0xc5: {  	_ =	swait.ge [sflag:s22], $0x2800  }
0xc6: {  	[sflag:s22] =	ssyncset.done $0x0  }
0xc7: {  	s2 =	simm.s32 $0x1E0;
	[sflag:s22] =	ssyncadd.s32 $0xFFFFD800  }
0xc8: {  	[tilespmem:s20], [sflag:$0x1] =	stream.indirect.gather [hbm4b:s1+s19], $0x80, s2, s19, $0xb8;
	[tilespmem:$0x1FEA0] =	vst v63  }
0xc9: {  	_ =	swait.ge [sflag:s29], $0x2800  }
0xca: {  	[sflag:s29] =	ssyncset.done $0x0  }
0xcb: {  	s31 =	simm.s32 $0x3C0;
	s0 =	simm.s32 $0x28A0;
	[sflag:s29] =	ssyncadd.s32 $0xFFFFD800  }
.LBB2_3:
0xcc: {  	[spmem:s3] =	stream.indirect.scatter.add.f32 [tilespmem:s24], [sflag:$0x3], $0x80, s0, s19, $0xb8;
	[tilespmem:$0x1FEA0] =	vst v63  }
0xcd: {  	s0 =	smov.u32 s31  }
0xce: {  	p1 =	seq.s32 s31, $0x8E80;
	s31 =	sadd.s32 $0x3C0, s31;
	_ =	swait.ge [sflag:s25], $0x2800  }
0xcf: {  	s0 =	sshra.s32 s0, $0x2;
	[sflag:s25] =	ssyncset.done $0x0  }
0xd0: {  	s2 =	sadd.s32 $0x140, s0;
	[sflag:s25] =	ssyncadd.s32 $0xFFFFD800  }
0xd1: {  	[tilespmem:s21], [sflag:$0x2] =	stream.indirect.gather [hbm4b:s1+s19], $0x80, s2, s19, $0xb8;
	[tilespmem:$0x1FEA0] =	vst v63  }
0xd2: {  	_ =	swait.ge [sflag:s22], $0x2800  }
0xd3: {  	[sflag:s22] =	ssyncset.done $0x0  }
0xd4: {  	s2 =	sadd.s32 $0x2800, s0;
	[sflag:s22] =	ssyncadd.s32 $0xFFFFD800  }
0xd5: {  	[spmem:s3] =	stream.indirect.scatter.add.f32 [tilespmem:s20], [sflag:$0x1], $0x80, s2, s19, $0xb8;
	[tilespmem:$0x1FEA0] =	vst v63  }
0xd6: {  	_ =	swait.ge [sflag:s29], $0x2800  }
0xd7: {  	[sflag:s29] =	ssyncset.done $0x0  }
0xd8: {  	s2 =	sadd.s32 $0x190, s0;
	[sflag:s29] =	ssyncadd.s32 $0xFFFFD800  }
0xd9: {  	[tilespmem:s24], [sflag:$0x3] =	stream.indirect.gather [hbm4b:s1+s19], $0x80, s2, s19, $0xb8;
	[tilespmem:$0x1FEA0] =	vst v63  }
0xda: {  	_ =	swait.ge [sflag:s25], $0x2800  }
0xdb: {  	[sflag:s25] =	ssyncset.done $0x0  }
0xdc: {  	s2 =	sadd.s32 $0x2850, s0;
	[sflag:s25] =	ssyncadd.s32 $0xFFFFD800  }
0xdd: {  	[spmem:s3] =	stream.indirect.scatter.add.f32 [tilespmem:s21], [sflag:$0x2], $0x80, s2, s19, $0xb8;
	[tilespmem:$0x1FEA0] =	vst v63  }
0xde: {  	_ =	swait.ge [sflag:s22], $0x2800  }
0xdf: {  	[sflag:s22] =	ssyncset.done $0x0  }
.Ltmp5:
0xe0: {  	s2 =	sadd.s32 $0x1E0, s0;
	[sflag:s22] =	ssyncadd.s32 $0xFFFFD800;
	(pc) =	sbr.rel @!p1 .LBB2_3-.Ltmp5, $4  }
0xe1: {  	[tilespmem:s20], [sflag:$0x1] =	stream.indirect.gather [hbm4b:s1+s19], $0x80, s2, s19, $0xb8;
	[tilespmem:$0x1FEA0] =	vst v63  }
0xe2: {  	_ =	swait.ge [sflag:s29], $0x2800  }
0xe3: {  	[sflag:s29] =	ssyncset.done $0x0  }
0xe4: {  	s0 =	sadd.s32 $0x28A0, s0;
	[sflag:s29] =	ssyncadd.s32 $0xFFFFD800  }
.Ltmp6:
0xe5: {  	(pc) =	sbr.rel .LBB2_8-.Ltmp6, $3  }
0xe6: {  	_ =	sdelay $0x1  }
0xe7: {  	[spmem:s3] =	stream.indirect.scatter.add.f32 [tilespmem:s24], [sflag:$0x3], $0x80, s0, s19, $0xb8;
	[tilespmem:$0x1FEA0] =	vst v63  }
0xe8: {  	s0 =	smov.u32 s1;
	s31 =	rddreg [dreg:$0x4]  }
.LBB2_9:
0xe9: {  	_ =	sfence.sel $0x180000  }
0xea: {  	[bflag:$0x0] =	sbarrier.arrive $0xFFFF  }
0xeb: {  	_ =	strace $0x9000004D  }
0xec: {  	s0 =	stileid.u32;
	[bflag:$0x2] =	sbarrier.arrive $0xFFFF  }
0xed: {  	p0 =	sne.s32 s0, $0x0;
	s0 =	rddreg [dreg:$0x3]  }
0xee: {  	s0 =	sadd.s32 @!p0 $0x100000, s0  }
0xef: {  	[sflag:s0] =	ssyncadd.tile.s32 @!p0 $0x1;
	_ =	shalt  }
.Lfunc_end2:
_tile_overlayer_lowered:
.L_overlay_start_2:
0xf0: {  	(tag) =	ssettag $0x2  }
0xf1: {  	s0 =	rddreg [dreg:$0x0];
	s2 =	stileid.u32  }
0xf2: {  	s1 =	rddreg [dreg:$0x1];
	p0 =	sne.s32 s2, $0x0  }
0xf3: {  	s3 =	rddreg [dreg:$0x2];
	[bflag:$0x3] =	sbarrier.arrive $0xFFFF;
	s2 =	simm.s32 @!p0 $0x1C04  }
0xf4: {  	[timem:s3], [sflag:s2] =	dma.local @!p0 [hbm:s0], s1  }
0xf5: {  	s0 =	simm.s32 @!p0 $0x4  }
0xf6: {  	_ =	swait.ge @!p0 [sflag:s0], s1  }
0xf7: {  	s1 =	ssub.s32 @!p0 $0x0, s1;
	[sflag:s0] =	ssyncset.done @!p0 $0x0  }
0xf8: {  	[sflag:s0] =	ssyncadd.s32 @!p0 s1  }
0xf9: {  	[bflag:$0x3] =	sbarrier.arrive $0xFFFF  }
0xfa: {  	_ =	shalt  }

// kernel: kernel.8.cloned.1.call-start
scs
__scs_entry_jumppad:
0x0: {  	(pc) =	sbr.rel $0x88, $3  }
0x1: {  	(tag) =	ssettag $0x0;
	lr =	simm.s32 $0x1  }
0x2: {  	[smem:$0x3F9A] =	sst lr;
	_ =	strace $0xD0000000  }
0x3: {  	_ = 	snop  }
0x4: {  	_ = 	snop  }
0x5: {  	_ = 	snop  }
0x6: {  	_ = 	snop  }
0x7: {  	_ = 	snop  }
__scs_overlays_trampoline_lowered:
0x8: {  	[smem:$0x3FA9] =	sst s0  }
0x9: {  	[smem:$0x3FAA] =	sst s1  }
0xa: {  	[smem:$0x3FAB] =	sst s2  }
0xb: {  	[smem:$0x3FAC] =	sst s3  }
0xc: {  	[smem:$0x3FAD] =	sst s4  }
0xd: {  	[smem:$0x3FAE] =	sst s5  }
0xe: {  	[smem:$0x3FAF] =	sst s6  }
0xf: {  	[smem:$0x3FB0] =	sst s7  }
0x10: {  	[smem:$0x3FB1] =	sst s8  }
0x11: {  	[smem:$0x3FB2] =	sst s9;
	s0 =	simm.s32 @!p0 $0x0  }
0x12: {  	s1 =	sld [smem:$0x3F98];
	s0 =	simm.s32 @p0 $0x1  }
0x13: {  	[smem:$0x3FB3] =	sst s0;
	s0 =	simm.s32 @!p1 $0x0  }
0x14: {  	s2 =	sld [smem:$0x3F97];
	s0 =	simm.s32 @p1 $0x1  }
0x15: {  	[smem:$0x3FB4] =	sst s0;
	s0 =	simm.s32 @!p2 $0x0  }
0x16: {  	s3 =	sld [smem:$0x3FDB];
	s0 =	simm.s32 @p2 $0x1  }
0x17: {  	s4 =	simm.s32 $0x1BF5;
	[smem:$0x3FB6] =	sst s0  }
0x18: {  	s0 =	sld [smem:$0x3F99];
	_ =	swait.ge [sflag:s4], $0x0  }
0x19: {  	s7 =	sld [smem:$0x3F9A]  }
0x1a: {  	s8 =	sadd.s32 $0xFFFFE003, lr  }
0x1b: {  	s9 =	sadd.s32 $0xFFFFFEF7, lr;
	s5 =	simm.s32 $0xFFFFFFFF;
	p2 =	slt.u32 s8, $0xFFFFF086  }
0x1c: {  	p1 =	slt.u32 s9, $0xF7A;
	s5 =	simm.s32 @!p2 $0x0  }
0x1d: {  	s5 =	simm.s32 @p1 $0x1;
	p0 =	seq.s32 s7, s2  }
0x1e: {  	s7 =	smul.u32 @!p0 $0xF7A, s2;
	p2 =	seq.s32 @!p0 s5, $0x0  }
0x1f: {  	s9 =	smul.u32 $0xF7A, s1;
	s8 =	simm.s32 @!p0 $0x1BF5;
	p2 =	por !p2, p0  }
0x20: {  	[sflag:s8] =	ssyncset.s32 @!p0 $0xFFFFF086;
	s6 =	sadd.s32 @!p0 s3, s7;
	s7 =	simm.s32 @!p0 $0x108  }
0x21: {  	s3 =	sadd.s32 s3, s9;
	s6 =	sadd.s32 @!p0 $0x88, s6;
	s7 =	simm.s32 @p2 $0x1082  }
0x22: {  	[simem:s7], [sflag:s8] =	dma.local @!p0 [hbm:s6], $0xF7A  }
0x23: {  	s9 =	sor.u32 $0xD0000000, s2;
	s6 =	simm.s32 $0x108;
	_ =	swait.ge @!p0 [sflag:s8], $0x0  }
0x24: {  	s3 =	sadd.s32 $0x88, s3;
	s6 =	simm.s32 @!p1 $0x1082;
	[sflag:s4] =	ssyncset.s32 $0xFFFFF086  }
0x25: {  	[simem:s6], [sflag:s4] =	dma.local [hbm:s3], $0xF7A  }
0x26: {  	[smem:$0x3F9A] =	sst s1;
	(tag) =	ssettag s2;
	_ =	strace s9  }
0x27: {  	s1 =	sld [smem:$0x3FAA]  }
0x28: {  	s2 =	sld [smem:$0x3FAB]  }
0x29: {  	s4 =	sld [smem:$0x3FAD]  }
0x2a: {  	p0 =	seq.s32 s5, $0x0;
	s5 =	sld [smem:$0x3FAE]  }
0x2b: {  	s6 =	sld [smem:$0x3FAF]  }
0x2c: {  	s7 =	sld [smem:$0x3FB0]  }
0x2d: {  	s3 =	simm.s32 $0x108;
	s8 =	sld [smem:$0x3FB1]  }
0x2e: {  	s3 =	simm.s32 @!p0 $0x1082;
	s9 =	sld [smem:$0x3FB2]  }
0x2f: {  	lr =	sadd.s32 s0, s3;
	s0 =	sld [smem:$0x3FA9]  }
0x30: {  	s3 =	sld [smem:$0x3FAC]  }
0x31: {  	[smem:$0x3FB5] =	sst s10  }
0x32: {  	s10 =	sld [smem:$0x3FB3];
	_ =	sdelay $0x3  }
0x33: {  	p0 =	seq.s32 s10, $0x1;
	s10 =	sld [smem:$0x3FB5];
	_ =	sdelay $0x3  }
0x34: {  	[smem:$0x3FB5] =	sst s10  }
0x35: {  	s10 =	sld [smem:$0x3FB4];
	_ =	sdelay $0x3  }
0x36: {  	p1 =	seq.s32 s10, $0x1;
	s10 =	sld [smem:$0x3FB5];
	_ =	sdelay $0x3  }
0x37: {  	[smem:$0x3FB5] =	sst s10  }
0x38: {  	s10 =	sld [smem:$0x3FB6]  }
0x39: {  	_ = 	snop;
	(pc) =	sbr.ind lr, $3  }
0x3a: {  	_ = 	snop  }
0x3b: {  	_ = 	snop  }
0x3c: {  	p2 =	seq.s32 s10, $0x1;
	s10 =	sld [smem:$0x3FB5]  }
0x3d: {  	_ =	shalt  }
0x3e: {  	_ =	shalt  }
0x3f: {  	_ =	shalt  }
0x40: {  	_ =	shalt  }
0x41: {  	_ =	shalt  }
0x42: {  	_ =	shalt  }
0x43: {  	_ =	shalt  }
0x44: {  	_ =	shalt  }
0x45: {  	_ =	shalt  }
0x46: {  	_ =	shalt  }
0x47: {  	_ =	shalt  }
0x48: {  	_ =	shalt  }
0x49: {  	_ =	shalt  }
0x4a: {  	_ =	shalt  }
0x4b: {  	_ =	shalt  }
0x4c: {  	_ =	shalt  }
0x4d: {  	_ =	shalt  }
0x4e: {  	_ =	shalt  }
0x4f: {  	_ =	shalt  }
0x50: {  	_ =	shalt  }
0x51: {  	_ =	shalt  }
0x52: {  	_ =	shalt  }
0x53: {  	_ =	shalt  }
0x54: {  	_ =	shalt  }
0x55: {  	_ =	shalt  }
0x56: {  	_ =	shalt  }
0x57: {  	_ =	shalt  }
0x58: {  	_ =	shalt  }
0x59: {  	_ =	shalt  }
0x5a: {  	_ =	shalt  }
0x5b: {  	_ =	shalt  }
0x5c: {  	_ =	shalt  }
0x5d: {  	_ =	shalt  }
0x5e: {  	_ =	shalt  }
0x5f: {  	_ =	shalt  }
0x60: {  	_ =	shalt  }
0x61: {  	_ =	shalt  }
0x62: {  	_ =	shalt  }
0x63: {  	_ =	shalt  }
0x64: {  	_ =	shalt  }
0x65: {  	_ =	shalt  }
0x66: {  	_ =	shalt  }
0x67: {  	_ =	shalt  }
0x68: {  	_ =	shalt  }
0x69: {  	_ =	shalt  }
0x6a: {  	_ =	shalt  }
0x6b: {  	_ =	shalt  }
0x6c: {  	_ =	shalt  }
0x6d: {  	_ =	shalt  }
0x6e: {  	_ =	shalt  }
0x6f: {  	_ =	shalt  }
0x70: {  	_ =	shalt  }
0x71: {  	_ =	shalt  }
0x72: {  	_ =	shalt  }
0x73: {  	_ =	shalt  }
0x74: {  	_ =	shalt  }
0x75: {  	_ =	shalt  }
0x76: {  	_ =	shalt  }
0x77: {  	_ =	shalt  }
0x78: {  	_ =	shalt  }
0x79: {  	_ =	shalt  }
0x7a: {  	_ =	shalt  }
0x7b: {  	_ =	shalt  }
0x7c: {  	_ =	shalt  }
0x7d: {  	_ =	shalt  }
0x7e: {  	_ =	shalt  }
0x7f: {  	_ =	shalt  }
0x80: {  	_ =	shalt  }
0x81: {  	_ =	shalt  }
0x82: {  	_ =	shalt  }
0x83: {  	_ =	shalt  }
0x84: {  	_ =	shalt  }
0x85: {  	_ =	shalt  }
0x86: {  	_ =	shalt  }
0x87: {  	_ =	shalt  }
.Lfunc_end0:
.L_simem_size_0:
called_computation_lowered:
.L_overlay_start_0:
0x88: {  	s2 =	sld [smem:$0x3FD9]  }
0x89: {  	s3 =	sld [smem:$0x3FFE];
	_ =	sdelay $0x1  }
0x8a: {  	s1 =	srdreg.scid  }
0x8b: {  	s0 =	sand.u32 $0x1, s1  }
0x8c: {  	s17 =	sshll.u32 s0, $0xA;
	s2 =	sadd.s32 s3, s2  }
0x8d: {  	s2 =	sadd.s32 s2, s17  }
0x8e: {  	[smem:$0x3FC1] =	sst s2  }
0x8f: {  	_ = 	snop  }
0x90: {  	s2 =	sld [smem:$0x3FD0];
	(tm) =	ssettm $0x1  }
0x91: {  	s18 =	sld [smem:$0x3FFB];
	_ =	sdelay $0x3  }
0x92: {  	_ =	strace s18  }
0x93: {  	s3 =	sld [smem:$0x3FFC];
	_ =	sdelay $0x3  }
0x94: {  	_ =	strace s3  }
0x95: {  	s3 =	sld [smem:$0x3FFD];
	_ =	sdelay $0x3  }
0x96: {  	_ =	strace s3  }
0x97: {  	_ =	strace $0x8FFFFFFF  }
0x98: {  	s19 =	sld [smem:$0x3FDB];
	_ =	sdelay $0x1  }
0x99: {  	s4 =	simm.s32 $_scs_section_size  }
0x9a: {  	s5 =	simm.s32 $_size__tile_overlayer_lowered;
	s6 =	simm.s32 $_tile_overlayer_lowered  }
0x9b: {  	s22 =	simm.s32 $0x1BFF;
	s21 =	sshll.u32 s6, $0x1;
	s3 =	sadd.s32 s4, s19  }
0x9c: {  	s7 =	simm.s32 $0x0;
	s20 =	sshll.u32 s5, $0x1;
	s5 =	sadd.s32 s21, s3  }
0x9d: {  	[timem:s7], [sflag:s22] =	dma.local [hbm:s5], s20  }
0x9e: {  	_ =	swait.ge [sflag:s22], s20  }
0x9f: {  	s4 =	ssub.s32 $0x0, s20;
	[sflag:s22] =	ssyncset.done $0x0  }
0xa0: {  	[sflag:s22] =	ssyncadd.s32 s4;
	_ =	sdelay $0x1  }
0xa1: {  	s23 =	simm.s32 $0x1B8B  }
0xa2: {  	_ =	swait.ge [sflag:s23], $0x1  }
0xa3: {  	[sflag:s23] =	ssyncset.done $0x0  }
0xa4: {  	s25 =	simm.s32 $0x1B8E;
	s24 =	sld [smem:$0x3FFE];
	[sflag:s23] =	ssyncadd.s32 $0xFFFFFFFF  }
0xa5: {  	s26 =	simm.s32 $execute0_lowered;
	[smem:$0x3FD2] =	sst s25  }
0xa6: {  	s5 =	sshll.u32 s26, $0x1;
	_ =	strace $0x80000046;
	[dreg:$0x1] =	wrdreg $0xFFFFFFFF  }
0xa7: {  	s28 =	simm.s32 $_size_execute0_lowered;
	s3 =	sadd.s32 s3, s5;
	[dreg:$0x0] =	wrdreg $0x0  }
0xa8: {  	s5 =	sshll.u32 s28, $0x1;
	[dreg:$0x2] =	wrdreg s3  }
0xa9: {  	[dreg:$0x3] =	wrdreg s5  }
0xaa: {  	[dreg:$0x4] =	wrdreg $0xC0  }
0xab: {  	_ =	task [dreg:s7], $0x5FFFF  }
0xac: {  	[dreg:$0x1] =	wrdreg $0xFFFFFFFF  }
0xad: {  	[dreg:$0x0] =	wrdreg $0x60  }
0xae: {  	[dreg:$0x2] =	wrdreg s24  }
0xaf: {  	[dreg:$0x3] =	wrdreg s2  }
0xb0: {  	[dreg:$0x4] =	wrdreg $0x9  }
0xb1: {  	_ =	task.clear_ibuf [dreg:s7], $0x5FFFF;
	_ =	strace $0x90000046  }
0xb2: {  	s29 =	simm.s32 $0x9;
	_ =	strace $0x80000048  }
0xb3: {  	_ =	swait.ge [sflag:s29], $0x1  }
0xb4: {  	[sflag:s29] =	ssyncadd.s32 $0xFFFFFFFF  }
0xb5: {  	_ =	strace $0x90000048  }
0xb6: {  	_ =	sfence  }
0xb7: {  	s30 =	sld [smem:$0x0];
	_ =	sdelay $0x2  }
0xb8: {  	s31 =	sshll.u32 s1, $0xD;
	s1 =	sshrl.u32 s1, $0x2  }
0xb9: {  	s3 =	sand.u32 $0x4000, s31;
	s1 =	sadd.s32 s1, s30  }
0xba: {  	s0 =	sor.u32 s3, s0;
	s1 =	sshll.u32 s1, $0x11  }
0xbb: {  	s0 =	sor.u32 s1, s0  }
0xbc: {  	s0 =	sadd.s32 $0x8F2B, s0  }
0xbd: {  	[sflag:s0] =	ssyncadd.remote.s32 $0x1  }
0xbe: {  	_ =	sfence.sel $0xFFFF  }
0xbf: {  	[dreg:$0x0] =	wrdreg $0xFFFFFFFF;
	(pc) =	sbr.abs _section_cstart, $3  }
0xc0: {  	[dreg:$0x1] =	wrdreg $0xFFFFFFFF  }
0xc1: {  	_ =	task.clear_ibuf [dreg:s7], $0x2FFFF;
	_ =	strace $0x9FFFFFFF  }
0xc2: {  	(tm) =	ssettm $0x7FFFFFFF  }
0xc3: {  	_ =	shalt  }
tec
execute0_lowered:
.L_overlay_start_1:
0x0: {  	(tag) =	ssettag $0x1  }
0x1: {  	s0 =	srdreg.scid  }
0x2: {  	s3 =	rddreg [dreg:$0x0];
	s4 =	sand.u32 $0x1, s0  }
0x3: {  	s5 =	rddreg [dreg:$0x1];
	s1 =	stileid.u32;
	s2 =	sshll.u32 s4, $0x4  }
0x4: {  	s0 =	rddreg [dreg:$0x2];
	s6 =	sor.u32 s1, s2  }
0x5: {  	s4 =	ssub.s32 $0x2, s4;
	s2 =	simm.s32 $0x0;
	s7 =	smul.u32 $0x271, s6  }
0x6: {  	s8 =	sshrl.u32 s4, $0x1;
	[smem:$0x7FF] =	sst s2;
	s6 =	smul.u32 $0x4E2, s6  }
0x7: {  	s31 =	ssub.s32 s4, s8;
	s8 =	simm.s32 $0x0;
	_ =	strace $0x80000047  }
0x8: {  	s3 =	sadd.s32 s7, s3;
	s4 =	sadd.s32 s5, s6;
	s5 =	smax.u32 s31, $0x1  }
0x9: {  	v0 =	vimm.f32 $0.0e+00;
	v1 =	vimm.s32 $0x0;
	v2 =	vimm.f32 $1.000000000e+00;
	s6 =	simm.s32 $0x1;
	s7 =	simm.s32 $0x1390;
	s3 =	sadd.s32 $0x8400, s3  }
.LBB2_1:
0xa: {  	s9 =	simm.s32 $0x40;
	s10 =	simm.s32 $0x0  }
.LBB2_2:
0xb: {  	p0 =	sne.s32 s9, $0x9C00;
	[tilespmem:s10+$0x1390] =	vst v0;
	s10 =	smov.u32 s9;
	s9 =	sadd.s32 $0x40, s9  }
.Ltmp0:
0xc: {  	(pc) =	sbr.rel @p0 .LBB2_2-.Ltmp0, $2  }
0xd: {  	_ =	sdelay $0x2  }
0xe: {  	s10 =	sshra.s32 s10, $0x2  }
0xf: {  	[tilespmem:s10+$0x1390] =	vst v0  }
0x10: {  	s9 =	simm.s32 $0x0;
	[tilespmem:$0x1380] =	vst v1  }
0x11: {  	[tilespmem:s9], [sflag:$0x1] =	stream.linear.gather [hbm4b:s3+s9], $0x1388, $0x38;
	[tilespmem:$0x3AA0] =	vst v63  }
0x12: {  	_ =	swait.ge [sflag:s6], $0x1388  }
0x13: {  	[sflag:s6] =	ssyncset.done $0x0  }
0x14: {  	s10 =	simm.s32 $0x0;
	s9 =	simm.s32 $0x40;
	[sflag:s6] =	ssyncadd.s32 $0xFFFFEC78  }
.LBB2_4:
0x15: {  	p0 =	sne.s32 s9, $0x4DC0;
	v3 =	vld [tilespmem:s10+$0x0];
	_ =	sdelay $0x3  }
.Ltmp1:
0x16: {  	(pc) =	sbr.rel @p0 .LBB2_4-.Ltmp1, $2  }
0x17: {  	_ =	sdelay $0x2  }
0x18: {  	s10 =	sshra.s32 s9, $0x2;
	s9 =	sadd.s32 $0x40, s9;
	[tilespmem:v3+s7+$0x0] =	vst.idx.add.f32.msk $0xffff, v2  }
0x19: {  	v3 =	vld [tilespmem:s10+$0x0];
	_ =	sdelay $0x7  }
0x1a: {  	[tilespmem:v3+s7+$0x0] =	vst.idx.add.f32.msk $0xffff, v2  }
0x1b: {  	v3 =	vld [tilespmem:$0x1380];
	_ =	sdelay $0x5  }
0x1c: {  	s8 =	sadd.s32 $0x1, s8  }
0x1d: {  	p0 =	sne.s32 s8, s5  }
.Ltmp2:
0x1e: {  	[tilespmem:v3+s7+$0x0] =	vst.idx.add.f32.msk $0xff, v2;
	(pc) =	sbr.rel @p0 .LBB2_1-.Ltmp2, $4  }
0x1f: {  	[hbm4b:s4+s2] =	stream.linear.scatter [tilespmem:s7], [sflag:$0x1], $0x2710, $0x38;
	[tilespmem:$0x3AA0] =	vst v63  }
0x20: {  	_ =	swait.ge [sflag:s6], $0x2710  }
0x21: {  	[sflag:s6] =	ssyncset.done $0x0  }
0x22: {  	[sflag:s6] =	ssyncadd.s32 $0xFFFFD8F0  }
0x23: {  	_ =	sfence.sel $0x180000  }
0x24: {  	[bflag:$0x0] =	sbarrier.arrive $0xFFFF  }
0x25: {  	p0 =	sne.s32 s1, $0x0;
	_ =	strace $0x90000047  }
0x26: {  	s0 =	sadd.s32 @!p0 $0x100000, s0;
	[bflag:$0x2] =	sbarrier.arrive $0xFFFF  }
0x27: {  	[sflag:s0] =	ssyncadd.tile.s32 @!p0 $0x1;
	_ =	shalt  }
.Lfunc_end2:
_tile_overlayer_lowered:
.L_overlay_start_2:
0x28: {  	(tag) =	ssettag $0x2  }
0x29: {  	s0 =	rddreg [dreg:$0x0];
	s2 =	stileid.u32  }
0x2a: {  	s1 =	rddreg [dreg:$0x1];
	p0 =	sne.s32 s2, $0x0  }
0x2b: {  	s3 =	rddreg [dreg:$0x2];
	[bflag:$0x3] =	sbarrier.arrive $0xFFFF;
	s2 =	simm.s32 @!p0 $0x1C01  }
0x2c: {  	[timem:s3], [sflag:s2] =	dma.local @!p0 [hbm:s0], s1  }
0x2d: {  	s0 =	simm.s32 @!p0 $0x1  }
0x2e: {  	_ =	swait.ge @!p0 [sflag:s0], s1  }
0x2f: {  	s1 =	ssub.s32 @!p0 $0x0, s1;
	[sflag:s0] =	ssyncset.done @!p0 $0x0  }
0x30: {  	[sflag:s0] =	ssyncadd.s32 @!p0 s1  }
0x31: {  	[bflag:$0x3] =	sbarrier.arrive $0xFFFF  }
0x32: {  	_ =	shalt  }

</sc_bundles>
